<compile_context>
chip_gen: v7x
topology: tpu7x:2x2x1
jax: 0.10.2.dev20260603
libtpu: 0.0.44.dev20260713+nightly
codegen_flags: <defaults>
</compile_context>

<pallas_src>
import functools

import jax
import jax.numpy as jnp
from jax import lax
from jax.experimental import pallas as pl
from jax.experimental.pallas import tpu as pltpu
from jax.experimental.pallas import tpu_sc as plsc

N = 16384
K = 8192
B = 16
F = 128
IBLK = 1024
JCHUNK = 1024
WROW_R = 16
NTILES = 32
RPT = N // 4
CH = 128
NCHUNK = RPT // CH


def _rank_body(wcol_ref, wrow_ref, out_ref):
    one = jnp.float32(1.0)
    zero = jnp.float32(0.0)
    nb = N // IBLK
    acc_c = [jnp.zeros((1, JCHUNK), jnp.float32) for _ in range(nb)]
    for ibk in range(nb):
        wc = wcol_ref[ibk * IBLK:(ibk + 1) * IBLK, :]
        wcu = lax.bitcast_convert_type(
            lax.bitcast_convert_type(wc, jnp.int32) + 1, jnp.float32)
        jv = wrow_ref[ibk:ibk + 1, :]
        ii = ibk * IBLK + lax.broadcasted_iota(jnp.int32, (IBLK, 1), 0)
        jj = ibk * JCHUNK + lax.broadcasted_iota(jnp.int32, (1, JCHUNK), 1)
        gef = jnp.where(jv >= wc, one, zero)
        gtf = jnp.where(jv >= wcu, one, zero)
        p = jnp.where(jj < ii, gef, gtf)
        acc = jnp.sum(p, axis=1, keepdims=True)
        for t in range(ibk + 1, nb):
            jv = wrow_ref[t:t + 1, :]
            p = jnp.where(jv >= wcu, one, zero)
            acc = acc + jnp.sum(p, axis=1, keepdims=True)
            acc_c[t] = acc_c[t] + jnp.sum(p, axis=0, keepdims=True)
        low = jnp.float32(ibk * IBLK) - acc_c[ibk]
        rank = acc + jnp.reshape(low, (IBLK, 1))
        out_ref[ibk * IBLK:(ibk + 1) * IBLK, :] = rank.astype(jnp.int32)


def _ranks_tc(s):
    return pl.pallas_call(
        _rank_body,
        grid=(1,),
        in_specs=[
            pl.BlockSpec((N, 1), lambda i: (0, 0)),
            pl.BlockSpec((WROW_R, N // WROW_R), lambda i: (0, 0)),
        ],
        out_specs=pl.BlockSpec((N, 1), lambda i: (0, 0)),
        out_shape=jax.ShapeDtypeStruct((N, 1), jnp.int32),
    )(s.reshape(N, 1), s.reshape(WROW_R, N // WROW_R))


def _sc_body(ranks_hbm, pts_hbm, out_hbm, ranks_v, idx_v, buf0, buf1, sem0, sem1):
    cid = lax.axis_index("c")
    sid = lax.axis_index("s")
    wid = sid * 2 + cid
    boff = sid * N
    lo = cid * RPT
    pltpu.sync_copy(ranks_hbm, ranks_v)
    iota16 = lax.iota(jnp.int32, 16)

    def build(k, carry):
        r = ranks_v[pl.ds(k * 16, 16)]
        rl = r - lo
        m = (rl >= 0) & (rl < RPT)
        rlc = rl & (RPT - 1)
        plsc.store_scatter(idx_v, [rlc], iota16 + (k * 16 + boff), mask=m)
        return carry

    lax.fori_loop(0, N // 16, build, 0)

    row0 = wid * RPT
    prev = None
    for g in range(NCHUNK):
        buf, sem = (buf0, sem0) if (g & 1) == 0 else (buf1, sem1)
        cp = pltpu.async_copy(pts_hbm.at[idx_v.at[pl.ds(g * CH, CH)]], buf, sem)
        if prev is not None:
            pcp, pbuf, pg = prev
            pcp.wait()
            pltpu.sync_copy(pbuf, out_hbm.at[pl.ds(row0 + pg * CH, CH)])
        prev = (cp, buf, g)
    pcp, pbuf, pg = prev
    pcp.wait()
    pltpu.sync_copy(pbuf, out_hbm.at[pl.ds(row0 + pg * CH, CH)])


@functools.cache
def _sc_gather():
    return pl.kernel(
        _sc_body,
        out_type=jax.ShapeDtypeStruct((B * K, F), jnp.float32),
        mesh=plsc.VectorSubcoreMesh(core_axis_name="c", subcore_axis_name="s",
                                    num_cores=2, num_subcores=16),
        compiler_params=pltpu.CompilerParams(needs_layout_passes=False),
        scratch_types=[
            pltpu.VMEM((N,), jnp.int32),
            pltpu.VMEM((RPT,), jnp.int32),
            pltpu.VMEM((CH, F), jnp.float32),
            pltpu.VMEM((CH, F), jnp.float32),
            pltpu.SemaphoreType.DMA,
            pltpu.SemaphoreType.DMA,
        ],
    )


def kernel(points, dropout_weights):
    s = jax.nn.sigmoid(dropout_weights)
    ranks = _ranks_tc(s).reshape(N)
    out = _sc_gather()(ranks, points.reshape(B * N, F))
    return out.reshape(B, K, F)

# --- scband reference (transcript-rebuilt; emitter-appended) ---
"""Pipeline reference for scband-trained-downsampling-10866267258993 (READ-ONLY COPY).

The authoritative reference and input builder live on the scoring server;
editing this copy changes nothing except your own understanding.
"""

import jax, jax.numpy as jnp
import numpy as np

NUM_POINTS = 16384
RETAIN_FRACTION = 0.5

def setup_inputs(seed: int = 0) -> dict:
    key = jax.random.key(seed)
    k1, k2 = jax.random.split(key)
    points = jax.random.normal(k1, (16, NUM_POINTS, 128), dtype=jnp.float32)
    # learned parameter, initialized like torch.rand(num_points)
    dropout_weights = jax.random.uniform(k2, (NUM_POINTS,), dtype=jnp.float32)
    return {"points": points, "dropout_weights": dropout_weights}

def reference(points, dropout_weights):
    batch_size, num_points, num_features = points.shape
    retain_probabilities = jax.nn.sigmoid(dropout_weights)
    num_retain = max(1, int(num_points * RETAIN_FRACTION))
    batch_retain_probabilities = jnp.broadcast_to(retain_probabilities[None, :], (batch_size, num_points))
    _, indices = jax.lax.top_k(batch_retain_probabilities, num_retain)
    indices_expanded = jnp.broadcast_to(indices[:, :, None], (batch_size, num_retain, num_features))
    downsampled_points = jnp.take_along_axis(points, indices_expanded, axis=1)
    return downsampled_points

if __name__ == "__main__":
    import jax
    _d = setup_inputs()
    print(jax.jit(kernel)(*tuple(_d.values())))

</pallas_src>

<mosaic_0001>
#map = affine_map<(d0, d1) -> (0)>
#map1 = affine_map<(d0, d1) -> (0, 0)>
module attributes {stable_mosaic.version = 14 : i64} {
  func.func @_sc_body(%arg0: i32, %arg1: i32, %arg2: memref<16384xi32, #tpu.memory_space<hbm>>, %arg3: memref<262144x128xf32, #tpu.memory_space<hbm>>, %arg4: memref<131072x128xf32, #tpu.memory_space<hbm>>, %arg5: memref<16384xi32, #tpu.memory_space<vmem>>, %arg6: memref<4096xi32, #tpu.memory_space<vmem>>, %arg7: memref<128x128xf32, #tpu.memory_space<vmem>>, %arg8: memref<128x128xf32, #tpu.memory_space<vmem>>, %arg9: memref<!tpu.dma_semaphore, #tpu.memory_space<semaphore_mem>>, %arg10: memref<!tpu.dma_semaphore, #tpu.memory_space<semaphore_mem>>) attributes {dimension_semantics = [#tpu.dimension_semantics<core_parallel>, #tpu.dimension_semantics<subcore_parallel>], iteration_bounds = array<i64: 2, 16>, scalar_prefetch = 0 : i64, scratch_operands = 6 : i64, tpu.core_type = #tpu.core_type<sc_vector_subcore>, window_params = [{transform_indices = #map}, {transform_indices = #map1}, {transform_indices = #map1}]} {
    %mul3A = arith.constant 2 : i32
    %mul3A_0 = arith.muli %arg1, %mul3A : i32
    %add3A = arith.addi %mul3A_0, %arg0 : i32
    %mul3A_1 = arith.constant 16384 : i32
    %mul3A_2 = arith.muli %arg1, %mul3A_1 : i32
    %mul3A_3 = arith.constant 4096 : i32
    %mul3A_4 = arith.muli %arg0, %mul3A_3 : i32
    "tpu.region"() ({
      %run_scoped3A = tpu.sem_alloc : memref<!tpu.dma_semaphore, #tpu.memory_space<semaphore_mem>>
      tpu.enqueue_dma source(%arg2 : memref<16384xi32, #tpu.memory_space<hbm>>) target(%arg5 : memref<16384xi32, #tpu.memory_space<vmem>>) target_semaphore(%run_scoped3A : memref<!tpu.dma_semaphore, #tpu.memory_space<semaphore_mem>>)
      tpu.wait_dma2 semaphore(%run_scoped3A : memref<!tpu.dma_semaphore, #tpu.memory_space<semaphore_mem>>) src(%arg2 : memref<16384xi32, #tpu.memory_space<hbm>>) dst(%arg5 : memref<16384xi32, #tpu.memory_space<vmem>>)
      tpu.yield
    }) : () -> ()
    %iota3A = tpu.iota {dimensions = array<i32: 0>} : vector<16xi32>
    %scan3A = arith.constant 0 : i32
    %scan3A_5 = arith.constant 0 : i32
    %scan3A_6 = arith.constant 1024 : i32
    %scan3A_7 = arith.addi %scan3A_5, %scan3A_6 : i32
    %scan3A_8 = arith.constant 1 : i32
    scf.for %scan3A_394 = %scan3A_5 to %scan3A_7 step %scan3A_8  : i32 {
      %mul3A_395 = arith.constant 16 : i32
      %mul3A_396 = arith.muli %scan3A_394, %mul3A_395 : i32
      %get3A = arith.index_cast %mul3A_396 : i32 to index
      %get3A_397 = tpu.vector_load %arg5[%get3A] {strides = array<i32>} : memref<16384xi32, #tpu.memory_space<vmem>>, vector<16xi32>,
      %sub3A = vector.broadcast %mul3A_4 : i32 to vector<16xi32>
      %sub3A_398 = arith.subi %get3A_397, %sub3A : vector<16xi32>
      %ge3A = arith.constant 0 : i32
      %ge3A_399 = vector.broadcast %ge3A : i32 to vector<16xi32>
      %ge3A_400 = arith.cmpi sge, %sub3A_398, %ge3A_399 : vector<16xi32>
      %lt3A = arith.constant 4096 : i32
      %lt3A_401 = vector.broadcast %lt3A : i32 to vector<16xi32>
      %lt3A_402 = arith.cmpi slt, %sub3A_398, %lt3A_401 : vector<16xi32>
      %and3A = arith.andi %ge3A_400, %lt3A_402 : vector<16xi1>
      %and3A_403 = arith.constant 4095 : i32
      %and3A_404 = vector.broadcast %and3A_403 : i32 to vector<16xi32>
      %and3A_405 = arith.andi %sub3A_398, %and3A_404 : vector<16xi32>
      %mul3A_406 = arith.constant 16 : i32
      %mul3A_407 = arith.muli %scan3A_394, %mul3A_406 : i32
      %add3A_408 = arith.addi %mul3A_407, %mul3A_2 : i32
      %add3A_409 = vector.broadcast %add3A_408 : i32 to vector<16xi32>
      %add3A_410 = arith.addi %iota3A, %add3A_409 : vector<16xi32>
      tpu.vector_store_idx %arg6[%and3A_405], %add3A_410 masked %and3A : memref<4096xi32, #tpu.memory_space<vmem>>[vector<16xi32>], vector<16xi32>, vector<16xi1>
    }
    %scan3A_9 = arith.constant 1024 : i32
    %mul3A_10 = arith.constant 4096 : i32
    %mul3A_11 = arith.muli %add3A, %mul3A_10 : i32
    %dma_start3A = arith.constant 0 : i32
    %dma_start3A_12 = tpu.memref_slice %arg6[%dma_start3A] : memref<4096xi32, #tpu.memory_space<vmem>> -> memref<128xi32, #tpu.memory_space<vmem>>
    %dma_start3A_13 = arith.constant 0 : i32
    %dma_start3A_14 = arith.constant 0 : i32
    %dma_start3A_15 = tpu.memref_slice %arg3[%dma_start3A_13, %dma_start3A_14] : memref<262144x128xf32, #tpu.memory_space<hbm>> -> memref<262144x128xf32, #tpu.memory_space<hbm>>
    tpu.enqueue_indirect_dma source(%dma_start3A_15 : memref<262144x128xf32, #tpu.memory_space<hbm>>) target(%arg7 : memref<128x128xf32, #tpu.memory_space<vmem>>) offsets(%dma_start3A_12 : memref<128xi32, #tpu.memory_space<vmem>>) semaphore(%arg9 : memref<!tpu.dma_semaphore, #tpu.memory_space<semaphore_mem>>)
    %dma_start3A_16 = arith.constant 128 : i32
    %dma_start3A_17 = tpu.memref_slice %arg6[%dma_start3A_16] : memref<4096xi32, #tpu.memory_space<vmem>> -> memref<128xi32, #tpu.memory_space<vmem>>
    %dma_start3A_18 = arith.constant 0 : i32
    %dma_start3A_19 = arith.constant 0 : i32
    %dma_start3A_20 = tpu.memref_slice %arg3[%dma_start3A_18, %dma_start3A_19] : memref<262144x128xf32, #tpu.memory_space<hbm>> -> memref<262144x128xf32, #tpu.memory_space<hbm>>
    tpu.enqueue_indirect_dma source(%dma_start3A_20 : memref<262144x128xf32, #tpu.memory_space<hbm>>) target(%arg8 : memref<128x128xf32, #tpu.memory_space<vmem>>) offsets(%dma_start3A_17 : memref<128xi32, #tpu.memory_space<vmem>>) semaphore(%arg10 : memref<!tpu.dma_semaphore, #tpu.memory_space<semaphore_mem>>)
    %dma_wait3A = arith.constant 0 : i32
    %dma_wait3A_21 = tpu.memref_slice %arg6[%dma_wait3A] : memref<4096xi32, #tpu.memory_space<vmem>> -> memref<128xi32, #tpu.memory_space<vmem>>
    %dma_wait3A_22 = arith.constant 0 : i32
    %dma_wait3A_23 = arith.constant 0 : i32
    %dma_wait3A_24 = tpu.memref_slice %arg3[%dma_wait3A_22, %dma_wait3A_23] : memref<262144x128xf32, #tpu.memory_space<hbm>> -> memref<262144x128xf32, #tpu.memory_space<hbm>>
    tpu.wait_indirect_dma semaphore(%arg9 : memref<!tpu.dma_semaphore, #tpu.memory_space<semaphore_mem>>) src(%dma_wait3A_24 : memref<262144x128xf32, #tpu.memory_space<hbm>>) dst(%arg7 : memref<128x128xf32, #tpu.memory_space<vmem>>)
    %add3A_25 = arith.constant 0 : i32
    %add3A_26 = arith.addi %mul3A_11, %add3A_25 : i32
    "tpu.region"() ({
      %run_scoped3A = tpu.sem_alloc : memref<!tpu.dma_semaphore, #tpu.memory_space<semaphore_mem>>
      %dma_start3A_394 = arith.constant 0 : i32
      %dma_start3A_395 = tpu.memref_slice %arg4[%add3A_26, %dma_start3A_394] : memref<131072x128xf32, #tpu.memory_space<hbm>> -> memref<128x128xf32, #tpu.memory_space<hbm>>
      %dma_start3A_396 = arith.constant 0 : i32
      %dma_start3A_397 = tpu.memref_slice %arg4[%add3A_26, %dma_start3A_396] : memref<131072x128xf32, #tpu.memory_space<hbm>> -> memref<128x128xf32, #tpu.memory_space<hbm>>
      tpu.enqueue_dma source(%arg7 : memref<128x128xf32, #tpu.memory_space<vmem>>) target(%dma_start3A_397 : memref<128x128xf32, #tpu.memory_space<hbm>>) target_semaphore(%run_scoped3A : memref<!tpu.dma_semaphore, #tpu.memory_space<semaphore_mem>>)
      %dma_wait3A_398 = arith.constant 0 : i32
      %dma_wait3A_399 = tpu.memref_slice %arg4[%add3A_26, %dma_wait3A_398] : memref<131072x128xf32, #tpu.memory_space<hbm>> -> memref<128x128xf32, #tpu.memory_space<hbm>>
      %dma_wait3A_400 = arith.constant 0 : i32
      %dma_wait3A_401 = tpu.memref_slice %arg4[%add3A_26, %dma_wait3A_400] : memref<131072x128xf32, #tpu.memory_space<hbm>> -> memref<128x128xf32, #tpu.memory_space<hbm>>
      tpu.wait_dma2 semaphore(%run_scoped3A : memref<!tpu.dma_semaphore, #tpu.memory_space<semaphore_mem>>) src(%arg7 : memref<128x128xf32, #tpu.memory_space<vmem>>) dst(%dma_wait3A_401 : memref<128x128xf32, #tpu.memory_space<hbm>>)
      tpu.yield
    }) : () -> ()
    %dma_start3A_27 = arith.constant 256 : i32
    %dma_start3A_28 = tpu.memref_slice %arg6[%dma_start3A_27] : memref<4096xi32, #tpu.memory_space<vmem>> -> memref<128xi32, #tpu.memory_space<vmem>>
    %dma_start3A_29 = arith.constant 0 : i32
    %dma_start3A_30 = arith.constant 0 : i32
    %dma_start3A_31 = tpu.memref_slice %arg3[%dma_start3A_29, %dma_start3A_30] : memref<262144x128xf32, #tpu.memory_space<hbm>> -> memref<262144x128xf32, #tpu.memory_space<hbm>>
    tpu.enqueue_indirect_dma source(%dma_start3A_31 : memref<262144x128xf32, #tpu.memory_space<hbm>>) target(%arg7 : memref<128x128xf32, #tpu.memory_space<vmem>>) offsets(%dma_start3A_28 : memref<128xi32, #tpu.memory_space<vmem>>) semaphore(%arg9 : memref<!tpu.dma_semaphore, #tpu.memory_space<semaphore_mem>>)
    %dma_wait3A_32 = arith.constant 128 : i32
    %dma_wait3A_33 = tpu.memref_slice %arg6[%dma_wait3A_32] : memref<4096xi32, #tpu.memory_space<vmem>> -> memref<128xi32, #tpu.memory_space<vmem>>
    %dma_wait3A_34 = arith.constant 0 : i32
    %dma_wait3A_35 = arith.constant 0 : i32
    %dma_wait3A_36 = tpu.memref_slice %arg3[%dma_wait3A_34, %dma_wait3A_35] : memref<262144x128xf32, #tpu.memory_space<hbm>> -> memref<262144x128xf32, #tpu.memory_space<hbm>>
    tpu.wait_indirect_dma semaphore(%arg10 : memref<!tpu.dma_semaphore, #tpu.memory_space<semaphore_mem>>) src(%dma_wait3A_36 : memref<262144x128xf32, #tpu.memory_space<hbm>>) dst(%arg8 : memref<128x128xf32, #tpu.memory_space<vmem>>)
    %add3A_37 = arith.constant 128 : i32
    %add3A_38 = arith.addi %mul3A_11, %add3A_37 : i32
    "tpu.region"() ({
      %run_scoped3A = tpu.sem_alloc : memref<!tpu.dma_semaphore, #tpu.memory_space<semaphore_mem>>
      %dma_start3A_394 = arith.constant 0 : i32
      %dma_start3A_395 = tpu.memref_slice %arg4[%add3A_38, %dma_start3A_394] : memref<131072x128xf32, #tpu.memory_space<hbm>> -> memref<128x128xf32, #tpu.memory_space<hbm>>
      %dma_start3A_396 = arith.constant 0 : i32
      %dma_start3A_397 = tpu.memref_slice %arg4[%add3A_38, %dma_start3A_396] : memref<131072x128xf32, #tpu.memory_space<hbm>> -> memref<128x128xf32, #tpu.memory_space<hbm>>
      tpu.enqueue_dma source(%arg8 : memref<128x128xf32, #tpu.memory_space<vmem>>) target(%dma_start3A_397 : memref<128x128xf32, #tpu.memory_space<hbm>>) target_semaphore(%run_scoped3A : memref<!tpu.dma_semaphore, #tpu.memory_space<semaphore_mem>>)
      %dma_wait3A_398 = arith.constant 0 : i32
      %dma_wait3A_399 = tpu.memref_slice %arg4[%add3A_38, %dma_wait3A_398] : memref<131072x128xf32, #tpu.memory_space<hbm>> -> memref<128x128xf32, #tpu.memory_space<hbm>>
      %dma_wait3A_400 = arith.constant 0 : i32
      %dma_wait3A_401 = tpu.memref_slice %arg4[%add3A_38, %dma_wait3A_400] : memref<131072x128xf32, #tpu.memory_space<hbm>> -> memref<128x128xf32, #tpu.memory_space<hbm>>
      tpu.wait_dma2 semaphore(%run_scoped3A : memref<!tpu.dma_semaphore, #tpu.memory_space<semaphore_mem>>) src(%arg8 : memref<128x128xf32, #tpu.memory_space<vmem>>) dst(%dma_wait3A_401 : memref<128x128xf32, #tpu.memory_space<hbm>>)
      tpu.yield
    }) : () -> ()
    %dma_start3A_39 = arith.constant 384 : i32
    %dma_start3A_40 = tpu.memref_slice %arg6[%dma_start3A_39] : memref<4096xi32, #tpu.memory_space<vmem>> -> memref<128xi32, #tpu.memory_space<vmem>>
    %dma_start3A_41 = arith.constant 0 : i32
    %dma_start3A_42 = arith.constant 0 : i32
    %dma_start3A_43 = tpu.memref_slice %arg3[%dma_start3A_41, %dma_start3A_42] : memref<262144x128xf32, #tpu.memory_space<hbm>> -> memref<262144x128xf32, #tpu.memory_space<hbm>>
    tpu.enqueue_indirect_dma source(%dma_start3A_43 : memref<262144x128xf32, #tpu.memory_space<hbm>>) target(%arg8 : memref<128x128xf32, #tpu.memory_space<vmem>>) offsets(%dma_start3A_40 : memref<128xi32, #tpu.memory_space<vmem>>) semaphore(%arg10 : memref<!tpu.dma_semaphore, #tpu.memory_space<semaphore_mem>>)
    %dma_wait3A_44 = arith.constant 256 : i32
    %dma_wait3A_45 = tpu.memref_slice %arg6[%dma_wait3A_44] : memref<4096xi32, #tpu.memory_space<vmem>> -> memref<128xi32, #tpu.memory_space<vmem>>
    %dma_wait3A_46 = arith.constant 0 : i32
    %dma_wait3A_47 = arith.constant 0 : i32
    %dma_wait3A_48 = tpu.memref_slice %arg3[%dma_wait3A_46, %dma_wait3A_47] : memref<262144x128xf32, #tpu.memory_space<hbm>> -> memref<262144x128xf32, #tpu.memory_space<hbm>>
    tpu.wait_indirect_dma semaphore(%arg9 : memref<!tpu.dma_semaphore, #tpu.memory_space<semaphore_mem>>) src(%dma_wait3A_48 : memref<262144x128xf32, #tpu.memory_space<hbm>>) dst(%arg7 : memref<128x128xf32, #tpu.memory_space<vmem>>)
    %add3A_49 = arith.constant 256 : i32
    %add3A_50 = arith.addi %mul3A_11, %add3A_49 : i32
    "tpu.region"() ({
      %run_scoped3A = tpu.sem_alloc : memref<!tpu.dma_semaphore, #tpu.memory_space<semaphore_mem>>
      %dma_start3A_394 = arith.constant 0 : i32
      %dma_start3A_395 = tpu.memref_slice %arg4[%add3A_50, %dma_start3A_394] : memref<131072x128xf32, #tpu.memory_space<hbm>> -> memref<128x128xf32, #tpu.memory_space<hbm>>
      %dma_start3A_396 = arith.constant 0 : i32
      %dma_start3A_397 = tpu.memref_slice %arg4[%add3A_50, %dma_start3A_396] : memref<131072x128xf32, #tpu.memory_space<hbm>> -> memref<128x128xf32, #tpu.memory_space<hbm>>
      tpu.enqueue_dma source(%arg7 : memref<128x128xf32, #tpu.memory_space<vmem>>) target(%dma_start3A_397 : memref<128x128xf32, #tpu.memory_space<hbm>>) target_semaphore(%run_scoped3A : memref<!tpu.dma_semaphore, #tpu.memory_space<semaphore_mem>>)
      %dma_wait3A_398 = arith.constant 0 : i32
      %dma_wait3A_399 = tpu.memref_slice %arg4[%add3A_50, %dma_wait3A_398] : memref<131072x128xf32, #tpu.memory_space<hbm>> -> memref<128x128xf32, #tpu.memory_space<hbm>>
      %dma_wait3A_400 = arith.constant 0 : i32
      %dma_wait3A_401 = tpu.memref_slice %arg4[%add3A_50, %dma_wait3A_400] : memref<131072x128xf32, #tpu.memory_space<hbm>> -> memref<128x128xf32, #tpu.memory_space<hbm>>
      tpu.wait_dma2 semaphore(%run_scoped3A : memref<!tpu.dma_semaphore, #tpu.memory_space<semaphore_mem>>) src(%arg7 : memref<128x128xf32, #tpu.memory_space<vmem>>) dst(%dma_wait3A_401 : memref<128x128xf32, #tpu.memory_space<hbm>>)
      tpu.yield
    }) : () -> ()
    %dma_start3A_51 = arith.constant 512 : i32
    %dma_start3A_52 = tpu.memref_slice %arg6[%dma_start3A_51] : memref<4096xi32, #tpu.memory_space<vmem>> -> memref<128xi32, #tpu.memory_space<vmem>>
    %dma_start3A_53 = arith.constant 0 : i32
    %dma_start3A_54 = arith.constant 0 : i32
    %dma_start3A_55 = tpu.memref_slice %arg3[%dma_start3A_53, %dma_start3A_54] : memref<262144x128xf32, #tpu.memory_space<hbm>> -> memref<262144x128xf32, #tpu.memory_space<hbm>>
    tpu.enqueue_indirect_dma source(%dma_start3A_55 : memref<262144x128xf32, #tpu.memory_space<hbm>>) target(%arg7 : memref<128x128xf32, #tpu.memory_space<vmem>>) offsets(%dma_start3A_52 : memref<128xi32, #tpu.memory_space<vmem>>) semaphore(%arg9 : memref<!tpu.dma_semaphore, #tpu.memory_space<semaphore_mem>>)
    %dma_wait3A_56 = arith.constant 384 : i32
    %dma_wait3A_57 = tpu.memref_slice %arg6[%dma_wait3A_56] : memref<4096xi32, #tpu.memory_space<vmem>> -> memref<128xi32, #tpu.memory_space<vmem>>
    %dma_wait3A_58 = arith.constant 0 : i32
    %dma_wait3A_59 = arith.constant 0 : i32
    %dma_wait3A_60 = tpu.memref_slice %arg3[%dma_wait3A_58, %dma_wait3A_59] : memref<262144x128xf32, #tpu.memory_space<hbm>> -> memref<262144x128xf32, #tpu.memory_space<hbm>>
    tpu.wait_indirect_dma semaphore(%arg10 : memref<!tpu.dma_semaphore, #tpu.memory_space<semaphore_mem>>) src(%dma_wait3A_60 : memref<262144x128xf32, #tpu.memory_space<hbm>>) dst(%arg8 : memref<128x128xf32, #tpu.memory_space<vmem>>)
    %add3A_61 = arith.constant 384 : i32
    %add3A_62 = arith.addi %mul3A_11, %add3A_61 : i32
    "tpu.region"() ({
      %run_scoped3A = tpu.sem_alloc : memref<!tpu.dma_semaphore, #tpu.memory_space<semaphore_mem>>
      %dma_start3A_394 = arith.constant 0 : i32
      %dma_start3A_395 = tpu.memref_slice %arg4[%add3A_62, %dma_start3A_394] : memref<131072x128xf32, #tpu.memory_space<hbm>> -> memref<128x128xf32, #tpu.memory_space<hbm>>
      %dma_start3A_396 = arith.constant 0 : i32
      %dma_start3A_397 = tpu.memref_slice %arg4[%add3A_62, %dma_start3A_396] : memref<131072x128xf32, #tpu.memory_space<hbm>> -> memref<128x128xf32, #tpu.memory_space<hbm>>
      tpu.enqueue_dma source(%arg8 : memref<128x128xf32, #tpu.memory_space<vmem>>) target(%dma_start3A_397 : memref<128x128xf32, #tpu.memory_space<hbm>>) target_semaphore(%run_scoped3A : memref<!tpu.dma_semaphore, #tpu.memory_space<semaphore_mem>>)
      %dma_wait3A_398 = arith.constant 0 : i32
      %dma_wait3A_399 = tpu.memref_slice %arg4[%add3A_62, %dma_wait3A_398] : memref<131072x128xf32, #tpu.memory_space<hbm>> -> memref<128x128xf32, #tpu.memory_space<hbm>>
      %dma_wait3A_400 = arith.constant 0 : i32
      %dma_wait3A_401 = tpu.memref_slice %arg4[%add3A_62, %dma_wait3A_400] : memref<131072x128xf32, #tpu.memory_space<hbm>> -> memref<128x128xf32, #tpu.memory_space<hbm>>
      tpu.wait_dma2 semaphore(%run_scoped3A : memref<!tpu.dma_semaphore, #tpu.memory_space<semaphore_mem>>) src(%arg8 : memref<128x128xf32, #tpu.memory_space<vmem>>) dst(%dma_wait3A_401 : memref<128x128xf32, #tpu.memory_space<hbm>>)
      tpu.yield
    }) : () -> ()
    %dma_start3A_63 = arith.constant 640 : i32
    %dma_start3A_64 = tpu.memref_slice %arg6[%dma_start3A_63] : memref<4096xi32, #tpu.memory_space<vmem>> -> memref<128xi32, #tpu.memory_space<vmem>>
    %dma_start3A_65 = arith.constant 0 : i32
    %dma_start3A_66 = arith.constant 0 : i32
    %dma_start3A_67 = tpu.memref_slice %arg3[%dma_start3A_65, %dma_start3A_66] : memref<262144x128xf32, #tpu.memory_space<hbm>> -> memref<262144x128xf32, #tpu.memory_space<hbm>>
    tpu.enqueue_indirect_dma source(%dma_start3A_67 : memref<262144x128xf32, #tpu.memory_space<hbm>>) target(%arg8 : memref<128x128xf32, #tpu.memory_space<vmem>>) offsets(%dma_start3A_64 : memref<128xi32, #tpu.memory_space<vmem>>) semaphore(%arg10 : memref<!tpu.dma_semaphore, #tpu.memory_space<semaphore_mem>>)
    %dma_wait3A_68 = arith.constant 512 : i32
    %dma_wait3A_69 = tpu.memref_slice %arg6[%dma_wait3A_68] : memref<4096xi32, #tpu.memory_space<vmem>> -> memref<128xi32, #tpu.memory_space<vmem>>
    %dma_wait3A_70 = arith.constant 0 : i32
    %dma_wait3A_71 = arith.constant 0 : i32
    %dma_wait3A_72 = tpu.memref_slice %arg3[%dma_wait3A_70, %dma_wait3A_71] : memref<262144x128xf32, #tpu.memory_space<hbm>> -> memref<262144x128xf32, #tpu.memory_space<hbm>>
    tpu.wait_indirect_dma semaphore(%arg9 : memref<!tpu.dma_semaphore, #tpu.memory_space<semaphore_mem>>) src(%dma_wait3A_72 : memref<262144x128xf32, #tpu.memory_space<hbm>>) dst(%arg7 : memref<128x128xf32, #tpu.memory_space<vmem>>)
    %add3A_73 = arith.constant 512 : i32
    %add3A_74 = arith.addi %mul3A_11, %add3A_73 : i32
    "tpu.region"() ({
      %run_scoped3A = tpu.sem_alloc : memref<!tpu.dma_semaphore, #tpu.memory_space<semaphore_mem>>
      %dma_start3A_394 = arith.constant 0 : i32
      %dma_start3A_395 = tpu.memref_slice %arg4[%add3A_74, %dma_start3A_394] : memref<131072x128xf32, #tpu.memory_space<hbm>> -> memref<128x128xf32, #tpu.memory_space<hbm>>
      %dma_start3A_396 = arith.constant 0 : i32
      %dma_start3A_397 = tpu.memref_slice %arg4[%add3A_74, %dma_start3A_396] : memref<131072x128xf32, #tpu.memory_space<hbm>> -> memref<128x128xf32, #tpu.memory_space<hbm>>
      tpu.enqueue_dma source(%arg7 : memref<128x128xf32, #tpu.memory_space<vmem>>) target(%dma_start3A_397 : memref<128x128xf32, #tpu.memory_space<hbm>>) target_semaphore(%run_scoped3A : memref<!tpu.dma_semaphore, #tpu.memory_space<semaphore_mem>>)
      %dma_wait3A_398 = arith.constant 0 : i32
      %dma_wait3A_399 = tpu.memref_slice %arg4[%add3A_74, %dma_wait3A_398] : memref<131072x128xf32, #tpu.memory_space<hbm>> -> memref<128x128xf32, #tpu.memory_space<hbm>>
      %dma_wait3A_400 = arith.constant 0 : i32
      %dma_wait3A_401 = tpu.memref_slice %arg4[%add3A_74, %dma_wait3A_400] : memref<131072x128xf32, #tpu.memory_space<hbm>> -> memref<128x128xf32, #tpu.memory_space<hbm>>
      tpu.wait_dma2 semaphore(%run_scoped3A : memref<!tpu.dma_semaphore, #tpu.memory_space<semaphore_mem>>) src(%arg7 : memref<128x128xf32, #tpu.memory_space<vmem>>) dst(%dma_wait3A_401 : memref<128x128xf32, #tpu.memory_space<hbm>>)
      tpu.yield
    }) : () -> ()
    %dma_start3A_75 = arith.constant 768 : i32
    %dma_start3A_76 = tpu.memref_slice %arg6[%dma_start3A_75] : memref<4096xi32, #tpu.memory_space<vmem>> -> memref<128xi32, #tpu.memory_space<vmem>>
    %dma_start3A_77 = arith.constant 0 : i32
    %dma_start3A_78 = arith.constant 0 : i32
    %dma_start3A_79 = tpu.memref_slice %arg3[%dma_start3A_77, %dma_start3A_78] : memref<262144x128xf32, #tpu.memory_space<hbm>> -> memref<262144x128xf32, #tpu.memory_space<hbm>>
    tpu.enqueue_indirect_dma source(%dma_start3A_79 : memref<262144x128xf32, #tpu.memory_space<hbm>>) target(%arg7 : memref<128x128xf32, #tpu.memory_space<vmem>>) offsets(%dma_start3A_76 : memref<128xi32, #tpu.memory_space<vmem>>) semaphore(%arg9 : memref<!tpu.dma_semaphore, #tpu.memory_space<semaphore_mem>>)
    %dma_wait3A_80 = arith.constant 640 : i32
    %dma_wait3A_81 = tpu.memref_slice %arg6[%dma_wait3A_80] : memref<4096xi32, #tpu.memory_space<vmem>> -> memref<128xi32, #tpu.memory_space<vmem>>
    %dma_wait3A_82 = arith.constant 0 : i32
    %dma_wait3A_83 = arith.constant 0 : i32
    %dma_wait3A_84 = tpu.memref_slice %arg3[%dma_wait3A_82, %dma_wait3A_83] : memref<262144x128xf32, #tpu.memory_space<hbm>> -> memref<262144x128xf32, #tpu.memory_space<hbm>>
    tpu.wait_indirect_dma semaphore(%arg10 : memref<!tpu.dma_semaphore, #tpu.memory_space<semaphore_mem>>) src(%dma_wait3A_84 : memref<262144x128xf32, #tpu.memory_space<hbm>>) dst(%arg8 : memref<128x128xf32, #tpu.memory_space<vmem>>)
    %add3A_85 = arith.constant 640 : i32
    %add3A_86 = arith.addi %mul3A_11, %add3A_85 : i32
    "tpu.region"() ({
      %run_scoped3A = tpu.sem_alloc : memref<!tpu.dma_semaphore, #tpu.memory_space<semaphore_mem>>
      %dma_start3A_394 = arith.constant 0 : i32
      %dma_start3A_395 = tpu.memref_slice %arg4[%add3A_86, %dma_start3A_394] : memref<131072x128xf32, #tpu.memory_space<hbm>> -> memref<128x128xf32, #tpu.memory_space<hbm>>
      %dma_start3A_396 = arith.constant 0 : i32
      %dma_start3A_397 = tpu.memref_slice %arg4[%add3A_86, %dma_start3A_396] : memref<131072x128xf32, #tpu.memory_space<hbm>> -> memref<128x128xf32, #tpu.memory_space<hbm>>
      tpu.enqueue_dma source(%arg8 : memref<128x128xf32, #tpu.memory_space<vmem>>) target(%dma_start3A_397 : memref<128x128xf32, #tpu.memory_space<hbm>>) target_semaphore(%run_scoped3A : memref<!tpu.dma_semaphore, #tpu.memory_space<semaphore_mem>>)
      %dma_wait3A_398 = arith.constant 0 : i32
      %dma_wait3A_399 = tpu.memref_slice %arg4[%add3A_86, %dma_wait3A_398] : memref<131072x128xf32, #tpu.memory_space<hbm>> -> memref<128x128xf32, #tpu.memory_space<hbm>>
      %dma_wait3A_400 = arith.constant 0 : i32
      %dma_wait3A_401 = tpu.memref_slice %arg4[%add3A_86, %dma_wait3A_400] : memref<131072x128xf32, #tpu.memory_space<hbm>> -> memref<128x128xf32, #tpu.memory_space<hbm>>
      tpu.wait_dma2 semaphore(%run_scoped3A : memref<!tpu.dma_semaphore, #tpu.memory_space<semaphore_mem>>) src(%arg8 : memref<128x128xf32, #tpu.memory_space<vmem>>) dst(%dma_wait3A_401 : memref<128x128xf32, #tpu.memory_space<hbm>>)
      tpu.yield
    }) : () -> ()
    %dma_start3A_87 = arith.constant 896 : i32
    %dma_start3A_88 = tpu.memref_slice %arg6[%dma_start3A_87] : memref<4096xi32, #tpu.memory_space<vmem>> -> memref<128xi32, #tpu.memory_space<vmem>>
    %dma_start3A_89 = arith.constant 0 : i32
    %dma_start3A_90 = arith.constant 0 : i32
    %dma_start3A_91 = tpu.memref_slice %arg3[%dma_start3A_89, %dma_start3A_90] : memref<262144x128xf32, #tpu.memory_space<hbm>> -> memref<262144x128xf32, #tpu.memory_space<hbm>>
    tpu.enqueue_indirect_dma source(%dma_start3A_91 : memref<262144x128xf32, #tpu.memory_space<hbm>>) target(%arg8 : memref<128x128xf32, #tpu.memory_space<vmem>>) offsets(%dma_start3A_88 : memref<128xi32, #tpu.memory_space<vmem>>) semaphore(%arg10 : memref<!tpu.dma_semaphore, #tpu.memory_space<semaphore_mem>>)
    %dma_wait3A_92 = arith.constant 768 : i32
    %dma_wait3A_93 = tpu.memref_slice %arg6[%dma_wait3A_92] : memref<4096xi32, #tpu.memory_space<vmem>> -> memref<128xi32, #tpu.memory_space<vmem>>
    %dma_wait3A_94 = arith.constant 0 : i32
    %dma_wait3A_95 = arith.constant 0 : i32
    %dma_wait3A_96 = tpu.memref_slice %arg3[%dma_wait3A_94, %dma_wait3A_95] : memref<262144x128xf32, #tpu.memory_space<hbm>> -> memref<262144x128xf32, #tpu.memory_space<hbm>>
    tpu.wait_indirect_dma semaphore(%arg9 : memref<!tpu.dma_semaphore, #tpu.memory_space<semaphore_mem>>) src(%dma_wait3A_96 : memref<262144x128xf32, #tpu.memory_space<hbm>>) dst(%arg7 : memref<128x128xf32, #tpu.memory_space<vmem>>)
    %add3A_97 = arith.constant 768 : i32
    %add3A_98 = arith.addi %mul3A_11, %add3A_97 : i32
    "tpu.region"() ({
      %run_scoped3A = tpu.sem_alloc : memref<!tpu.dma_semaphore, #tpu.memory_space<semaphore_mem>>
      %dma_start3A_394 = arith.constant 0 : i32
      %dma_start3A_395 = tpu.memref_slice %arg4[%add3A_98, %dma_start3A_394] : memref<131072x128xf32, #tpu.memory_space<hbm>> -> memref<128x128xf32, #tpu.memory_space<hbm>>
      %dma_start3A_396 = arith.constant 0 : i32
      %dma_start3A_397 = tpu.memref_slice %arg4[%add3A_98, %dma_start3A_396] : memref<131072x128xf32, #tpu.memory_space<hbm>> -> memref<128x128xf32, #tpu.memory_space<hbm>>
      tpu.enqueue_dma source(%arg7 : memref<128x128xf32, #tpu.memory_space<vmem>>) target(%dma_start3A_397 : memref<128x128xf32, #tpu.memory_space<hbm>>) target_semaphore(%run_scoped3A : memref<!tpu.dma_semaphore, #tpu.memory_space<semaphore_mem>>)
      %dma_wait3A_398 = arith.constant 0 : i32
      %dma_wait3A_399 = tpu.memref_slice %arg4[%add3A_98, %dma_wait3A_398] : memref<131072x128xf32, #tpu.memory_space<hbm>> -> memref<128x128xf32, #tpu.memory_space<hbm>>
      %dma_wait3A_400 = arith.constant 0 : i32
      %dma_wait3A_401 = tpu.memref_slice %arg4[%add3A_98, %dma_wait3A_400] : memref<131072x128xf32, #tpu.memory_space<hbm>> -> memref<128x128xf32, #tpu.memory_space<hbm>>
      tpu.wait_dma2 semaphore(%run_scoped3A : memref<!tpu.dma_semaphore, #tpu.memory_space<semaphore_mem>>) src(%arg7 : memref<128x128xf32, #tpu.memory_space<vmem>>) dst(%dma_wait3A_401 : memref<128x128xf32, #tpu.memory_space<hbm>>)
      tpu.yield
    }) : () -> ()
    %dma_start3A_99 = arith.constant 1024 : i32
    %dma_start3A_100 = tpu.memref_slice %arg6[%dma_start3A_99] : memref<4096xi32, #tpu.memory_space<vmem>> -> memref<128xi32, #tpu.memory_space<vmem>>
    %dma_start3A_101 = arith.constant 0 : i32
    %dma_start3A_102 = arith.constant 0 : i32
    %dma_start3A_103 = tpu.memref_slice %arg3[%dma_start3A_101, %dma_start3A_102] : memref<262144x128xf32, #tpu.memory_space<hbm>> -> memref<262144x128xf32, #tpu.memory_space<hbm>>
    tpu.enqueue_indirect_dma source(%dma_start3A_103 : memref<262144x128xf32, #tpu.memory_space<hbm>>) target(%arg7 : memref<128x128xf32, #tpu.memory_space<vmem>>) offsets(%dma_start3A_100 : memref<128xi32, #tpu.memory_space<vmem>>) semaphore(%arg9 : memref<!tpu.dma_semaphore, #tpu.memory_space<semaphore_mem>>)
    %dma_wait3A_104 = arith.constant 896 : i32
    %dma_wait3A_105 = tpu.memref_slice %arg6[%dma_wait3A_104] : memref<4096xi32, #tpu.memory_space<vmem>> -> memref<128xi32, #tpu.memory_space<vmem>>
    %dma_wait3A_106 = arith.constant 0 : i32
    %dma_wait3A_107 = arith.constant 0 : i32
    %dma_wait3A_108 = tpu.memref_slice %arg3[%dma_wait3A_106, %dma_wait3A_107] : memref<262144x128xf32, #tpu.memory_space<hbm>> -> memref<262144x128xf32, #tpu.memory_space<hbm>>
    tpu.wait_indirect_dma semaphore(%arg10 : memref<!tpu.dma_semaphore, #tpu.memory_space<semaphore_mem>>) src(%dma_wait3A_108 : memref<262144x128xf32, #tpu.memory_space<hbm>>) dst(%arg8 : memref<128x128xf32, #tpu.memory_space<vmem>>)
    %add3A_109 = arith.constant 896 : i32
    %add3A_110 = arith.addi %mul3A_11, %add3A_109 : i32
    "tpu.region"() ({
      %run_scoped3A = tpu.sem_alloc : memref<!tpu.dma_semaphore, #tpu.memory_space<semaphore_mem>>
      %dma_start3A_394 = arith.constant 0 : i32
      %dma_start3A_395 = tpu.memref_slice %arg4[%add3A_110, %dma_start3A_394] : memref<131072x128xf32, #tpu.memory_space<hbm>> -> memref<128x128xf32, #tpu.memory_space<hbm>>
      %dma_start3A_396 = arith.constant 0 : i32
      %dma_start3A_397 = tpu.memref_slice %arg4[%add3A_110, %dma_start3A_396] : memref<131072x128xf32, #tpu.memory_space<hbm>> -> memref<128x128xf32, #tpu.memory_space<hbm>>
      tpu.enqueue_dma source(%arg8 : memref<128x128xf32, #tpu.memory_space<vmem>>) target(%dma_start3A_397 : memref<128x128xf32, #tpu.memory_space<hbm>>) target_semaphore(%run_scoped3A : memref<!tpu.dma_semaphore, #tpu.memory_space<semaphore_mem>>)
      %dma_wait3A_398 = arith.constant 0 : i32
      %dma_wait3A_399 = tpu.memref_slice %arg4[%add3A_110, %dma_wait3A_398] : memref<131072x128xf32, #tpu.memory_space<hbm>> -> memref<128x128xf32, #tpu.memory_space<hbm>>
      %dma_wait3A_400 = arith.constant 0 : i32
      %dma_wait3A_401 = tpu.memref_slice %arg4[%add3A_110, %dma_wait3A_400] : memref<131072x128xf32, #tpu.memory_space<hbm>> -> memref<128x128xf32, #tpu.memory_space<hbm>>
      tpu.wait_dma2 semaphore(%run_scoped3A : memref<!tpu.dma_semaphore, #tpu.memory_space<semaphore_mem>>) src(%arg8 : memref<128x128xf32, #tpu.memory_space<vmem>>) dst(%dma_wait3A_401 : memref<128x128xf32, #tpu.memory_space<hbm>>)
      tpu.yield
    }) : () -> ()
    %dma_start3A_111 = arith.constant 1152 : i32
    %dma_start3A_112 = tpu.memref_slice %arg6[%dma_start3A_111] : memref<4096xi32, #tpu.memory_space<vmem>> -> memref<128xi32, #tpu.memory_space<vmem>>
    %dma_start3A_113 = arith.constant 0 : i32
    %dma_start3A_114 = arith.constant 0 : i32
    %dma_start3A_115 = tpu.memref_slice %arg3[%dma_start3A_113, %dma_start3A_114] : memref<262144x128xf32, #tpu.memory_space<hbm>> -> memref<262144x128xf32, #tpu.memory_space<hbm>>
    tpu.enqueue_indirect_dma source(%dma_start3A_115 : memref<262144x128xf32, #tpu.memory_space<hbm>>) target(%arg8 : memref<128x128xf32, #tpu.memory_space<vmem>>) offsets(%dma_start3A_112 : memref<128xi32, #tpu.memory_space<vmem>>) semaphore(%arg10 : memref<!tpu.dma_semaphore, #tpu.memory_space<semaphore_mem>>)
    %dma_wait3A_116 = arith.constant 1024 : i32
    %dma_wait3A_117 = tpu.memref_slice %arg6[%dma_wait3A_116] : memref<4096xi32, #tpu.memory_space<vmem>> -> memref<128xi32, #tpu.memory_space<vmem>>
    %dma_wait3A_118 = arith.constant 0 : i32
    %dma_wait3A_119 = arith.constant 0 : i32
    %dma_wait3A_120 = tpu.memref_slice %arg3[%dma_wait3A_118, %dma_wait3A_119] : memref<262144x128xf32, #tpu.memory_space<hbm>> -> memref<262144x128xf32, #tpu.memory_space<hbm>>
    tpu.wait_indirect_dma semaphore(%arg9 : memref<!tpu.dma_semaphore, #tpu.memory_space<semaphore_mem>>) src(%dma_wait3A_120 : memref<262144x128xf32, #tpu.memory_space<hbm>>) dst(%arg7 : memref<128x128xf32, #tpu.memory_space<vmem>>)
    %add3A_121 = arith.constant 1024 : i32
    %add3A_122 = arith.addi %mul3A_11, %add3A_121 : i32
    "tpu.region"() ({
      %run_scoped3A = tpu.sem_alloc : memref<!tpu.dma_semaphore, #tpu.memory_space<semaphore_mem>>
      %dma_start3A_394 = arith.constant 0 : i32
      %dma_start3A_395 = tpu.memref_slice %arg4[%add3A_122, %dma_start3A_394] : memref<131072x128xf32, #tpu.memory_space<hbm>> -> memref<128x128xf32, #tpu.memory_space<hbm>>
      %dma_start3A_396 = arith.constant 0 : i32
      %dma_start3A_397 = tpu.memref_slice %arg4[%add3A_122, %dma_start3A_396] : memref<131072x128xf32, #tpu.memory_space<hbm>> -> memref<128x128xf32, #tpu.memory_space<hbm>>
      tpu.enqueue_dma source(%arg7 : memref<128x128xf32, #tpu.memory_space<vmem>>) target(%dma_start3A_397 : memref<128x128xf32, #tpu.memory_space<hbm>>) target_semaphore(%run_scoped3A : memref<!tpu.dma_semaphore, #tpu.memory_space<semaphore_mem>>)
      %dma_wait3A_398 = arith.constant 0 : i32
      %dma_wait3A_399 = tpu.memref_slice %arg4[%add3A_122, %dma_wait3A_398] : memref<131072x128xf32, #tpu.memory_space<hbm>> -> memref<128x128xf32, #tpu.memory_space<hbm>>
      %dma_wait3A_400 = arith.constant 0 : i32
      %dma_wait3A_401 = tpu.memref_slice %arg4[%add3A_122, %dma_wait3A_400] : memref<131072x128xf32, #tpu.memory_space<hbm>> -> memref<128x128xf32, #tpu.memory_space<hbm>>
      tpu.wait_dma2 semaphore(%run_scoped3A : memref<!tpu.dma_semaphore, #tpu.memory_space<semaphore_mem>>) src(%arg7 : memref<128x128xf32, #tpu.memory_space<vmem>>) dst(%dma_wait3A_401 : memref<128x128xf32, #tpu.memory_space<hbm>>)
      tpu.yield
    }) : () -> ()
    %dma_start3A_123 = arith.constant 1280 : i32
    %dma_start3A_124 = tpu.memref_slice %arg6[%dma_start3A_123] : memref<4096xi32, #tpu.memory_space<vmem>> -> memref<128xi32, #tpu.memory_space<vmem>>
    %dma_start3A_125 = arith.constant 0 : i32
    %dma_start3A_126 = arith.constant 0 : i32
    %dma_start3A_127 = tpu.memref_slice %arg3[%dma_start3A_125, %dma_start3A_126] : memref<262144x128xf32, #tpu.memory_space<hbm>> -> memref<262144x128xf32, #tpu.memory_space<hbm>>
    tpu.enqueue_indirect_dma source(%dma_start3A_127 : memref<262144x128xf32, #tpu.memory_space<hbm>>) target(%arg7 : memref<128x128xf32, #tpu.memory_space<vmem>>) offsets(%dma_start3A_124 : memref<128xi32, #tpu.memory_space<vmem>>) semaphore(%arg9 : memref<!tpu.dma_semaphore, #tpu.memory_space<semaphore_mem>>)
    %dma_wait3A_128 = arith.constant 1152 : i32
    %dma_wait3A_129 = tpu.memref_slice %arg6[%dma_wait3A_128] : memref<4096xi32, #tpu.memory_space<vmem>> -> memref<128xi32, #tpu.memory_space<vmem>>
    %dma_wait3A_130 = arith.constant 0 : i32
    %dma_wait3A_131 = arith.constant 0 : i32
    %dma_wait3A_132 = tpu.memref_slice %arg3[%dma_wait3A_130, %dma_wait3A_131] : memref<262144x128xf32, #tpu.memory_space<hbm>> -> memref<262144x128xf32, #tpu.memory_space<hbm>>
    tpu.wait_indirect_dma semaphore(%arg10 : memref<!tpu.dma_semaphore, #tpu.memory_space<semaphore_mem>>) src(%dma_wait3A_132 : memref<262144x128xf32, #tpu.memory_space<hbm>>) dst(%arg8 : memref<128x128xf32, #tpu.memory_space<vmem>>)
    %add3A_133 = arith.constant 1152 : i32
    %add3A_134 = arith.addi %mul3A_11, %add3A_133 : i32
    "tpu.region"() ({
      %run_scoped3A = tpu.sem_alloc : memref<!tpu.dma_semaphore, #tpu.memory_space<semaphore_mem>>
      %dma_start3A_394 = arith.constant 0 : i32
      %dma_start3A_395 = tpu.memref_slice %arg4[%add3A_134, %dma_start3A_394] : memref<131072x128xf32, #tpu.memory_space<hbm>> -> memref<128x128xf32, #tpu.memory_space<hbm>>
      %dma_start3A_396 = arith.constant 0 : i32
      %dma_start3A_397 = tpu.memref_slice %arg4[%add3A_134, %dma_start3A_396] : memref<131072x128xf32, #tpu.memory_space<hbm>> -> memref<128x128xf32, #tpu.memory_space<hbm>>
      tpu.enqueue_dma source(%arg8 : memref<128x128xf32, #tpu.memory_space<vmem>>) target(%dma_start3A_397 : memref<128x128xf32, #tpu.memory_space<hbm>>) target_semaphore(%run_scoped3A : memref<!tpu.dma_semaphore, #tpu.memory_space<semaphore_mem>>)
      %dma_wait3A_398 = arith.constant 0 : i32
      %dma_wait3A_399 = tpu.memref_slice %arg4[%add3A_134, %dma_wait3A_398] : memref<131072x128xf32, #tpu.memory_space<hbm>> -> memref<128x128xf32, #tpu.memory_space<hbm>>
      %dma_wait3A_400 = arith.constant 0 : i32
      %dma_wait3A_401 = tpu.memref_slice %arg4[%add3A_134, %dma_wait3A_400] : memref<131072x128xf32, #tpu.memory_space<hbm>> -> memref<128x128xf32, #tpu.memory_space<hbm>>
      tpu.wait_dma2 semaphore(%run_scoped3A : memref<!tpu.dma_semaphore, #tpu.memory_space<semaphore_mem>>) src(%arg8 : memref<128x128xf32, #tpu.memory_space<vmem>>) dst(%dma_wait3A_401 : memref<128x128xf32, #tpu.memory_space<hbm>>)
      tpu.yield
    }) : () -> ()
    %dma_start3A_135 = arith.constant 1408 : i32
    %dma_start3A_136 = tpu.memref_slice %arg6[%dma_start3A_135] : memref<4096xi32, #tpu.memory_space<vmem>> -> memref<128xi32, #tpu.memory_space<vmem>>
    %dma_start3A_137 = arith.constant 0 : i32
    %dma_start3A_138 = arith.constant 0 : i32
    %dma_start3A_139 = tpu.memref_slice %arg3[%dma_start3A_137, %dma_start3A_138] : memref<262144x128xf32, #tpu.memory_space<hbm>> -> memref<262144x128xf32, #tpu.memory_space<hbm>>
    tpu.enqueue_indirect_dma source(%dma_start3A_139 : memref<262144x128xf32, #tpu.memory_space<hbm>>) target(%arg8 : memref<128x128xf32, #tpu.memory_space<vmem>>) offsets(%dma_start3A_136 : memref<128xi32, #tpu.memory_space<vmem>>) semaphore(%arg10 : memref<!tpu.dma_semaphore, #tpu.memory_space<semaphore_mem>>)
    %dma_wait3A_140 = arith.constant 1280 : i32
    %dma_wait3A_141 = tpu.memref_slice %arg6[%dma_wait3A_140] : memref<4096xi32, #tpu.memory_space<vmem>> -> memref<128xi32, #tpu.memory_space<vmem>>
    %dma_wait3A_142 = arith.constant 0 : i32
    %dma_wait3A_143 = arith.constant 0 : i32
    %dma_wait3A_144 = tpu.memref_slice %arg3[%dma_wait3A_142, %dma_wait3A_143] : memref<262144x128xf32, #tpu.memory_space<hbm>> -> memref<262144x128xf32, #tpu.memory_space<hbm>>
    tpu.wait_indirect_dma semaphore(%arg9 : memref<!tpu.dma_semaphore, #tpu.memory_space<semaphore_mem>>) src(%dma_wait3A_144 : memref<262144x128xf32, #tpu.memory_space<hbm>>) dst(%arg7 : memref<128x128xf32, #tpu.memory_space<vmem>>)
    %add3A_145 = arith.constant 1280 : i32
    %add3A_146 = arith.addi %mul3A_11, %add3A_145 : i32
    "tpu.region"() ({
      %run_scoped3A = tpu.sem_alloc : memref<!tpu.dma_semaphore, #tpu.memory_space<semaphore_mem>>
      %dma_start3A_394 = arith.constant 0 : i32
      %dma_start3A_395 = tpu.memref_slice %arg4[%add3A_146, %dma_start3A_394] : memref<131072x128xf32, #tpu.memory_space<hbm>> -> memref<128x128xf32, #tpu.memory_space<hbm>>
      %dma_start3A_396 = arith.constant 0 : i32
      %dma_start3A_397 = tpu.memref_slice %arg4[%add3A_146, %dma_start3A_396] : memref<131072x128xf32, #tpu.memory_space<hbm>> -> memref<128x128xf32, #tpu.memory_space<hbm>>
      tpu.enqueue_dma source(%arg7 : memref<128x128xf32, #tpu.memory_space<vmem>>) target(%dma_start3A_397 : memref<128x128xf32, #tpu.memory_space<hbm>>) target_semaphore(%run_scoped3A : memref<!tpu.dma_semaphore, #tpu.memory_space<semaphore_mem>>)
      %dma_wait3A_398 = arith.constant 0 : i32
      %dma_wait3A_399 = tpu.memref_slice %arg4[%add3A_146, %dma_wait3A_398] : memref<131072x128xf32, #tpu.memory_space<hbm>> -> memref<128x128xf32, #tpu.memory_space<hbm>>
      %dma_wait3A_400 = arith.constant 0 : i32
      %dma_wait3A_401 = tpu.memref_slice %arg4[%add3A_146, %dma_wait3A_400] : memref<131072x128xf32, #tpu.memory_space<hbm>> -> memref<128x128xf32, #tpu.memory_space<hbm>>
      tpu.wait_dma2 semaphore(%run_scoped3A : memref<!tpu.dma_semaphore, #tpu.memory_space<semaphore_mem>>) src(%arg7 : memref<128x128xf32, #tpu.memory_space<vmem>>) dst(%dma_wait3A_401 : memref<128x128xf32, #tpu.memory_space<hbm>>)
      tpu.yield
    }) : () -> ()
    %dma_start3A_147 = arith.constant 1536 : i32
    %dma_start3A_148 = tpu.memref_slice %arg6[%dma_start3A_147] : memref<4096xi32, #tpu.memory_space<vmem>> -> memref<128xi32, #tpu.memory_space<vmem>>
    %dma_start3A_149 = arith.constant 0 : i32
    %dma_start3A_150 = arith.constant 0 : i32
    %dma_start3A_151 = tpu.memref_slice %arg3[%dma_start3A_149, %dma_start3A_150] : memref<262144x128xf32, #tpu.memory_space<hbm>> -> memref<262144x128xf32, #tpu.memory_space<hbm>>
    tpu.enqueue_indirect_dma source(%dma_start3A_151 : memref<262144x128xf32, #tpu.memory_space<hbm>>) target(%arg7 : memref<128x128xf32, #tpu.memory_space<vmem>>) offsets(%dma_start3A_148 : memref<128xi32, #tpu.memory_space<vmem>>) semaphore(%arg9 : memref<!tpu.dma_semaphore, #tpu.memory_space<semaphore_mem>>)
    %dma_wait3A_152 = arith.constant 1408 : i32
    %dma_wait3A_153 = tpu.memref_slice %arg6[%dma_wait3A_152] : memref<4096xi32, #tpu.memory_space<vmem>> -> memref<128xi32, #tpu.memory_space<vmem>>
    %dma_wait3A_154 = arith.constant 0 : i32
    %dma_wait3A_155 = arith.constant 0 : i32
    %dma_wait3A_156 = tpu.memref_slice %arg3[%dma_wait3A_154, %dma_wait3A_155] : memref<262144x128xf32, #tpu.memory_space<hbm>> -> memref<262144x128xf32, #tpu.memory_space<hbm>>
    tpu.wait_indirect_dma semaphore(%arg10 : memref<!tpu.dma_semaphore, #tpu.memory_space<semaphore_mem>>) src(%dma_wait3A_156 : memref<262144x128xf32, #tpu.memory_space<hbm>>) dst(%arg8 : memref<128x128xf32, #tpu.memory_space<vmem>>)
    %add3A_157 = arith.constant 1408 : i32
    %add3A_158 = arith.addi %mul3A_11, %add3A_157 : i32
    "tpu.region"() ({
      %run_scoped3A = tpu.sem_alloc : memref<!tpu.dma_semaphore, #tpu.memory_space<semaphore_mem>>
      %dma_start3A_394 = arith.constant 0 : i32
      %dma_start3A_395 = tpu.memref_slice %arg4[%add3A_158, %dma_start3A_394] : memref<131072x128xf32, #tpu.memory_space<hbm>> -> memref<128x128xf32, #tpu.memory_space<hbm>>
      %dma_start3A_396 = arith.constant 0 : i32
      %dma_start3A_397 = tpu.memref_slice %arg4[%add3A_158, %dma_start3A_396] : memref<131072x128xf32, #tpu.memory_space<hbm>> -> memref<128x128xf32, #tpu.memory_space<hbm>>
      tpu.enqueue_dma source(%arg8 : memref<128x128xf32, #tpu.memory_space<vmem>>) target(%dma_start3A_397 : memref<128x128xf32, #tpu.memory_space<hbm>>) target_semaphore(%run_scoped3A : memref<!tpu.dma_semaphore, #tpu.memory_space<semaphore_mem>>)
      %dma_wait3A_398 = arith.constant 0 : i32
      %dma_wait3A_399 = tpu.memref_slice %arg4[%add3A_158, %dma_wait3A_398] : memref<131072x128xf32, #tpu.memory_space<hbm>> -> memref<128x128xf32, #tpu.memory_space<hbm>>
      %dma_wait3A_400 = arith.constant 0 : i32
      %dma_wait3A_401 = tpu.memref_slice %arg4[%add3A_158, %dma_wait3A_400] : memref<131072x128xf32, #tpu.memory_space<hbm>> -> memref<128x128xf32, #tpu.memory_space<hbm>>
      tpu.wait_dma2 semaphore(%run_scoped3A : memref<!tpu.dma_semaphore, #tpu.memory_space<semaphore_mem>>) src(%arg8 : memref<128x128xf32, #tpu.memory_space<vmem>>) dst(%dma_wait3A_401 : memref<128x128xf32, #tpu.memory_space<hbm>>)
      tpu.yield
    }) : () -> ()
    %dma_start3A_159 = arith.constant 1664 : i32
    %dma_start3A_160 = tpu.memref_slice %arg6[%dma_start3A_159] : memref<4096xi32, #tpu.memory_space<vmem>> -> memref<128xi32, #tpu.memory_space<vmem>>
    %dma_start3A_161 = arith.constant 0 : i32
    %dma_start3A_162 = arith.constant 0 : i32
    %dma_start3A_163 = tpu.memref_slice %arg3[%dma_start3A_161, %dma_start3A_162] : memref<262144x128xf32, #tpu.memory_space<hbm>> -> memref<262144x128xf32, #tpu.memory_space<hbm>>
    tpu.enqueue_indirect_dma source(%dma_start3A_163 : memref<262144x128xf32, #tpu.memory_space<hbm>>) target(%arg8 : memref<128x128xf32, #tpu.memory_space<vmem>>) offsets(%dma_start3A_160 : memref<128xi32, #tpu.memory_space<vmem>>) semaphore(%arg10 : memref<!tpu.dma_semaphore, #tpu.memory_space<semaphore_mem>>)
    %dma_wait3A_164 = arith.constant 1536 : i32
    %dma_wait3A_165 = tpu.memref_slice %arg6[%dma_wait3A_164] : memref<4096xi32, #tpu.memory_space<vmem>> -> memref<128xi32, #tpu.memory_space<vmem>>
    %dma_wait3A_166 = arith.constant 0 : i32
    %dma_wait3A_167 = arith.constant 0 : i32
    %dma_wait3A_168 = tpu.memref_slice %arg3[%dma_wait3A_166, %dma_wait3A_167] : memref<262144x128xf32, #tpu.memory_space<hbm>> -> memref<262144x128xf32, #tpu.memory_space<hbm>>
    tpu.wait_indirect_dma semaphore(%arg9 : memref<!tpu.dma_semaphore, #tpu.memory_space<semaphore_mem>>) src(%dma_wait3A_168 : memref<262144x128xf32, #tpu.memory_space<hbm>>) dst(%arg7 : memref<128x128xf32, #tpu.memory_space<vmem>>)
    %add3A_169 = arith.constant 1536 : i32
    %add3A_170 = arith.addi %mul3A_11, %add3A_169 : i32
    "tpu.region"() ({
      %run_scoped3A = tpu.sem_alloc : memref<!tpu.dma_semaphore, #tpu.memory_space<semaphore_mem>>
      %dma_start3A_394 = arith.constant 0 : i32
      %dma_start3A_395 = tpu.memref_slice %arg4[%add3A_170, %dma_start3A_394] : memref<131072x128xf32, #tpu.memory_space<hbm>> -> memref<128x128xf32, #tpu.memory_space<hbm>>
      %dma_start3A_396 = arith.constant 0 : i32
      %dma_start3A_397 = tpu.memref_slice %arg4[%add3A_170, %dma_start3A_396] : memref<131072x128xf32, #tpu.memory_space<hbm>> -> memref<128x128xf32, #tpu.memory_space<hbm>>
      tpu.enqueue_dma source(%arg7 : memref<128x128xf32, #tpu.memory_space<vmem>>) target(%dma_start3A_397 : memref<128x128xf32, #tpu.memory_space<hbm>>) target_semaphore(%run_scoped3A : memref<!tpu.dma_semaphore, #tpu.memory_space<semaphore_mem>>)
      %dma_wait3A_398 = arith.constant 0 : i32
      %dma_wait3A_399 = tpu.memref_slice %arg4[%add3A_170, %dma_wait3A_398] : memref<131072x128xf32, #tpu.memory_space<hbm>> -> memref<128x128xf32, #tpu.memory_space<hbm>>
      %dma_wait3A_400 = arith.constant 0 : i32
      %dma_wait3A_401 = tpu.memref_slice %arg4[%add3A_170, %dma_wait3A_400] : memref<131072x128xf32, #tpu.memory_space<hbm>> -> memref<128x128xf32, #tpu.memory_space<hbm>>
      tpu.wait_dma2 semaphore(%run_scoped3A : memref<!tpu.dma_semaphore, #tpu.memory_space<semaphore_mem>>) src(%arg7 : memref<128x128xf32, #tpu.memory_space<vmem>>) dst(%dma_wait3A_401 : memref<128x128xf32, #tpu.memory_space<hbm>>)
      tpu.yield
    }) : () -> ()
    %dma_start3A_171 = arith.constant 1792 : i32
    %dma_start3A_172 = tpu.memref_slice %arg6[%dma_start3A_171] : memref<4096xi32, #tpu.memory_space<vmem>> -> memref<128xi32, #tpu.memory_space<vmem>>
    %dma_start3A_173 = arith.constant 0 : i32
    %dma_start3A_174 = arith.constant 0 : i32
    %dma_start3A_175 = tpu.memref_slice %arg3[%dma_start3A_173, %dma_start3A_174] : memref<262144x128xf32, #tpu.memory_space<hbm>> -> memref<262144x128xf32, #tpu.memory_space<hbm>>
    tpu.enqueue_indirect_dma source(%dma_start3A_175 : memref<262144x128xf32, #tpu.memory_space<hbm>>) target(%arg7 : memref<128x128xf32, #tpu.memory_space<vmem>>) offsets(%dma_start3A_172 : memref<128xi32, #tpu.memory_space<vmem>>) semaphore(%arg9 : memref<!tpu.dma_semaphore, #tpu.memory_space<semaphore_mem>>)
    %dma_wait3A_176 = arith.constant 1664 : i32
    %dma_wait3A_177 = tpu.memref_slice %arg6[%dma_wait3A_176] : memref<4096xi32, #tpu.memory_space<vmem>> -> memref<128xi32, #tpu.memory_space<vmem>>
    %dma_wait3A_178 = arith.constant 0 : i32
    %dma_wait3A_179 = arith.constant 0 : i32
    %dma_wait3A_180 = tpu.memref_slice %arg3[%dma_wait3A_178, %dma_wait3A_179] : memref<262144x128xf32, #tpu.memory_space<hbm>> -> memref<262144x128xf32, #tpu.memory_space<hbm>>
    tpu.wait_indirect_dma semaphore(%arg10 : memref<!tpu.dma_semaphore, #tpu.memory_space<semaphore_mem>>) src(%dma_wait3A_180 : memref<262144x128xf32, #tpu.memory_space<hbm>>) dst(%arg8 : memref<128x128xf32, #tpu.memory_space<vmem>>)
    %add3A_181 = arith.constant 1664 : i32
    %add3A_182 = arith.addi %mul3A_11, %add3A_181 : i32
    "tpu.region"() ({
      %run_scoped3A = tpu.sem_alloc : memref<!tpu.dma_semaphore, #tpu.memory_space<semaphore_mem>>
      %dma_start3A_394 = arith.constant 0 : i32
      %dma_start3A_395 = tpu.memref_slice %arg4[%add3A_182, %dma_start3A_394] : memref<131072x128xf32, #tpu.memory_space<hbm>> -> memref<128x128xf32, #tpu.memory_space<hbm>>
      %dma_start3A_396 = arith.constant 0 : i32
      %dma_start3A_397 = tpu.memref_slice %arg4[%add3A_182, %dma_start3A_396] : memref<131072x128xf32, #tpu.memory_space<hbm>> -> memref<128x128xf32, #tpu.memory_space<hbm>>
      tpu.enqueue_dma source(%arg8 : memref<128x128xf32, #tpu.memory_space<vmem>>) target(%dma_start3A_397 : memref<128x128xf32, #tpu.memory_space<hbm>>) target_semaphore(%run_scoped3A : memref<!tpu.dma_semaphore, #tpu.memory_space<semaphore_mem>>)
      %dma_wait3A_398 = arith.constant 0 : i32
      %dma_wait3A_399 = tpu.memref_slice %arg4[%add3A_182, %dma_wait3A_398] : memref<131072x128xf32, #tpu.memory_space<hbm>> -> memref<128x128xf32, #tpu.memory_space<hbm>>
      %dma_wait3A_400 = arith.constant 0 : i32
      %dma_wait3A_401 = tpu.memref_slice %arg4[%add3A_182, %dma_wait3A_400] : memref<131072x128xf32, #tpu.memory_space<hbm>> -> memref<128x128xf32, #tpu.memory_space<hbm>>
      tpu.wait_dma2 semaphore(%run_scoped3A : memref<!tpu.dma_semaphore, #tpu.memory_space<semaphore_mem>>) src(%arg8 : memref<128x128xf32, #tpu.memory_space<vmem>>) dst(%dma_wait3A_401 : memref<128x128xf32, #tpu.memory_space<hbm>>)
      tpu.yield
    }) : () -> ()
    %dma_start3A_183 = arith.constant 1920 : i32
    %dma_start3A_184 = tpu.memref_slice %arg6[%dma_start3A_183] : memref<4096xi32, #tpu.memory_space<vmem>> -> memref<128xi32, #tpu.memory_space<vmem>>
    %dma_start3A_185 = arith.constant 0 : i32
    %dma_start3A_186 = arith.constant 0 : i32
    %dma_start3A_187 = tpu.memref_slice %arg3[%dma_start3A_185, %dma_start3A_186] : memref<262144x128xf32, #tpu.memory_space<hbm>> -> memref<262144x128xf32, #tpu.memory_space<hbm>>
    tpu.enqueue_indirect_dma source(%dma_start3A_187 : memref<262144x128xf32, #tpu.memory_space<hbm>>) target(%arg8 : memref<128x128xf32, #tpu.memory_space<vmem>>) offsets(%dma_start3A_184 : memref<128xi32, #tpu.memory_space<vmem>>) semaphore(%arg10 : memref<!tpu.dma_semaphore, #tpu.memory_space<semaphore_mem>>)
    %dma_wait3A_188 = arith.constant 1792 : i32
    %dma_wait3A_189 = tpu.memref_slice %arg6[%dma_wait3A_188] : memref<4096xi32, #tpu.memory_space<vmem>> -> memref<128xi32, #tpu.memory_space<vmem>>
    %dma_wait3A_190 = arith.constant 0 : i32
    %dma_wait3A_191 = arith.constant 0 : i32
    %dma_wait3A_192 = tpu.memref_slice %arg3[%dma_wait3A_190, %dma_wait3A_191] : memref<262144x128xf32, #tpu.memory_space<hbm>> -> memref<262144x128xf32, #tpu.memory_space<hbm>>
    tpu.wait_indirect_dma semaphore(%arg9 : memref<!tpu.dma_semaphore, #tpu.memory_space<semaphore_mem>>) src(%dma_wait3A_192 : memref<262144x128xf32, #tpu.memory_space<hbm>>) dst(%arg7 : memref<128x128xf32, #tpu.memory_space<vmem>>)
    %add3A_193 = arith.constant 1792 : i32
    %add3A_194 = arith.addi %mul3A_11, %add3A_193 : i32
    "tpu.region"() ({
      %run_scoped3A = tpu.sem_alloc : memref<!tpu.dma_semaphore, #tpu.memory_space<semaphore_mem>>
      %dma_start3A_394 = arith.constant 0 : i32
      %dma_start3A_395 = tpu.memref_slice %arg4[%add3A_194, %dma_start3A_394] : memref<131072x128xf32, #tpu.memory_space<hbm>> -> memref<128x128xf32, #tpu.memory_space<hbm>>
      %dma_start3A_396 = arith.constant 0 : i32
      %dma_start3A_397 = tpu.memref_slice %arg4[%add3A_194, %dma_start3A_396] : memref<131072x128xf32, #tpu.memory_space<hbm>> -> memref<128x128xf32, #tpu.memory_space<hbm>>
      tpu.enqueue_dma source(%arg7 : memref<128x128xf32, #tpu.memory_space<vmem>>) target(%dma_start3A_397 : memref<128x128xf32, #tpu.memory_space<hbm>>) target_semaphore(%run_scoped3A : memref<!tpu.dma_semaphore, #tpu.memory_space<semaphore_mem>>)
      %dma_wait3A_398 = arith.constant 0 : i32
      %dma_wait3A_399 = tpu.memref_slice %arg4[%add3A_194, %dma_wait3A_398] : memref<131072x128xf32, #tpu.memory_space<hbm>> -> memref<128x128xf32, #tpu.memory_space<hbm>>
      %dma_wait3A_400 = arith.constant 0 : i32
      %dma_wait3A_401 = tpu.memref_slice %arg4[%add3A_194, %dma_wait3A_400] : memref<131072x128xf32, #tpu.memory_space<hbm>> -> memref<128x128xf32, #tpu.memory_space<hbm>>
      tpu.wait_dma2 semaphore(%run_scoped3A : memref<!tpu.dma_semaphore, #tpu.memory_space<semaphore_mem>>) src(%arg7 : memref<128x128xf32, #tpu.memory_space<vmem>>) dst(%dma_wait3A_401 : memref<128x128xf32, #tpu.memory_space<hbm>>)
      tpu.yield
    }) : () -> ()
    %dma_start3A_195 = arith.constant 2048 : i32
    %dma_start3A_196 = tpu.memref_slice %arg6[%dma_start3A_195] : memref<4096xi32, #tpu.memory_space<vmem>> -> memref<128xi32, #tpu.memory_space<vmem>>
    %dma_start3A_197 = arith.constant 0 : i32
    %dma_start3A_198 = arith.constant 0 : i32
    %dma_start3A_199 = tpu.memref_slice %arg3[%dma_start3A_197, %dma_start3A_198] : memref<262144x128xf32, #tpu.memory_space<hbm>> -> memref<262144x128xf32, #tpu.memory_space<hbm>>
    tpu.enqueue_indirect_dma source(%dma_start3A_199 : memref<262144x128xf32, #tpu.memory_space<hbm>>) target(%arg7 : memref<128x128xf32, #tpu.memory_space<vmem>>) offsets(%dma_start3A_196 : memref<128xi32, #tpu.memory_space<vmem>>) semaphore(%arg9 : memref<!tpu.dma_semaphore, #tpu.memory_space<semaphore_mem>>)
    %dma_wait3A_200 = arith.constant 1920 : i32
    %dma_wait3A_201 = tpu.memref_slice %arg6[%dma_wait3A_200] : memref<4096xi32, #tpu.memory_space<vmem>> -> memref<128xi32, #tpu.memory_space<vmem>>
    %dma_wait3A_202 = arith.constant 0 : i32
    %dma_wait3A_203 = arith.constant 0 : i32
    %dma_wait3A_204 = tpu.memref_slice %arg3[%dma_wait3A_202, %dma_wait3A_203] : memref<262144x128xf32, #tpu.memory_space<hbm>> -> memref<262144x128xf32, #tpu.memory_space<hbm>>
    tpu.wait_indirect_dma semaphore(%arg10 : memref<!tpu.dma_semaphore, #tpu.memory_space<semaphore_mem>>) src(%dma_wait3A_204 : memref<262144x128xf32, #tpu.memory_space<hbm>>) dst(%arg8 : memref<128x128xf32, #tpu.memory_space<vmem>>)
    %add3A_205 = arith.constant 1920 : i32
    %add3A_206 = arith.addi %mul3A_11, %add3A_205 : i32
    "tpu.region"() ({
      %run_scoped3A = tpu.sem_alloc : memref<!tpu.dma_semaphore, #tpu.memory_space<semaphore_mem>>
      %dma_start3A_394 = arith.constant 0 : i32
      %dma_start3A_395 = tpu.memref_slice %arg4[%add3A_206, %dma_start3A_394] : memref<131072x128xf32, #tpu.memory_space<hbm>> -> memref<128x128xf32, #tpu.memory_space<hbm>>
      %dma_start3A_396 = arith.constant 0 : i32
      %dma_start3A_397 = tpu.memref_slice %arg4[%add3A_206, %dma_start3A_396] : memref<131072x128xf32, #tpu.memory_space<hbm>> -> memref<128x128xf32, #tpu.memory_space<hbm>>
      tpu.enqueue_dma source(%arg8 : memref<128x128xf32, #tpu.memory_space<vmem>>) target(%dma_start3A_397 : memref<128x128xf32, #tpu.memory_space<hbm>>) target_semaphore(%run_scoped3A : memref<!tpu.dma_semaphore, #tpu.memory_space<semaphore_mem>>)
      %dma_wait3A_398 = arith.constant 0 : i32
      %dma_wait3A_399 = tpu.memref_slice %arg4[%add3A_206, %dma_wait3A_398] : memref<131072x128xf32, #tpu.memory_space<hbm>> -> memref<128x128xf32, #tpu.memory_space<hbm>>
      %dma_wait3A_400 = arith.constant 0 : i32
      %dma_wait3A_401 = tpu.memref_slice %arg4[%add3A_206, %dma_wait3A_400] : memref<131072x128xf32, #tpu.memory_space<hbm>> -> memref<128x128xf32, #tpu.memory_space<hbm>>
      tpu.wait_dma2 semaphore(%run_scoped3A : memref<!tpu.dma_semaphore, #tpu.memory_space<semaphore_mem>>) src(%arg8 : memref<128x128xf32, #tpu.memory_space<vmem>>) dst(%dma_wait3A_401 : memref<128x128xf32, #tpu.memory_space<hbm>>)
      tpu.yield
    }) : () -> ()
    %dma_start3A_207 = arith.constant 2176 : i32
    %dma_start3A_208 = tpu.memref_slice %arg6[%dma_start3A_207] : memref<4096xi32, #tpu.memory_space<vmem>> -> memref<128xi32, #tpu.memory_space<vmem>>
    %dma_start3A_209 = arith.constant 0 : i32
    %dma_start3A_210 = arith.constant 0 : i32
    %dma_start3A_211 = tpu.memref_slice %arg3[%dma_start3A_209, %dma_start3A_210] : memref<262144x128xf32, #tpu.memory_space<hbm>> -> memref<262144x128xf32, #tpu.memory_space<hbm>>
    tpu.enqueue_indirect_dma source(%dma_start3A_211 : memref<262144x128xf32, #tpu.memory_space<hbm>>) target(%arg8 : memref<128x128xf32, #tpu.memory_space<vmem>>) offsets(%dma_start3A_208 : memref<128xi32, #tpu.memory_space<vmem>>) semaphore(%arg10 : memref<!tpu.dma_semaphore, #tpu.memory_space<semaphore_mem>>)
    %dma_wait3A_212 = arith.constant 2048 : i32
    %dma_wait3A_213 = tpu.memref_slice %arg6[%dma_wait3A_212] : memref<4096xi32, #tpu.memory_space<vmem>> -> memref<128xi32, #tpu.memory_space<vmem>>
    %dma_wait3A_214 = arith.constant 0 : i32
    %dma_wait3A_215 = arith.constant 0 : i32
    %dma_wait3A_216 = tpu.memref_slice %arg3[%dma_wait3A_214, %dma_wait3A_215] : memref<262144x128xf32, #tpu.memory_space<hbm>> -> memref<262144x128xf32, #tpu.memory_space<hbm>>
    tpu.wait_indirect_dma semaphore(%arg9 : memref<!tpu.dma_semaphore, #tpu.memory_space<semaphore_mem>>) src(%dma_wait3A_216 : memref<262144x128xf32, #tpu.memory_space<hbm>>) dst(%arg7 : memref<128x128xf32, #tpu.memory_space<vmem>>)
    %add3A_217 = arith.constant 2048 : i32
    %add3A_218 = arith.addi %mul3A_11, %add3A_217 : i32
    "tpu.region"() ({
      %run_scoped3A = tpu.sem_alloc : memref<!tpu.dma_semaphore, #tpu.memory_space<semaphore_mem>>
      %dma_start3A_394 = arith.constant 0 : i32
      %dma_start3A_395 = tpu.memref_slice %arg4[%add3A_218, %dma_start3A_394] : memref<131072x128xf32, #tpu.memory_space<hbm>> -> memref<128x128xf32, #tpu.memory_space<hbm>>
      %dma_start3A_396 = arith.constant 0 : i32
      %dma_start3A_397 = tpu.memref_slice %arg4[%add3A_218, %dma_start3A_396] : memref<131072x128xf32, #tpu.memory_space<hbm>> -> memref<128x128xf32, #tpu.memory_space<hbm>>
      tpu.enqueue_dma source(%arg7 : memref<128x128xf32, #tpu.memory_space<vmem>>) target(%dma_start3A_397 : memref<128x128xf32, #tpu.memory_space<hbm>>) target_semaphore(%run_scoped3A : memref<!tpu.dma_semaphore, #tpu.memory_space<semaphore_mem>>)
      %dma_wait3A_398 = arith.constant 0 : i32
      %dma_wait3A_399 = tpu.memref_slice %arg4[%add3A_218, %dma_wait3A_398] : memref<131072x128xf32, #tpu.memory_space<hbm>> -> memref<128x128xf32, #tpu.memory_space<hbm>>
      %dma_wait3A_400 = arith.constant 0 : i32
      %dma_wait3A_401 = tpu.memref_slice %arg4[%add3A_218, %dma_wait3A_400] : memref<131072x128xf32, #tpu.memory_space<hbm>> -> memref<128x128xf32, #tpu.memory_space<hbm>>
      tpu.wait_dma2 semaphore(%run_scoped3A : memref<!tpu.dma_semaphore, #tpu.memory_space<semaphore_mem>>) src(%arg7 : memref<128x128xf32, #tpu.memory_space<vmem>>) dst(%dma_wait3A_401 : memref<128x128xf32, #tpu.memory_space<hbm>>)
      tpu.yield
    }) : () -> ()
    %dma_start3A_219 = arith.constant 2304 : i32
    %dma_start3A_220 = tpu.memref_slice %arg6[%dma_start3A_219] : memref<4096xi32, #tpu.memory_space<vmem>> -> memref<128xi32, #tpu.memory_space<vmem>>
    %dma_start3A_221 = arith.constant 0 : i32
    %dma_start3A_222 = arith.constant 0 : i32
    %dma_start3A_223 = tpu.memref_slice %arg3[%dma_start3A_221, %dma_start3A_222] : memref<262144x128xf32, #tpu.memory_space<hbm>> -> memref<262144x128xf32, #tpu.memory_space<hbm>>
    tpu.enqueue_indirect_dma source(%dma_start3A_223 : memref<262144x128xf32, #tpu.memory_space<hbm>>) target(%arg7 : memref<128x128xf32, #tpu.memory_space<vmem>>) offsets(%dma_start3A_220 : memref<128xi32, #tpu.memory_space<vmem>>) semaphore(%arg9 : memref<!tpu.dma_semaphore, #tpu.memory_space<semaphore_mem>>)
    %dma_wait3A_224 = arith.constant 2176 : i32
    %dma_wait3A_225 = tpu.memref_slice %arg6[%dma_wait3A_224] : memref<4096xi32, #tpu.memory_space<vmem>> -> memref<128xi32, #tpu.memory_space<vmem>>
    %dma_wait3A_226 = arith.constant 0 : i32
    %dma_wait3A_227 = arith.constant 0 : i32
    %dma_wait3A_228 = tpu.memref_slice %arg3[%dma_wait3A_226, %dma_wait3A_227] : memref<262144x128xf32, #tpu.memory_space<hbm>> -> memref<262144x128xf32, #tpu.memory_space<hbm>>
    tpu.wait_indirect_dma semaphore(%arg10 : memref<!tpu.dma_semaphore, #tpu.memory_space<semaphore_mem>>) src(%dma_wait3A_228 : memref<262144x128xf32, #tpu.memory_space<hbm>>) dst(%arg8 : memref<128x128xf32, #tpu.memory_space<vmem>>)
    %add3A_229 = arith.constant 2176 : i32
    %add3A_230 = arith.addi %mul3A_11, %add3A_229 : i32
    "tpu.region"() ({
      %run_scoped3A = tpu.sem_alloc : memref<!tpu.dma_semaphore, #tpu.memory_space<semaphore_mem>>
      %dma_start3A_394 = arith.constant 0 : i32
      %dma_start3A_395 = tpu.memref_slice %arg4[%add3A_230, %dma_start3A_394] : memref<131072x128xf32, #tpu.memory_space<hbm>> -> memref<128x128xf32, #tpu.memory_space<hbm>>
      %dma_start3A_396 = arith.constant 0 : i32
      %dma_start3A_397 = tpu.memref_slice %arg4[%add3A_230, %dma_start3A_396] : memref<131072x128xf32, #tpu.memory_space<hbm>> -> memref<128x128xf32, #tpu.memory_space<hbm>>
      tpu.enqueue_dma source(%arg8 : memref<128x128xf32, #tpu.memory_space<vmem>>) target(%dma_start3A_397 : memref<128x128xf32, #tpu.memory_space<hbm>>) target_semaphore(%run_scoped3A : memref<!tpu.dma_semaphore, #tpu.memory_space<semaphore_mem>>)
      %dma_wait3A_398 = arith.constant 0 : i32
      %dma_wait3A_399 = tpu.memref_slice %arg4[%add3A_230, %dma_wait3A_398] : memref<131072x128xf32, #tpu.memory_space<hbm>> -> memref<128x128xf32, #tpu.memory_space<hbm>>
      %dma_wait3A_400 = arith.constant 0 : i32
      %dma_wait3A_401 = tpu.memref_slice %arg4[%add3A_230, %dma_wait3A_400] : memref<131072x128xf32, #tpu.memory_space<hbm>> -> memref<128x128xf32, #tpu.memory_space<hbm>>
      tpu.wait_dma2 semaphore(%run_scoped3A : memref<!tpu.dma_semaphore, #tpu.memory_space<semaphore_mem>>) src(%arg8 : memref<128x128xf32, #tpu.memory_space<vmem>>) dst(%dma_wait3A_401 : memref<128x128xf32, #tpu.memory_space<hbm>>)
      tpu.yield
    }) : () -> ()
    %dma_start3A_231 = arith.constant 2432 : i32
    %dma_start3A_232 = tpu.memref_slice %arg6[%dma_start3A_231] : memref<4096xi32, #tpu.memory_space<vmem>> -> memref<128xi32, #tpu.memory_space<vmem>>
    %dma_start3A_233 = arith.constant 0 : i32
    %dma_start3A_234 = arith.constant 0 : i32
    %dma_start3A_235 = tpu.memref_slice %arg3[%dma_start3A_233, %dma_start3A_234] : memref<262144x128xf32, #tpu.memory_space<hbm>> -> memref<262144x128xf32, #tpu.memory_space<hbm>>
    tpu.enqueue_indirect_dma source(%dma_start3A_235 : memref<262144x128xf32, #tpu.memory_space<hbm>>) target(%arg8 : memref<128x128xf32, #tpu.memory_space<vmem>>) offsets(%dma_start3A_232 : memref<128xi32, #tpu.memory_space<vmem>>) semaphore(%arg10 : memref<!tpu.dma_semaphore, #tpu.memory_space<semaphore_mem>>)
    %dma_wait3A_236 = arith.constant 2304 : i32
    %dma_wait3A_237 = tpu.memref_slice %arg6[%dma_wait3A_236] : memref<4096xi32, #tpu.memory_space<vmem>> -> memref<128xi32, #tpu.memory_space<vmem>>
    %dma_wait3A_238 = arith.constant 0 : i32
    %dma_wait3A_239 = arith.constant 0 : i32
    %dma_wait3A_240 = tpu.memref_slice %arg3[%dma_wait3A_238, %dma_wait3A_239] : memref<262144x128xf32, #tpu.memory_space<hbm>> -> memref<262144x128xf32, #tpu.memory_space<hbm>>
    tpu.wait_indirect_dma semaphore(%arg9 : memref<!tpu.dma_semaphore, #tpu.memory_space<semaphore_mem>>) src(%dma_wait3A_240 : memref<262144x128xf32, #tpu.memory_space<hbm>>) dst(%arg7 : memref<128x128xf32, #tpu.memory_space<vmem>>)
    %add3A_241 = arith.constant 2304 : i32
    %add3A_242 = arith.addi %mul3A_11, %add3A_241 : i32
    "tpu.region"() ({
      %run_scoped3A = tpu.sem_alloc : memref<!tpu.dma_semaphore, #tpu.memory_space<semaphore_mem>>
      %dma_start3A_394 = arith.constant 0 : i32
      %dma_start3A_395 = tpu.memref_slice %arg4[%add3A_242, %dma_start3A_394] : memref<131072x128xf32, #tpu.memory_space<hbm>> -> memref<128x128xf32, #tpu.memory_space<hbm>>
      %dma_start3A_396 = arith.constant 0 : i32
      %dma_start3A_397 = tpu.memref_slice %arg4[%add3A_242, %dma_start3A_396] : memref<131072x128xf32, #tpu.memory_space<hbm>> -> memref<128x128xf32, #tpu.memory_space<hbm>>
      tpu.enqueue_dma source(%arg7 : memref<128x128xf32, #tpu.memory_space<vmem>>) target(%dma_start3A_397 : memref<128x128xf32, #tpu.memory_space<hbm>>) target_semaphore(%run_scoped3A : memref<!tpu.dma_semaphore, #tpu.memory_space<semaphore_mem>>)
      %dma_wait3A_398 = arith.constant 0 : i32
      %dma_wait3A_399 = tpu.memref_slice %arg4[%add3A_242, %dma_wait3A_398] : memref<131072x128xf32, #tpu.memory_space<hbm>> -> memref<128x128xf32, #tpu.memory_space<hbm>>
      %dma_wait3A_400 = arith.constant 0 : i32
      %dma_wait3A_401 = tpu.memref_slice %arg4[%add3A_242, %dma_wait3A_400] : memref<131072x128xf32, #tpu.memory_space<hbm>> -> memref<128x128xf32, #tpu.memory_space<hbm>>
      tpu.wait_dma2 semaphore(%run_scoped3A : memref<!tpu.dma_semaphore, #tpu.memory_space<semaphore_mem>>) src(%arg7 : memref<128x128xf32, #tpu.memory_space<vmem>>) dst(%dma_wait3A_401 : memref<128x128xf32, #tpu.memory_space<hbm>>)
      tpu.yield
    }) : () -> ()
    %dma_start3A_243 = arith.constant 2560 : i32
    %dma_start3A_244 = tpu.memref_slice %arg6[%dma_start3A_243] : memref<4096xi32, #tpu.memory_space<vmem>> -> memref<128xi32, #tpu.memory_space<vmem>>
    %dma_start3A_245 = arith.constant 0 : i32
    %dma_start3A_246 = arith.constant 0 : i32
    %dma_start3A_247 = tpu.memref_slice %arg3[%dma_start3A_245, %dma_start3A_246] : memref<262144x128xf32, #tpu.memory_space<hbm>> -> memref<262144x128xf32, #tpu.memory_space<hbm>>
    tpu.enqueue_indirect_dma source(%dma_start3A_247 : memref<262144x128xf32, #tpu.memory_space<hbm>>) target(%arg7 : memref<128x128xf32, #tpu.memory_space<vmem>>) offsets(%dma_start3A_244 : memref<128xi32, #tpu.memory_space<vmem>>) semaphore(%arg9 : memref<!tpu.dma_semaphore, #tpu.memory_space<semaphore_mem>>)
    %dma_wait3A_248 = arith.constant 2432 : i32
    %dma_wait3A_249 = tpu.memref_slice %arg6[%dma_wait3A_248] : memref<4096xi32, #tpu.memory_space<vmem>> -> memref<128xi32, #tpu.memory_space<vmem>>
    %dma_wait3A_250 = arith.constant 0 : i32
    %dma_wait3A_251 = arith.constant 0 : i32
    %dma_wait3A_252 = tpu.memref_slice %arg3[%dma_wait3A_250, %dma_wait3A_251] : memref<262144x128xf32, #tpu.memory_space<hbm>> -> memref<262144x128xf32, #tpu.memory_space<hbm>>
    tpu.wait_indirect_dma semaphore(%arg10 : memref<!tpu.dma_semaphore, #tpu.memory_space<semaphore_mem>>) src(%dma_wait3A_252 : memref<262144x128xf32, #tpu.memory_space<hbm>>) dst(%arg8 : memref<128x128xf32, #tpu.memory_space<vmem>>)
    %add3A_253 = arith.constant 2432 : i32
    %add3A_254 = arith.addi %mul3A_11, %add3A_253 : i32
    "tpu.region"() ({
      %run_scoped3A = tpu.sem_alloc : memref<!tpu.dma_semaphore, #tpu.memory_space<semaphore_mem>>
      %dma_start3A_394 = arith.constant 0 : i32
      %dma_start3A_395 = tpu.memref_slice %arg4[%add3A_254, %dma_start3A_394] : memref<131072x128xf32, #tpu.memory_space<hbm>> -> memref<128x128xf32, #tpu.memory_space<hbm>>
      %dma_start3A_396 = arith.constant 0 : i32
      %dma_start3A_397 = tpu.memref_slice %arg4[%add3A_254, %dma_start3A_396] : memref<131072x128xf32, #tpu.memory_space<hbm>> -> memref<128x128xf32, #tpu.memory_space<hbm>>
      tpu.enqueue_dma source(%arg8 : memref<128x128xf32, #tpu.memory_space<vmem>>) target(%dma_start3A_397 : memref<128x128xf32, #tpu.memory_space<hbm>>) target_semaphore(%run_scoped3A : memref<!tpu.dma_semaphore, #tpu.memory_space<semaphore_mem>>)
      %dma_wait3A_398 = arith.constant 0 : i32
      %dma_wait3A_399 = tpu.memref_slice %arg4[%add3A_254, %dma_wait3A_398] : memref<131072x128xf32, #tpu.memory_space<hbm>> -> memref<128x128xf32, #tpu.memory_space<hbm>>
      %dma_wait3A_400 = arith.constant 0 : i32
      %dma_wait3A_401 = tpu.memref_slice %arg4[%add3A_254, %dma_wait3A_400] : memref<131072x128xf32, #tpu.memory_space<hbm>> -> memref<128x128xf32, #tpu.memory_space<hbm>>
      tpu.wait_dma2 semaphore(%run_scoped3A : memref<!tpu.dma_semaphore, #tpu.memory_space<semaphore_mem>>) src(%arg8 : memref<128x128xf32, #tpu.memory_space<vmem>>) dst(%dma_wait3A_401 : memref<128x128xf32, #tpu.memory_space<hbm>>)
      tpu.yield
    }) : () -> ()
    %dma_start3A_255 = arith.constant 2688 : i32
    %dma_start3A_256 = tpu.memref_slice %arg6[%dma_start3A_255] : memref<4096xi32, #tpu.memory_space<vmem>> -> memref<128xi32, #tpu.memory_space<vmem>>
    %dma_start3A_257 = arith.constant 0 : i32
    %dma_start3A_258 = arith.constant 0 : i32
    %dma_start3A_259 = tpu.memref_slice %arg3[%dma_start3A_257, %dma_start3A_258] : memref<262144x128xf32, #tpu.memory_space<hbm>> -> memref<262144x128xf32, #tpu.memory_space<hbm>>
    tpu.enqueue_indirect_dma source(%dma_start3A_259 : memref<262144x128xf32, #tpu.memory_space<hbm>>) target(%arg8 : memref<128x128xf32, #tpu.memory_space<vmem>>) offsets(%dma_start3A_256 : memref<128xi32, #tpu.memory_space<vmem>>) semaphore(%arg10 : memref<!tpu.dma_semaphore, #tpu.memory_space<semaphore_mem>>)
    %dma_wait3A_260 = arith.constant 2560 : i32
    %dma_wait3A_261 = tpu.memref_slice %arg6[%dma_wait3A_260] : memref<4096xi32, #tpu.memory_space<vmem>> -> memref<128xi32, #tpu.memory_space<vmem>>
    %dma_wait3A_262 = arith.constant 0 : i32
    %dma_wait3A_263 = arith.constant 0 : i32
    %dma_wait3A_264 = tpu.memref_slice %arg3[%dma_wait3A_262, %dma_wait3A_263] : memref<262144x128xf32, #tpu.memory_space<hbm>> -> memref<262144x128xf32, #tpu.memory_space<hbm>>
    tpu.wait_indirect_dma semaphore(%arg9 : memref<!tpu.dma_semaphore, #tpu.memory_space<semaphore_mem>>) src(%dma_wait3A_264 : memref<262144x128xf32, #tpu.memory_space<hbm>>) dst(%arg7 : memref<128x128xf32, #tpu.memory_space<vmem>>)
    %add3A_265 = arith.constant 2560 : i32
    %add3A_266 = arith.addi %mul3A_11, %add3A_265 : i32
    "tpu.region"() ({
      %run_scoped3A = tpu.sem_alloc : memref<!tpu.dma_semaphore, #tpu.memory_space<semaphore_mem>>
      %dma_start3A_394 = arith.constant 0 : i32
      %dma_start3A_395 = tpu.memref_slice %arg4[%add3A_266, %dma_start3A_394] : memref<131072x128xf32, #tpu.memory_space<hbm>> -> memref<128x128xf32, #tpu.memory_space<hbm>>
      %dma_start3A_396 = arith.constant 0 : i32
      %dma_start3A_397 = tpu.memref_slice %arg4[%add3A_266, %dma_start3A_396] : memref<131072x128xf32, #tpu.memory_space<hbm>> -> memref<128x128xf32, #tpu.memory_space<hbm>>
      tpu.enqueue_dma source(%arg7 : memref<128x128xf32, #tpu.memory_space<vmem>>) target(%dma_start3A_397 : memref<128x128xf32, #tpu.memory_space<hbm>>) target_semaphore(%run_scoped3A : memref<!tpu.dma_semaphore, #tpu.memory_space<semaphore_mem>>)
      %dma_wait3A_398 = arith.constant 0 : i32
      %dma_wait3A_399 = tpu.memref_slice %arg4[%add3A_266, %dma_wait3A_398] : memref<131072x128xf32, #tpu.memory_space<hbm>> -> memref<128x128xf32, #tpu.memory_space<hbm>>
      %dma_wait3A_400 = arith.constant 0 : i32
      %dma_wait3A_401 = tpu.memref_slice %arg4[%add3A_266, %dma_wait3A_400] : memref<131072x128xf32, #tpu.memory_space<hbm>> -> memref<128x128xf32, #tpu.memory_space<hbm>>
      tpu.wait_dma2 semaphore(%run_scoped3A : memref<!tpu.dma_semaphore, #tpu.memory_space<semaphore_mem>>) src(%arg7 : memref<128x128xf32, #tpu.memory_space<vmem>>) dst(%dma_wait3A_401 : memref<128x128xf32, #tpu.memory_space<hbm>>)
      tpu.yield
    }) : () -> ()
    %dma_start3A_267 = arith.constant 2816 : i32
    %dma_start3A_268 = tpu.memref_slice %arg6[%dma_start3A_267] : memref<4096xi32, #tpu.memory_space<vmem>> -> memref<128xi32, #tpu.memory_space<vmem>>
    %dma_start3A_269 = arith.constant 0 : i32
    %dma_start3A_270 = arith.constant 0 : i32
    %dma_start3A_271 = tpu.memref_slice %arg3[%dma_start3A_269, %dma_start3A_270] : memref<262144x128xf32, #tpu.memory_space<hbm>> -> memref<262144x128xf32, #tpu.memory_space<hbm>>
    tpu.enqueue_indirect_dma source(%dma_start3A_271 : memref<262144x128xf32, #tpu.memory_space<hbm>>) target(%arg7 : memref<128x128xf32, #tpu.memory_space<vmem>>) offsets(%dma_start3A_268 : memref<128xi32, #tpu.memory_space<vmem>>) semaphore(%arg9 : memref<!tpu.dma_semaphore, #tpu.memory_space<semaphore_mem>>)
    %dma_wait3A_272 = arith.constant 2688 : i32
    %dma_wait3A_273 = tpu.memref_slice %arg6[%dma_wait3A_272] : memref<4096xi32, #tpu.memory_space<vmem>> -> memref<128xi32, #tpu.memory_space<vmem>>
    %dma_wait3A_274 = arith.constant 0 : i32
    %dma_wait3A_275 = arith.constant 0 : i32
    %dma_wait3A_276 = tpu.memref_slice %arg3[%dma_wait3A_274, %dma_wait3A_275] : memref<262144x128xf32, #tpu.memory_space<hbm>> -> memref<262144x128xf32, #tpu.memory_space<hbm>>
    tpu.wait_indirect_dma semaphore(%arg10 : memref<!tpu.dma_semaphore, #tpu.memory_space<semaphore_mem>>) src(%dma_wait3A_276 : memref<262144x128xf32, #tpu.memory_space<hbm>>) dst(%arg8 : memref<128x128xf32, #tpu.memory_space<vmem>>)
    %add3A_277 = arith.constant 2688 : i32
    %add3A_278 = arith.addi %mul3A_11, %add3A_277 : i32
    "tpu.region"() ({
      %run_scoped3A = tpu.sem_alloc : memref<!tpu.dma_semaphore, #tpu.memory_space<semaphore_mem>>
      %dma_start3A_394 = arith.constant 0 : i32
      %dma_start3A_395 = tpu.memref_slice %arg4[%add3A_278, %dma_start3A_394] : memref<131072x128xf32, #tpu.memory_space<hbm>> -> memref<128x128xf32, #tpu.memory_space<hbm>>
      %dma_start3A_396 = arith.constant 0 : i32
      %dma_start3A_397 = tpu.memref_slice %arg4[%add3A_278, %dma_start3A_396] : memref<131072x128xf32, #tpu.memory_space<hbm>> -> memref<128x128xf32, #tpu.memory_space<hbm>>
      tpu.enqueue_dma source(%arg8 : memref<128x128xf32, #tpu.memory_space<vmem>>) target(%dma_start3A_397 : memref<128x128xf32, #tpu.memory_space<hbm>>) target_semaphore(%run_scoped3A : memref<!tpu.dma_semaphore, #tpu.memory_space<semaphore_mem>>)
      %dma_wait3A_398 = arith.constant 0 : i32
      %dma_wait3A_399 = tpu.memref_slice %arg4[%add3A_278, %dma_wait3A_398] : memref<131072x128xf32, #tpu.memory_space<hbm>> -> memref<128x128xf32, #tpu.memory_space<hbm>>
      %dma_wait3A_400 = arith.constant 0 : i32
      %dma_wait3A_401 = tpu.memref_slice %arg4[%add3A_278, %dma_wait3A_400] : memref<131072x128xf32, #tpu.memory_space<hbm>> -> memref<128x128xf32, #tpu.memory_space<hbm>>
      tpu.wait_dma2 semaphore(%run_scoped3A : memref<!tpu.dma_semaphore, #tpu.memory_space<semaphore_mem>>) src(%arg8 : memref<128x128xf32, #tpu.memory_space<vmem>>) dst(%dma_wait3A_401 : memref<128x128xf32, #tpu.memory_space<hbm>>)
      tpu.yield
    }) : () -> ()
    %dma_start3A_279 = arith.constant 2944 : i32
    %dma_start3A_280 = tpu.memref_slice %arg6[%dma_start3A_279] : memref<4096xi32, #tpu.memory_space<vmem>> -> memref<128xi32, #tpu.memory_space<vmem>>
    %dma_start3A_281 = arith.constant 0 : i32
    %dma_start3A_282 = arith.constant 0 : i32
    %dma_start3A_283 = tpu.memref_slice %arg3[%dma_start3A_281, %dma_start3A_282] : memref<262144x128xf32, #tpu.memory_space<hbm>> -> memref<262144x128xf32, #tpu.memory_space<hbm>>
    tpu.enqueue_indirect_dma source(%dma_start3A_283 : memref<262144x128xf32, #tpu.memory_space<hbm>>) target(%arg8 : memref<128x128xf32, #tpu.memory_space<vmem>>) offsets(%dma_start3A_280 : memref<128xi32, #tpu.memory_space<vmem>>) semaphore(%arg10 : memref<!tpu.dma_semaphore, #tpu.memory_space<semaphore_mem>>)
    %dma_wait3A_284 = arith.constant 2816 : i32
    %dma_wait3A_285 = tpu.memref_slice %arg6[%dma_wait3A_284] : memref<4096xi32, #tpu.memory_space<vmem>> -> memref<128xi32, #tpu.memory_space<vmem>>
    %dma_wait3A_286 = arith.constant 0 : i32
    %dma_wait3A_287 = arith.constant 0 : i32
    %dma_wait3A_288 = tpu.memref_slice %arg3[%dma_wait3A_286, %dma_wait3A_287] : memref<262144x128xf32, #tpu.memory_space<hbm>> -> memref<262144x128xf32, #tpu.memory_space<hbm>>
    tpu.wait_indirect_dma semaphore(%arg9 : memref<!tpu.dma_semaphore, #tpu.memory_space<semaphore_mem>>) src(%dma_wait3A_288 : memref<262144x128xf32, #tpu.memory_space<hbm>>) dst(%arg7 : memref<128x128xf32, #tpu.memory_space<vmem>>)
    %add3A_289 = arith.constant 2816 : i32
    %add3A_290 = arith.addi %mul3A_11, %add3A_289 : i32
    "tpu.region"() ({
      %run_scoped3A = tpu.sem_alloc : memref<!tpu.dma_semaphore, #tpu.memory_space<semaphore_mem>>
      %dma_start3A_394 = arith.constant 0 : i32
      %dma_start3A_395 = tpu.memref_slice %arg4[%add3A_290, %dma_start3A_394] : memref<131072x128xf32, #tpu.memory_space<hbm>> -> memref<128x128xf32, #tpu.memory_space<hbm>>
      %dma_start3A_396 = arith.constant 0 : i32
      %dma_start3A_397 = tpu.memref_slice %arg4[%add3A_290, %dma_start3A_396] : memref<131072x128xf32, #tpu.memory_space<hbm>> -> memref<128x128xf32, #tpu.memory_space<hbm>>
      tpu.enqueue_dma source(%arg7 : memref<128x128xf32, #tpu.memory_space<vmem>>) target(%dma_start3A_397 : memref<128x128xf32, #tpu.memory_space<hbm>>) target_semaphore(%run_scoped3A : memref<!tpu.dma_semaphore, #tpu.memory_space<semaphore_mem>>)
      %dma_wait3A_398 = arith.constant 0 : i32
      %dma_wait3A_399 = tpu.memref_slice %arg4[%add3A_290, %dma_wait3A_398] : memref<131072x128xf32, #tpu.memory_space<hbm>> -> memref<128x128xf32, #tpu.memory_space<hbm>>
      %dma_wait3A_400 = arith.constant 0 : i32
      %dma_wait3A_401 = tpu.memref_slice %arg4[%add3A_290, %dma_wait3A_400] : memref<131072x128xf32, #tpu.memory_space<hbm>> -> memref<128x128xf32, #tpu.memory_space<hbm>>
      tpu.wait_dma2 semaphore(%run_scoped3A : memref<!tpu.dma_semaphore, #tpu.memory_space<semaphore_mem>>) src(%arg7 : memref<128x128xf32, #tpu.memory_space<vmem>>) dst(%dma_wait3A_401 : memref<128x128xf32, #tpu.memory_space<hbm>>)
      tpu.yield
    }) : () -> ()
    %dma_start3A_291 = arith.constant 3072 : i32
    %dma_start3A_292 = tpu.memref_slice %arg6[%dma_start3A_291] : memref<4096xi32, #tpu.memory_space<vmem>> -> memref<128xi32, #tpu.memory_space<vmem>>
    %dma_start3A_293 = arith.constant 0 : i32
    %dma_start3A_294 = arith.constant 0 : i32
    %dma_start3A_295 = tpu.memref_slice %arg3[%dma_start3A_293, %dma_start3A_294] : memref<262144x128xf32, #tpu.memory_space<hbm>> -> memref<262144x128xf32, #tpu.memory_space<hbm>>
    tpu.enqueue_indirect_dma source(%dma_start3A_295 : memref<262144x128xf32, #tpu.memory_space<hbm>>) target(%arg7 : memref<128x128xf32, #tpu.memory_space<vmem>>) offsets(%dma_start3A_292 : memref<128xi32, #tpu.memory_space<vmem>>) semaphore(%arg9 : memref<!tpu.dma_semaphore, #tpu.memory_space<semaphore_mem>>)
    %dma_wait3A_296 = arith.constant 2944 : i32
    %dma_wait3A_297 = tpu.memref_slice %arg6[%dma_wait3A_296] : memref<4096xi32, #tpu.memory_space<vmem>> -> memref<128xi32, #tpu.memory_space<vmem>>
    %dma_wait3A_298 = arith.constant 0 : i32
    %dma_wait3A_299 = arith.constant 0 : i32
    %dma_wait3A_300 = tpu.memref_slice %arg3[%dma_wait3A_298, %dma_wait3A_299] : memref<262144x128xf32, #tpu.memory_space<hbm>> -> memref<262144x128xf32, #tpu.memory_space<hbm>>
    tpu.wait_indirect_dma semaphore(%arg10 : memref<!tpu.dma_semaphore, #tpu.memory_space<semaphore_mem>>) src(%dma_wait3A_300 : memref<262144x128xf32, #tpu.memory_space<hbm>>) dst(%arg8 : memref<128x128xf32, #tpu.memory_space<vmem>>)
    %add3A_301 = arith.constant 2944 : i32
    %add3A_302 = arith.addi %mul3A_11, %add3A_301 : i32
    "tpu.region"() ({
      %run_scoped3A = tpu.sem_alloc : memref<!tpu.dma_semaphore, #tpu.memory_space<semaphore_mem>>
      %dma_start3A_394 = arith.constant 0 : i32
      %dma_start3A_395 = tpu.memref_slice %arg4[%add3A_302, %dma_start3A_394] : memref<131072x128xf32, #tpu.memory_space<hbm>> -> memref<128x128xf32, #tpu.memory_space<hbm>>
      %dma_start3A_396 = arith.constant 0 : i32
      %dma_start3A_397 = tpu.memref_slice %arg4[%add3A_302, %dma_start3A_396] : memref<131072x128xf32, #tpu.memory_space<hbm>> -> memref<128x128xf32, #tpu.memory_space<hbm>>
      tpu.enqueue_dma source(%arg8 : memref<128x128xf32, #tpu.memory_space<vmem>>) target(%dma_start3A_397 : memref<128x128xf32, #tpu.memory_space<hbm>>) target_semaphore(%run_scoped3A : memref<!tpu.dma_semaphore, #tpu.memory_space<semaphore_mem>>)
      %dma_wait3A_398 = arith.constant 0 : i32
      %dma_wait3A_399 = tpu.memref_slice %arg4[%add3A_302, %dma_wait3A_398] : memref<131072x128xf32, #tpu.memory_space<hbm>> -> memref<128x128xf32, #tpu.memory_space<hbm>>
      %dma_wait3A_400 = arith.constant 0 : i32
      %dma_wait3A_401 = tpu.memref_slice %arg4[%add3A_302, %dma_wait3A_400] : memref<131072x128xf32, #tpu.memory_space<hbm>> -> memref<128x128xf32, #tpu.memory_space<hbm>>
      tpu.wait_dma2 semaphore(%run_scoped3A : memref<!tpu.dma_semaphore, #tpu.memory_space<semaphore_mem>>) src(%arg8 : memref<128x128xf32, #tpu.memory_space<vmem>>) dst(%dma_wait3A_401 : memref<128x128xf32, #tpu.memory_space<hbm>>)
      tpu.yield
    }) : () -> ()
    %dma_start3A_303 = arith.constant 3200 : i32
    %dma_start3A_304 = tpu.memref_slice %arg6[%dma_start3A_303] : memref<4096xi32, #tpu.memory_space<vmem>> -> memref<128xi32, #tpu.memory_space<vmem>>
    %dma_start3A_305 = arith.constant 0 : i32
    %dma_start3A_306 = arith.constant 0 : i32
    %dma_start3A_307 = tpu.memref_slice %arg3[%dma_start3A_305, %dma_start3A_306] : memref<262144x128xf32, #tpu.memory_space<hbm>> -> memref<262144x128xf32, #tpu.memory_space<hbm>>
    tpu.enqueue_indirect_dma source(%dma_start3A_307 : memref<262144x128xf32, #tpu.memory_space<hbm>>) target(%arg8 : memref<128x128xf32, #tpu.memory_space<vmem>>) offsets(%dma_start3A_304 : memref<128xi32, #tpu.memory_space<vmem>>) semaphore(%arg10 : memref<!tpu.dma_semaphore, #tpu.memory_space<semaphore_mem>>)
    %dma_wait3A_308 = arith.constant 3072 : i32
    %dma_wait3A_309 = tpu.memref_slice %arg6[%dma_wait3A_308] : memref<4096xi32, #tpu.memory_space<vmem>> -> memref<128xi32, #tpu.memory_space<vmem>>
    %dma_wait3A_310 = arith.constant 0 : i32
    %dma_wait3A_311 = arith.constant 0 : i32
    %dma_wait3A_312 = tpu.memref_slice %arg3[%dma_wait3A_310, %dma_wait3A_311] : memref<262144x128xf32, #tpu.memory_space<hbm>> -> memref<262144x128xf32, #tpu.memory_space<hbm>>
    tpu.wait_indirect_dma semaphore(%arg9 : memref<!tpu.dma_semaphore, #tpu.memory_space<semaphore_mem>>) src(%dma_wait3A_312 : memref<262144x128xf32, #tpu.memory_space<hbm>>) dst(%arg7 : memref<128x128xf32, #tpu.memory_space<vmem>>)
    %add3A_313 = arith.constant 3072 : i32
    %add3A_314 = arith.addi %mul3A_11, %add3A_313 : i32
    "tpu.region"() ({
      %run_scoped3A = tpu.sem_alloc : memref<!tpu.dma_semaphore, #tpu.memory_space<semaphore_mem>>
      %dma_start3A_394 = arith.constant 0 : i32
      %dma_start3A_395 = tpu.memref_slice %arg4[%add3A_314, %dma_start3A_394] : memref<131072x128xf32, #tpu.memory_space<hbm>> -> memref<128x128xf32, #tpu.memory_space<hbm>>
      %dma_start3A_396 = arith.constant 0 : i32
      %dma_start3A_397 = tpu.memref_slice %arg4[%add3A_314, %dma_start3A_396] : memref<131072x128xf32, #tpu.memory_space<hbm>> -> memref<128x128xf32, #tpu.memory_space<hbm>>
      tpu.enqueue_dma source(%arg7 : memref<128x128xf32, #tpu.memory_space<vmem>>) target(%dma_start3A_397 : memref<128x128xf32, #tpu.memory_space<hbm>>) target_semaphore(%run_scoped3A : memref<!tpu.dma_semaphore, #tpu.memory_space<semaphore_mem>>)
      %dma_wait3A_398 = arith.constant 0 : i32
      %dma_wait3A_399 = tpu.memref_slice %arg4[%add3A_314, %dma_wait3A_398] : memref<131072x128xf32, #tpu.memory_space<hbm>> -> memref<128x128xf32, #tpu.memory_space<hbm>>
      %dma_wait3A_400 = arith.constant 0 : i32
      %dma_wait3A_401 = tpu.memref_slice %arg4[%add3A_314, %dma_wait3A_400] : memref<131072x128xf32, #tpu.memory_space<hbm>> -> memref<128x128xf32, #tpu.memory_space<hbm>>
      tpu.wait_dma2 semaphore(%run_scoped3A : memref<!tpu.dma_semaphore, #tpu.memory_space<semaphore_mem>>) src(%arg7 : memref<128x128xf32, #tpu.memory_space<vmem>>) dst(%dma_wait3A_401 : memref<128x128xf32, #tpu.memory_space<hbm>>)
      tpu.yield
    }) : () -> ()
    %dma_start3A_315 = arith.constant 3328 : i32
    %dma_start3A_316 = tpu.memref_slice %arg6[%dma_start3A_315] : memref<4096xi32, #tpu.memory_space<vmem>> -> memref<128xi32, #tpu.memory_space<vmem>>
    %dma_start3A_317 = arith.constant 0 : i32
    %dma_start3A_318 = arith.constant 0 : i32
    %dma_start3A_319 = tpu.memref_slice %arg3[%dma_start3A_317, %dma_start3A_318] : memref<262144x128xf32, #tpu.memory_space<hbm>> -> memref<262144x128xf32, #tpu.memory_space<hbm>>
    tpu.enqueue_indirect_dma source(%dma_start3A_319 : memref<262144x128xf32, #tpu.memory_space<hbm>>) target(%arg7 : memref<128x128xf32, #tpu.memory_space<vmem>>) offsets(%dma_start3A_316 : memref<128xi32, #tpu.memory_space<vmem>>) semaphore(%arg9 : memref<!tpu.dma_semaphore, #tpu.memory_space<semaphore_mem>>)
    %dma_wait3A_320 = arith.constant 3200 : i32
    %dma_wait3A_321 = tpu.memref_slice %arg6[%dma_wait3A_320] : memref<4096xi32, #tpu.memory_space<vmem>> -> memref<128xi32, #tpu.memory_space<vmem>>
    %dma_wait3A_322 = arith.constant 0 : i32
    %dma_wait3A_323 = arith.constant 0 : i32
    %dma_wait3A_324 = tpu.memref_slice %arg3[%dma_wait3A_322, %dma_wait3A_323] : memref<262144x128xf32, #tpu.memory_space<hbm>> -> memref<262144x128xf32, #tpu.memory_space<hbm>>
    tpu.wait_indirect_dma semaphore(%arg10 : memref<!tpu.dma_semaphore, #tpu.memory_space<semaphore_mem>>) src(%dma_wait3A_324 : memref<262144x128xf32, #tpu.memory_space<hbm>>) dst(%arg8 : memref<128x128xf32, #tpu.memory_space<vmem>>)
    %add3A_325 = arith.constant 3200 : i32
    %add3A_326 = arith.addi %mul3A_11, %add3A_325 : i32
    "tpu.region"() ({
      %run_scoped3A = tpu.sem_alloc : memref<!tpu.dma_semaphore, #tpu.memory_space<semaphore_mem>>
      %dma_start3A_394 = arith.constant 0 : i32
      %dma_start3A_395 = tpu.memref_slice %arg4[%add3A_326, %dma_start3A_394] : memref<131072x128xf32, #tpu.memory_space<hbm>> -> memref<128x128xf32, #tpu.memory_space<hbm>>
      %dma_start3A_396 = arith.constant 0 : i32
      %dma_start3A_397 = tpu.memref_slice %arg4[%add3A_326, %dma_start3A_396] : memref<131072x128xf32, #tpu.memory_space<hbm>> -> memref<128x128xf32, #tpu.memory_space<hbm>>
      tpu.enqueue_dma source(%arg8 : memref<128x128xf32, #tpu.memory_space<vmem>>) target(%dma_start3A_397 : memref<128x128xf32, #tpu.memory_space<hbm>>) target_semaphore(%run_scoped3A : memref<!tpu.dma_semaphore, #tpu.memory_space<semaphore_mem>>)
      %dma_wait3A_398 = arith.constant 0 : i32
      %dma_wait3A_399 = tpu.memref_slice %arg4[%add3A_326, %dma_wait3A_398] : memref<131072x128xf32, #tpu.memory_space<hbm>> -> memref<128x128xf32, #tpu.memory_space<hbm>>
      %dma_wait3A_400 = arith.constant 0 : i32
      %dma_wait3A_401 = tpu.memref_slice %arg4[%add3A_326, %dma_wait3A_400] : memref<131072x128xf32, #tpu.memory_space<hbm>> -> memref<128x128xf32, #tpu.memory_space<hbm>>
      tpu.wait_dma2 semaphore(%run_scoped3A : memref<!tpu.dma_semaphore, #tpu.memory_space<semaphore_mem>>) src(%arg8 : memref<128x128xf32, #tpu.memory_space<vmem>>) dst(%dma_wait3A_401 : memref<128x128xf32, #tpu.memory_space<hbm>>)
      tpu.yield
    }) : () -> ()
    %dma_start3A_327 = arith.constant 3456 : i32
    %dma_start3A_328 = tpu.memref_slice %arg6[%dma_start3A_327] : memref<4096xi32, #tpu.memory_space<vmem>> -> memref<128xi32, #tpu.memory_space<vmem>>
    %dma_start3A_329 = arith.constant 0 : i32
    %dma_start3A_330 = arith.constant 0 : i32
    %dma_start3A_331 = tpu.memref_slice %arg3[%dma_start3A_329, %dma_start3A_330] : memref<262144x128xf32, #tpu.memory_space<hbm>> -> memref<262144x128xf32, #tpu.memory_space<hbm>>
    tpu.enqueue_indirect_dma source(%dma_start3A_331 : memref<262144x128xf32, #tpu.memory_space<hbm>>) target(%arg8 : memref<128x128xf32, #tpu.memory_space<vmem>>) offsets(%dma_start3A_328 : memref<128xi32, #tpu.memory_space<vmem>>) semaphore(%arg10 : memref<!tpu.dma_semaphore, #tpu.memory_space<semaphore_mem>>)
    %dma_wait3A_332 = arith.constant 3328 : i32
    %dma_wait3A_333 = tpu.memref_slice %arg6[%dma_wait3A_332] : memref<4096xi32, #tpu.memory_space<vmem>> -> memref<128xi32, #tpu.memory_space<vmem>>
    %dma_wait3A_334 = arith.constant 0 : i32
    %dma_wait3A_335 = arith.constant 0 : i32
    %dma_wait3A_336 = tpu.memref_slice %arg3[%dma_wait3A_334, %dma_wait3A_335] : memref<262144x128xf32, #tpu.memory_space<hbm>> -> memref<262144x128xf32, #tpu.memory_space<hbm>>
    tpu.wait_indirect_dma semaphore(%arg9 : memref<!tpu.dma_semaphore, #tpu.memory_space<semaphore_mem>>) src(%dma_wait3A_336 : memref<262144x128xf32, #tpu.memory_space<hbm>>) dst(%arg7 : memref<128x128xf32, #tpu.memory_space<vmem>>)
    %add3A_337 = arith.constant 3328 : i32
    %add3A_338 = arith.addi %mul3A_11, %add3A_337 : i32
    "tpu.region"() ({
      %run_scoped3A = tpu.sem_alloc : memref<!tpu.dma_semaphore, #tpu.memory_space<semaphore_mem>>
      %dma_start3A_394 = arith.constant 0 : i32
      %dma_start3A_395 = tpu.memref_slice %arg4[%add3A_338, %dma_start3A_394] : memref<131072x128xf32, #tpu.memory_space<hbm>> -> memref<128x128xf32, #tpu.memory_space<hbm>>
      %dma_start3A_396 = arith.constant 0 : i32
      %dma_start3A_397 = tpu.memref_slice %arg4[%add3A_338, %dma_start3A_396] : memref<131072x128xf32, #tpu.memory_space<hbm>> -> memref<128x128xf32, #tpu.memory_space<hbm>>
      tpu.enqueue_dma source(%arg7 : memref<128x128xf32, #tpu.memory_space<vmem>>) target(%dma_start3A_397 : memref<128x128xf32, #tpu.memory_space<hbm>>) target_semaphore(%run_scoped3A : memref<!tpu.dma_semaphore, #tpu.memory_space<semaphore_mem>>)
      %dma_wait3A_398 = arith.constant 0 : i32
      %dma_wait3A_399 = tpu.memref_slice %arg4[%add3A_338, %dma_wait3A_398] : memref<131072x128xf32, #tpu.memory_space<hbm>> -> memref<128x128xf32, #tpu.memory_space<hbm>>
      %dma_wait3A_400 = arith.constant 0 : i32
      %dma_wait3A_401 = tpu.memref_slice %arg4[%add3A_338, %dma_wait3A_400] : memref<131072x128xf32, #tpu.memory_space<hbm>> -> memref<128x128xf32, #tpu.memory_space<hbm>>
      tpu.wait_dma2 semaphore(%run_scoped3A : memref<!tpu.dma_semaphore, #tpu.memory_space<semaphore_mem>>) src(%arg7 : memref<128x128xf32, #tpu.memory_space<vmem>>) dst(%dma_wait3A_401 : memref<128x128xf32, #tpu.memory_space<hbm>>)
      tpu.yield
    }) : () -> ()
    %dma_start3A_339 = arith.constant 3584 : i32
    %dma_start3A_340 = tpu.memref_slice %arg6[%dma_start3A_339] : memref<4096xi32, #tpu.memory_space<vmem>> -> memref<128xi32, #tpu.memory_space<vmem>>
    %dma_start3A_341 = arith.constant 0 : i32
    %dma_start3A_342 = arith.constant 0 : i32
    %dma_start3A_343 = tpu.memref_slice %arg3[%dma_start3A_341, %dma_start3A_342] : memref<262144x128xf32, #tpu.memory_space<hbm>> -> memref<262144x128xf32, #tpu.memory_space<hbm>>
    tpu.enqueue_indirect_dma source(%dma_start3A_343 : memref<262144x128xf32, #tpu.memory_space<hbm>>) target(%arg7 : memref<128x128xf32, #tpu.memory_space<vmem>>) offsets(%dma_start3A_340 : memref<128xi32, #tpu.memory_space<vmem>>) semaphore(%arg9 : memref<!tpu.dma_semaphore, #tpu.memory_space<semaphore_mem>>)
    %dma_wait3A_344 = arith.constant 3456 : i32
    %dma_wait3A_345 = tpu.memref_slice %arg6[%dma_wait3A_344] : memref<4096xi32, #tpu.memory_space<vmem>> -> memref<128xi32, #tpu.memory_space<vmem>>
    %dma_wait3A_346 = arith.constant 0 : i32
    %dma_wait3A_347 = arith.constant 0 : i32
    %dma_wait3A_348 = tpu.memref_slice %arg3[%dma_wait3A_346, %dma_wait3A_347] : memref<262144x128xf32, #tpu.memory_space<hbm>> -> memref<262144x128xf32, #tpu.memory_space<hbm>>
    tpu.wait_indirect_dma semaphore(%arg10 : memref<!tpu.dma_semaphore, #tpu.memory_space<semaphore_mem>>) src(%dma_wait3A_348 : memref<262144x128xf32, #tpu.memory_space<hbm>>) dst(%arg8 : memref<128x128xf32, #tpu.memory_space<vmem>>)
    %add3A_349 = arith.constant 3456 : i32
    %add3A_350 = arith.addi %mul3A_11, %add3A_349 : i32
    "tpu.region"() ({
      %run_scoped3A = tpu.sem_alloc : memref<!tpu.dma_semaphore, #tpu.memory_space<semaphore_mem>>
      %dma_start3A_394 = arith.constant 0 : i32
      %dma_start3A_395 = tpu.memref_slice %arg4[%add3A_350, %dma_start3A_394] : memref<131072x128xf32, #tpu.memory_space<hbm>> -> memref<128x128xf32, #tpu.memory_space<hbm>>
      %dma_start3A_396 = arith.constant 0 : i32
      %dma_start3A_397 = tpu.memref_slice %arg4[%add3A_350, %dma_start3A_396] : memref<131072x128xf32, #tpu.memory_space<hbm>> -> memref<128x128xf32, #tpu.memory_space<hbm>>
      tpu.enqueue_dma source(%arg8 : memref<128x128xf32, #tpu.memory_space<vmem>>) target(%dma_start3A_397 : memref<128x128xf32, #tpu.memory_space<hbm>>) target_semaphore(%run_scoped3A : memref<!tpu.dma_semaphore, #tpu.memory_space<semaphore_mem>>)
      %dma_wait3A_398 = arith.constant 0 : i32
      %dma_wait3A_399 = tpu.memref_slice %arg4[%add3A_350, %dma_wait3A_398] : memref<131072x128xf32, #tpu.memory_space<hbm>> -> memref<128x128xf32, #tpu.memory_space<hbm>>
      %dma_wait3A_400 = arith.constant 0 : i32
      %dma_wait3A_401 = tpu.memref_slice %arg4[%add3A_350, %dma_wait3A_400] : memref<131072x128xf32, #tpu.memory_space<hbm>> -> memref<128x128xf32, #tpu.memory_space<hbm>>
      tpu.wait_dma2 semaphore(%run_scoped3A : memref<!tpu.dma_semaphore, #tpu.memory_space<semaphore_mem>>) src(%arg8 : memref<128x128xf32, #tpu.memory_space<vmem>>) dst(%dma_wait3A_401 : memref<128x128xf32, #tpu.memory_space<hbm>>)
      tpu.yield
    }) : () -> ()
    %dma_start3A_351 = arith.constant 3712 : i32
    %dma_start3A_352 = tpu.memref_slice %arg6[%dma_start3A_351] : memref<4096xi32, #tpu.memory_space<vmem>> -> memref<128xi32, #tpu.memory_space<vmem>>
    %dma_start3A_353 = arith.constant 0 : i32
    %dma_start3A_354 = arith.constant 0 : i32
    %dma_start3A_355 = tpu.memref_slice %arg3[%dma_start3A_353, %dma_start3A_354] : memref<262144x128xf32, #tpu.memory_space<hbm>> -> memref<262144x128xf32, #tpu.memory_space<hbm>>
    tpu.enqueue_indirect_dma source(%dma_start3A_355 : memref<262144x128xf32, #tpu.memory_space<hbm>>) target(%arg8 : memref<128x128xf32, #tpu.memory_space<vmem>>) offsets(%dma_start3A_352 : memref<128xi32, #tpu.memory_space<vmem>>) semaphore(%arg10 : memref<!tpu.dma_semaphore, #tpu.memory_space<semaphore_mem>>)
    %dma_wait3A_356 = arith.constant 3584 : i32
    %dma_wait3A_357 = tpu.memref_slice %arg6[%dma_wait3A_356] : memref<4096xi32, #tpu.memory_space<vmem>> -> memref<128xi32, #tpu.memory_space<vmem>>
    %dma_wait3A_358 = arith.constant 0 : i32
    %dma_wait3A_359 = arith.constant 0 : i32
    %dma_wait3A_360 = tpu.memref_slice %arg3[%dma_wait3A_358, %dma_wait3A_359] : memref<262144x128xf32, #tpu.memory_space<hbm>> -> memref<262144x128xf32, #tpu.memory_space<hbm>>
    tpu.wait_indirect_dma semaphore(%arg9 : memref<!tpu.dma_semaphore, #tpu.memory_space<semaphore_mem>>) src(%dma_wait3A_360 : memref<262144x128xf32, #tpu.memory_space<hbm>>) dst(%arg7 : memref<128x128xf32, #tpu.memory_space<vmem>>)
    %add3A_361 = arith.constant 3584 : i32
    %add3A_362 = arith.addi %mul3A_11, %add3A_361 : i32
    "tpu.region"() ({
      %run_scoped3A = tpu.sem_alloc : memref<!tpu.dma_semaphore, #tpu.memory_space<semaphore_mem>>
      %dma_start3A_394 = arith.constant 0 : i32
      %dma_start3A_395 = tpu.memref_slice %arg4[%add3A_362, %dma_start3A_394] : memref<131072x128xf32, #tpu.memory_space<hbm>> -> memref<128x128xf32, #tpu.memory_space<hbm>>
      %dma_start3A_396 = arith.constant 0 : i32
      %dma_start3A_397 = tpu.memref_slice %arg4[%add3A_362, %dma_start3A_396] : memref<131072x128xf32, #tpu.memory_space<hbm>> -> memref<128x128xf32, #tpu.memory_space<hbm>>
      tpu.enqueue_dma source(%arg7 : memref<128x128xf32, #tpu.memory_space<vmem>>) target(%dma_start3A_397 : memref<128x128xf32, #tpu.memory_space<hbm>>) target_semaphore(%run_scoped3A : memref<!tpu.dma_semaphore, #tpu.memory_space<semaphore_mem>>)
      %dma_wait3A_398 = arith.constant 0 : i32
      %dma_wait3A_399 = tpu.memref_slice %arg4[%add3A_362, %dma_wait3A_398] : memref<131072x128xf32, #tpu.memory_space<hbm>> -> memref<128x128xf32, #tpu.memory_space<hbm>>
      %dma_wait3A_400 = arith.constant 0 : i32
      %dma_wait3A_401 = tpu.memref_slice %arg4[%add3A_362, %dma_wait3A_400] : memref<131072x128xf32, #tpu.memory_space<hbm>> -> memref<128x128xf32, #tpu.memory_space<hbm>>
      tpu.wait_dma2 semaphore(%run_scoped3A : memref<!tpu.dma_semaphore, #tpu.memory_space<semaphore_mem>>) src(%arg7 : memref<128x128xf32, #tpu.memory_space<vmem>>) dst(%dma_wait3A_401 : memref<128x128xf32, #tpu.memory_space<hbm>>)
      tpu.yield
    }) : () -> ()
    %dma_start3A_363 = arith.constant 3840 : i32
    %dma_start3A_364 = tpu.memref_slice %arg6[%dma_start3A_363] : memref<4096xi32, #tpu.memory_space<vmem>> -> memref<128xi32, #tpu.memory_space<vmem>>
    %dma_start3A_365 = arith.constant 0 : i32
    %dma_start3A_366 = arith.constant 0 : i32
    %dma_start3A_367 = tpu.memref_slice %arg3[%dma_start3A_365, %dma_start3A_366] : memref<262144x128xf32, #tpu.memory_space<hbm>> -> memref<262144x128xf32, #tpu.memory_space<hbm>>
    tpu.enqueue_indirect_dma source(%dma_start3A_367 : memref<262144x128xf32, #tpu.memory_space<hbm>>) target(%arg7 : memref<128x128xf32, #tpu.memory_space<vmem>>) offsets(%dma_start3A_364 : memref<128xi32, #tpu.memory_space<vmem>>) semaphore(%arg9 : memref<!tpu.dma_semaphore, #tpu.memory_space<semaphore_mem>>)
    %dma_wait3A_368 = arith.constant 3712 : i32
    %dma_wait3A_369 = tpu.memref_slice %arg6[%dma_wait3A_368] : memref<4096xi32, #tpu.memory_space<vmem>> -> memref<128xi32, #tpu.memory_space<vmem>>
    %dma_wait3A_370 = arith.constant 0 : i32
    %dma_wait3A_371 = arith.constant 0 : i32
    %dma_wait3A_372 = tpu.memref_slice %arg3[%dma_wait3A_370, %dma_wait3A_371] : memref<262144x128xf32, #tpu.memory_space<hbm>> -> memref<262144x128xf32, #tpu.memory_space<hbm>>
    tpu.wait_indirect_dma semaphore(%arg10 : memref<!tpu.dma_semaphore, #tpu.memory_space<semaphore_mem>>) src(%dma_wait3A_372 : memref<262144x128xf32, #tpu.memory_space<hbm>>) dst(%arg8 : memref<128x128xf32, #tpu.memory_space<vmem>>)
    %add3A_373 = arith.constant 3712 : i32
    %add3A_374 = arith.addi %mul3A_11, %add3A_373 : i32
    "tpu.region"() ({
      %run_scoped3A = tpu.sem_alloc : memref<!tpu.dma_semaphore, #tpu.memory_space<semaphore_mem>>
      %dma_start3A_394 = arith.constant 0 : i32
      %dma_start3A_395 = tpu.memref_slice %arg4[%add3A_374, %dma_start3A_394] : memref<131072x128xf32, #tpu.memory_space<hbm>> -> memref<128x128xf32, #tpu.memory_space<hbm>>
      %dma_start3A_396 = arith.constant 0 : i32
      %dma_start3A_397 = tpu.memref_slice %arg4[%add3A_374, %dma_start3A_396] : memref<131072x128xf32, #tpu.memory_space<hbm>> -> memref<128x128xf32, #tpu.memory_space<hbm>>
      tpu.enqueue_dma source(%arg8 : memref<128x128xf32, #tpu.memory_space<vmem>>) target(%dma_start3A_397 : memref<128x128xf32, #tpu.memory_space<hbm>>) target_semaphore(%run_scoped3A : memref<!tpu.dma_semaphore, #tpu.memory_space<semaphore_mem>>)
      %dma_wait3A_398 = arith.constant 0 : i32
      %dma_wait3A_399 = tpu.memref_slice %arg4[%add3A_374, %dma_wait3A_398] : memref<131072x128xf32, #tpu.memory_space<hbm>> -> memref<128x128xf32, #tpu.memory_space<hbm>>
      %dma_wait3A_400 = arith.constant 0 : i32
      %dma_wait3A_401 = tpu.memref_slice %arg4[%add3A_374, %dma_wait3A_400] : memref<131072x128xf32, #tpu.memory_space<hbm>> -> memref<128x128xf32, #tpu.memory_space<hbm>>
      tpu.wait_dma2 semaphore(%run_scoped3A : memref<!tpu.dma_semaphore, #tpu.memory_space<semaphore_mem>>) src(%arg8 : memref<128x128xf32, #tpu.memory_space<vmem>>) dst(%dma_wait3A_401 : memref<128x128xf32, #tpu.memory_space<hbm>>)
      tpu.yield
    }) : () -> ()
    %dma_start3A_375 = arith.constant 3968 : i32
    %dma_start3A_376 = tpu.memref_slice %arg6[%dma_start3A_375] : memref<4096xi32, #tpu.memory_space<vmem>> -> memref<128xi32, #tpu.memory_space<vmem>>
    %dma_start3A_377 = arith.constant 0 : i32
    %dma_start3A_378 = arith.constant 0 : i32
    %dma_start3A_379 = tpu.memref_slice %arg3[%dma_start3A_377, %dma_start3A_378] : memref<262144x128xf32, #tpu.memory_space<hbm>> -> memref<262144x128xf32, #tpu.memory_space<hbm>>
    tpu.enqueue_indirect_dma source(%dma_start3A_379 : memref<262144x128xf32, #tpu.memory_space<hbm>>) target(%arg8 : memref<128x128xf32, #tpu.memory_space<vmem>>) offsets(%dma_start3A_376 : memref<128xi32, #tpu.memory_space<vmem>>) semaphore(%arg10 : memref<!tpu.dma_semaphore, #tpu.memory_space<semaphore_mem>>)
    %dma_wait3A_380 = arith.constant 3840 : i32
    %dma_wait3A_381 = tpu.memref_slice %arg6[%dma_wait3A_380] : memref<4096xi32, #tpu.memory_space<vmem>> -> memref<128xi32, #tpu.memory_space<vmem>>
    %dma_wait3A_382 = arith.constant 0 : i32
    %dma_wait3A_383 = arith.constant 0 : i32
    %dma_wait3A_384 = tpu.memref_slice %arg3[%dma_wait3A_382, %dma_wait3A_383] : memref<262144x128xf32, #tpu.memory_space<hbm>> -> memref<262144x128xf32, #tpu.memory_space<hbm>>
    tpu.wait_indirect_dma semaphore(%arg9 : memref<!tpu.dma_semaphore, #tpu.memory_space<semaphore_mem>>) src(%dma_wait3A_384 : memref<262144x128xf32, #tpu.memory_space<hbm>>) dst(%arg7 : memref<128x128xf32, #tpu.memory_space<vmem>>)
    %add3A_385 = arith.constant 3840 : i32
    %add3A_386 = arith.addi %mul3A_11, %add3A_385 : i32
    "tpu.region"() ({
      %run_scoped3A = tpu.sem_alloc : memref<!tpu.dma_semaphore, #tpu.memory_space<semaphore_mem>>
      %dma_start3A_394 = arith.constant 0 : i32
      %dma_start3A_395 = tpu.memref_slice %arg4[%add3A_386, %dma_start3A_394] : memref<131072x128xf32, #tpu.memory_space<hbm>> -> memref<128x128xf32, #tpu.memory_space<hbm>>
      %dma_start3A_396 = arith.constant 0 : i32
      %dma_start3A_397 = tpu.memref_slice %arg4[%add3A_386, %dma_start3A_396] : memref<131072x128xf32, #tpu.memory_space<hbm>> -> memref<128x128xf32, #tpu.memory_space<hbm>>
      tpu.enqueue_dma source(%arg7 : memref<128x128xf32, #tpu.memory_space<vmem>>) target(%dma_start3A_397 : memref<128x128xf32, #tpu.memory_space<hbm>>) target_semaphore(%run_scoped3A : memref<!tpu.dma_semaphore, #tpu.memory_space<semaphore_mem>>)
      %dma_wait3A_398 = arith.constant 0 : i32
      %dma_wait3A_399 = tpu.memref_slice %arg4[%add3A_386, %dma_wait3A_398] : memref<131072x128xf32, #tpu.memory_space<hbm>> -> memref<128x128xf32, #tpu.memory_space<hbm>>
      %dma_wait3A_400 = arith.constant 0 : i32
      %dma_wait3A_401 = tpu.memref_slice %arg4[%add3A_386, %dma_wait3A_400] : memref<131072x128xf32, #tpu.memory_space<hbm>> -> memref<128x128xf32, #tpu.memory_space<hbm>>
      tpu.wait_dma2 semaphore(%run_scoped3A : memref<!tpu.dma_semaphore, #tpu.memory_space<semaphore_mem>>) src(%arg7 : memref<128x128xf32, #tpu.memory_space<vmem>>) dst(%dma_wait3A_401 : memref<128x128xf32, #tpu.memory_space<hbm>>)
      tpu.yield
    }) : () -> ()
    %dma_wait3A_387 = arith.constant 3968 : i32
    %dma_wait3A_388 = tpu.memref_slice %arg6[%dma_wait3A_387] : memref<4096xi32, #tpu.memory_space<vmem>> -> memref<128xi32, #tpu.memory_space<vmem>>
    %dma_wait3A_389 = arith.constant 0 : i32
    %dma_wait3A_390 = arith.constant 0 : i32
    %dma_wait3A_391 = tpu.memref_slice %arg3[%dma_wait3A_389, %dma_wait3A_390] : memref<262144x128xf32, #tpu.memory_space<hbm>> -> memref<262144x128xf32, #tpu.memory_space<hbm>>
    tpu.wait_indirect_dma semaphore(%arg10 : memref<!tpu.dma_semaphore, #tpu.memory_space<semaphore_mem>>) src(%dma_wait3A_391 : memref<262144x128xf32, #tpu.memory_space<hbm>>) dst(%arg8 : memref<128x128xf32, #tpu.memory_space<vmem>>)
    %add3A_392 = arith.constant 3968 : i32
    %add3A_393 = arith.addi %mul3A_11, %add3A_392 : i32
    "tpu.region"() ({
      %run_scoped3A = tpu.sem_alloc : memref<!tpu.dma_semaphore, #tpu.memory_space<semaphore_mem>>
      %dma_start3A_394 = arith.constant 0 : i32
      %dma_start3A_395 = tpu.memref_slice %arg4[%add3A_393, %dma_start3A_394] : memref<131072x128xf32, #tpu.memory_space<hbm>> -> memref<128x128xf32, #tpu.memory_space<hbm>>
      %dma_start3A_396 = arith.constant 0 : i32
      %dma_start3A_397 = tpu.memref_slice %arg4[%add3A_393, %dma_start3A_396] : memref<131072x128xf32, #tpu.memory_space<hbm>> -> memref<128x128xf32, #tpu.memory_space<hbm>>
      tpu.enqueue_dma source(%arg8 : memref<128x128xf32, #tpu.memory_space<vmem>>) target(%dma_start3A_397 : memref<128x128xf32, #tpu.memory_space<hbm>>) target_semaphore(%run_scoped3A : memref<!tpu.dma_semaphore, #tpu.memory_space<semaphore_mem>>)
      %dma_wait3A_398 = arith.constant 0 : i32
      %dma_wait3A_399 = tpu.memref_slice %arg4[%add3A_393, %dma_wait3A_398] : memref<131072x128xf32, #tpu.memory_space<hbm>> -> memref<128x128xf32, #tpu.memory_space<hbm>>
      %dma_wait3A_400 = arith.constant 0 : i32
      %dma_wait3A_401 = tpu.memref_slice %arg4[%add3A_393, %dma_wait3A_400] : memref<131072x128xf32, #tpu.memory_space<hbm>> -> memref<128x128xf32, #tpu.memory_space<hbm>>
      tpu.wait_dma2 semaphore(%run_scoped3A : memref<!tpu.dma_semaphore, #tpu.memory_space<semaphore_mem>>) src(%arg8 : memref<128x128xf32, #tpu.memory_space<vmem>>) dst(%dma_wait3A_401 : memref<128x128xf32, #tpu.memory_space<hbm>>)
      tpu.yield
    }) : () -> ()
    return
  }
}

module attributes {stable_mosaic.version = 14 : i64} {
  func.func @_rank_body(%arg0: i32, %arg1: memref<16384x1xf32, #tpu.memory_space<vmem>>, %arg2: memref<16x1024xf32, #tpu.memory_space<vmem>>, %arg3: memref<16384x1xi32, #tpu.memory_space<vmem>>) attributes {dimension_semantics = [#tpu.dimension_semantics<arbitrary>], iteration_bounds = array<i64: 1>, scalar_prefetch = 0 : i64, scratch_operands = 0 : i64, tpu.core_type = #tpu.core_type<tc>, window_params = [{pipeline_mode = #tpu.pipeline_mode<synchronous>, transform_indices = @transform_0, window_bounds = array<i64: 16384, 1>}, {pipeline_mode = #tpu.pipeline_mode<synchronous>, transform_indices = @transform_1, window_bounds = array<i64: 16, 1024>}, {pipeline_mode = #tpu.pipeline_mode<synchronous>, transform_indices = @transform_2, window_bounds = array<i64: 16384, 1>}]} {
    %broadcast_in_dim3A = arith.constant 0.000000e+00 : f32
    %broadcast_in_dim3A_0 = vector.broadcast %broadcast_in_dim3A : f32 to vector<1x1024xf32>
    %broadcast_in_dim3A_1 = arith.constant 0.000000e+00 : f32
    %broadcast_in_dim3A_2 = vector.broadcast %broadcast_in_dim3A_1 : f32 to vector<1x1024xf32>
    %broadcast_in_dim3A_3 = arith.constant 0.000000e+00 : f32
    %broadcast_in_dim3A_4 = vector.broadcast %broadcast_in_dim3A_3 : f32 to vector<1x1024xf32>
    %broadcast_in_dim3A_5 = arith.constant 0.000000e+00 : f32
    %broadcast_in_dim3A_6 = vector.broadcast %broadcast_in_dim3A_5 : f32 to vector<1x1024xf32>
    %broadcast_in_dim3A_7 = arith.constant 0.000000e+00 : f32
    %broadcast_in_dim3A_8 = vector.broadcast %broadcast_in_dim3A_7 : f32 to vector<1x1024xf32>
    %broadcast_in_dim3A_9 = arith.constant 0.000000e+00 : f32
    %broadcast_in_dim3A_10 = vector.broadcast %broadcast_in_dim3A_9 : f32 to vector<1x1024xf32>
    %broadcast_in_dim3A_11 = arith.constant 0.000000e+00 : f32
    %broadcast_in_dim3A_12 = vector.broadcast %broadcast_in_dim3A_11 : f32 to vector<1x1024xf32>
    %broadcast_in_dim3A_13 = arith.constant 0.000000e+00 : f32
    %broadcast_in_dim3A_14 = vector.broadcast %broadcast_in_dim3A_13 : f32 to vector<1x1024xf32>
    %broadcast_in_dim3A_15 = arith.constant 0.000000e+00 : f32
    %broadcast_in_dim3A_16 = vector.broadcast %broadcast_in_dim3A_15 : f32 to vector<1x1024xf32>
    %broadcast_in_dim3A_17 = arith.constant 0.000000e+00 : f32
    %broadcast_in_dim3A_18 = vector.broadcast %broadcast_in_dim3A_17 : f32 to vector<1x1024xf32>
    %broadcast_in_dim3A_19 = arith.constant 0.000000e+00 : f32
    %broadcast_in_dim3A_20 = vector.broadcast %broadcast_in_dim3A_19 : f32 to vector<1x1024xf32>
    %broadcast_in_dim3A_21 = arith.constant 0.000000e+00 : f32
    %broadcast_in_dim3A_22 = vector.broadcast %broadcast_in_dim3A_21 : f32 to vector<1x1024xf32>
    %broadcast_in_dim3A_23 = arith.constant 0.000000e+00 : f32
    %broadcast_in_dim3A_24 = vector.broadcast %broadcast_in_dim3A_23 : f32 to vector<1x1024xf32>
    %broadcast_in_dim3A_25 = arith.constant 0.000000e+00 : f32
    %broadcast_in_dim3A_26 = vector.broadcast %broadcast_in_dim3A_25 : f32 to vector<1x1024xf32>
    %broadcast_in_dim3A_27 = arith.constant 0.000000e+00 : f32
    %broadcast_in_dim3A_28 = vector.broadcast %broadcast_in_dim3A_27 : f32 to vector<1x1024xf32>
    %broadcast_in_dim3A_29 = arith.constant 0.000000e+00 : f32
    %broadcast_in_dim3A_30 = vector.broadcast %broadcast_in_dim3A_29 : f32 to vector<1x1024xf32>
    %get3A = arith.constant 0 : index
    %get3A_31 = arith.constant 0 : index
    %get3A_32 = vector.load %arg1[%get3A, %get3A_31] : memref<16384x1xf32, #tpu.memory_space<vmem>>, vector<1024x1xf32>
    %bitcast_convert_type3A = tpu.bitcast %get3A_32 : vector<1024x1xf32> -> vector<1024x1xi32>
    %add3A = arith.constant 1 : i32
    %add3A_33 = vector.broadcast %add3A : i32 to vector<1024x1xi32>
    %add3A_34 = arith.addi %bitcast_convert_type3A, %add3A_33 : vector<1024x1xi32>
    %bitcast_convert_type3A_35 = tpu.bitcast %add3A_34 : vector<1024x1xi32> -> vector<1024x1xf32>
    %get3A_36 = arith.constant 0 : index
    %get3A_37 = arith.constant 0 : index
    %get3A_38 = vector.load %arg2[%get3A_36, %get3A_37] : memref<16x1024xf32, #tpu.memory_space<vmem>>, vector<1x1024xf32>
    %iota3A = tpu.iota {dimensions = array<i32: 0>} : vector<1024x1xi32>
    %add3A_39 = arith.constant 0 : i32
    %add3A_40 = vector.broadcast %add3A_39 : i32 to vector<1024x1xi32>
    %add3A_41 = arith.addi %add3A_40, %iota3A : vector<1024x1xi32>
    %iota3A_42 = tpu.iota {dimensions = array<i32: 1>} : vector<1x1024xi32>
    %add3A_43 = arith.constant 0 : i32
    %add3A_44 = vector.broadcast %add3A_43 : i32 to vector<1x1024xi32>
    %add3A_45 = arith.addi %add3A_44, %iota3A_42 : vector<1x1024xi32>
    %ge3A = vector.broadcast %get3A_38 : vector<1x1024xf32> to vector<1024x1024xf32>
    %ge3A_46 = vector.broadcast %get3A_32 : vector<1024x1xf32> to vector<1024x1024xf32>
    %ge3A_47 = arith.cmpf oge, %ge3A, %ge3A_46 : vector<1024x1024xf32>
    %jit3A = arith.constant 1.000000e+00 : f32
    %jit3A_48 = arith.constant 0.000000e+00 : f32
    %broadcast_in_dim3A_49 = vector.broadcast %jit3A : f32 to vector<1024x1024xf32>
    %broadcast_in_dim3A_50 = vector.broadcast %jit3A_48 : f32 to vector<1024x1024xf32>
    %select_n3A = arith.select %ge3A_47, %broadcast_in_dim3A_49, %broadcast_in_dim3A_50 : vector<1024x1024xi1>, vector<1024x1024xf32>
    %ge3A_51 = vector.broadcast %get3A_38 : vector<1x1024xf32> to vector<1024x1024xf32>
    %ge3A_52 = vector.broadcast %bitcast_convert_type3A_35 : vector<1024x1xf32> to vector<1024x1024xf32>
    %ge3A_53 = arith.cmpf oge, %ge3A_51, %ge3A_52 : vector<1024x1024xf32>
    %jit3A_54 = arith.constant 1.000000e+00 : f32
    %jit3A_55 = arith.constant 0.000000e+00 : f32
    %broadcast_in_dim3A_56 = vector.broadcast %jit3A_54 : f32 to vector<1024x1024xf32>
    %broadcast_in_dim3A_57 = vector.broadcast %jit3A_55 : f32 to vector<1024x1024xf32>
    %select_n3A_58 = arith.select %ge3A_53, %broadcast_in_dim3A_56, %broadcast_in_dim3A_57 : vector<1024x1024xi1>, vector<1024x1024xf32>
    %lt3A = vector.broadcast %add3A_45 : vector<1x1024xi32> to vector<1024x1024xi32>
    %lt3A_59 = vector.broadcast %add3A_41 : vector<1024x1xi32> to vector<1024x1024xi32>
    %lt3A_60 = arith.cmpi slt, %lt3A, %lt3A_59 : vector<1024x1024xi32>
    %select_n3A_61 = arith.select %lt3A_60, %select_n3A, %select_n3A_58 : vector<1024x1024xi1>, vector<1024x1024xf32>
    %reduce_sum3A = arith.constant dense<0.000000e+00> : vector<1024xf32>
    %reduce_sum3A_62 = vector.multi_reduction <add>, %select_n3A_61, %reduce_sum3A [1] : vector<1024x1024xf32> to vector<1024xf32>
    %broadcast_in_dim3A_63 = vector.shape_cast %reduce_sum3A_62 : vector<1024xf32> to vector<1024x1xf32>
    %get3A_64 = arith.constant 1 : index
    %get3A_65 = arith.constant 0 : index
    %get3A_66 = vector.load %arg2[%get3A_64, %get3A_65] : memref<16x1024xf32, #tpu.memory_space<vmem>>, vector<1x1024xf32>
    %ge3A_67 = vector.broadcast %get3A_66 : vector<1x1024xf32> to vector<1024x1024xf32>
    %ge3A_68 = vector.broadcast %bitcast_convert_type3A_35 : vector<1024x1xf32> to vector<1024x1024xf32>
    %ge3A_69 = arith.cmpf oge, %ge3A_67, %ge3A_68 : vector<1024x1024xf32>
    %jit3A_70 = arith.constant 1.000000e+00 : f32
    %jit3A_71 = arith.constant 0.000000e+00 : f32
    %broadcast_in_dim3A_72 = vector.broadcast %jit3A_70 : f32 to vector<1024x1024xf32>
    %broadcast_in_dim3A_73 = vector.broadcast %jit3A_71 : f32 to vector<1024x1024xf32>
    %select_n3A_74 = arith.select %ge3A_69, %broadcast_in_dim3A_72, %broadcast_in_dim3A_73 : vector<1024x1024xi1>, vector<1024x1024xf32>
    %reduce_sum3A_75 = arith.constant dense<0.000000e+00> : vector<1024xf32>
    %reduce_sum3A_76 = vector.multi_reduction <add>, %select_n3A_74, %reduce_sum3A_75 [1] : vector<1024x1024xf32> to vector<1024xf32>
    %broadcast_in_dim3A_77 = vector.shape_cast %reduce_sum3A_76 : vector<1024xf32> to vector<1024x1xf32>
    %add3A_78 = arith.addf %broadcast_in_dim3A_63, %broadcast_in_dim3A_77 : vector<1024x1xf32>
    %reduce_sum3A_79 = arith.constant dense<0.000000e+00> : vector<1024xf32>
    %reduce_sum3A_80 = vector.multi_reduction <add>, %select_n3A_74, %reduce_sum3A_79 [0] : vector<1024x1024xf32> to vector<1024xf32>
    %broadcast_in_dim3A_81 = vector.shape_cast %reduce_sum3A_80 : vector<1024xf32> to vector<1x1024xf32>
    %add3A_82 = arith.addf %broadcast_in_dim3A_2, %broadcast_in_dim3A_81 : vector<1x1024xf32>
    %get3A_83 = arith.constant 2 : index
    %get3A_84 = arith.constant 0 : index
    %get3A_85 = vector.load %arg2[%get3A_83, %get3A_84] : memref<16x1024xf32, #tpu.memory_space<vmem>>, vector<1x1024xf32>
    %ge3A_86 = vector.broadcast %get3A_85 : vector<1x1024xf32> to vector<1024x1024xf32>
    %ge3A_87 = vector.broadcast %bitcast_convert_type3A_35 : vector<1024x1xf32> to vector<1024x1024xf32>
    %ge3A_88 = arith.cmpf oge, %ge3A_86, %ge3A_87 : vector<1024x1024xf32>
    %jit3A_89 = arith.constant 1.000000e+00 : f32
    %jit3A_90 = arith.constant 0.000000e+00 : f32
    %broadcast_in_dim3A_91 = vector.broadcast %jit3A_89 : f32 to vector<1024x1024xf32>
    %broadcast_in_dim3A_92 = vector.broadcast %jit3A_90 : f32 to vector<1024x1024xf32>
    %select_n3A_93 = arith.select %ge3A_88, %broadcast_in_dim3A_91, %broadcast_in_dim3A_92 : vector<1024x1024xi1>, vector<1024x1024xf32>
    %reduce_sum3A_94 = arith.constant dense<0.000000e+00> : vector<1024xf32>
    %reduce_sum3A_95 = vector.multi_reduction <add>, %select_n3A_93, %reduce_sum3A_94 [1] : vector<1024x1024xf32> to vector<1024xf32>
    %broadcast_in_dim3A_96 = vector.shape_cast %reduce_sum3A_95 : vector<1024xf32> to vector<1024x1xf32>
    %add3A_97 = arith.addf %add3A_78, %broadcast_in_dim3A_96 : vector<1024x1xf32>
    %reduce_sum3A_98 = arith.constant dense<0.000000e+00> : vector<1024xf32>
    %reduce_sum3A_99 = vector.multi_reduction <add>, %select_n3A_93, %reduce_sum3A_98 [0] : vector<1024x1024xf32> to vector<1024xf32>
    %broadcast_in_dim3A_100 = vector.shape_cast %reduce_sum3A_99 : vector<1024xf32> to vector<1x1024xf32>
    %add3A_101 = arith.addf %broadcast_in_dim3A_4, %broadcast_in_dim3A_100 : vector<1x1024xf32>
    %get3A_102 = arith.constant 3 : index
    %get3A_103 = arith.constant 0 : index
    %get3A_104 = vector.load %arg2[%get3A_102, %get3A_103] : memref<16x1024xf32, #tpu.memory_space<vmem>>, vector<1x1024xf32>
    %ge3A_105 = vector.broadcast %get3A_104 : vector<1x1024xf32> to vector<1024x1024xf32>
    %ge3A_106 = vector.broadcast %bitcast_convert_type3A_35 : vector<1024x1xf32> to vector<1024x1024xf32>
    %ge3A_107 = arith.cmpf oge, %ge3A_105, %ge3A_106 : vector<1024x1024xf32>
    %jit3A_108 = arith.constant 1.000000e+00 : f32
    %jit3A_109 = arith.constant 0.000000e+00 : f32
    %broadcast_in_dim3A_110 = vector.broadcast %jit3A_108 : f32 to vector<1024x1024xf32>
    %broadcast_in_dim3A_111 = vector.broadcast %jit3A_109 : f32 to vector<1024x1024xf32>
    %select_n3A_112 = arith.select %ge3A_107, %broadcast_in_dim3A_110, %broadcast_in_dim3A_111 : vector<1024x1024xi1>, vector<1024x1024xf32>
    %reduce_sum3A_113 = arith.constant dense<0.000000e+00> : vector<1024xf32>
    %reduce_sum3A_114 = vector.multi_reduction <add>, %select_n3A_112, %reduce_sum3A_113 [1] : vector<1024x1024xf32> to vector<1024xf32>
    %broadcast_in_dim3A_115 = vector.shape_cast %reduce_sum3A_114 : vector<1024xf32> to vector<1024x1xf32>
    %add3A_116 = arith.addf %add3A_97, %broadcast_in_dim3A_115 : vector<1024x1xf32>
    %reduce_sum3A_117 = arith.constant dense<0.000000e+00> : vector<1024xf32>
    %reduce_sum3A_118 = vector.multi_reduction <add>, %select_n3A_112, %reduce_sum3A_117 [0] : vector<1024x1024xf32> to vector<1024xf32>
    %broadcast_in_dim3A_119 = vector.shape_cast %reduce_sum3A_118 : vector<1024xf32> to vector<1x1024xf32>
    %add3A_120 = arith.addf %broadcast_in_dim3A_6, %broadcast_in_dim3A_119 : vector<1x1024xf32>
    %get3A_121 = arith.constant 4 : index
    %get3A_122 = arith.constant 0 : index
    %get3A_123 = vector.load %arg2[%get3A_121, %get3A_122] : memref<16x1024xf32, #tpu.memory_space<vmem>>, vector<1x1024xf32>
    %ge3A_124 = vector.broadcast %get3A_123 : vector<1x1024xf32> to vector<1024x1024xf32>
    %ge3A_125 = vector.broadcast %bitcast_convert_type3A_35 : vector<1024x1xf32> to vector<1024x1024xf32>
    %ge3A_126 = arith.cmpf oge, %ge3A_124, %ge3A_125 : vector<1024x1024xf32>
    %jit3A_127 = arith.constant 1.000000e+00 : f32
    %jit3A_128 = arith.constant 0.000000e+00 : f32
    %broadcast_in_dim3A_129 = vector.broadcast %jit3A_127 : f32 to vector<1024x1024xf32>
    %broadcast_in_dim3A_130 = vector.broadcast %jit3A_128 : f32 to vector<1024x1024xf32>
    %select_n3A_131 = arith.select %ge3A_126, %broadcast_in_dim3A_129, %broadcast_in_dim3A_130 : vector<1024x1024xi1>, vector<1024x1024xf32>
    %reduce_sum3A_132 = arith.constant dense<0.000000e+00> : vector<1024xf32>
    %reduce_sum3A_133 = vector.multi_reduction <add>, %select_n3A_131, %reduce_sum3A_132 [1] : vector<1024x1024xf32> to vector<1024xf32>
    %broadcast_in_dim3A_134 = vector.shape_cast %reduce_sum3A_133 : vector<1024xf32> to vector<1024x1xf32>
    %add3A_135 = arith.addf %add3A_116, %broadcast_in_dim3A_134 : vector<1024x1xf32>
    %reduce_sum3A_136 = arith.constant dense<0.000000e+00> : vector<1024xf32>
    %reduce_sum3A_137 = vector.multi_reduction <add>, %select_n3A_131, %reduce_sum3A_136 [0] : vector<1024x1024xf32> to vector<1024xf32>
    %broadcast_in_dim3A_138 = vector.shape_cast %reduce_sum3A_137 : vector<1024xf32> to vector<1x1024xf32>
    %add3A_139 = arith.addf %broadcast_in_dim3A_8, %broadcast_in_dim3A_138 : vector<1x1024xf32>
    %get3A_140 = arith.constant 5 : index
    %get3A_141 = arith.constant 0 : index
    %get3A_142 = vector.load %arg2[%get3A_140, %get3A_141] : memref<16x1024xf32, #tpu.memory_space<vmem>>, vector<1x1024xf32>
    %ge3A_143 = vector.broadcast %get3A_142 : vector<1x1024xf32> to vector<1024x1024xf32>
    %ge3A_144 = vector.broadcast %bitcast_convert_type3A_35 : vector<1024x1xf32> to vector<1024x1024xf32>
    %ge3A_145 = arith.cmpf oge, %ge3A_143, %ge3A_144 : vector<1024x1024xf32>
    %jit3A_146 = arith.constant 1.000000e+00 : f32
    %jit3A_147 = arith.constant 0.000000e+00 : f32
    %broadcast_in_dim3A_148 = vector.broadcast %jit3A_146 : f32 to vector<1024x1024xf32>
    %broadcast_in_dim3A_149 = vector.broadcast %jit3A_147 : f32 to vector<1024x1024xf32>
    %select_n3A_150 = arith.select %ge3A_145, %broadcast_in_dim3A_148, %broadcast_in_dim3A_149 : vector<1024x1024xi1>, vector<1024x1024xf32>
    %reduce_sum3A_151 = arith.constant dense<0.000000e+00> : vector<1024xf32>
    %reduce_sum3A_152 = vector.multi_reduction <add>, %select_n3A_150, %reduce_sum3A_151 [1] : vector<1024x1024xf32> to vector<1024xf32>
    %broadcast_in_dim3A_153 = vector.shape_cast %reduce_sum3A_152 : vector<1024xf32> to vector<1024x1xf32>
    %add3A_154 = arith.addf %add3A_135, %broadcast_in_dim3A_153 : vector<1024x1xf32>
    %reduce_sum3A_155 = arith.constant dense<0.000000e+00> : vector<1024xf32>
    %reduce_sum3A_156 = vector.multi_reduction <add>, %select_n3A_150, %reduce_sum3A_155 [0] : vector<1024x1024xf32> to vector<1024xf32>
    %broadcast_in_dim3A_157 = vector.shape_cast %reduce_sum3A_156 : vector<1024xf32> to vector<1x1024xf32>
    %add3A_158 = arith.addf %broadcast_in_dim3A_10, %broadcast_in_dim3A_157 : vector<1x1024xf32>
    %get3A_159 = arith.constant 6 : index
    %get3A_160 = arith.constant 0 : index
    %get3A_161 = vector.load %arg2[%get3A_159, %get3A_160] : memref<16x1024xf32, #tpu.memory_space<vmem>>, vector<1x1024xf32>
    %ge3A_162 = vector.broadcast %get3A_161 : vector<1x1024xf32> to vector<1024x1024xf32>
    %ge3A_163 = vector.broadcast %bitcast_convert_type3A_35 : vector<1024x1xf32> to vector<1024x1024xf32>
    %ge3A_164 = arith.cmpf oge, %ge3A_162, %ge3A_163 : vector<1024x1024xf32>
    %jit3A_165 = arith.constant 1.000000e+00 : f32
    %jit3A_166 = arith.constant 0.000000e+00 : f32
    %broadcast_in_dim3A_167 = vector.broadcast %jit3A_165 : f32 to vector<1024x1024xf32>
    %broadcast_in_dim3A_168 = vector.broadcast %jit3A_166 : f32 to vector<1024x1024xf32>
    %select_n3A_169 = arith.select %ge3A_164, %broadcast_in_dim3A_167, %broadcast_in_dim3A_168 : vector<1024x1024xi1>, vector<1024x1024xf32>
    %reduce_sum3A_170 = arith.constant dense<0.000000e+00> : vector<1024xf32>
    %reduce_sum3A_171 = vector.multi_reduction <add>, %select_n3A_169, %reduce_sum3A_170 [1] : vector<1024x1024xf32> to vector<1024xf32>
    %broadcast_in_dim3A_172 = vector.shape_cast %reduce_sum3A_171 : vector<1024xf32> to vector<1024x1xf32>
    %add3A_173 = arith.addf %add3A_154, %broadcast_in_dim3A_172 : vector<1024x1xf32>
    %reduce_sum3A_174 = arith.constant dense<0.000000e+00> : vector<1024xf32>
    %reduce_sum3A_175 = vector.multi_reduction <add>, %select_n3A_169, %reduce_sum3A_174 [0] : vector<1024x1024xf32> to vector<1024xf32>
    %broadcast_in_dim3A_176 = vector.shape_cast %reduce_sum3A_175 : vector<1024xf32> to vector<1x1024xf32>
    %add3A_177 = arith.addf %broadcast_in_dim3A_12, %broadcast_in_dim3A_176 : vector<1x1024xf32>
    %get3A_178 = arith.constant 7 : index
    %get3A_179 = arith.constant 0 : index
    %get3A_180 = vector.load %arg2[%get3A_178, %get3A_179] : memref<16x1024xf32, #tpu.memory_space<vmem>>, vector<1x1024xf32>
    %ge3A_181 = vector.broadcast %get3A_180 : vector<1x1024xf32> to vector<1024x1024xf32>
    %ge3A_182 = vector.broadcast %bitcast_convert_type3A_35 : vector<1024x1xf32> to vector<1024x1024xf32>
    %ge3A_183 = arith.cmpf oge, %ge3A_181, %ge3A_182 : vector<1024x1024xf32>
    %jit3A_184 = arith.constant 1.000000e+00 : f32
    %jit3A_185 = arith.constant 0.000000e+00 : f32
    %broadcast_in_dim3A_186 = vector.broadcast %jit3A_184 : f32 to vector<1024x1024xf32>
    %broadcast_in_dim3A_187 = vector.broadcast %jit3A_185 : f32 to vector<1024x1024xf32>
    %select_n3A_188 = arith.select %ge3A_183, %broadcast_in_dim3A_186, %broadcast_in_dim3A_187 : vector<1024x1024xi1>, vector<1024x1024xf32>
    %reduce_sum3A_189 = arith.constant dense<0.000000e+00> : vector<1024xf32>
    %reduce_sum3A_190 = vector.multi_reduction <add>, %select_n3A_188, %reduce_sum3A_189 [1] : vector<1024x1024xf32> to vector<1024xf32>
    %broadcast_in_dim3A_191 = vector.shape_cast %reduce_sum3A_190 : vector<1024xf32> to vector<1024x1xf32>
    %add3A_192 = arith.addf %add3A_173, %broadcast_in_dim3A_191 : vector<1024x1xf32>
    %reduce_sum3A_193 = arith.constant dense<0.000000e+00> : vector<1024xf32>
    %reduce_sum3A_194 = vector.multi_reduction <add>, %select_n3A_188, %reduce_sum3A_193 [0] : vector<1024x1024xf32> to vector<1024xf32>
    %broadcast_in_dim3A_195 = vector.shape_cast %reduce_sum3A_194 : vector<1024xf32> to vector<1x1024xf32>
    %add3A_196 = arith.addf %broadcast_in_dim3A_14, %broadcast_in_dim3A_195 : vector<1x1024xf32>
    %get3A_197 = arith.constant 8 : index
    %get3A_198 = arith.constant 0 : index
    %get3A_199 = vector.load %arg2[%get3A_197, %get3A_198] : memref<16x1024xf32, #tpu.memory_space<vmem>>, vector<1x1024xf32>
    %ge3A_200 = vector.broadcast %get3A_199 : vector<1x1024xf32> to vector<1024x1024xf32>
    %ge3A_201 = vector.broadcast %bitcast_convert_type3A_35 : vector<1024x1xf32> to vector<1024x1024xf32>
    %ge3A_202 = arith.cmpf oge, %ge3A_200, %ge3A_201 : vector<1024x1024xf32>
    %jit3A_203 = arith.constant 1.000000e+00 : f32
    %jit3A_204 = arith.constant 0.000000e+00 : f32
    %broadcast_in_dim3A_205 = vector.broadcast %jit3A_203 : f32 to vector<1024x1024xf32>
    %broadcast_in_dim3A_206 = vector.broadcast %jit3A_204 : f32 to vector<1024x1024xf32>
    %select_n3A_207 = arith.select %ge3A_202, %broadcast_in_dim3A_205, %broadcast_in_dim3A_206 : vector<1024x1024xi1>, vector<1024x1024xf32>
    %reduce_sum3A_208 = arith.constant dense<0.000000e+00> : vector<1024xf32>
    %reduce_sum3A_209 = vector.multi_reduction <add>, %select_n3A_207, %reduce_sum3A_208 [1] : vector<1024x1024xf32> to vector<1024xf32>
    %broadcast_in_dim3A_210 = vector.shape_cast %reduce_sum3A_209 : vector<1024xf32> to vector<1024x1xf32>
    %add3A_211 = arith.addf %add3A_192, %broadcast_in_dim3A_210 : vector<1024x1xf32>
    %reduce_sum3A_212 = arith.constant dense<0.000000e+00> : vector<1024xf32>
    %reduce_sum3A_213 = vector.multi_reduction <add>, %select_n3A_207, %reduce_sum3A_212 [0] : vector<1024x1024xf32> to vector<1024xf32>
    %broadcast_in_dim3A_214 = vector.shape_cast %reduce_sum3A_213 : vector<1024xf32> to vector<1x1024xf32>
    %add3A_215 = arith.addf %broadcast_in_dim3A_16, %broadcast_in_dim3A_214 : vector<1x1024xf32>
    %get3A_216 = arith.constant 9 : index
    %get3A_217 = arith.constant 0 : index
    %get3A_218 = vector.load %arg2[%get3A_216, %get3A_217] : memref<16x1024xf32, #tpu.memory_space<vmem>>, vector<1x1024xf32>
    %ge3A_219 = vector.broadcast %get3A_218 : vector<1x1024xf32> to vector<1024x1024xf32>
    %ge3A_220 = vector.broadcast %bitcast_convert_type3A_35 : vector<1024x1xf32> to vector<1024x1024xf32>
    %ge3A_221 = arith.cmpf oge, %ge3A_219, %ge3A_220 : vector<1024x1024xf32>
    %jit3A_222 = arith.constant 1.000000e+00 : f32
    %jit3A_223 = arith.constant 0.000000e+00 : f32
    %broadcast_in_dim3A_224 = vector.broadcast %jit3A_222 : f32 to vector<1024x1024xf32>
    %broadcast_in_dim3A_225 = vector.broadcast %jit3A_223 : f32 to vector<1024x1024xf32>
    %select_n3A_226 = arith.select %ge3A_221, %broadcast_in_dim3A_224, %broadcast_in_dim3A_225 : vector<1024x1024xi1>, vector<1024x1024xf32>
    %reduce_sum3A_227 = arith.constant dense<0.000000e+00> : vector<1024xf32>
    %reduce_sum3A_228 = vector.multi_reduction <add>, %select_n3A_226, %reduce_sum3A_227 [1] : vector<1024x1024xf32> to vector<1024xf32>
    %broadcast_in_dim3A_229 = vector.shape_cast %reduce_sum3A_228 : vector<1024xf32> to vector<1024x1xf32>
    %add3A_230 = arith.addf %add3A_211, %broadcast_in_dim3A_229 : vector<1024x1xf32>
    %reduce_sum3A_231 = arith.constant dense<0.000000e+00> : vector<1024xf32>
    %reduce_sum3A_232 = vector.multi_reduction <add>, %select_n3A_226, %reduce_sum3A_231 [0] : vector<1024x1024xf32> to vector<1024xf32>
    %broadcast_in_dim3A_233 = vector.shape_cast %reduce_sum3A_232 : vector<1024xf32> to vector<1x1024xf32>
    %add3A_234 = arith.addf %broadcast_in_dim3A_18, %broadcast_in_dim3A_233 : vector<1x1024xf32>
    %get3A_235 = arith.constant 10 : index
    %get3A_236 = arith.constant 0 : index
    %get3A_237 = vector.load %arg2[%get3A_235, %get3A_236] : memref<16x1024xf32, #tpu.memory_space<vmem>>, vector<1x1024xf32>
    %ge3A_238 = vector.broadcast %get3A_237 : vector<1x1024xf32> to vector<1024x1024xf32>
    %ge3A_239 = vector.broadcast %bitcast_convert_type3A_35 : vector<1024x1xf32> to vector<1024x1024xf32>
    %ge3A_240 = arith.cmpf oge, %ge3A_238, %ge3A_239 : vector<1024x1024xf32>
    %jit3A_241 = arith.constant 1.000000e+00 : f32
    %jit3A_242 = arith.constant 0.000000e+00 : f32
    %broadcast_in_dim3A_243 = vector.broadcast %jit3A_241 : f32 to vector<1024x1024xf32>
    %broadcast_in_dim3A_244 = vector.broadcast %jit3A_242 : f32 to vector<1024x1024xf32>
    %select_n3A_245 = arith.select %ge3A_240, %broadcast_in_dim3A_243, %broadcast_in_dim3A_244 : vector<1024x1024xi1>, vector<1024x1024xf32>
    %reduce_sum3A_246 = arith.constant dense<0.000000e+00> : vector<1024xf32>
    %reduce_sum3A_247 = vector.multi_reduction <add>, %select_n3A_245, %reduce_sum3A_246 [1] : vector<1024x1024xf32> to vector<1024xf32>
    %broadcast_in_dim3A_248 = vector.shape_cast %reduce_sum3A_247 : vector<1024xf32> to vector<1024x1xf32>
    %add3A_249 = arith.addf %add3A_230, %broadcast_in_dim3A_248 : vector<1024x1xf32>
    %reduce_sum3A_250 = arith.constant dense<0.000000e+00> : vector<1024xf32>
    %reduce_sum3A_251 = vector.multi_reduction <add>, %select_n3A_245, %reduce_sum3A_250 [0] : vector<1024x1024xf32> to vector<1024xf32>
    %broadcast_in_dim3A_252 = vector.shape_cast %reduce_sum3A_251 : vector<1024xf32> to vector<1x1024xf32>
    %add3A_253 = arith.addf %broadcast_in_dim3A_20, %broadcast_in_dim3A_252 : vector<1x1024xf32>
    %get3A_254 = arith.constant 11 : index
    %get3A_255 = arith.constant 0 : index
    %get3A_256 = vector.load %arg2[%get3A_254, %get3A_255] : memref<16x1024xf32, #tpu.memory_space<vmem>>, vector<1x1024xf32>
    %ge3A_257 = vector.broadcast %get3A_256 : vector<1x1024xf32> to vector<1024x1024xf32>
    %ge3A_258 = vector.broadcast %bitcast_convert_type3A_35 : vector<1024x1xf32> to vector<1024x1024xf32>
    %ge3A_259 = arith.cmpf oge, %ge3A_257, %ge3A_258 : vector<1024x1024xf32>
    %jit3A_260 = arith.constant 1.000000e+00 : f32
    %jit3A_261 = arith.constant 0.000000e+00 : f32
    %broadcast_in_dim3A_262 = vector.broadcast %jit3A_260 : f32 to vector<1024x1024xf32>
    %broadcast_in_dim3A_263 = vector.broadcast %jit3A_261 : f32 to vector<1024x1024xf32>
    %select_n3A_264 = arith.select %ge3A_259, %broadcast_in_dim3A_262, %broadcast_in_dim3A_263 : vector<1024x1024xi1>, vector<1024x1024xf32>
    %reduce_sum3A_265 = arith.constant dense<0.000000e+00> : vector<1024xf32>
    %reduce_sum3A_266 = vector.multi_reduction <add>, %select_n3A_264, %reduce_sum3A_265 [1] : vector<1024x1024xf32> to vector<1024xf32>
    %broadcast_in_dim3A_267 = vector.shape_cast %reduce_sum3A_266 : vector<1024xf32> to vector<1024x1xf32>
    %add3A_268 = arith.addf %add3A_249, %broadcast_in_dim3A_267 : vector<1024x1xf32>
    %reduce_sum3A_269 = arith.constant dense<0.000000e+00> : vector<1024xf32>
    %reduce_sum3A_270 = vector.multi_reduction <add>, %select_n3A_264, %reduce_sum3A_269 [0] : vector<1024x1024xf32> to vector<1024xf32>
    %broadcast_in_dim3A_271 = vector.shape_cast %reduce_sum3A_270 : vector<1024xf32> to vector<1x1024xf32>
    %add3A_272 = arith.addf %broadcast_in_dim3A_22, %broadcast_in_dim3A_271 : vector<1x1024xf32>
    %get3A_273 = arith.constant 12 : index
    %get3A_274 = arith.constant 0 : index
    %get3A_275 = vector.load %arg2[%get3A_273, %get3A_274] : memref<16x1024xf32, #tpu.memory_space<vmem>>, vector<1x1024xf32>
    %ge3A_276 = vector.broadcast %get3A_275 : vector<1x1024xf32> to vector<1024x1024xf32>
    %ge3A_277 = vector.broadcast %bitcast_convert_type3A_35 : vector<1024x1xf32> to vector<1024x1024xf32>
    %ge3A_278 = arith.cmpf oge, %ge3A_276, %ge3A_277 : vector<1024x1024xf32>
    %jit3A_279 = arith.constant 1.000000e+00 : f32
    %jit3A_280 = arith.constant 0.000000e+00 : f32
    %broadcast_in_dim3A_281 = vector.broadcast %jit3A_279 : f32 to vector<1024x1024xf32>
    %broadcast_in_dim3A_282 = vector.broadcast %jit3A_280 : f32 to vector<1024x1024xf32>
    %select_n3A_283 = arith.select %ge3A_278, %broadcast_in_dim3A_281, %broadcast_in_dim3A_282 : vector<1024x1024xi1>, vector<1024x1024xf32>
    %reduce_sum3A_284 = arith.constant dense<0.000000e+00> : vector<1024xf32>
    %reduce_sum3A_285 = vector.multi_reduction <add>, %select_n3A_283, %reduce_sum3A_284 [1] : vector<1024x1024xf32> to vector<1024xf32>
    %broadcast_in_dim3A_286 = vector.shape_cast %reduce_sum3A_285 : vector<1024xf32> to vector<1024x1xf32>
    %add3A_287 = arith.addf %add3A_268, %broadcast_in_dim3A_286 : vector<1024x1xf32>
    %reduce_sum3A_288 = arith.constant dense<0.000000e+00> : vector<1024xf32>
    %reduce_sum3A_289 = vector.multi_reduction <add>, %select_n3A_283, %reduce_sum3A_288 [0] : vector<1024x1024xf32> to vector<1024xf32>
    %broadcast_in_dim3A_290 = vector.shape_cast %reduce_sum3A_289 : vector<1024xf32> to vector<1x1024xf32>
    %add3A_291 = arith.addf %broadcast_in_dim3A_24, %broadcast_in_dim3A_290 : vector<1x1024xf32>
    %get3A_292 = arith.constant 13 : index
    %get3A_293 = arith.constant 0 : index
    %get3A_294 = vector.load %arg2[%get3A_292, %get3A_293] : memref<16x1024xf32, #tpu.memory_space<vmem>>, vector<1x1024xf32>
    %ge3A_295 = vector.broadcast %get3A_294 : vector<1x1024xf32> to vector<1024x1024xf32>
    %ge3A_296 = vector.broadcast %bitcast_convert_type3A_35 : vector<1024x1xf32> to vector<1024x1024xf32>
    %ge3A_297 = arith.cmpf oge, %ge3A_295, %ge3A_296 : vector<1024x1024xf32>
    %jit3A_298 = arith.constant 1.000000e+00 : f32
    %jit3A_299 = arith.constant 0.000000e+00 : f32
    %broadcast_in_dim3A_300 = vector.broadcast %jit3A_298 : f32 to vector<1024x1024xf32>
    %broadcast_in_dim3A_301 = vector.broadcast %jit3A_299 : f32 to vector<1024x1024xf32>
    %select_n3A_302 = arith.select %ge3A_297, %broadcast_in_dim3A_300, %broadcast_in_dim3A_301 : vector<1024x1024xi1>, vector<1024x1024xf32>
    %reduce_sum3A_303 = arith.constant dense<0.000000e+00> : vector<1024xf32>
    %reduce_sum3A_304 = vector.multi_reduction <add>, %select_n3A_302, %reduce_sum3A_303 [1] : vector<1024x1024xf32> to vector<1024xf32>
    %broadcast_in_dim3A_305 = vector.shape_cast %reduce_sum3A_304 : vector<1024xf32> to vector<1024x1xf32>
    %add3A_306 = arith.addf %add3A_287, %broadcast_in_dim3A_305 : vector<1024x1xf32>
    %reduce_sum3A_307 = arith.constant dense<0.000000e+00> : vector<1024xf32>
    %reduce_sum3A_308 = vector.multi_reduction <add>, %select_n3A_302, %reduce_sum3A_307 [0] : vector<1024x1024xf32> to vector<1024xf32>
    %broadcast_in_dim3A_309 = vector.shape_cast %reduce_sum3A_308 : vector<1024xf32> to vector<1x1024xf32>
    %add3A_310 = arith.addf %broadcast_in_dim3A_26, %broadcast_in_dim3A_309 : vector<1x1024xf32>
    %get3A_311 = arith.constant 14 : index
    %get3A_312 = arith.constant 0 : index
    %get3A_313 = vector.load %arg2[%get3A_311, %get3A_312] : memref<16x1024xf32, #tpu.memory_space<vmem>>, vector<1x1024xf32>
    %ge3A_314 = vector.broadcast %get3A_313 : vector<1x1024xf32> to vector<1024x1024xf32>
    %ge3A_315 = vector.broadcast %bitcast_convert_type3A_35 : vector<1024x1xf32> to vector<1024x1024xf32>
    %ge3A_316 = arith.cmpf oge, %ge3A_314, %ge3A_315 : vector<1024x1024xf32>
    %jit3A_317 = arith.constant 1.000000e+00 : f32
    %jit3A_318 = arith.constant 0.000000e+00 : f32
    %broadcast_in_dim3A_319 = vector.broadcast %jit3A_317 : f32 to vector<1024x1024xf32>
    %broadcast_in_dim3A_320 = vector.broadcast %jit3A_318 : f32 to vector<1024x1024xf32>
    %select_n3A_321 = arith.select %ge3A_316, %broadcast_in_dim3A_319, %broadcast_in_dim3A_320 : vector<1024x1024xi1>, vector<1024x1024xf32>
    %reduce_sum3A_322 = arith.constant dense<0.000000e+00> : vector<1024xf32>
    %reduce_sum3A_323 = vector.multi_reduction <add>, %select_n3A_321, %reduce_sum3A_322 [1] : vector<1024x1024xf32> to vector<1024xf32>
    %broadcast_in_dim3A_324 = vector.shape_cast %reduce_sum3A_323 : vector<1024xf32> to vector<1024x1xf32>
    %add3A_325 = arith.addf %add3A_306, %broadcast_in_dim3A_324 : vector<1024x1xf32>
    %reduce_sum3A_326 = arith.constant dense<0.000000e+00> : vector<1024xf32>
    %reduce_sum3A_327 = vector.multi_reduction <add>, %select_n3A_321, %reduce_sum3A_326 [0] : vector<1024x1024xf32> to vector<1024xf32>
    %broadcast_in_dim3A_328 = vector.shape_cast %reduce_sum3A_327 : vector<1024xf32> to vector<1x1024xf32>
    %add3A_329 = arith.addf %broadcast_in_dim3A_28, %broadcast_in_dim3A_328 : vector<1x1024xf32>
    %get3A_330 = arith.constant 15 : index
    %get3A_331 = arith.constant 0 : index
    %get3A_332 = vector.load %arg2[%get3A_330, %get3A_331] : memref<16x1024xf32, #tpu.memory_space<vmem>>, vector<1x1024xf32>
    %ge3A_333 = vector.broadcast %get3A_332 : vector<1x1024xf32> to vector<1024x1024xf32>
    %ge3A_334 = vector.broadcast %bitcast_convert_type3A_35 : vector<1024x1xf32> to vector<1024x1024xf32>
    %ge3A_335 = arith.cmpf oge, %ge3A_333, %ge3A_334 : vector<1024x1024xf32>
    %jit3A_336 = arith.constant 1.000000e+00 : f32
    %jit3A_337 = arith.constant 0.000000e+00 : f32
    %broadcast_in_dim3A_338 = vector.broadcast %jit3A_336 : f32 to vector<1024x1024xf32>
    %broadcast_in_dim3A_339 = vector.broadcast %jit3A_337 : f32 to vector<1024x1024xf32>
    %select_n3A_340 = arith.select %ge3A_335, %broadcast_in_dim3A_338, %broadcast_in_dim3A_339 : vector<1024x1024xi1>, vector<1024x1024xf32>
    %reduce_sum3A_341 = arith.constant dense<0.000000e+00> : vector<1024xf32>
    %reduce_sum3A_342 = vector.multi_reduction <add>, %select_n3A_340, %reduce_sum3A_341 [1] : vector<1024x1024xf32> to vector<1024xf32>
    %broadcast_in_dim3A_343 = vector.shape_cast %reduce_sum3A_342 : vector<1024xf32> to vector<1024x1xf32>
    %add3A_344 = arith.addf %add3A_325, %broadcast_in_dim3A_343 : vector<1024x1xf32>
    %reduce_sum3A_345 = arith.constant dense<0.000000e+00> : vector<1024xf32>
    %reduce_sum3A_346 = vector.multi_reduction <add>, %select_n3A_340, %reduce_sum3A_345 [0] : vector<1024x1024xf32> to vector<1024xf32>
    %broadcast_in_dim3A_347 = vector.shape_cast %reduce_sum3A_346 : vector<1024xf32> to vector<1x1024xf32>
    %add3A_348 = arith.addf %broadcast_in_dim3A_30, %broadcast_in_dim3A_347 : vector<1x1024xf32>
    %sub3A = arith.constant 0.000000e+00 : f32
    %sub3A_349 = vector.broadcast %sub3A : f32 to vector<1x1024xf32>
    %sub3A_350 = arith.subf %sub3A_349, %broadcast_in_dim3A_0 : vector<1x1024xf32>
    %reshape3A = vector.shape_cast %sub3A_350 : vector<1x1024xf32> to vector<1024x1xf32>
    %add3A_351 = arith.addf %add3A_344, %reshape3A : vector<1024x1xf32>
    %convert_element_type3A = arith.fptosi %add3A_351 : vector<1024x1xf32> to vector<1024x1xi32>
    %swap3A = arith.constant 0 : index
    %swap3A_352 = arith.constant 0 : index
    %swap3A_353 = vector.load %arg3[%swap3A, %swap3A_352] : memref<16384x1xi32, #tpu.memory_space<vmem>>, vector<1024x1xi32>
    tpu.vector_store %arg3[%swap3A, %swap3A_352], %convert_element_type3A {strides = array<i32>} : memref<16384x1xi32, #tpu.memory_space<vmem>>, vector<1024x1xi32>,
    %get3A_354 = arith.constant 1024 : index
    %get3A_355 = arith.constant 0 : index
    %get3A_356 = vector.load %arg1[%get3A_354, %get3A_355] : memref<16384x1xf32, #tpu.memory_space<vmem>>, vector<1024x1xf32>
    %bitcast_convert_type3A_357 = tpu.bitcast %get3A_356 : vector<1024x1xf32> -> vector<1024x1xi32>
    %add3A_358 = arith.constant 1 : i32
    %add3A_359 = vector.broadcast %add3A_358 : i32 to vector<1024x1xi32>
    %add3A_360 = arith.addi %bitcast_convert_type3A_357, %add3A_359 : vector<1024x1xi32>
    %bitcast_convert_type3A_361 = tpu.bitcast %add3A_360 : vector<1024x1xi32> -> vector<1024x1xf32>
    %get3A_362 = arith.constant 1 : index
    %get3A_363 = arith.constant 0 : index
    %get3A_364 = vector.load %arg2[%get3A_362, %get3A_363] : memref<16x1024xf32, #tpu.memory_space<vmem>>, vector<1x1024xf32>
    %iota3A_365 = tpu.iota {dimensions = array<i32: 0>} : vector<1024x1xi32>
    %add3A_366 = arith.constant 1024 : i32
    %add3A_367 = vector.broadcast %add3A_366 : i32 to vector<1024x1xi32>
    %add3A_368 = arith.addi %add3A_367, %iota3A_365 : vector<1024x1xi32>
    %iota3A_369 = tpu.iota {dimensions = array<i32: 1>} : vector<1x1024xi32>
    %add3A_370 = arith.constant 1024 : i32
    %add3A_371 = vector.broadcast %add3A_370 : i32 to vector<1x1024xi32>
    %add3A_372 = arith.addi %add3A_371, %iota3A_369 : vector<1x1024xi32>
    %ge3A_373 = vector.broadcast %get3A_364 : vector<1x1024xf32> to vector<1024x1024xf32>
    %ge3A_374 = vector.broadcast %get3A_356 : vector<1024x1xf32> to vector<1024x1024xf32>
    %ge3A_375 = arith.cmpf oge, %ge3A_373, %ge3A_374 : vector<1024x1024xf32>
    %jit3A_376 = arith.constant 1.000000e+00 : f32
    %jit3A_377 = arith.constant 0.000000e+00 : f32
    %broadcast_in_dim3A_378 = vector.broadcast %jit3A_376 : f32 to vector<1024x1024xf32>
    %broadcast_in_dim3A_379 = vector.broadcast %jit3A_377 : f32 to vector<1024x1024xf32>
    %select_n3A_380 = arith.select %ge3A_375, %broadcast_in_dim3A_378, %broadcast_in_dim3A_379 : vector<1024x1024xi1>, vector<1024x1024xf32>
    %ge3A_381 = vector.broadcast %get3A_364 : vector<1x1024xf32> to vector<1024x1024xf32>
    %ge3A_382 = vector.broadcast %bitcast_convert_type3A_361 : vector<1024x1xf32> to vector<1024x1024xf32>
    %ge3A_383 = arith.cmpf oge, %ge3A_381, %ge3A_382 : vector<1024x1024xf32>
    %jit3A_384 = arith.constant 1.000000e+00 : f32
    %jit3A_385 = arith.constant 0.000000e+00 : f32
    %broadcast_in_dim3A_386 = vector.broadcast %jit3A_384 : f32 to vector<1024x1024xf32>
    %broadcast_in_dim3A_387 = vector.broadcast %jit3A_385 : f32 to vector<1024x1024xf32>
    %select_n3A_388 = arith.select %ge3A_383, %broadcast_in_dim3A_386, %broadcast_in_dim3A_387 : vector<1024x1024xi1>, vector<1024x1024xf32>
    %lt3A_389 = vector.broadcast %add3A_372 : vector<1x1024xi32> to vector<1024x1024xi32>
    %lt3A_390 = vector.broadcast %add3A_368 : vector<1024x1xi32> to vector<1024x1024xi32>
    %lt3A_391 = arith.cmpi slt, %lt3A_389, %lt3A_390 : vector<1024x1024xi32>
    %select_n3A_392 = arith.select %lt3A_391, %select_n3A_380, %select_n3A_388 : vector<1024x1024xi1>, vector<1024x1024xf32>
    %reduce_sum3A_393 = arith.constant dense<0.000000e+00> : vector<1024xf32>
    %reduce_sum3A_394 = vector.multi_reduction <add>, %select_n3A_392, %reduce_sum3A_393 [1] : vector<1024x1024xf32> to vector<1024xf32>
    %broadcast_in_dim3A_395 = vector.shape_cast %reduce_sum3A_394 : vector<1024xf32> to vector<1024x1xf32>
    %get3A_396 = arith.constant 2 : index
    %get3A_397 = arith.constant 0 : index
    %get3A_398 = vector.load %arg2[%get3A_396, %get3A_397] : memref<16x1024xf32, #tpu.memory_space<vmem>>, vector<1x1024xf32>
    %ge3A_399 = vector.broadcast %get3A_398 : vector<1x1024xf32> to vector<1024x1024xf32>
    %ge3A_400 = vector.broadcast %bitcast_convert_type3A_361 : vector<1024x1xf32> to vector<1024x1024xf32>
    %ge3A_401 = arith.cmpf oge, %ge3A_399, %ge3A_400 : vector<1024x1024xf32>
    %jit3A_402 = arith.constant 1.000000e+00 : f32
    %jit3A_403 = arith.constant 0.000000e+00 : f32
    %broadcast_in_dim3A_404 = vector.broadcast %jit3A_402 : f32 to vector<1024x1024xf32>
    %broadcast_in_dim3A_405 = vector.broadcast %jit3A_403 : f32 to vector<1024x1024xf32>
    %select_n3A_406 = arith.select %ge3A_401, %broadcast_in_dim3A_404, %broadcast_in_dim3A_405 : vector<1024x1024xi1>, vector<1024x1024xf32>
    %reduce_sum3A_407 = arith.constant dense<0.000000e+00> : vector<1024xf32>
    %reduce_sum3A_408 = vector.multi_reduction <add>, %select_n3A_406, %reduce_sum3A_407 [1] : vector<1024x1024xf32> to vector<1024xf32>
    %broadcast_in_dim3A_409 = vector.shape_cast %reduce_sum3A_408 : vector<1024xf32> to vector<1024x1xf32>
    %add3A_410 = arith.addf %broadcast_in_dim3A_395, %broadcast_in_dim3A_409 : vector<1024x1xf32>
    %reduce_sum3A_411 = arith.constant dense<0.000000e+00> : vector<1024xf32>
    %reduce_sum3A_412 = vector.multi_reduction <add>, %select_n3A_406, %reduce_sum3A_411 [0] : vector<1024x1024xf32> to vector<1024xf32>
    %broadcast_in_dim3A_413 = vector.shape_cast %reduce_sum3A_412 : vector<1024xf32> to vector<1x1024xf32>
    %add3A_414 = arith.addf %add3A_101, %broadcast_in_dim3A_413 : vector<1x1024xf32>
    %get3A_415 = arith.constant 3 : index
    %get3A_416 = arith.constant 0 : index
    %get3A_417 = vector.load %arg2[%get3A_415, %get3A_416] : memref<16x1024xf32, #tpu.memory_space<vmem>>, vector<1x1024xf32>
    %ge3A_418 = vector.broadcast %get3A_417 : vector<1x1024xf32> to vector<1024x1024xf32>
    %ge3A_419 = vector.broadcast %bitcast_convert_type3A_361 : vector<1024x1xf32> to vector<1024x1024xf32>
    %ge3A_420 = arith.cmpf oge, %ge3A_418, %ge3A_419 : vector<1024x1024xf32>
    %jit3A_421 = arith.constant 1.000000e+00 : f32
    %jit3A_422 = arith.constant 0.000000e+00 : f32
    %broadcast_in_dim3A_423 = vector.broadcast %jit3A_421 : f32 to vector<1024x1024xf32>
    %broadcast_in_dim3A_424 = vector.broadcast %jit3A_422 : f32 to vector<1024x1024xf32>
    %select_n3A_425 = arith.select %ge3A_420, %broadcast_in_dim3A_423, %broadcast_in_dim3A_424 : vector<1024x1024xi1>, vector<1024x1024xf32>
    %reduce_sum3A_426 = arith.constant dense<0.000000e+00> : vector<1024xf32>
    %reduce_sum3A_427 = vector.multi_reduction <add>, %select_n3A_425, %reduce_sum3A_426 [1] : vector<1024x1024xf32> to vector<1024xf32>
    %broadcast_in_dim3A_428 = vector.shape_cast %reduce_sum3A_427 : vector<1024xf32> to vector<1024x1xf32>
    %add3A_429 = arith.addf %add3A_410, %broadcast_in_dim3A_428 : vector<1024x1xf32>
    %reduce_sum3A_430 = arith.constant dense<0.000000e+00> : vector<1024xf32>
    %reduce_sum3A_431 = vector.multi_reduction <add>, %select_n3A_425, %reduce_sum3A_430 [0] : vector<1024x1024xf32> to vector<1024xf32>
    %broadcast_in_dim3A_432 = vector.shape_cast %reduce_sum3A_431 : vector<1024xf32> to vector<1x1024xf32>
    %add3A_433 = arith.addf %add3A_120, %broadcast_in_dim3A_432 : vector<1x1024xf32>
    %get3A_434 = arith.constant 4 : index
    %get3A_435 = arith.constant 0 : index
    %get3A_436 = vector.load %arg2[%get3A_434, %get3A_435] : memref<16x1024xf32, #tpu.memory_space<vmem>>, vector<1x1024xf32>
    %ge3A_437 = vector.broadcast %get3A_436 : vector<1x1024xf32> to vector<1024x1024xf32>
    %ge3A_438 = vector.broadcast %bitcast_convert_type3A_361 : vector<1024x1xf32> to vector<1024x1024xf32>
    %ge3A_439 = arith.cmpf oge, %ge3A_437, %ge3A_438 : vector<1024x1024xf32>
    %jit3A_440 = arith.constant 1.000000e+00 : f32
    %jit3A_441 = arith.constant 0.000000e+00 : f32
    %broadcast_in_dim3A_442 = vector.broadcast %jit3A_440 : f32 to vector<1024x1024xf32>
    %broadcast_in_dim3A_443 = vector.broadcast %jit3A_441 : f32 to vector<1024x1024xf32>
    %select_n3A_444 = arith.select %ge3A_439, %broadcast_in_dim3A_442, %broadcast_in_dim3A_443 : vector<1024x1024xi1>, vector<1024x1024xf32>
    %reduce_sum3A_445 = arith.constant dense<0.000000e+00> : vector<1024xf32>
    %reduce_sum3A_446 = vector.multi_reduction <add>, %select_n3A_444, %reduce_sum3A_445 [1] : vector<1024x1024xf32> to vector<1024xf32>
    %broadcast_in_dim3A_447 = vector.shape_cast %reduce_sum3A_446 : vector<1024xf32> to vector<1024x1xf32>
    %add3A_448 = arith.addf %add3A_429, %broadcast_in_dim3A_447 : vector<1024x1xf32>
    %reduce_sum3A_449 = arith.constant dense<0.000000e+00> : vector<1024xf32>
    %reduce_sum3A_450 = vector.multi_reduction <add>, %select_n3A_444, %reduce_sum3A_449 [0] : vector<1024x1024xf32> to vector<1024xf32>
    %broadcast_in_dim3A_451 = vector.shape_cast %reduce_sum3A_450 : vector<1024xf32> to vector<1x1024xf32>
    %add3A_452 = arith.addf %add3A_139, %broadcast_in_dim3A_451 : vector<1x1024xf32>
    %get3A_453 = arith.constant 5 : index
    %get3A_454 = arith.constant 0 : index
    %get3A_455 = vector.load %arg2[%get3A_453, %get3A_454] : memref<16x1024xf32, #tpu.memory_space<vmem>>, vector<1x1024xf32>
    %ge3A_456 = vector.broadcast %get3A_455 : vector<1x1024xf32> to vector<1024x1024xf32>
    %ge3A_457 = vector.broadcast %bitcast_convert_type3A_361 : vector<1024x1xf32> to vector<1024x1024xf32>
    %ge3A_458 = arith.cmpf oge, %ge3A_456, %ge3A_457 : vector<1024x1024xf32>
    %jit3A_459 = arith.constant 1.000000e+00 : f32
    %jit3A_460 = arith.constant 0.000000e+00 : f32
    %broadcast_in_dim3A_461 = vector.broadcast %jit3A_459 : f32 to vector<1024x1024xf32>
    %broadcast_in_dim3A_462 = vector.broadcast %jit3A_460 : f32 to vector<1024x1024xf32>
    %select_n3A_463 = arith.select %ge3A_458, %broadcast_in_dim3A_461, %broadcast_in_dim3A_462 : vector<1024x1024xi1>, vector<1024x1024xf32>
    %reduce_sum3A_464 = arith.constant dense<0.000000e+00> : vector<1024xf32>
    %reduce_sum3A_465 = vector.multi_reduction <add>, %select_n3A_463, %reduce_sum3A_464 [1] : vector<1024x1024xf32> to vector<1024xf32>
    %broadcast_in_dim3A_466 = vector.shape_cast %reduce_sum3A_465 : vector<1024xf32> to vector<1024x1xf32>
    %add3A_467 = arith.addf %add3A_448, %broadcast_in_dim3A_466 : vector<1024x1xf32>
    %reduce_sum3A_468 = arith.constant dense<0.000000e+00> : vector<1024xf32>
    %reduce_sum3A_469 = vector.multi_reduction <add>, %select_n3A_463, %reduce_sum3A_468 [0] : vector<1024x1024xf32> to vector<1024xf32>
    %broadcast_in_dim3A_470 = vector.shape_cast %reduce_sum3A_469 : vector<1024xf32> to vector<1x1024xf32>
    %add3A_471 = arith.addf %add3A_158, %broadcast_in_dim3A_470 : vector<1x1024xf32>
    %get3A_472 = arith.constant 6 : index
    %get3A_473 = arith.constant 0 : index
    %get3A_474 = vector.load %arg2[%get3A_472, %get3A_473] : memref<16x1024xf32, #tpu.memory_space<vmem>>, vector<1x1024xf32>
    %ge3A_475 = vector.broadcast %get3A_474 : vector<1x1024xf32> to vector<1024x1024xf32>
    %ge3A_476 = vector.broadcast %bitcast_convert_type3A_361 : vector<1024x1xf32> to vector<1024x1024xf32>
    %ge3A_477 = arith.cmpf oge, %ge3A_475, %ge3A_476 : vector<1024x1024xf32>
    %jit3A_478 = arith.constant 1.000000e+00 : f32
    %jit3A_479 = arith.constant 0.000000e+00 : f32
    %broadcast_in_dim3A_480 = vector.broadcast %jit3A_478 : f32 to vector<1024x1024xf32>
    %broadcast_in_dim3A_481 = vector.broadcast %jit3A_479 : f32 to vector<1024x1024xf32>
    %select_n3A_482 = arith.select %ge3A_477, %broadcast_in_dim3A_480, %broadcast_in_dim3A_481 : vector<1024x1024xi1>, vector<1024x1024xf32>
    %reduce_sum3A_483 = arith.constant dense<0.000000e+00> : vector<1024xf32>
    %reduce_sum3A_484 = vector.multi_reduction <add>, %select_n3A_482, %reduce_sum3A_483 [1] : vector<1024x1024xf32> to vector<1024xf32>
    %broadcast_in_dim3A_485 = vector.shape_cast %reduce_sum3A_484 : vector<1024xf32> to vector<1024x1xf32>
    %add3A_486 = arith.addf %add3A_467, %broadcast_in_dim3A_485 : vector<1024x1xf32>
    %reduce_sum3A_487 = arith.constant dense<0.000000e+00> : vector<1024xf32>
    %reduce_sum3A_488 = vector.multi_reduction <add>, %select_n3A_482, %reduce_sum3A_487 [0] : vector<1024x1024xf32> to vector<1024xf32>
    %broadcast_in_dim3A_489 = vector.shape_cast %reduce_sum3A_488 : vector<1024xf32> to vector<1x1024xf32>
    %add3A_490 = arith.addf %add3A_177, %broadcast_in_dim3A_489 : vector<1x1024xf32>
    %get3A_491 = arith.constant 7 : index
    %get3A_492 = arith.constant 0 : index
    %get3A_493 = vector.load %arg2[%get3A_491, %get3A_492] : memref<16x1024xf32, #tpu.memory_space<vmem>>, vector<1x1024xf32>
    %ge3A_494 = vector.broadcast %get3A_493 : vector<1x1024xf32> to vector<1024x1024xf32>
    %ge3A_495 = vector.broadcast %bitcast_convert_type3A_361 : vector<1024x1xf32> to vector<1024x1024xf32>
    %ge3A_496 = arith.cmpf oge, %ge3A_494, %ge3A_495 : vector<1024x1024xf32>
    %jit3A_497 = arith.constant 1.000000e+00 : f32
    %jit3A_498 = arith.constant 0.000000e+00 : f32
    %broadcast_in_dim3A_499 = vector.broadcast %jit3A_497 : f32 to vector<1024x1024xf32>
    %broadcast_in_dim3A_500 = vector.broadcast %jit3A_498 : f32 to vector<1024x1024xf32>
    %select_n3A_501 = arith.select %ge3A_496, %broadcast_in_dim3A_499, %broadcast_in_dim3A_500 : vector<1024x1024xi1>, vector<1024x1024xf32>
    %reduce_sum3A_502 = arith.constant dense<0.000000e+00> : vector<1024xf32>
    %reduce_sum3A_503 = vector.multi_reduction <add>, %select_n3A_501, %reduce_sum3A_502 [1] : vector<1024x1024xf32> to vector<1024xf32>
    %broadcast_in_dim3A_504 = vector.shape_cast %reduce_sum3A_503 : vector<1024xf32> to vector<1024x1xf32>
    %add3A_505 = arith.addf %add3A_486, %broadcast_in_dim3A_504 : vector<1024x1xf32>
    %reduce_sum3A_506 = arith.constant dense<0.000000e+00> : vector<1024xf32>
    %reduce_sum3A_507 = vector.multi_reduction <add>, %select_n3A_501, %reduce_sum3A_506 [0] : vector<1024x1024xf32> to vector<1024xf32>
    %broadcast_in_dim3A_508 = vector.shape_cast %reduce_sum3A_507 : vector<1024xf32> to vector<1x1024xf32>
    %add3A_509 = arith.addf %add3A_196, %broadcast_in_dim3A_508 : vector<1x1024xf32>
    %get3A_510 = arith.constant 8 : index
    %get3A_511 = arith.constant 0 : index
    %get3A_512 = vector.load %arg2[%get3A_510, %get3A_511] : memref<16x1024xf32, #tpu.memory_space<vmem>>, vector<1x1024xf32>
    %ge3A_513 = vector.broadcast %get3A_512 : vector<1x1024xf32> to vector<1024x1024xf32>
    %ge3A_514 = vector.broadcast %bitcast_convert_type3A_361 : vector<1024x1xf32> to vector<1024x1024xf32>
    %ge3A_515 = arith.cmpf oge, %ge3A_513, %ge3A_514 : vector<1024x1024xf32>
    %jit3A_516 = arith.constant 1.000000e+00 : f32
    %jit3A_517 = arith.constant 0.000000e+00 : f32
    %broadcast_in_dim3A_518 = vector.broadcast %jit3A_516 : f32 to vector<1024x1024xf32>
    %broadcast_in_dim3A_519 = vector.broadcast %jit3A_517 : f32 to vector<1024x1024xf32>
    %select_n3A_520 = arith.select %ge3A_515, %broadcast_in_dim3A_518, %broadcast_in_dim3A_519 : vector<1024x1024xi1>, vector<1024x1024xf32>
    %reduce_sum3A_521 = arith.constant dense<0.000000e+00> : vector<1024xf32>
    %reduce_sum3A_522 = vector.multi_reduction <add>, %select_n3A_520, %reduce_sum3A_521 [1] : vector<1024x1024xf32> to vector<1024xf32>
    %broadcast_in_dim3A_523 = vector.shape_cast %reduce_sum3A_522 : vector<1024xf32> to vector<1024x1xf32>
    %add3A_524 = arith.addf %add3A_505, %broadcast_in_dim3A_523 : vector<1024x1xf32>
    %reduce_sum3A_525 = arith.constant dense<0.000000e+00> : vector<1024xf32>
    %reduce_sum3A_526 = vector.multi_reduction <add>, %select_n3A_520, %reduce_sum3A_525 [0] : vector<1024x1024xf32> to vector<1024xf32>
    %broadcast_in_dim3A_527 = vector.shape_cast %reduce_sum3A_526 : vector<1024xf32> to vector<1x1024xf32>
    %add3A_528 = arith.addf %add3A_215, %broadcast_in_dim3A_527 : vector<1x1024xf32>
    %get3A_529 = arith.constant 9 : index
    %get3A_530 = arith.constant 0 : index
    %get3A_531 = vector.load %arg2[%get3A_529, %get3A_530] : memref<16x1024xf32, #tpu.memory_space<vmem>>, vector<1x1024xf32>
    %ge3A_532 = vector.broadcast %get3A_531 : vector<1x1024xf32> to vector<1024x1024xf32>
    %ge3A_533 = vector.broadcast %bitcast_convert_type3A_361 : vector<1024x1xf32> to vector<1024x1024xf32>
    %ge3A_534 = arith.cmpf oge, %ge3A_532, %ge3A_533 : vector<1024x1024xf32>
    %jit3A_535 = arith.constant 1.000000e+00 : f32
    %jit3A_536 = arith.constant 0.000000e+00 : f32
    %broadcast_in_dim3A_537 = vector.broadcast %jit3A_535 : f32 to vector<1024x1024xf32>
    %broadcast_in_dim3A_538 = vector.broadcast %jit3A_536 : f32 to vector<1024x1024xf32>
    %select_n3A_539 = arith.select %ge3A_534, %broadcast_in_dim3A_537, %broadcast_in_dim3A_538 : vector<1024x1024xi1>, vector<1024x1024xf32>
    %reduce_sum3A_540 = arith.constant dense<0.000000e+00> : vector<1024xf32>
    %reduce_sum3A_541 = vector.multi_reduction <add>, %select_n3A_539, %reduce_sum3A_540 [1] : vector<1024x1024xf32> to vector<1024xf32>
    %broadcast_in_dim3A_542 = vector.shape_cast %reduce_sum3A_541 : vector<1024xf32> to vector<1024x1xf32>
    %add3A_543 = arith.addf %add3A_524, %broadcast_in_dim3A_542 : vector<1024x1xf32>
    %reduce_sum3A_544 = arith.constant dense<0.000000e+00> : vector<1024xf32>
    %reduce_sum3A_545 = vector.multi_reduction <add>, %select_n3A_539, %reduce_sum3A_544 [0] : vector<1024x1024xf32> to vector<1024xf32>
    %broadcast_in_dim3A_546 = vector.shape_cast %reduce_sum3A_545 : vector<1024xf32> to vector<1x1024xf32>
    %add3A_547 = arith.addf %add3A_234, %broadcast_in_dim3A_546 : vector<1x1024xf32>
    %get3A_548 = arith.constant 10 : index
    %get3A_549 = arith.constant 0 : index
    %get3A_550 = vector.load %arg2[%get3A_548, %get3A_549] : memref<16x1024xf32, #tpu.memory_space<vmem>>, vector<1x1024xf32>
    %ge3A_551 = vector.broadcast %get3A_550 : vector<1x1024xf32> to vector<1024x1024xf32>
    %ge3A_552 = vector.broadcast %bitcast_convert_type3A_361 : vector<1024x1xf32> to vector<1024x1024xf32>
    %ge3A_553 = arith.cmpf oge, %ge3A_551, %ge3A_552 : vector<1024x1024xf32>
    %jit3A_554 = arith.constant 1.000000e+00 : f32
    %jit3A_555 = arith.constant 0.000000e+00 : f32
    %broadcast_in_dim3A_556 = vector.broadcast %jit3A_554 : f32 to vector<1024x1024xf32>
    %broadcast_in_dim3A_557 = vector.broadcast %jit3A_555 : f32 to vector<1024x1024xf32>
    %select_n3A_558 = arith.select %ge3A_553, %broadcast_in_dim3A_556, %broadcast_in_dim3A_557 : vector<1024x1024xi1>, vector<1024x1024xf32>
    %reduce_sum3A_559 = arith.constant dense<0.000000e+00> : vector<1024xf32>
    %reduce_sum3A_560 = vector.multi_reduction <add>, %select_n3A_558, %reduce_sum3A_559 [1] : vector<1024x1024xf32> to vector<1024xf32>
    %broadcast_in_dim3A_561 = vector.shape_cast %reduce_sum3A_560 : vector<1024xf32> to vector<1024x1xf32>
    %add3A_562 = arith.addf %add3A_543, %broadcast_in_dim3A_561 : vector<1024x1xf32>
    %reduce_sum3A_563 = arith.constant dense<0.000000e+00> : vector<1024xf32>
    %reduce_sum3A_564 = vector.multi_reduction <add>, %select_n3A_558, %reduce_sum3A_563 [0] : vector<1024x1024xf32> to vector<1024xf32>
    %broadcast_in_dim3A_565 = vector.shape_cast %reduce_sum3A_564 : vector<1024xf32> to vector<1x1024xf32>
    %add3A_566 = arith.addf %add3A_253, %broadcast_in_dim3A_565 : vector<1x1024xf32>
    %get3A_567 = arith.constant 11 : index
    %get3A_568 = arith.constant 0 : index
    %get3A_569 = vector.load %arg2[%get3A_567, %get3A_568] : memref<16x1024xf32, #tpu.memory_space<vmem>>, vector<1x1024xf32>
    %ge3A_570 = vector.broadcast %get3A_569 : vector<1x1024xf32> to vector<1024x1024xf32>
    %ge3A_571 = vector.broadcast %bitcast_convert_type3A_361 : vector<1024x1xf32> to vector<1024x1024xf32>
    %ge3A_572 = arith.cmpf oge, %ge3A_570, %ge3A_571 : vector<1024x1024xf32>
    %jit3A_573 = arith.constant 1.000000e+00 : f32
    %jit3A_574 = arith.constant 0.000000e+00 : f32
    %broadcast_in_dim3A_575 = vector.broadcast %jit3A_573 : f32 to vector<1024x1024xf32>
    %broadcast_in_dim3A_576 = vector.broadcast %jit3A_574 : f32 to vector<1024x1024xf32>
    %select_n3A_577 = arith.select %ge3A_572, %broadcast_in_dim3A_575, %broadcast_in_dim3A_576 : vector<1024x1024xi1>, vector<1024x1024xf32>
    %reduce_sum3A_578 = arith.constant dense<0.000000e+00> : vector<1024xf32>
    %reduce_sum3A_579 = vector.multi_reduction <add>, %select_n3A_577, %reduce_sum3A_578 [1] : vector<1024x1024xf32> to vector<1024xf32>
    %broadcast_in_dim3A_580 = vector.shape_cast %reduce_sum3A_579 : vector<1024xf32> to vector<1024x1xf32>
    %add3A_581 = arith.addf %add3A_562, %broadcast_in_dim3A_580 : vector<1024x1xf32>
    %reduce_sum3A_582 = arith.constant dense<0.000000e+00> : vector<1024xf32>
    %reduce_sum3A_583 = vector.multi_reduction <add>, %select_n3A_577, %reduce_sum3A_582 [0] : vector<1024x1024xf32> to vector<1024xf32>
    %broadcast_in_dim3A_584 = vector.shape_cast %reduce_sum3A_583 : vector<1024xf32> to vector<1x1024xf32>
    %add3A_585 = arith.addf %add3A_272, %broadcast_in_dim3A_584 : vector<1x1024xf32>
    %get3A_586 = arith.constant 12 : index
    %get3A_587 = arith.constant 0 : index
    %get3A_588 = vector.load %arg2[%get3A_586, %get3A_587] : memref<16x1024xf32, #tpu.memory_space<vmem>>, vector<1x1024xf32>
    %ge3A_589 = vector.broadcast %get3A_588 : vector<1x1024xf32> to vector<1024x1024xf32>
    %ge3A_590 = vector.broadcast %bitcast_convert_type3A_361 : vector<1024x1xf32> to vector<1024x1024xf32>
    %ge3A_591 = arith.cmpf oge, %ge3A_589, %ge3A_590 : vector<1024x1024xf32>
    %jit3A_592 = arith.constant 1.000000e+00 : f32
    %jit3A_593 = arith.constant 0.000000e+00 : f32
    %broadcast_in_dim3A_594 = vector.broadcast %jit3A_592 : f32 to vector<1024x1024xf32>
    %broadcast_in_dim3A_595 = vector.broadcast %jit3A_593 : f32 to vector<1024x1024xf32>
    %select_n3A_596 = arith.select %ge3A_591, %broadcast_in_dim3A_594, %broadcast_in_dim3A_595 : vector<1024x1024xi1>, vector<1024x1024xf32>
    %reduce_sum3A_597 = arith.constant dense<0.000000e+00> : vector<1024xf32>
    %reduce_sum3A_598 = vector.multi_reduction <add>, %select_n3A_596, %reduce_sum3A_597 [1] : vector<1024x1024xf32> to vector<1024xf32>
    %broadcast_in_dim3A_599 = vector.shape_cast %reduce_sum3A_598 : vector<1024xf32> to vector<1024x1xf32>
    %add3A_600 = arith.addf %add3A_581, %broadcast_in_dim3A_599 : vector<1024x1xf32>
    %reduce_sum3A_601 = arith.constant dense<0.000000e+00> : vector<1024xf32>
    %reduce_sum3A_602 = vector.multi_reduction <add>, %select_n3A_596, %reduce_sum3A_601 [0] : vector<1024x1024xf32> to vector<1024xf32>
    %broadcast_in_dim3A_603 = vector.shape_cast %reduce_sum3A_602 : vector<1024xf32> to vector<1x1024xf32>
    %add3A_604 = arith.addf %add3A_291, %broadcast_in_dim3A_603 : vector<1x1024xf32>
    %get3A_605 = arith.constant 13 : index
    %get3A_606 = arith.constant 0 : index
    %get3A_607 = vector.load %arg2[%get3A_605, %get3A_606] : memref<16x1024xf32, #tpu.memory_space<vmem>>, vector<1x1024xf32>
    %ge3A_608 = vector.broadcast %get3A_607 : vector<1x1024xf32> to vector<1024x1024xf32>
    %ge3A_609 = vector.broadcast %bitcast_convert_type3A_361 : vector<1024x1xf32> to vector<1024x1024xf32>
    %ge3A_610 = arith.cmpf oge, %ge3A_608, %ge3A_609 : vector<1024x1024xf32>
    %jit3A_611 = arith.constant 1.000000e+00 : f32
    %jit3A_612 = arith.constant 0.000000e+00 : f32
    %broadcast_in_dim3A_613 = vector.broadcast %jit3A_611 : f32 to vector<1024x1024xf32>
    %broadcast_in_dim3A_614 = vector.broadcast %jit3A_612 : f32 to vector<1024x1024xf32>
    %select_n3A_615 = arith.select %ge3A_610, %broadcast_in_dim3A_613, %broadcast_in_dim3A_614 : vector<1024x1024xi1>, vector<1024x1024xf32>
    %reduce_sum3A_616 = arith.constant dense<0.000000e+00> : vector<1024xf32>
    %reduce_sum3A_617 = vector.multi_reduction <add>, %select_n3A_615, %reduce_sum3A_616 [1] : vector<1024x1024xf32> to vector<1024xf32>
    %broadcast_in_dim3A_618 = vector.shape_cast %reduce_sum3A_617 : vector<1024xf32> to vector<1024x1xf32>
    %add3A_619 = arith.addf %add3A_600, %broadcast_in_dim3A_618 : vector<1024x1xf32>
    %reduce_sum3A_620 = arith.constant dense<0.000000e+00> : vector<1024xf32>
    %reduce_sum3A_621 = vector.multi_reduction <add>, %select_n3A_615, %reduce_sum3A_620 [0] : vector<1024x1024xf32> to vector<1024xf32>
    %broadcast_in_dim3A_622 = vector.shape_cast %reduce_sum3A_621 : vector<1024xf32> to vector<1x1024xf32>
    %add3A_623 = arith.addf %add3A_310, %broadcast_in_dim3A_622 : vector<1x1024xf32>
    %get3A_624 = arith.constant 14 : index
    %get3A_625 = arith.constant 0 : index
    %get3A_626 = vector.load %arg2[%get3A_624, %get3A_625] : memref<16x1024xf32, #tpu.memory_space<vmem>>, vector<1x1024xf32>
    %ge3A_627 = vector.broadcast %get3A_626 : vector<1x1024xf32> to vector<1024x1024xf32>
    %ge3A_628 = vector.broadcast %bitcast_convert_type3A_361 : vector<1024x1xf32> to vector<1024x1024xf32>
    %ge3A_629 = arith.cmpf oge, %ge3A_627, %ge3A_628 : vector<1024x1024xf32>
    %jit3A_630 = arith.constant 1.000000e+00 : f32
    %jit3A_631 = arith.constant 0.000000e+00 : f32
    %broadcast_in_dim3A_632 = vector.broadcast %jit3A_630 : f32 to vector<1024x1024xf32>
    %broadcast_in_dim3A_633 = vector.broadcast %jit3A_631 : f32 to vector<1024x1024xf32>
    %select_n3A_634 = arith.select %ge3A_629, %broadcast_in_dim3A_632, %broadcast_in_dim3A_633 : vector<1024x1024xi1>, vector<1024x1024xf32>
    %reduce_sum3A_635 = arith.constant dense<0.000000e+00> : vector<1024xf32>
    %reduce_sum3A_636 = vector.multi_reduction <add>, %select_n3A_634, %reduce_sum3A_635 [1] : vector<1024x1024xf32> to vector<1024xf32>
    %broadcast_in_dim3A_637 = vector.shape_cast %reduce_sum3A_636 : vector<1024xf32> to vector<1024x1xf32>
    %add3A_638 = arith.addf %add3A_619, %broadcast_in_dim3A_637 : vector<1024x1xf32>
    %reduce_sum3A_639 = arith.constant dense<0.000000e+00> : vector<1024xf32>
    %reduce_sum3A_640 = vector.multi_reduction <add>, %select_n3A_634, %reduce_sum3A_639 [0] : vector<1024x1024xf32> to vector<1024xf32>
    %broadcast_in_dim3A_641 = vector.shape_cast %reduce_sum3A_640 : vector<1024xf32> to vector<1x1024xf32>
    %add3A_642 = arith.addf %add3A_329, %broadcast_in_dim3A_641 : vector<1x1024xf32>
    %get3A_643 = arith.constant 15 : index
    %get3A_644 = arith.constant 0 : index
    %get3A_645 = vector.load %arg2[%get3A_643, %get3A_644] : memref<16x1024xf32, #tpu.memory_space<vmem>>, vector<1x1024xf32>
    %ge3A_646 = vector.broadcast %get3A_645 : vector<1x1024xf32> to vector<1024x1024xf32>
    %ge3A_647 = vector.broadcast %bitcast_convert_type3A_361 : vector<1024x1xf32> to vector<1024x1024xf32>
    %ge3A_648 = arith.cmpf oge, %ge3A_646, %ge3A_647 : vector<1024x1024xf32>
    %jit3A_649 = arith.constant 1.000000e+00 : f32
    %jit3A_650 = arith.constant 0.000000e+00 : f32
    %broadcast_in_dim3A_651 = vector.broadcast %jit3A_649 : f32 to vector<1024x1024xf32>
    %broadcast_in_dim3A_652 = vector.broadcast %jit3A_650 : f32 to vector<1024x1024xf32>
    %select_n3A_653 = arith.select %ge3A_648, %broadcast_in_dim3A_651, %broadcast_in_dim3A_652 : vector<1024x1024xi1>, vector<1024x1024xf32>
    %reduce_sum3A_654 = arith.constant dense<0.000000e+00> : vector<1024xf32>
    %reduce_sum3A_655 = vector.multi_reduction <add>, %select_n3A_653, %reduce_sum3A_654 [1] : vector<1024x1024xf32> to vector<1024xf32>
    %broadcast_in_dim3A_656 = vector.shape_cast %reduce_sum3A_655 : vector<1024xf32> to vector<1024x1xf32>
    %add3A_657 = arith.addf %add3A_638, %broadcast_in_dim3A_656 : vector<1024x1xf32>
    %reduce_sum3A_658 = arith.constant dense<0.000000e+00> : vector<1024xf32>
    %reduce_sum3A_659 = vector.multi_reduction <add>, %select_n3A_653, %reduce_sum3A_658 [0] : vector<1024x1024xf32> to vector<1024xf32>
    %broadcast_in_dim3A_660 = vector.shape_cast %reduce_sum3A_659 : vector<1024xf32> to vector<1x1024xf32>
    %add3A_661 = arith.addf %add3A_348, %broadcast_in_dim3A_660 : vector<1x1024xf32>
    %sub3A_662 = arith.constant 1.024000e+03 : f32
    %sub3A_663 = vector.broadcast %sub3A_662 : f32 to vector<1x1024xf32>
    %sub3A_664 = arith.subf %sub3A_663, %add3A_82 : vector<1x1024xf32>
    %reshape3A_665 = vector.shape_cast %sub3A_664 : vector<1x1024xf32> to vector<1024x1xf32>
    %add3A_666 = arith.addf %add3A_657, %reshape3A_665 : vector<1024x1xf32>
    %convert_element_type3A_667 = arith.fptosi %add3A_666 : vector<1024x1xf32> to vector<1024x1xi32>
    %swap3A_668 = arith.constant 1024 : index
    %swap3A_669 = arith.constant 0 : index
    %swap3A_670 = vector.load %arg3[%swap3A_668, %swap3A_669] : memref<16384x1xi32, #tpu.memory_space<vmem>>, vector<1024x1xi32>
    tpu.vector_store %arg3[%swap3A_668, %swap3A_669], %convert_element_type3A_667 {strides = array<i32>} : memref<16384x1xi32, #tpu.memory_space<vmem>>, vector<1024x1xi32>,
    %get3A_671 = arith.constant 2048 : index
    %get3A_672 = arith.constant 0 : index
    %get3A_673 = vector.load %arg1[%get3A_671, %get3A_672] : memref<16384x1xf32, #tpu.memory_space<vmem>>, vector<1024x1xf32>
    %bitcast_convert_type3A_674 = tpu.bitcast %get3A_673 : vector<1024x1xf32> -> vector<1024x1xi32>
    %add3A_675 = arith.constant 1 : i32
    %add3A_676 = vector.broadcast %add3A_675 : i32 to vector<1024x1xi32>
    %add3A_677 = arith.addi %bitcast_convert_type3A_674, %add3A_676 : vector<1024x1xi32>
    %bitcast_convert_type3A_678 = tpu.bitcast %add3A_677 : vector<1024x1xi32> -> vector<1024x1xf32>
    %get3A_679 = arith.constant 2 : index
    %get3A_680 = arith.constant 0 : index
    %get3A_681 = vector.load %arg2[%get3A_679, %get3A_680] : memref<16x1024xf32, #tpu.memory_space<vmem>>, vector<1x1024xf32>
    %iota3A_682 = tpu.iota {dimensions = array<i32: 0>} : vector<1024x1xi32>
    %add3A_683 = arith.constant 2048 : i32
    %add3A_684 = vector.broadcast %add3A_683 : i32 to vector<1024x1xi32>
    %add3A_685 = arith.addi %add3A_684, %iota3A_682 : vector<1024x1xi32>
    %iota3A_686 = tpu.iota {dimensions = array<i32: 1>} : vector<1x1024xi32>
    %add3A_687 = arith.constant 2048 : i32
    %add3A_688 = vector.broadcast %add3A_687 : i32 to vector<1x1024xi32>
    %add3A_689 = arith.addi %add3A_688, %iota3A_686 : vector<1x1024xi32>
    %ge3A_690 = vector.broadcast %get3A_681 : vector<1x1024xf32> to vector<1024x1024xf32>
    %ge3A_691 = vector.broadcast %get3A_673 : vector<1024x1xf32> to vector<1024x1024xf32>
    %ge3A_692 = arith.cmpf oge, %ge3A_690, %ge3A_691 : vector<1024x1024xf32>
    %jit3A_693 = arith.constant 1.000000e+00 : f32
    %jit3A_694 = arith.constant 0.000000e+00 : f32
    %broadcast_in_dim3A_695 = vector.broadcast %jit3A_693 : f32 to vector<1024x1024xf32>
    %broadcast_in_dim3A_696 = vector.broadcast %jit3A_694 : f32 to vector<1024x1024xf32>
    %select_n3A_697 = arith.select %ge3A_692, %broadcast_in_dim3A_695, %broadcast_in_dim3A_696 : vector<1024x1024xi1>, vector<1024x1024xf32>
    %ge3A_698 = vector.broadcast %get3A_681 : vector<1x1024xf32> to vector<1024x1024xf32>
    %ge3A_699 = vector.broadcast %bitcast_convert_type3A_678 : vector<1024x1xf32> to vector<1024x1024xf32>
    %ge3A_700 = arith.cmpf oge, %ge3A_698, %ge3A_699 : vector<1024x1024xf32>
    %jit3A_701 = arith.constant 1.000000e+00 : f32
    %jit3A_702 = arith.constant 0.000000e+00 : f32
    %broadcast_in_dim3A_703 = vector.broadcast %jit3A_701 : f32 to vector<1024x1024xf32>
    %broadcast_in_dim3A_704 = vector.broadcast %jit3A_702 : f32 to vector<1024x1024xf32>
    %select_n3A_705 = arith.select %ge3A_700, %broadcast_in_dim3A_703, %broadcast_in_dim3A_704 : vector<1024x1024xi1>, vector<1024x1024xf32>
    %lt3A_706 = vector.broadcast %add3A_689 : vector<1x1024xi32> to vector<1024x1024xi32>
    %lt3A_707 = vector.broadcast %add3A_685 : vector<1024x1xi32> to vector<1024x1024xi32>
    %lt3A_708 = arith.cmpi slt, %lt3A_706, %lt3A_707 : vector<1024x1024xi32>
    %select_n3A_709 = arith.select %lt3A_708, %select_n3A_697, %select_n3A_705 : vector<1024x1024xi1>, vector<1024x1024xf32>
    %reduce_sum3A_710 = arith.constant dense<0.000000e+00> : vector<1024xf32>
    %reduce_sum3A_711 = vector.multi_reduction <add>, %select_n3A_709, %reduce_sum3A_710 [1] : vector<1024x1024xf32> to vector<1024xf32>
    %broadcast_in_dim3A_712 = vector.shape_cast %reduce_sum3A_711 : vector<1024xf32> to vector<1024x1xf32>
    %get3A_713 = arith.constant 3 : index
    %get3A_714 = arith.constant 0 : index
    %get3A_715 = vector.load %arg2[%get3A_713, %get3A_714] : memref<16x1024xf32, #tpu.memory_space<vmem>>, vector<1x1024xf32>
    %ge3A_716 = vector.broadcast %get3A_715 : vector<1x1024xf32> to vector<1024x1024xf32>
    %ge3A_717 = vector.broadcast %bitcast_convert_type3A_678 : vector<1024x1xf32> to vector<1024x1024xf32>
    %ge3A_718 = arith.cmpf oge, %ge3A_716, %ge3A_717 : vector<1024x1024xf32>
    %jit3A_719 = arith.constant 1.000000e+00 : f32
    %jit3A_720 = arith.constant 0.000000e+00 : f32
    %broadcast_in_dim3A_721 = vector.broadcast %jit3A_719 : f32 to vector<1024x1024xf32>
    %broadcast_in_dim3A_722 = vector.broadcast %jit3A_720 : f32 to vector<1024x1024xf32>
    %select_n3A_723 = arith.select %ge3A_718, %broadcast_in_dim3A_721, %broadcast_in_dim3A_722 : vector<1024x1024xi1>, vector<1024x1024xf32>
    %reduce_sum3A_724 = arith.constant dense<0.000000e+00> : vector<1024xf32>
    %reduce_sum3A_725 = vector.multi_reduction <add>, %select_n3A_723, %reduce_sum3A_724 [1] : vector<1024x1024xf32> to vector<1024xf32>
    %broadcast_in_dim3A_726 = vector.shape_cast %reduce_sum3A_725 : vector<1024xf32> to vector<1024x1xf32>
    %add3A_727 = arith.addf %broadcast_in_dim3A_712, %broadcast_in_dim3A_726 : vector<1024x1xf32>
    %reduce_sum3A_728 = arith.constant dense<0.000000e+00> : vector<1024xf32>
    %reduce_sum3A_729 = vector.multi_reduction <add>, %select_n3A_723, %reduce_sum3A_728 [0] : vector<1024x1024xf32> to vector<1024xf32>
    %broadcast_in_dim3A_730 = vector.shape_cast %reduce_sum3A_729 : vector<1024xf32> to vector<1x1024xf32>
    %add3A_731 = arith.addf %add3A_433, %broadcast_in_dim3A_730 : vector<1x1024xf32>
    %get3A_732 = arith.constant 4 : index
    %get3A_733 = arith.constant 0 : index
    %get3A_734 = vector.load %arg2[%get3A_732, %get3A_733] : memref<16x1024xf32, #tpu.memory_space<vmem>>, vector<1x1024xf32>
    %ge3A_735 = vector.broadcast %get3A_734 : vector<1x1024xf32> to vector<1024x1024xf32>
    %ge3A_736 = vector.broadcast %bitcast_convert_type3A_678 : vector<1024x1xf32> to vector<1024x1024xf32>
    %ge3A_737 = arith.cmpf oge, %ge3A_735, %ge3A_736 : vector<1024x1024xf32>
    %jit3A_738 = arith.constant 1.000000e+00 : f32
    %jit3A_739 = arith.constant 0.000000e+00 : f32
    %broadcast_in_dim3A_740 = vector.broadcast %jit3A_738 : f32 to vector<1024x1024xf32>
    %broadcast_in_dim3A_741 = vector.broadcast %jit3A_739 : f32 to vector<1024x1024xf32>
    %select_n3A_742 = arith.select %ge3A_737, %broadcast_in_dim3A_740, %broadcast_in_dim3A_741 : vector<1024x1024xi1>, vector<1024x1024xf32>
    %reduce_sum3A_743 = arith.constant dense<0.000000e+00> : vector<1024xf32>
    %reduce_sum3A_744 = vector.multi_reduction <add>, %select_n3A_742, %reduce_sum3A_743 [1] : vector<1024x1024xf32> to vector<1024xf32>
    %broadcast_in_dim3A_745 = vector.shape_cast %reduce_sum3A_744 : vector<1024xf32> to vector<1024x1xf32>
    %add3A_746 = arith.addf %add3A_727, %broadcast_in_dim3A_745 : vector<1024x1xf32>
    %reduce_sum3A_747 = arith.constant dense<0.000000e+00> : vector<1024xf32>
    %reduce_sum3A_748 = vector.multi_reduction <add>, %select_n3A_742, %reduce_sum3A_747 [0] : vector<1024x1024xf32> to vector<1024xf32>
    %broadcast_in_dim3A_749 = vector.shape_cast %reduce_sum3A_748 : vector<1024xf32> to vector<1x1024xf32>
    %add3A_750 = arith.addf %add3A_452, %broadcast_in_dim3A_749 : vector<1x1024xf32>
    %get3A_751 = arith.constant 5 : index
    %get3A_752 = arith.constant 0 : index
    %get3A_753 = vector.load %arg2[%get3A_751, %get3A_752] : memref<16x1024xf32, #tpu.memory_space<vmem>>, vector<1x1024xf32>
    %ge3A_754 = vector.broadcast %get3A_753 : vector<1x1024xf32> to vector<1024x1024xf32>
    %ge3A_755 = vector.broadcast %bitcast_convert_type3A_678 : vector<1024x1xf32> to vector<1024x1024xf32>
    %ge3A_756 = arith.cmpf oge, %ge3A_754, %ge3A_755 : vector<1024x1024xf32>
    %jit3A_757 = arith.constant 1.000000e+00 : f32
    %jit3A_758 = arith.constant 0.000000e+00 : f32
    %broadcast_in_dim3A_759 = vector.broadcast %jit3A_757 : f32 to vector<1024x1024xf32>
    %broadcast_in_dim3A_760 = vector.broadcast %jit3A_758 : f32 to vector<1024x1024xf32>
    %select_n3A_761 = arith.select %ge3A_756, %broadcast_in_dim3A_759, %broadcast_in_dim3A_760 : vector<1024x1024xi1>, vector<1024x1024xf32>
    %reduce_sum3A_762 = arith.constant dense<0.000000e+00> : vector<1024xf32>
    %reduce_sum3A_763 = vector.multi_reduction <add>, %select_n3A_761, %reduce_sum3A_762 [1] : vector<1024x1024xf32> to vector<1024xf32>
    %broadcast_in_dim3A_764 = vector.shape_cast %reduce_sum3A_763 : vector<1024xf32> to vector<1024x1xf32>
    %add3A_765 = arith.addf %add3A_746, %broadcast_in_dim3A_764 : vector<1024x1xf32>
    %reduce_sum3A_766 = arith.constant dense<0.000000e+00> : vector<1024xf32>
    %reduce_sum3A_767 = vector.multi_reduction <add>, %select_n3A_761, %reduce_sum3A_766 [0] : vector<1024x1024xf32> to vector<1024xf32>
    %broadcast_in_dim3A_768 = vector.shape_cast %reduce_sum3A_767 : vector<1024xf32> to vector<1x1024xf32>
    %add3A_769 = arith.addf %add3A_471, %broadcast_in_dim3A_768 : vector<1x1024xf32>
    %get3A_770 = arith.constant 6 : index
    %get3A_771 = arith.constant 0 : index
    %get3A_772 = vector.load %arg2[%get3A_770, %get3A_771] : memref<16x1024xf32, #tpu.memory_space<vmem>>, vector<1x1024xf32>
    %ge3A_773 = vector.broadcast %get3A_772 : vector<1x1024xf32> to vector<1024x1024xf32>
    %ge3A_774 = vector.broadcast %bitcast_convert_type3A_678 : vector<1024x1xf32> to vector<1024x1024xf32>
    %ge3A_775 = arith.cmpf oge, %ge3A_773, %ge3A_774 : vector<1024x1024xf32>
    %jit3A_776 = arith.constant 1.000000e+00 : f32
    %jit3A_777 = arith.constant 0.000000e+00 : f32
    %broadcast_in_dim3A_778 = vector.broadcast %jit3A_776 : f32 to vector<1024x1024xf32>
    %broadcast_in_dim3A_779 = vector.broadcast %jit3A_777 : f32 to vector<1024x1024xf32>
    %select_n3A_780 = arith.select %ge3A_775, %broadcast_in_dim3A_778, %broadcast_in_dim3A_779 : vector<1024x1024xi1>, vector<1024x1024xf32>
    %reduce_sum3A_781 = arith.constant dense<0.000000e+00> : vector<1024xf32>
    %reduce_sum3A_782 = vector.multi_reduction <add>, %select_n3A_780, %reduce_sum3A_781 [1] : vector<1024x1024xf32> to vector<1024xf32>
    %broadcast_in_dim3A_783 = vector.shape_cast %reduce_sum3A_782 : vector<1024xf32> to vector<1024x1xf32>
    %add3A_784 = arith.addf %add3A_765, %broadcast_in_dim3A_783 : vector<1024x1xf32>
    %reduce_sum3A_785 = arith.constant dense<0.000000e+00> : vector<1024xf32>
    %reduce_sum3A_786 = vector.multi_reduction <add>, %select_n3A_780, %reduce_sum3A_785 [0] : vector<1024x1024xf32> to vector<1024xf32>
    %broadcast_in_dim3A_787 = vector.shape_cast %reduce_sum3A_786 : vector<1024xf32> to vector<1x1024xf32>
    %add3A_788 = arith.addf %add3A_490, %broadcast_in_dim3A_787 : vector<1x1024xf32>
    %get3A_789 = arith.constant 7 : index
    %get3A_790 = arith.constant 0 : index
    %get3A_791 = vector.load %arg2[%get3A_789, %get3A_790] : memref<16x1024xf32, #tpu.memory_space<vmem>>, vector<1x1024xf32>
    %ge3A_792 = vector.broadcast %get3A_791 : vector<1x1024xf32> to vector<1024x1024xf32>
    %ge3A_793 = vector.broadcast %bitcast_convert_type3A_678 : vector<1024x1xf32> to vector<1024x1024xf32>
    %ge3A_794 = arith.cmpf oge, %ge3A_792, %ge3A_793 : vector<1024x1024xf32>
    %jit3A_795 = arith.constant 1.000000e+00 : f32
    %jit3A_796 = arith.constant 0.000000e+00 : f32
    %broadcast_in_dim3A_797 = vector.broadcast %jit3A_795 : f32 to vector<1024x1024xf32>
    %broadcast_in_dim3A_798 = vector.broadcast %jit3A_796 : f32 to vector<1024x1024xf32>
    %select_n3A_799 = arith.select %ge3A_794, %broadcast_in_dim3A_797, %broadcast_in_dim3A_798 : vector<1024x1024xi1>, vector<1024x1024xf32>
    %reduce_sum3A_800 = arith.constant dense<0.000000e+00> : vector<1024xf32>
    %reduce_sum3A_801 = vector.multi_reduction <add>, %select_n3A_799, %reduce_sum3A_800 [1] : vector<1024x1024xf32> to vector<1024xf32>
    %broadcast_in_dim3A_802 = vector.shape_cast %reduce_sum3A_801 : vector<1024xf32> to vector<1024x1xf32>
    %add3A_803 = arith.addf %add3A_784, %broadcast_in_dim3A_802 : vector<1024x1xf32>
    %reduce_sum3A_804 = arith.constant dense<0.000000e+00> : vector<1024xf32>
    %reduce_sum3A_805 = vector.multi_reduction <add>, %select_n3A_799, %reduce_sum3A_804 [0] : vector<1024x1024xf32> to vector<1024xf32>
    %broadcast_in_dim3A_806 = vector.shape_cast %reduce_sum3A_805 : vector<1024xf32> to vector<1x1024xf32>
    %add3A_807 = arith.addf %add3A_509, %broadcast_in_dim3A_806 : vector<1x1024xf32>
    %get3A_808 = arith.constant 8 : index
    %get3A_809 = arith.constant 0 : index
    %get3A_810 = vector.load %arg2[%get3A_808, %get3A_809] : memref<16x1024xf32, #tpu.memory_space<vmem>>, vector<1x1024xf32>
    %ge3A_811 = vector.broadcast %get3A_810 : vector<1x1024xf32> to vector<1024x1024xf32>
    %ge3A_812 = vector.broadcast %bitcast_convert_type3A_678 : vector<1024x1xf32> to vector<1024x1024xf32>
    %ge3A_813 = arith.cmpf oge, %ge3A_811, %ge3A_812 : vector<1024x1024xf32>
    %jit3A_814 = arith.constant 1.000000e+00 : f32
    %jit3A_815 = arith.constant 0.000000e+00 : f32
    %broadcast_in_dim3A_816 = vector.broadcast %jit3A_814 : f32 to vector<1024x1024xf32>
    %broadcast_in_dim3A_817 = vector.broadcast %jit3A_815 : f32 to vector<1024x1024xf32>
    %select_n3A_818 = arith.select %ge3A_813, %broadcast_in_dim3A_816, %broadcast_in_dim3A_817 : vector<1024x1024xi1>, vector<1024x1024xf32>
    %reduce_sum3A_819 = arith.constant dense<0.000000e+00> : vector<1024xf32>
    %reduce_sum3A_820 = vector.multi_reduction <add>, %select_n3A_818, %reduce_sum3A_819 [1] : vector<1024x1024xf32> to vector<1024xf32>
    %broadcast_in_dim3A_821 = vector.shape_cast %reduce_sum3A_820 : vector<1024xf32> to vector<1024x1xf32>
    %add3A_822 = arith.addf %add3A_803, %broadcast_in_dim3A_821 : vector<1024x1xf32>
    %reduce_sum3A_823 = arith.constant dense<0.000000e+00> : vector<1024xf32>
    %reduce_sum3A_824 = vector.multi_reduction <add>, %select_n3A_818, %reduce_sum3A_823 [0] : vector<1024x1024xf32> to vector<1024xf32>
    %broadcast_in_dim3A_825 = vector.shape_cast %reduce_sum3A_824 : vector<1024xf32> to vector<1x1024xf32>
    %add3A_826 = arith.addf %add3A_528, %broadcast_in_dim3A_825 : vector<1x1024xf32>
    %get3A_827 = arith.constant 9 : index
    %get3A_828 = arith.constant 0 : index
    %get3A_829 = vector.load %arg2[%get3A_827, %get3A_828] : memref<16x1024xf32, #tpu.memory_space<vmem>>, vector<1x1024xf32>
    %ge3A_830 = vector.broadcast %get3A_829 : vector<1x1024xf32> to vector<1024x1024xf32>
    %ge3A_831 = vector.broadcast %bitcast_convert_type3A_678 : vector<1024x1xf32> to vector<1024x1024xf32>
    %ge3A_832 = arith.cmpf oge, %ge3A_830, %ge3A_831 : vector<1024x1024xf32>
    %jit3A_833 = arith.constant 1.000000e+00 : f32
    %jit3A_834 = arith.constant 0.000000e+00 : f32
    %broadcast_in_dim3A_835 = vector.broadcast %jit3A_833 : f32 to vector<1024x1024xf32>
    %broadcast_in_dim3A_836 = vector.broadcast %jit3A_834 : f32 to vector<1024x1024xf32>
    %select_n3A_837 = arith.select %ge3A_832, %broadcast_in_dim3A_835, %broadcast_in_dim3A_836 : vector<1024x1024xi1>, vector<1024x1024xf32>
    %reduce_sum3A_838 = arith.constant dense<0.000000e+00> : vector<1024xf32>
    %reduce_sum3A_839 = vector.multi_reduction <add>, %select_n3A_837, %reduce_sum3A_838 [1] : vector<1024x1024xf32> to vector<1024xf32>
    %broadcast_in_dim3A_840 = vector.shape_cast %reduce_sum3A_839 : vector<1024xf32> to vector<1024x1xf32>
    %add3A_841 = arith.addf %add3A_822, %broadcast_in_dim3A_840 : vector<1024x1xf32>
    %reduce_sum3A_842 = arith.constant dense<0.000000e+00> : vector<1024xf32>
    %reduce_sum3A_843 = vector.multi_reduction <add>, %select_n3A_837, %reduce_sum3A_842 [0] : vector<1024x1024xf32> to vector<1024xf32>
    %broadcast_in_dim3A_844 = vector.shape_cast %reduce_sum3A_843 : vector<1024xf32> to vector<1x1024xf32>
    %add3A_845 = arith.addf %add3A_547, %broadcast_in_dim3A_844 : vector<1x1024xf32>
    %get3A_846 = arith.constant 10 : index
    %get3A_847 = arith.constant 0 : index
    %get3A_848 = vector.load %arg2[%get3A_846, %get3A_847] : memref<16x1024xf32, #tpu.memory_space<vmem>>, vector<1x1024xf32>
    %ge3A_849 = vector.broadcast %get3A_848 : vector<1x1024xf32> to vector<1024x1024xf32>
    %ge3A_850 = vector.broadcast %bitcast_convert_type3A_678 : vector<1024x1xf32> to vector<1024x1024xf32>
    %ge3A_851 = arith.cmpf oge, %ge3A_849, %ge3A_850 : vector<1024x1024xf32>
    %jit3A_852 = arith.constant 1.000000e+00 : f32
    %jit3A_853 = arith.constant 0.000000e+00 : f32
    %broadcast_in_dim3A_854 = vector.broadcast %jit3A_852 : f32 to vector<1024x1024xf32>
    %broadcast_in_dim3A_855 = vector.broadcast %jit3A_853 : f32 to vector<1024x1024xf32>
    %select_n3A_856 = arith.select %ge3A_851, %broadcast_in_dim3A_854, %broadcast_in_dim3A_855 : vector<1024x1024xi1>, vector<1024x1024xf32>
    %reduce_sum3A_857 = arith.constant dense<0.000000e+00> : vector<1024xf32>
    %reduce_sum3A_858 = vector.multi_reduction <add>, %select_n3A_856, %reduce_sum3A_857 [1] : vector<1024x1024xf32> to vector<1024xf32>
    %broadcast_in_dim3A_859 = vector.shape_cast %reduce_sum3A_858 : vector<1024xf32> to vector<1024x1xf32>
    %add3A_860 = arith.addf %add3A_841, %broadcast_in_dim3A_859 : vector<1024x1xf32>
    %reduce_sum3A_861 = arith.constant dense<0.000000e+00> : vector<1024xf32>
    %reduce_sum3A_862 = vector.multi_reduction <add>, %select_n3A_856, %reduce_sum3A_861 [0] : vector<1024x1024xf32> to vector<1024xf32>
    %broadcast_in_dim3A_863 = vector.shape_cast %reduce_sum3A_862 : vector<1024xf32> to vector<1x1024xf32>
    %add3A_864 = arith.addf %add3A_566, %broadcast_in_dim3A_863 : vector<1x1024xf32>
    %get3A_865 = arith.constant 11 : index
    %get3A_866 = arith.constant 0 : index
    %get3A_867 = vector.load %arg2[%get3A_865, %get3A_866] : memref<16x1024xf32, #tpu.memory_space<vmem>>, vector<1x1024xf32>
    %ge3A_868 = vector.broadcast %get3A_867 : vector<1x1024xf32> to vector<1024x1024xf32>
    %ge3A_869 = vector.broadcast %bitcast_convert_type3A_678 : vector<1024x1xf32> to vector<1024x1024xf32>
    %ge3A_870 = arith.cmpf oge, %ge3A_868, %ge3A_869 : vector<1024x1024xf32>
    %jit3A_871 = arith.constant 1.000000e+00 : f32
    %jit3A_872 = arith.constant 0.000000e+00 : f32
    %broadcast_in_dim3A_873 = vector.broadcast %jit3A_871 : f32 to vector<1024x1024xf32>
    %broadcast_in_dim3A_874 = vector.broadcast %jit3A_872 : f32 to vector<1024x1024xf32>
    %select_n3A_875 = arith.select %ge3A_870, %broadcast_in_dim3A_873, %broadcast_in_dim3A_874 : vector<1024x1024xi1>, vector<1024x1024xf32>
    %reduce_sum3A_876 = arith.constant dense<0.000000e+00> : vector<1024xf32>
    %reduce_sum3A_877 = vector.multi_reduction <add>, %select_n3A_875, %reduce_sum3A_876 [1] : vector<1024x1024xf32> to vector<1024xf32>
    %broadcast_in_dim3A_878 = vector.shape_cast %reduce_sum3A_877 : vector<1024xf32> to vector<1024x1xf32>
    %add3A_879 = arith.addf %add3A_860, %broadcast_in_dim3A_878 : vector<1024x1xf32>
    %reduce_sum3A_880 = arith.constant dense<0.000000e+00> : vector<1024xf32>
    %reduce_sum3A_881 = vector.multi_reduction <add>, %select_n3A_875, %reduce_sum3A_880 [0] : vector<1024x1024xf32> to vector<1024xf32>
    %broadcast_in_dim3A_882 = vector.shape_cast %reduce_sum3A_881 : vector<1024xf32> to vector<1x1024xf32>
    %add3A_883 = arith.addf %add3A_585, %broadcast_in_dim3A_882 : vector<1x1024xf32>
    %get3A_884 = arith.constant 12 : index
    %get3A_885 = arith.constant 0 : index
    %get3A_886 = vector.load %arg2[%get3A_884, %get3A_885] : memref<16x1024xf32, #tpu.memory_space<vmem>>, vector<1x1024xf32>
    %ge3A_887 = vector.broadcast %get3A_886 : vector<1x1024xf32> to vector<1024x1024xf32>
    %ge3A_888 = vector.broadcast %bitcast_convert_type3A_678 : vector<1024x1xf32> to vector<1024x1024xf32>
    %ge3A_889 = arith.cmpf oge, %ge3A_887, %ge3A_888 : vector<1024x1024xf32>
    %jit3A_890 = arith.constant 1.000000e+00 : f32
    %jit3A_891 = arith.constant 0.000000e+00 : f32
    %broadcast_in_dim3A_892 = vector.broadcast %jit3A_890 : f32 to vector<1024x1024xf32>
    %broadcast_in_dim3A_893 = vector.broadcast %jit3A_891 : f32 to vector<1024x1024xf32>
    %select_n3A_894 = arith.select %ge3A_889, %broadcast_in_dim3A_892, %broadcast_in_dim3A_893 : vector<1024x1024xi1>, vector<1024x1024xf32>
    %reduce_sum3A_895 = arith.constant dense<0.000000e+00> : vector<1024xf32>
    %reduce_sum3A_896 = vector.multi_reduction <add>, %select_n3A_894, %reduce_sum3A_895 [1] : vector<1024x1024xf32> to vector<1024xf32>
    %broadcast_in_dim3A_897 = vector.shape_cast %reduce_sum3A_896 : vector<1024xf32> to vector<1024x1xf32>
    %add3A_898 = arith.addf %add3A_879, %broadcast_in_dim3A_897 : vector<1024x1xf32>
    %reduce_sum3A_899 = arith.constant dense<0.000000e+00> : vector<1024xf32>
    %reduce_sum3A_900 = vector.multi_reduction <add>, %select_n3A_894, %reduce_sum3A_899 [0] : vector<1024x1024xf32> to vector<1024xf32>
    %broadcast_in_dim3A_901 = vector.shape_cast %reduce_sum3A_900 : vector<1024xf32> to vector<1x1024xf32>
    %add3A_902 = arith.addf %add3A_604, %broadcast_in_dim3A_901 : vector<1x1024xf32>
    %get3A_903 = arith.constant 13 : index
    %get3A_904 = arith.constant 0 : index
    %get3A_905 = vector.load %arg2[%get3A_903, %get3A_904] : memref<16x1024xf32, #tpu.memory_space<vmem>>, vector<1x1024xf32>
    %ge3A_906 = vector.broadcast %get3A_905 : vector<1x1024xf32> to vector<1024x1024xf32>
    %ge3A_907 = vector.broadcast %bitcast_convert_type3A_678 : vector<1024x1xf32> to vector<1024x1024xf32>
    %ge3A_908 = arith.cmpf oge, %ge3A_906, %ge3A_907 : vector<1024x1024xf32>
    %jit3A_909 = arith.constant 1.000000e+00 : f32
    %jit3A_910 = arith.constant 0.000000e+00 : f32
    %broadcast_in_dim3A_911 = vector.broadcast %jit3A_909 : f32 to vector<1024x1024xf32>
    %broadcast_in_dim3A_912 = vector.broadcast %jit3A_910 : f32 to vector<1024x1024xf32>
    %select_n3A_913 = arith.select %ge3A_908, %broadcast_in_dim3A_911, %broadcast_in_dim3A_912 : vector<1024x1024xi1>, vector<1024x1024xf32>
    %reduce_sum3A_914 = arith.constant dense<0.000000e+00> : vector<1024xf32>
    %reduce_sum3A_915 = vector.multi_reduction <add>, %select_n3A_913, %reduce_sum3A_914 [1] : vector<1024x1024xf32> to vector<1024xf32>
    %broadcast_in_dim3A_916 = vector.shape_cast %reduce_sum3A_915 : vector<1024xf32> to vector<1024x1xf32>
    %add3A_917 = arith.addf %add3A_898, %broadcast_in_dim3A_916 : vector<1024x1xf32>
    %reduce_sum3A_918 = arith.constant dense<0.000000e+00> : vector<1024xf32>
    %reduce_sum3A_919 = vector.multi_reduction <add>, %select_n3A_913, %reduce_sum3A_918 [0] : vector<1024x1024xf32> to vector<1024xf32>
    %broadcast_in_dim3A_920 = vector.shape_cast %reduce_sum3A_919 : vector<1024xf32> to vector<1x1024xf32>
    %add3A_921 = arith.addf %add3A_623, %broadcast_in_dim3A_920 : vector<1x1024xf32>
    %get3A_922 = arith.constant 14 : index
    %get3A_923 = arith.constant 0 : index
    %get3A_924 = vector.load %arg2[%get3A_922, %get3A_923] : memref<16x1024xf32, #tpu.memory_space<vmem>>, vector<1x1024xf32>
    %ge3A_925 = vector.broadcast %get3A_924 : vector<1x1024xf32> to vector<1024x1024xf32>
    %ge3A_926 = vector.broadcast %bitcast_convert_type3A_678 : vector<1024x1xf32> to vector<1024x1024xf32>
    %ge3A_927 = arith.cmpf oge, %ge3A_925, %ge3A_926 : vector<1024x1024xf32>
    %jit3A_928 = arith.constant 1.000000e+00 : f32
    %jit3A_929 = arith.constant 0.000000e+00 : f32
    %broadcast_in_dim3A_930 = vector.broadcast %jit3A_928 : f32 to vector<1024x1024xf32>
    %broadcast_in_dim3A_931 = vector.broadcast %jit3A_929 : f32 to vector<1024x1024xf32>
    %select_n3A_932 = arith.select %ge3A_927, %broadcast_in_dim3A_930, %broadcast_in_dim3A_931 : vector<1024x1024xi1>, vector<1024x1024xf32>
    %reduce_sum3A_933 = arith.constant dense<0.000000e+00> : vector<1024xf32>
    %reduce_sum3A_934 = vector.multi_reduction <add>, %select_n3A_932, %reduce_sum3A_933 [1] : vector<1024x1024xf32> to vector<1024xf32>
    %broadcast_in_dim3A_935 = vector.shape_cast %reduce_sum3A_934 : vector<1024xf32> to vector<1024x1xf32>
    %add3A_936 = arith.addf %add3A_917, %broadcast_in_dim3A_935 : vector<1024x1xf32>
    %reduce_sum3A_937 = arith.constant dense<0.000000e+00> : vector<1024xf32>
    %reduce_sum3A_938 = vector.multi_reduction <add>, %select_n3A_932, %reduce_sum3A_937 [0] : vector<1024x1024xf32> to vector<1024xf32>
    %broadcast_in_dim3A_939 = vector.shape_cast %reduce_sum3A_938 : vector<1024xf32> to vector<1x1024xf32>
    %add3A_940 = arith.addf %add3A_642, %broadcast_in_dim3A_939 : vector<1x1024xf32>
    %get3A_941 = arith.constant 15 : index
    %get3A_942 = arith.constant 0 : index
    %get3A_943 = vector.load %arg2[%get3A_941, %get3A_942] : memref<16x1024xf32, #tpu.memory_space<vmem>>, vector<1x1024xf32>
    %ge3A_944 = vector.broadcast %get3A_943 : vector<1x1024xf32> to vector<1024x1024xf32>
    %ge3A_945 = vector.broadcast %bitcast_convert_type3A_678 : vector<1024x1xf32> to vector<1024x1024xf32>
    %ge3A_946 = arith.cmpf oge, %ge3A_944, %ge3A_945 : vector<1024x1024xf32>
    %jit3A_947 = arith.constant 1.000000e+00 : f32
    %jit3A_948 = arith.constant 0.000000e+00 : f32
    %broadcast_in_dim3A_949 = vector.broadcast %jit3A_947 : f32 to vector<1024x1024xf32>
    %broadcast_in_dim3A_950 = vector.broadcast %jit3A_948 : f32 to vector<1024x1024xf32>
    %select_n3A_951 = arith.select %ge3A_946, %broadcast_in_dim3A_949, %broadcast_in_dim3A_950 : vector<1024x1024xi1>, vector<1024x1024xf32>
    %reduce_sum3A_952 = arith.constant dense<0.000000e+00> : vector<1024xf32>
    %reduce_sum3A_953 = vector.multi_reduction <add>, %select_n3A_951, %reduce_sum3A_952 [1] : vector<1024x1024xf32> to vector<1024xf32>
    %broadcast_in_dim3A_954 = vector.shape_cast %reduce_sum3A_953 : vector<1024xf32> to vector<1024x1xf32>
    %add3A_955 = arith.addf %add3A_936, %broadcast_in_dim3A_954 : vector<1024x1xf32>
    %reduce_sum3A_956 = arith.constant dense<0.000000e+00> : vector<1024xf32>
    %reduce_sum3A_957 = vector.multi_reduction <add>, %select_n3A_951, %reduce_sum3A_956 [0] : vector<1024x1024xf32> to vector<1024xf32>
    %broadcast_in_dim3A_958 = vector.shape_cast %reduce_sum3A_957 : vector<1024xf32> to vector<1x1024xf32>
    %add3A_959 = arith.addf %add3A_661, %broadcast_in_dim3A_958 : vector<1x1024xf32>
    %sub3A_960 = arith.constant 2.048000e+03 : f32
    %sub3A_961 = vector.broadcast %sub3A_960 : f32 to vector<1x1024xf32>
    %sub3A_962 = arith.subf %sub3A_961, %add3A_414 : vector<1x1024xf32>
    %reshape3A_963 = vector.shape_cast %sub3A_962 : vector<1x1024xf32> to vector<1024x1xf32>
    %add3A_964 = arith.addf %add3A_955, %reshape3A_963 : vector<1024x1xf32>
    %convert_element_type3A_965 = arith.fptosi %add3A_964 : vector<1024x1xf32> to vector<1024x1xi32>
    %swap3A_966 = arith.constant 2048 : index
    %swap3A_967 = arith.constant 0 : index
    %swap3A_968 = vector.load %arg3[%swap3A_966, %swap3A_967] : memref<16384x1xi32, #tpu.memory_space<vmem>>, vector<1024x1xi32>
    tpu.vector_store %arg3[%swap3A_966, %swap3A_967], %convert_element_type3A_965 {strides = array<i32>} : memref<16384x1xi32, #tpu.memory_space<vmem>>, vector<1024x1xi32>,
    %get3A_969 = arith.constant 3072 : index
    %get3A_970 = arith.constant 0 : index
    %get3A_971 = vector.load %arg1[%get3A_969, %get3A_970] : memref<16384x1xf32, #tpu.memory_space<vmem>>, vector<1024x1xf32>
    %bitcast_convert_type3A_972 = tpu.bitcast %get3A_971 : vector<1024x1xf32> -> vector<1024x1xi32>
    %add3A_973 = arith.constant 1 : i32
    %add3A_974 = vector.broadcast %add3A_973 : i32 to vector<1024x1xi32>
    %add3A_975 = arith.addi %bitcast_convert_type3A_972, %add3A_974 : vector<1024x1xi32>
    %bitcast_convert_type3A_976 = tpu.bitcast %add3A_975 : vector<1024x1xi32> -> vector<1024x1xf32>
    %get3A_977 = arith.constant 3 : index
    %get3A_978 = arith.constant 0 : index
    %get3A_979 = vector.load %arg2[%get3A_977, %get3A_978] : memref<16x1024xf32, #tpu.memory_space<vmem>>, vector<1x1024xf32>
    %iota3A_980 = tpu.iota {dimensions = array<i32: 0>} : vector<1024x1xi32>
    %add3A_981 = arith.constant 3072 : i32
    %add3A_982 = vector.broadcast %add3A_981 : i32 to vector<1024x1xi32>
    %add3A_983 = arith.addi %add3A_982, %iota3A_980 : vector<1024x1xi32>
    %iota3A_984 = tpu.iota {dimensions = array<i32: 1>} : vector<1x1024xi32>
    %add3A_985 = arith.constant 3072 : i32
    %add3A_986 = vector.broadcast %add3A_985 : i32 to vector<1x1024xi32>
    %add3A_987 = arith.addi %add3A_986, %iota3A_984 : vector<1x1024xi32>
    %ge3A_988 = vector.broadcast %get3A_979 : vector<1x1024xf32> to vector<1024x1024xf32>
    %ge3A_989 = vector.broadcast %get3A_971 : vector<1024x1xf32> to vector<1024x1024xf32>
    %ge3A_990 = arith.cmpf oge, %ge3A_988, %ge3A_989 : vector<1024x1024xf32>
    %jit3A_991 = arith.constant 1.000000e+00 : f32
    %jit3A_992 = arith.constant 0.000000e+00 : f32
    %broadcast_in_dim3A_993 = vector.broadcast %jit3A_991 : f32 to vector<1024x1024xf32>
    %broadcast_in_dim3A_994 = vector.broadcast %jit3A_992 : f32 to vector<1024x1024xf32>
    %select_n3A_995 = arith.select %ge3A_990, %broadcast_in_dim3A_993, %broadcast_in_dim3A_994 : vector<1024x1024xi1>, vector<1024x1024xf32>
    %ge3A_996 = vector.broadcast %get3A_979 : vector<1x1024xf32> to vector<1024x1024xf32>
    %ge3A_997 = vector.broadcast %bitcast_convert_type3A_976 : vector<1024x1xf32> to vector<1024x1024xf32>
    %ge3A_998 = arith.cmpf oge, %ge3A_996, %ge3A_997 : vector<1024x1024xf32>
    %jit3A_999 = arith.constant 1.000000e+00 : f32
    %jit3A_1000 = arith.constant 0.000000e+00 : f32
    %broadcast_in_dim3A_1001 = vector.broadcast %jit3A_999 : f32 to vector<1024x1024xf32>
    %broadcast_in_dim3A_1002 = vector.broadcast %jit3A_1000 : f32 to vector<1024x1024xf32>
    %select_n3A_1003 = arith.select %ge3A_998, %broadcast_in_dim3A_1001, %broadcast_in_dim3A_1002 : vector<1024x1024xi1>, vector<1024x1024xf32>
    %lt3A_1004 = vector.broadcast %add3A_987 : vector<1x1024xi32> to vector<1024x1024xi32>
    %lt3A_1005 = vector.broadcast %add3A_983 : vector<1024x1xi32> to vector<1024x1024xi32>
    %lt3A_1006 = arith.cmpi slt, %lt3A_1004, %lt3A_1005 : vector<1024x1024xi32>
    %select_n3A_1007 = arith.select %lt3A_1006, %select_n3A_995, %select_n3A_1003 : vector<1024x1024xi1>, vector<1024x1024xf32>
    %reduce_sum3A_1008 = arith.constant dense<0.000000e+00> : vector<1024xf32>
    %reduce_sum3A_1009 = vector.multi_reduction <add>, %select_n3A_1007, %reduce_sum3A_1008 [1] : vector<1024x1024xf32> to vector<1024xf32>
    %broadcast_in_dim3A_1010 = vector.shape_cast %reduce_sum3A_1009 : vector<1024xf32> to vector<1024x1xf32>
    %get3A_1011 = arith.constant 4 : index
    %get3A_1012 = arith.constant 0 : index
    %get3A_1013 = vector.load %arg2[%get3A_1011, %get3A_1012] : memref<16x1024xf32, #tpu.memory_space<vmem>>, vector<1x1024xf32>
    %ge3A_1014 = vector.broadcast %get3A_1013 : vector<1x1024xf32> to vector<1024x1024xf32>
    %ge3A_1015 = vector.broadcast %bitcast_convert_type3A_976 : vector<1024x1xf32> to vector<1024x1024xf32>
    %ge3A_1016 = arith.cmpf oge, %ge3A_1014, %ge3A_1015 : vector<1024x1024xf32>
    %jit3A_1017 = arith.constant 1.000000e+00 : f32
    %jit3A_1018 = arith.constant 0.000000e+00 : f32
    %broadcast_in_dim3A_1019 = vector.broadcast %jit3A_1017 : f32 to vector<1024x1024xf32>
    %broadcast_in_dim3A_1020 = vector.broadcast %jit3A_1018 : f32 to vector<1024x1024xf32>
    %select_n3A_1021 = arith.select %ge3A_1016, %broadcast_in_dim3A_1019, %broadcast_in_dim3A_1020 : vector<1024x1024xi1>, vector<1024x1024xf32>
    %reduce_sum3A_1022 = arith.constant dense<0.000000e+00> : vector<1024xf32>
    %reduce_sum3A_1023 = vector.multi_reduction <add>, %select_n3A_1021, %reduce_sum3A_1022 [1] : vector<1024x1024xf32> to vector<1024xf32>
    %broadcast_in_dim3A_1024 = vector.shape_cast %reduce_sum3A_1023 : vector<1024xf32> to vector<1024x1xf32>
    %add3A_1025 = arith.addf %broadcast_in_dim3A_1010, %broadcast_in_dim3A_1024 : vector<1024x1xf32>
    %reduce_sum3A_1026 = arith.constant dense<0.000000e+00> : vector<1024xf32>
    %reduce_sum3A_1027 = vector.multi_reduction <add>, %select_n3A_1021, %reduce_sum3A_1026 [0] : vector<1024x1024xf32> to vector<1024xf32>
    %broadcast_in_dim3A_1028 = vector.shape_cast %reduce_sum3A_1027 : vector<1024xf32> to vector<1x1024xf32>
    %add3A_1029 = arith.addf %add3A_750, %broadcast_in_dim3A_1028 : vector<1x1024xf32>
    %get3A_1030 = arith.constant 5 : index
    %get3A_1031 = arith.constant 0 : index
    %get3A_1032 = vector.load %arg2[%get3A_1030, %get3A_1031] : memref<16x1024xf32, #tpu.memory_space<vmem>>, vector<1x1024xf32>
    %ge3A_1033 = vector.broadcast %get3A_1032 : vector<1x1024xf32> to vector<1024x1024xf32>
    %ge3A_1034 = vector.broadcast %bitcast_convert_type3A_976 : vector<1024x1xf32> to vector<1024x1024xf32>
    %ge3A_1035 = arith.cmpf oge, %ge3A_1033, %ge3A_1034 : vector<1024x1024xf32>
    %jit3A_1036 = arith.constant 1.000000e+00 : f32
    %jit3A_1037 = arith.constant 0.000000e+00 : f32
    %broadcast_in_dim3A_1038 = vector.broadcast %jit3A_1036 : f32 to vector<1024x1024xf32>
    %broadcast_in_dim3A_1039 = vector.broadcast %jit3A_1037 : f32 to vector<1024x1024xf32>
    %select_n3A_1040 = arith.select %ge3A_1035, %broadcast_in_dim3A_1038, %broadcast_in_dim3A_1039 : vector<1024x1024xi1>, vector<1024x1024xf32>
    %reduce_sum3A_1041 = arith.constant dense<0.000000e+00> : vector<1024xf32>
    %reduce_sum3A_1042 = vector.multi_reduction <add>, %select_n3A_1040, %reduce_sum3A_1041 [1] : vector<1024x1024xf32> to vector<1024xf32>
    %broadcast_in_dim3A_1043 = vector.shape_cast %reduce_sum3A_1042 : vector<1024xf32> to vector<1024x1xf32>
    %add3A_1044 = arith.addf %add3A_1025, %broadcast_in_dim3A_1043 : vector<1024x1xf32>
    %reduce_sum3A_1045 = arith.constant dense<0.000000e+00> : vector<1024xf32>
    %reduce_sum3A_1046 = vector.multi_reduction <add>, %select_n3A_1040, %reduce_sum3A_1045 [0] : vector<1024x1024xf32> to vector<1024xf32>
    %broadcast_in_dim3A_1047 = vector.shape_cast %reduce_sum3A_1046 : vector<1024xf32> to vector<1x1024xf32>
    %add3A_1048 = arith.addf %add3A_769, %broadcast_in_dim3A_1047 : vector<1x1024xf32>
    %get3A_1049 = arith.constant 6 : index
    %get3A_1050 = arith.constant 0 : index
    %get3A_1051 = vector.load %arg2[%get3A_1049, %get3A_1050] : memref<16x1024xf32, #tpu.memory_space<vmem>>, vector<1x1024xf32>
    %ge3A_1052 = vector.broadcast %get3A_1051 : vector<1x1024xf32> to vector<1024x1024xf32>
    %ge3A_1053 = vector.broadcast %bitcast_convert_type3A_976 : vector<1024x1xf32> to vector<1024x1024xf32>
    %ge3A_1054 = arith.cmpf oge, %ge3A_1052, %ge3A_1053 : vector<1024x1024xf32>
    %jit3A_1055 = arith.constant 1.000000e+00 : f32
    %jit3A_1056 = arith.constant 0.000000e+00 : f32
    %broadcast_in_dim3A_1057 = vector.broadcast %jit3A_1055 : f32 to vector<1024x1024xf32>
    %broadcast_in_dim3A_1058 = vector.broadcast %jit3A_1056 : f32 to vector<1024x1024xf32>
    %select_n3A_1059 = arith.select %ge3A_1054, %broadcast_in_dim3A_1057, %broadcast_in_dim3A_1058 : vector<1024x1024xi1>, vector<1024x1024xf32>
    %reduce_sum3A_1060 = arith.constant dense<0.000000e+00> : vector<1024xf32>
    %reduce_sum3A_1061 = vector.multi_reduction <add>, %select_n3A_1059, %reduce_sum3A_1060 [1] : vector<1024x1024xf32> to vector<1024xf32>
    %broadcast_in_dim3A_1062 = vector.shape_cast %reduce_sum3A_1061 : vector<1024xf32> to vector<1024x1xf32>
    %add3A_1063 = arith.addf %add3A_1044, %broadcast_in_dim3A_1062 : vector<1024x1xf32>
    %reduce_sum3A_1064 = arith.constant dense<0.000000e+00> : vector<1024xf32>
    %reduce_sum3A_1065 = vector.multi_reduction <add>, %select_n3A_1059, %reduce_sum3A_1064 [0] : vector<1024x1024xf32> to vector<1024xf32>
    %broadcast_in_dim3A_1066 = vector.shape_cast %reduce_sum3A_1065 : vector<1024xf32> to vector<1x1024xf32>
    %add3A_1067 = arith.addf %add3A_788, %broadcast_in_dim3A_1066 : vector<1x1024xf32>
    %get3A_1068 = arith.constant 7 : index
    %get3A_1069 = arith.constant 0 : index
    %get3A_1070 = vector.load %arg2[%get3A_1068, %get3A_1069] : memref<16x1024xf32, #tpu.memory_space<vmem>>, vector<1x1024xf32>
    %ge3A_1071 = vector.broadcast %get3A_1070 : vector<1x1024xf32> to vector<1024x1024xf32>
    %ge3A_1072 = vector.broadcast %bitcast_convert_type3A_976 : vector<1024x1xf32> to vector<1024x1024xf32>
    %ge3A_1073 = arith.cmpf oge, %ge3A_1071, %ge3A_1072 : vector<1024x1024xf32>
    %jit3A_1074 = arith.constant 1.000000e+00 : f32
    %jit3A_1075 = arith.constant 0.000000e+00 : f32
    %broadcast_in_dim3A_1076 = vector.broadcast %jit3A_1074 : f32 to vector<1024x1024xf32>
    %broadcast_in_dim3A_1077 = vector.broadcast %jit3A_1075 : f32 to vector<1024x1024xf32>
    %select_n3A_1078 = arith.select %ge3A_1073, %broadcast_in_dim3A_1076, %broadcast_in_dim3A_1077 : vector<1024x1024xi1>, vector<1024x1024xf32>
    %reduce_sum3A_1079 = arith.constant dense<0.000000e+00> : vector<1024xf32>
    %reduce_sum3A_1080 = vector.multi_reduction <add>, %select_n3A_1078, %reduce_sum3A_1079 [1] : vector<1024x1024xf32> to vector<1024xf32>
    %broadcast_in_dim3A_1081 = vector.shape_cast %reduce_sum3A_1080 : vector<1024xf32> to vector<1024x1xf32>
    %add3A_1082 = arith.addf %add3A_1063, %broadcast_in_dim3A_1081 : vector<1024x1xf32>
    %reduce_sum3A_1083 = arith.constant dense<0.000000e+00> : vector<1024xf32>
    %reduce_sum3A_1084 = vector.multi_reduction <add>, %select_n3A_1078, %reduce_sum3A_1083 [0] : vector<1024x1024xf32> to vector<1024xf32>
    %broadcast_in_dim3A_1085 = vector.shape_cast %reduce_sum3A_1084 : vector<1024xf32> to vector<1x1024xf32>
    %add3A_1086 = arith.addf %add3A_807, %broadcast_in_dim3A_1085 : vector<1x1024xf32>
    %get3A_1087 = arith.constant 8 : index
    %get3A_1088 = arith.constant 0 : index
    %get3A_1089 = vector.load %arg2[%get3A_1087, %get3A_1088] : memref<16x1024xf32, #tpu.memory_space<vmem>>, vector<1x1024xf32>
    %ge3A_1090 = vector.broadcast %get3A_1089 : vector<1x1024xf32> to vector<1024x1024xf32>
    %ge3A_1091 = vector.broadcast %bitcast_convert_type3A_976 : vector<1024x1xf32> to vector<1024x1024xf32>
    %ge3A_1092 = arith.cmpf oge, %ge3A_1090, %ge3A_1091 : vector<1024x1024xf32>
    %jit3A_1093 = arith.constant 1.000000e+00 : f32
    %jit3A_1094 = arith.constant 0.000000e+00 : f32
    %broadcast_in_dim3A_1095 = vector.broadcast %jit3A_1093 : f32 to vector<1024x1024xf32>
    %broadcast_in_dim3A_1096 = vector.broadcast %jit3A_1094 : f32 to vector<1024x1024xf32>
    %select_n3A_1097 = arith.select %ge3A_1092, %broadcast_in_dim3A_1095, %broadcast_in_dim3A_1096 : vector<1024x1024xi1>, vector<1024x1024xf32>
    %reduce_sum3A_1098 = arith.constant dense<0.000000e+00> : vector<1024xf32>
    %reduce_sum3A_1099 = vector.multi_reduction <add>, %select_n3A_1097, %reduce_sum3A_1098 [1] : vector<1024x1024xf32> to vector<1024xf32>
    %broadcast_in_dim3A_1100 = vector.shape_cast %reduce_sum3A_1099 : vector<1024xf32> to vector<1024x1xf32>
    %add3A_1101 = arith.addf %add3A_1082, %broadcast_in_dim3A_1100 : vector<1024x1xf32>
    %reduce_sum3A_1102 = arith.constant dense<0.000000e+00> : vector<1024xf32>
    %reduce_sum3A_1103 = vector.multi_reduction <add>, %select_n3A_1097, %reduce_sum3A_1102 [0] : vector<1024x1024xf32> to vector<1024xf32>
    %broadcast_in_dim3A_1104 = vector.shape_cast %reduce_sum3A_1103 : vector<1024xf32> to vector<1x1024xf32>
    %add3A_1105 = arith.addf %add3A_826, %broadcast_in_dim3A_1104 : vector<1x1024xf32>
    %get3A_1106 = arith.constant 9 : index
    %get3A_1107 = arith.constant 0 : index
    %get3A_1108 = vector.load %arg2[%get3A_1106, %get3A_1107] : memref<16x1024xf32, #tpu.memory_space<vmem>>, vector<1x1024xf32>
    %ge3A_1109 = vector.broadcast %get3A_1108 : vector<1x1024xf32> to vector<1024x1024xf32>
    %ge3A_1110 = vector.broadcast %bitcast_convert_type3A_976 : vector<1024x1xf32> to vector<1024x1024xf32>
    %ge3A_1111 = arith.cmpf oge, %ge3A_1109, %ge3A_1110 : vector<1024x1024xf32>
    %jit3A_1112 = arith.constant 1.000000e+00 : f32
    %jit3A_1113 = arith.constant 0.000000e+00 : f32
    %broadcast_in_dim3A_1114 = vector.broadcast %jit3A_1112 : f32 to vector<1024x1024xf32>
    %broadcast_in_dim3A_1115 = vector.broadcast %jit3A_1113 : f32 to vector<1024x1024xf32>
    %select_n3A_1116 = arith.select %ge3A_1111, %broadcast_in_dim3A_1114, %broadcast_in_dim3A_1115 : vector<1024x1024xi1>, vector<1024x1024xf32>
    %reduce_sum3A_1117 = arith.constant dense<0.000000e+00> : vector<1024xf32>
    %reduce_sum3A_1118 = vector.multi_reduction <add>, %select_n3A_1116, %reduce_sum3A_1117 [1] : vector<1024x1024xf32> to vector<1024xf32>
    %broadcast_in_dim3A_1119 = vector.shape_cast %reduce_sum3A_1118 : vector<1024xf32> to vector<1024x1xf32>
    %add3A_1120 = arith.addf %add3A_1101, %broadcast_in_dim3A_1119 : vector<1024x1xf32>
    %reduce_sum3A_1121 = arith.constant dense<0.000000e+00> : vector<1024xf32>
    %reduce_sum3A_1122 = vector.multi_reduction <add>, %select_n3A_1116, %reduce_sum3A_1121 [0] : vector<1024x1024xf32> to vector<1024xf32>
    %broadcast_in_dim3A_1123 = vector.shape_cast %reduce_sum3A_1122 : vector<1024xf32> to vector<1x1024xf32>
    %add3A_1124 = arith.addf %add3A_845, %broadcast_in_dim3A_1123 : vector<1x1024xf32>
    %get3A_1125 = arith.constant 10 : index
    %get3A_1126 = arith.constant 0 : index
    %get3A_1127 = vector.load %arg2[%get3A_1125, %get3A_1126] : memref<16x1024xf32, #tpu.memory_space<vmem>>, vector<1x1024xf32>
    %ge3A_1128 = vector.broadcast %get3A_1127 : vector<1x1024xf32> to vector<1024x1024xf32>
    %ge3A_1129 = vector.broadcast %bitcast_convert_type3A_976 : vector<1024x1xf32> to vector<1024x1024xf32>
    %ge3A_1130 = arith.cmpf oge, %ge3A_1128, %ge3A_1129 : vector<1024x1024xf32>
    %jit3A_1131 = arith.constant 1.000000e+00 : f32
    %jit3A_1132 = arith.constant 0.000000e+00 : f32
    %broadcast_in_dim3A_1133 = vector.broadcast %jit3A_1131 : f32 to vector<1024x1024xf32>
    %broadcast_in_dim3A_1134 = vector.broadcast %jit3A_1132 : f32 to vector<1024x1024xf32>
    %select_n3A_1135 = arith.select %ge3A_1130, %broadcast_in_dim3A_1133, %broadcast_in_dim3A_1134 : vector<1024x1024xi1>, vector<1024x1024xf32>
    %reduce_sum3A_1136 = arith.constant dense<0.000000e+00> : vector<1024xf32>
    %reduce_sum3A_1137 = vector.multi_reduction <add>, %select_n3A_1135, %reduce_sum3A_1136 [1] : vector<1024x1024xf32> to vector<1024xf32>
    %broadcast_in_dim3A_1138 = vector.shape_cast %reduce_sum3A_1137 : vector<1024xf32> to vector<1024x1xf32>
    %add3A_1139 = arith.addf %add3A_1120, %broadcast_in_dim3A_1138 : vector<1024x1xf32>
    %reduce_sum3A_1140 = arith.constant dense<0.000000e+00> : vector<1024xf32>
    %reduce_sum3A_1141 = vector.multi_reduction <add>, %select_n3A_1135, %reduce_sum3A_1140 [0] : vector<1024x1024xf32> to vector<1024xf32>
    %broadcast_in_dim3A_1142 = vector.shape_cast %reduce_sum3A_1141 : vector<1024xf32> to vector<1x1024xf32>
    %add3A_1143 = arith.addf %add3A_864, %broadcast_in_dim3A_1142 : vector<1x1024xf32>
    %get3A_1144 = arith.constant 11 : index
    %get3A_1145 = arith.constant 0 : index
    %get3A_1146 = vector.load %arg2[%get3A_1144, %get3A_1145] : memref<16x1024xf32, #tpu.memory_space<vmem>>, vector<1x1024xf32>
    %ge3A_1147 = vector.broadcast %get3A_1146 : vector<1x1024xf32> to vector<1024x1024xf32>
    %ge3A_1148 = vector.broadcast %bitcast_convert_type3A_976 : vector<1024x1xf32> to vector<1024x1024xf32>
    %ge3A_1149 = arith.cmpf oge, %ge3A_1147, %ge3A_1148 : vector<1024x1024xf32>
    %jit3A_1150 = arith.constant 1.000000e+00 : f32
    %jit3A_1151 = arith.constant 0.000000e+00 : f32
    %broadcast_in_dim3A_1152 = vector.broadcast %jit3A_1150 : f32 to vector<1024x1024xf32>
    %broadcast_in_dim3A_1153 = vector.broadcast %jit3A_1151 : f32 to vector<1024x1024xf32>
    %select_n3A_1154 = arith.select %ge3A_1149, %broadcast_in_dim3A_1152, %broadcast_in_dim3A_1153 : vector<1024x1024xi1>, vector<1024x1024xf32>
    %reduce_sum3A_1155 = arith.constant dense<0.000000e+00> : vector<1024xf32>
    %reduce_sum3A_1156 = vector.multi_reduction <add>, %select_n3A_1154, %reduce_sum3A_1155 [1] : vector<1024x1024xf32> to vector<1024xf32>
    %broadcast_in_dim3A_1157 = vector.shape_cast %reduce_sum3A_1156 : vector<1024xf32> to vector<1024x1xf32>
    %add3A_1158 = arith.addf %add3A_1139, %broadcast_in_dim3A_1157 : vector<1024x1xf32>
    %reduce_sum3A_1159 = arith.constant dense<0.000000e+00> : vector<1024xf32>
    %reduce_sum3A_1160 = vector.multi_reduction <add>, %select_n3A_1154, %reduce_sum3A_1159 [0] : vector<1024x1024xf32> to vector<1024xf32>
    %broadcast_in_dim3A_1161 = vector.shape_cast %reduce_sum3A_1160 : vector<1024xf32> to vector<1x1024xf32>
    %add3A_1162 = arith.addf %add3A_883, %broadcast_in_dim3A_1161 : vector<1x1024xf32>
    %get3A_1163 = arith.constant 12 : index
    %get3A_1164 = arith.constant 0 : index
    %get3A_1165 = vector.load %arg2[%get3A_1163, %get3A_1164] : memref<16x1024xf32, #tpu.memory_space<vmem>>, vector<1x1024xf32>
    %ge3A_1166 = vector.broadcast %get3A_1165 : vector<1x1024xf32> to vector<1024x1024xf32>
    %ge3A_1167 = vector.broadcast %bitcast_convert_type3A_976 : vector<1024x1xf32> to vector<1024x1024xf32>
    %ge3A_1168 = arith.cmpf oge, %ge3A_1166, %ge3A_1167 : vector<1024x1024xf32>
    %jit3A_1169 = arith.constant 1.000000e+00 : f32
    %jit3A_1170 = arith.constant 0.000000e+00 : f32
    %broadcast_in_dim3A_1171 = vector.broadcast %jit3A_1169 : f32 to vector<1024x1024xf32>
    %broadcast_in_dim3A_1172 = vector.broadcast %jit3A_1170 : f32 to vector<1024x1024xf32>
    %select_n3A_1173 = arith.select %ge3A_1168, %broadcast_in_dim3A_1171, %broadcast_in_dim3A_1172 : vector<1024x1024xi1>, vector<1024x1024xf32>
    %reduce_sum3A_1174 = arith.constant dense<0.000000e+00> : vector<1024xf32>
    %reduce_sum3A_1175 = vector.multi_reduction <add>, %select_n3A_1173, %reduce_sum3A_1174 [1] : vector<1024x1024xf32> to vector<1024xf32>
    %broadcast_in_dim3A_1176 = vector.shape_cast %reduce_sum3A_1175 : vector<1024xf32> to vector<1024x1xf32>
    %add3A_1177 = arith.addf %add3A_1158, %broadcast_in_dim3A_1176 : vector<1024x1xf32>
    %reduce_sum3A_1178 = arith.constant dense<0.000000e+00> : vector<1024xf32>
    %reduce_sum3A_1179 = vector.multi_reduction <add>, %select_n3A_1173, %reduce_sum3A_1178 [0] : vector<1024x1024xf32> to vector<1024xf32>
    %broadcast_in_dim3A_1180 = vector.shape_cast %reduce_sum3A_1179 : vector<1024xf32> to vector<1x1024xf32>
    %add3A_1181 = arith.addf %add3A_902, %broadcast_in_dim3A_1180 : vector<1x1024xf32>
    %get3A_1182 = arith.constant 13 : index
    %get3A_1183 = arith.constant 0 : index
    %get3A_1184 = vector.load %arg2[%get3A_1182, %get3A_1183] : memref<16x1024xf32, #tpu.memory_space<vmem>>, vector<1x1024xf32>
    %ge3A_1185 = vector.broadcast %get3A_1184 : vector<1x1024xf32> to vector<1024x1024xf32>
    %ge3A_1186 = vector.broadcast %bitcast_convert_type3A_976 : vector<1024x1xf32> to vector<1024x1024xf32>
    %ge3A_1187 = arith.cmpf oge, %ge3A_1185, %ge3A_1186 : vector<1024x1024xf32>
    %jit3A_1188 = arith.constant 1.000000e+00 : f32
    %jit3A_1189 = arith.constant 0.000000e+00 : f32
    %broadcast_in_dim3A_1190 = vector.broadcast %jit3A_1188 : f32 to vector<1024x1024xf32>
    %broadcast_in_dim3A_1191 = vector.broadcast %jit3A_1189 : f32 to vector<1024x1024xf32>
    %select_n3A_1192 = arith.select %ge3A_1187, %broadcast_in_dim3A_1190, %broadcast_in_dim3A_1191 : vector<1024x1024xi1>, vector<1024x1024xf32>
    %reduce_sum3A_1193 = arith.constant dense<0.000000e+00> : vector<1024xf32>
    %reduce_sum3A_1194 = vector.multi_reduction <add>, %select_n3A_1192, %reduce_sum3A_1193 [1] : vector<1024x1024xf32> to vector<1024xf32>
    %broadcast_in_dim3A_1195 = vector.shape_cast %reduce_sum3A_1194 : vector<1024xf32> to vector<1024x1xf32>
    %add3A_1196 = arith.addf %add3A_1177, %broadcast_in_dim3A_1195 : vector<1024x1xf32>
    %reduce_sum3A_1197 = arith.constant dense<0.000000e+00> : vector<1024xf32>
    %reduce_sum3A_1198 = vector.multi_reduction <add>, %select_n3A_1192, %reduce_sum3A_1197 [0] : vector<1024x1024xf32> to vector<1024xf32>
    %broadcast_in_dim3A_1199 = vector.shape_cast %reduce_sum3A_1198 : vector<1024xf32> to vector<1x1024xf32>
    %add3A_1200 = arith.addf %add3A_921, %broadcast_in_dim3A_1199 : vector<1x1024xf32>
    %get3A_1201 = arith.constant 14 : index
    %get3A_1202 = arith.constant 0 : index
    %get3A_1203 = vector.load %arg2[%get3A_1201, %get3A_1202] : memref<16x1024xf32, #tpu.memory_space<vmem>>, vector<1x1024xf32>
    %ge3A_1204 = vector.broadcast %get3A_1203 : vector<1x1024xf32> to vector<1024x1024xf32>
    %ge3A_1205 = vector.broadcast %bitcast_convert_type3A_976 : vector<1024x1xf32> to vector<1024x1024xf32>
    %ge3A_1206 = arith.cmpf oge, %ge3A_1204, %ge3A_1205 : vector<1024x1024xf32>
    %jit3A_1207 = arith.constant 1.000000e+00 : f32
    %jit3A_1208 = arith.constant 0.000000e+00 : f32
    %broadcast_in_dim3A_1209 = vector.broadcast %jit3A_1207 : f32 to vector<1024x1024xf32>
    %broadcast_in_dim3A_1210 = vector.broadcast %jit3A_1208 : f32 to vector<1024x1024xf32>
    %select_n3A_1211 = arith.select %ge3A_1206, %broadcast_in_dim3A_1209, %broadcast_in_dim3A_1210 : vector<1024x1024xi1>, vector<1024x1024xf32>
    %reduce_sum3A_1212 = arith.constant dense<0.000000e+00> : vector<1024xf32>
    %reduce_sum3A_1213 = vector.multi_reduction <add>, %select_n3A_1211, %reduce_sum3A_1212 [1] : vector<1024x1024xf32> to vector<1024xf32>
    %broadcast_in_dim3A_1214 = vector.shape_cast %reduce_sum3A_1213 : vector<1024xf32> to vector<1024x1xf32>
    %add3A_1215 = arith.addf %add3A_1196, %broadcast_in_dim3A_1214 : vector<1024x1xf32>
    %reduce_sum3A_1216 = arith.constant dense<0.000000e+00> : vector<1024xf32>
    %reduce_sum3A_1217 = vector.multi_reduction <add>, %select_n3A_1211, %reduce_sum3A_1216 [0] : vector<1024x1024xf32> to vector<1024xf32>
    %broadcast_in_dim3A_1218 = vector.shape_cast %reduce_sum3A_1217 : vector<1024xf32> to vector<1x1024xf32>
    %add3A_1219 = arith.addf %add3A_940, %broadcast_in_dim3A_1218 : vector<1x1024xf32>
    %get3A_1220 = arith.constant 15 : index
    %get3A_1221 = arith.constant 0 : index
    %get3A_1222 = vector.load %arg2[%get3A_1220, %get3A_1221] : memref<16x1024xf32, #tpu.memory_space<vmem>>, vector<1x1024xf32>
    %ge3A_1223 = vector.broadcast %get3A_1222 : vector<1x1024xf32> to vector<1024x1024xf32>
    %ge3A_1224 = vector.broadcast %bitcast_convert_type3A_976 : vector<1024x1xf32> to vector<1024x1024xf32>
    %ge3A_1225 = arith.cmpf oge, %ge3A_1223, %ge3A_1224 : vector<1024x1024xf32>
    %jit3A_1226 = arith.constant 1.000000e+00 : f32
    %jit3A_1227 = arith.constant 0.000000e+00 : f32
    %broadcast_in_dim3A_1228 = vector.broadcast %jit3A_1226 : f32 to vector<1024x1024xf32>
    %broadcast_in_dim3A_1229 = vector.broadcast %jit3A_1227 : f32 to vector<1024x1024xf32>
    %select_n3A_1230 = arith.select %ge3A_1225, %broadcast_in_dim3A_1228, %broadcast_in_dim3A_1229 : vector<1024x1024xi1>, vector<1024x1024xf32>
    %reduce_sum3A_1231 = arith.constant dense<0.000000e+00> : vector<1024xf32>
    %reduce_sum3A_1232 = vector.multi_reduction <add>, %select_n3A_1230, %reduce_sum3A_1231 [1] : vector<1024x1024xf32> to vector<1024xf32>
    %broadcast_in_dim3A_1233 = vector.shape_cast %reduce_sum3A_1232 : vector<1024xf32> to vector<1024x1xf32>
    %add3A_1234 = arith.addf %add3A_1215, %broadcast_in_dim3A_1233 : vector<1024x1xf32>
    %reduce_sum3A_1235 = arith.constant dense<0.000000e+00> : vector<1024xf32>
    %reduce_sum3A_1236 = vector.multi_reduction <add>, %select_n3A_1230, %reduce_sum3A_1235 [0] : vector<1024x1024xf32> to vector<1024xf32>
    %broadcast_in_dim3A_1237 = vector.shape_cast %reduce_sum3A_1236 : vector<1024xf32> to vector<1x1024xf32>
    %add3A_1238 = arith.addf %add3A_959, %broadcast_in_dim3A_1237 : vector<1x1024xf32>
    %sub3A_1239 = arith.constant 3.072000e+03 : f32
    %sub3A_1240 = vector.broadcast %sub3A_1239 : f32 to vector<1x1024xf32>
    %sub3A_1241 = arith.subf %sub3A_1240, %add3A_731 : vector<1x1024xf32>
    %reshape3A_1242 = vector.shape_cast %sub3A_1241 : vector<1x1024xf32> to vector<1024x1xf32>
    %add3A_1243 = arith.addf %add3A_1234, %reshape3A_1242 : vector<1024x1xf32>
    %convert_element_type3A_1244 = arith.fptosi %add3A_1243 : vector<1024x1xf32> to vector<1024x1xi32>
    %swap3A_1245 = arith.constant 3072 : index
    %swap3A_1246 = arith.constant 0 : index
    %swap3A_1247 = vector.load %arg3[%swap3A_1245, %swap3A_1246] : memref<16384x1xi32, #tpu.memory_space<vmem>>, vector<1024x1xi32>
    tpu.vector_store %arg3[%swap3A_1245, %swap3A_1246], %convert_element_type3A_1244 {strides = array<i32>} : memref<16384x1xi32, #tpu.memory_space<vmem>>, vector<1024x1xi32>,
    %get3A_1248 = arith.constant 4096 : index
    %get3A_1249 = arith.constant 0 : index
    %get3A_1250 = vector.load %arg1[%get3A_1248, %get3A_1249] : memref<16384x1xf32, #tpu.memory_space<vmem>>, vector<1024x1xf32>
    %bitcast_convert_type3A_1251 = tpu.bitcast %get3A_1250 : vector<1024x1xf32> -> vector<1024x1xi32>
    %add3A_1252 = arith.constant 1 : i32
    %add3A_1253 = vector.broadcast %add3A_1252 : i32 to vector<1024x1xi32>
    %add3A_1254 = arith.addi %bitcast_convert_type3A_1251, %add3A_1253 : vector<1024x1xi32>
    %bitcast_convert_type3A_1255 = tpu.bitcast %add3A_1254 : vector<1024x1xi32> -> vector<1024x1xf32>
    %get3A_1256 = arith.constant 4 : index
    %get3A_1257 = arith.constant 0 : index
    %get3A_1258 = vector.load %arg2[%get3A_1256, %get3A_1257] : memref<16x1024xf32, #tpu.memory_space<vmem>>, vector<1x1024xf32>
    %iota3A_1259 = tpu.iota {dimensions = array<i32: 0>} : vector<1024x1xi32>
    %add3A_1260 = arith.constant 4096 : i32
    %add3A_1261 = vector.broadcast %add3A_1260 : i32 to vector<1024x1xi32>
    %add3A_1262 = arith.addi %add3A_1261, %iota3A_1259 : vector<1024x1xi32>
    %iota3A_1263 = tpu.iota {dimensions = array<i32: 1>} : vector<1x1024xi32>
    %add3A_1264 = arith.constant 4096 : i32
    %add3A_1265 = vector.broadcast %add3A_1264 : i32 to vector<1x1024xi32>
    %add3A_1266 = arith.addi %add3A_1265, %iota3A_1263 : vector<1x1024xi32>
    %ge3A_1267 = vector.broadcast %get3A_1258 : vector<1x1024xf32> to vector<1024x1024xf32>
    %ge3A_1268 = vector.broadcast %get3A_1250 : vector<1024x1xf32> to vector<1024x1024xf32>
    %ge3A_1269 = arith.cmpf oge, %ge3A_1267, %ge3A_1268 : vector<1024x1024xf32>
    %jit3A_1270 = arith.constant 1.000000e+00 : f32
    %jit3A_1271 = arith.constant 0.000000e+00 : f32
    %broadcast_in_dim3A_1272 = vector.broadcast %jit3A_1270 : f32 to vector<1024x1024xf32>
    %broadcast_in_dim3A_1273 = vector.broadcast %jit3A_1271 : f32 to vector<1024x1024xf32>
    %select_n3A_1274 = arith.select %ge3A_1269, %broadcast_in_dim3A_1272, %broadcast_in_dim3A_1273 : vector<1024x1024xi1>, vector<1024x1024xf32>
    %ge3A_1275 = vector.broadcast %get3A_1258 : vector<1x1024xf32> to vector<1024x1024xf32>
    %ge3A_1276 = vector.broadcast %bitcast_convert_type3A_1255 : vector<1024x1xf32> to vector<1024x1024xf32>
    %ge3A_1277 = arith.cmpf oge, %ge3A_1275, %ge3A_1276 : vector<1024x1024xf32>
    %jit3A_1278 = arith.constant 1.000000e+00 : f32
    %jit3A_1279 = arith.constant 0.000000e+00 : f32
    %broadcast_in_dim3A_1280 = vector.broadcast %jit3A_1278 : f32 to vector<1024x1024xf32>
    %broadcast_in_dim3A_1281 = vector.broadcast %jit3A_1279 : f32 to vector<1024x1024xf32>
    %select_n3A_1282 = arith.select %ge3A_1277, %broadcast_in_dim3A_1280, %broadcast_in_dim3A_1281 : vector<1024x1024xi1>, vector<1024x1024xf32>
    %lt3A_1283 = vector.broadcast %add3A_1266 : vector<1x1024xi32> to vector<1024x1024xi32>
    %lt3A_1284 = vector.broadcast %add3A_1262 : vector<1024x1xi32> to vector<1024x1024xi32>
    %lt3A_1285 = arith.cmpi slt, %lt3A_1283, %lt3A_1284 : vector<1024x1024xi32>
    %select_n3A_1286 = arith.select %lt3A_1285, %select_n3A_1274, %select_n3A_1282 : vector<1024x1024xi1>, vector<1024x1024xf32>
    %reduce_sum3A_1287 = arith.constant dense<0.000000e+00> : vector<1024xf32>
    %reduce_sum3A_1288 = vector.multi_reduction <add>, %select_n3A_1286, %reduce_sum3A_1287 [1] : vector<1024x1024xf32> to vector<1024xf32>
    %broadcast_in_dim3A_1289 = vector.shape_cast %reduce_sum3A_1288 : vector<1024xf32> to vector<1024x1xf32>
    %get3A_1290 = arith.constant 5 : index
    %get3A_1291 = arith.constant 0 : index
    %get3A_1292 = vector.load %arg2[%get3A_1290, %get3A_1291] : memref<16x1024xf32, #tpu.memory_space<vmem>>, vector<1x1024xf32>
    %ge3A_1293 = vector.broadcast %get3A_1292 : vector<1x1024xf32> to vector<1024x1024xf32>
    %ge3A_1294 = vector.broadcast %bitcast_convert_type3A_1255 : vector<1024x1xf32> to vector<1024x1024xf32>
    %ge3A_1295 = arith.cmpf oge, %ge3A_1293, %ge3A_1294 : vector<1024x1024xf32>
    %jit3A_1296 = arith.constant 1.000000e+00 : f32
    %jit3A_1297 = arith.constant 0.000000e+00 : f32
    %broadcast_in_dim3A_1298 = vector.broadcast %jit3A_1296 : f32 to vector<1024x1024xf32>
    %broadcast_in_dim3A_1299 = vector.broadcast %jit3A_1297 : f32 to vector<1024x1024xf32>
    %select_n3A_1300 = arith.select %ge3A_1295, %broadcast_in_dim3A_1298, %broadcast_in_dim3A_1299 : vector<1024x1024xi1>, vector<1024x1024xf32>
    %reduce_sum3A_1301 = arith.constant dense<0.000000e+00> : vector<1024xf32>
    %reduce_sum3A_1302 = vector.multi_reduction <add>, %select_n3A_1300, %reduce_sum3A_1301 [1] : vector<1024x1024xf32> to vector<1024xf32>
    %broadcast_in_dim3A_1303 = vector.shape_cast %reduce_sum3A_1302 : vector<1024xf32> to vector<1024x1xf32>
    %add3A_1304 = arith.addf %broadcast_in_dim3A_1289, %broadcast_in_dim3A_1303 : vector<1024x1xf32>
    %reduce_sum3A_1305 = arith.constant dense<0.000000e+00> : vector<1024xf32>
    %reduce_sum3A_1306 = vector.multi_reduction <add>, %select_n3A_1300, %reduce_sum3A_1305 [0] : vector<1024x1024xf32> to vector<1024xf32>
    %broadcast_in_dim3A_1307 = vector.shape_cast %reduce_sum3A_1306 : vector<1024xf32> to vector<1x1024xf32>
    %add3A_1308 = arith.addf %add3A_1048, %broadcast_in_dim3A_1307 : vector<1x1024xf32>
    %get3A_1309 = arith.constant 6 : index
    %get3A_1310 = arith.constant 0 : index
    %get3A_1311 = vector.load %arg2[%get3A_1309, %get3A_1310] : memref<16x1024xf32, #tpu.memory_space<vmem>>, vector<1x1024xf32>
    %ge3A_1312 = vector.broadcast %get3A_1311 : vector<1x1024xf32> to vector<1024x1024xf32>
    %ge3A_1313 = vector.broadcast %bitcast_convert_type3A_1255 : vector<1024x1xf32> to vector<1024x1024xf32>
    %ge3A_1314 = arith.cmpf oge, %ge3A_1312, %ge3A_1313 : vector<1024x1024xf32>
    %jit3A_1315 = arith.constant 1.000000e+00 : f32
    %jit3A_1316 = arith.constant 0.000000e+00 : f32
    %broadcast_in_dim3A_1317 = vector.broadcast %jit3A_1315 : f32 to vector<1024x1024xf32>
    %broadcast_in_dim3A_1318 = vector.broadcast %jit3A_1316 : f32 to vector<1024x1024xf32>
    %select_n3A_1319 = arith.select %ge3A_1314, %broadcast_in_dim3A_1317, %broadcast_in_dim3A_1318 : vector<1024x1024xi1>, vector<1024x1024xf32>
    %reduce_sum3A_1320 = arith.constant dense<0.000000e+00> : vector<1024xf32>
    %reduce_sum3A_1321 = vector.multi_reduction <add>, %select_n3A_1319, %reduce_sum3A_1320 [1] : vector<1024x1024xf32> to vector<1024xf32>
    %broadcast_in_dim3A_1322 = vector.shape_cast %reduce_sum3A_1321 : vector<1024xf32> to vector<1024x1xf32>
    %add3A_1323 = arith.addf %add3A_1304, %broadcast_in_dim3A_1322 : vector<1024x1xf32>
    %reduce_sum3A_1324 = arith.constant dense<0.000000e+00> : vector<1024xf32>
    %reduce_sum3A_1325 = vector.multi_reduction <add>, %select_n3A_1319, %reduce_sum3A_1324 [0] : vector<1024x1024xf32> to vector<1024xf32>
    %broadcast_in_dim3A_1326 = vector.shape_cast %reduce_sum3A_1325 : vector<1024xf32> to vector<1x1024xf32>
    %add3A_1327 = arith.addf %add3A_1067, %broadcast_in_dim3A_1326 : vector<1x1024xf32>
    %get3A_1328 = arith.constant 7 : index
    %get3A_1329 = arith.constant 0 : index
    %get3A_1330 = vector.load %arg2[%get3A_1328, %get3A_1329] : memref<16x1024xf32, #tpu.memory_space<vmem>>, vector<1x1024xf32>
    %ge3A_1331 = vector.broadcast %get3A_1330 : vector<1x1024xf32> to vector<1024x1024xf32>
    %ge3A_1332 = vector.broadcast %bitcast_convert_type3A_1255 : vector<1024x1xf32> to vector<1024x1024xf32>
    %ge3A_1333 = arith.cmpf oge, %ge3A_1331, %ge3A_1332 : vector<1024x1024xf32>
    %jit3A_1334 = arith.constant 1.000000e+00 : f32
    %jit3A_1335 = arith.constant 0.000000e+00 : f32
    %broadcast_in_dim3A_1336 = vector.broadcast %jit3A_1334 : f32 to vector<1024x1024xf32>
    %broadcast_in_dim3A_1337 = vector.broadcast %jit3A_1335 : f32 to vector<1024x1024xf32>
    %select_n3A_1338 = arith.select %ge3A_1333, %broadcast_in_dim3A_1336, %broadcast_in_dim3A_1337 : vector<1024x1024xi1>, vector<1024x1024xf32>
    %reduce_sum3A_1339 = arith.constant dense<0.000000e+00> : vector<1024xf32>
    %reduce_sum3A_1340 = vector.multi_reduction <add>, %select_n3A_1338, %reduce_sum3A_1339 [1] : vector<1024x1024xf32> to vector<1024xf32>
    %broadcast_in_dim3A_1341 = vector.shape_cast %reduce_sum3A_1340 : vector<1024xf32> to vector<1024x1xf32>
    %add3A_1342 = arith.addf %add3A_1323, %broadcast_in_dim3A_1341 : vector<1024x1xf32>
    %reduce_sum3A_1343 = arith.constant dense<0.000000e+00> : vector<1024xf32>
    %reduce_sum3A_1344 = vector.multi_reduction <add>, %select_n3A_1338, %reduce_sum3A_1343 [0] : vector<1024x1024xf32> to vector<1024xf32>
    %broadcast_in_dim3A_1345 = vector.shape_cast %reduce_sum3A_1344 : vector<1024xf32> to vector<1x1024xf32>
    %add3A_1346 = arith.addf %add3A_1086, %broadcast_in_dim3A_1345 : vector<1x1024xf32>
    %get3A_1347 = arith.constant 8 : index
    %get3A_1348 = arith.constant 0 : index
    %get3A_1349 = vector.load %arg2[%get3A_1347, %get3A_1348] : memref<16x1024xf32, #tpu.memory_space<vmem>>, vector<1x1024xf32>
    %ge3A_1350 = vector.broadcast %get3A_1349 : vector<1x1024xf32> to vector<1024x1024xf32>
    %ge3A_1351 = vector.broadcast %bitcast_convert_type3A_1255 : vector<1024x1xf32> to vector<1024x1024xf32>
    %ge3A_1352 = arith.cmpf oge, %ge3A_1350, %ge3A_1351 : vector<1024x1024xf32>
    %jit3A_1353 = arith.constant 1.000000e+00 : f32
    %jit3A_1354 = arith.constant 0.000000e+00 : f32
    %broadcast_in_dim3A_1355 = vector.broadcast %jit3A_1353 : f32 to vector<1024x1024xf32>
    %broadcast_in_dim3A_1356 = vector.broadcast %jit3A_1354 : f32 to vector<1024x1024xf32>
    %select_n3A_1357 = arith.select %ge3A_1352, %broadcast_in_dim3A_1355, %broadcast_in_dim3A_1356 : vector<1024x1024xi1>, vector<1024x1024xf32>
    %reduce_sum3A_1358 = arith.constant dense<0.000000e+00> : vector<1024xf32>
    %reduce_sum3A_1359 = vector.multi_reduction <add>, %select_n3A_1357, %reduce_sum3A_1358 [1] : vector<1024x1024xf32> to vector<1024xf32>
    %broadcast_in_dim3A_1360 = vector.shape_cast %reduce_sum3A_1359 : vector<1024xf32> to vector<1024x1xf32>
    %add3A_1361 = arith.addf %add3A_1342, %broadcast_in_dim3A_1360 : vector<1024x1xf32>
    %reduce_sum3A_1362 = arith.constant dense<0.000000e+00> : vector<1024xf32>
    %reduce_sum3A_1363 = vector.multi_reduction <add>, %select_n3A_1357, %reduce_sum3A_1362 [0] : vector<1024x1024xf32> to vector<1024xf32>
    %broadcast_in_dim3A_1364 = vector.shape_cast %reduce_sum3A_1363 : vector<1024xf32> to vector<1x1024xf32>
    %add3A_1365 = arith.addf %add3A_1105, %broadcast_in_dim3A_1364 : vector<1x1024xf32>
    %get3A_1366 = arith.constant 9 : index
    %get3A_1367 = arith.constant 0 : index
    %get3A_1368 = vector.load %arg2[%get3A_1366, %get3A_1367] : memref<16x1024xf32, #tpu.memory_space<vmem>>, vector<1x1024xf32>
    %ge3A_1369 = vector.broadcast %get3A_1368 : vector<1x1024xf32> to vector<1024x1024xf32>
    %ge3A_1370 = vector.broadcast %bitcast_convert_type3A_1255 : vector<1024x1xf32> to vector<1024x1024xf32>
    %ge3A_1371 = arith.cmpf oge, %ge3A_1369, %ge3A_1370 : vector<1024x1024xf32>
    %jit3A_1372 = arith.constant 1.000000e+00 : f32
    %jit3A_1373 = arith.constant 0.000000e+00 : f32
    %broadcast_in_dim3A_1374 = vector.broadcast %jit3A_1372 : f32 to vector<1024x1024xf32>
    %broadcast_in_dim3A_1375 = vector.broadcast %jit3A_1373 : f32 to vector<1024x1024xf32>
    %select_n3A_1376 = arith.select %ge3A_1371, %broadcast_in_dim3A_1374, %broadcast_in_dim3A_1375 : vector<1024x1024xi1>, vector<1024x1024xf32>
    %reduce_sum3A_1377 = arith.constant dense<0.000000e+00> : vector<1024xf32>
    %reduce_sum3A_1378 = vector.multi_reduction <add>, %select_n3A_1376, %reduce_sum3A_1377 [1] : vector<1024x1024xf32> to vector<1024xf32>
    %broadcast_in_dim3A_1379 = vector.shape_cast %reduce_sum3A_1378 : vector<1024xf32> to vector<1024x1xf32>
    %add3A_1380 = arith.addf %add3A_1361, %broadcast_in_dim3A_1379 : vector<1024x1xf32>
    %reduce_sum3A_1381 = arith.constant dense<0.000000e+00> : vector<1024xf32>
    %reduce_sum3A_1382 = vector.multi_reduction <add>, %select_n3A_1376, %reduce_sum3A_1381 [0] : vector<1024x1024xf32> to vector<1024xf32>
    %broadcast_in_dim3A_1383 = vector.shape_cast %reduce_sum3A_1382 : vector<1024xf32> to vector<1x1024xf32>
    %add3A_1384 = arith.addf %add3A_1124, %broadcast_in_dim3A_1383 : vector<1x1024xf32>
    %get3A_1385 = arith.constant 10 : index
    %get3A_1386 = arith.constant 0 : index
    %get3A_1387 = vector.load %arg2[%get3A_1385, %get3A_1386] : memref<16x1024xf32, #tpu.memory_space<vmem>>, vector<1x1024xf32>
    %ge3A_1388 = vector.broadcast %get3A_1387 : vector<1x1024xf32> to vector<1024x1024xf32>
    %ge3A_1389 = vector.broadcast %bitcast_convert_type3A_1255 : vector<1024x1xf32> to vector<1024x1024xf32>
    %ge3A_1390 = arith.cmpf oge, %ge3A_1388, %ge3A_1389 : vector<1024x1024xf32>
    %jit3A_1391 = arith.constant 1.000000e+00 : f32
    %jit3A_1392 = arith.constant 0.000000e+00 : f32
    %broadcast_in_dim3A_1393 = vector.broadcast %jit3A_1391 : f32 to vector<1024x1024xf32>
    %broadcast_in_dim3A_1394 = vector.broadcast %jit3A_1392 : f32 to vector<1024x1024xf32>
    %select_n3A_1395 = arith.select %ge3A_1390, %broadcast_in_dim3A_1393, %broadcast_in_dim3A_1394 : vector<1024x1024xi1>, vector<1024x1024xf32>
    %reduce_sum3A_1396 = arith.constant dense<0.000000e+00> : vector<1024xf32>
    %reduce_sum3A_1397 = vector.multi_reduction <add>, %select_n3A_1395, %reduce_sum3A_1396 [1] : vector<1024x1024xf32> to vector<1024xf32>
    %broadcast_in_dim3A_1398 = vector.shape_cast %reduce_sum3A_1397 : vector<1024xf32> to vector<1024x1xf32>
    %add3A_1399 = arith.addf %add3A_1380, %broadcast_in_dim3A_1398 : vector<1024x1xf32>
    %reduce_sum3A_1400 = arith.constant dense<0.000000e+00> : vector<1024xf32>
    %reduce_sum3A_1401 = vector.multi_reduction <add>, %select_n3A_1395, %reduce_sum3A_1400 [0] : vector<1024x1024xf32> to vector<1024xf32>
    %broadcast_in_dim3A_1402 = vector.shape_cast %reduce_sum3A_1401 : vector<1024xf32> to vector<1x1024xf32>
    %add3A_1403 = arith.addf %add3A_1143, %broadcast_in_dim3A_1402 : vector<1x1024xf32>
    %get3A_1404 = arith.constant 11 : index
    %get3A_1405 = arith.constant 0 : index
    %get3A_1406 = vector.load %arg2[%get3A_1404, %get3A_1405] : memref<16x1024xf32, #tpu.memory_space<vmem>>, vector<1x1024xf32>
    %ge3A_1407 = vector.broadcast %get3A_1406 : vector<1x1024xf32> to vector<1024x1024xf32>
    %ge3A_1408 = vector.broadcast %bitcast_convert_type3A_1255 : vector<1024x1xf32> to vector<1024x1024xf32>
    %ge3A_1409 = arith.cmpf oge, %ge3A_1407, %ge3A_1408 : vector<1024x1024xf32>
    %jit3A_1410 = arith.constant 1.000000e+00 : f32
    %jit3A_1411 = arith.constant 0.000000e+00 : f32
    %broadcast_in_dim3A_1412 = vector.broadcast %jit3A_1410 : f32 to vector<1024x1024xf32>
    %broadcast_in_dim3A_1413 = vector.broadcast %jit3A_1411 : f32 to vector<1024x1024xf32>
    %select_n3A_1414 = arith.select %ge3A_1409, %broadcast_in_dim3A_1412, %broadcast_in_dim3A_1413 : vector<1024x1024xi1>, vector<1024x1024xf32>
    %reduce_sum3A_1415 = arith.constant dense<0.000000e+00> : vector<1024xf32>
    %reduce_sum3A_1416 = vector.multi_reduction <add>, %select_n3A_1414, %reduce_sum3A_1415 [1] : vector<1024x1024xf32> to vector<1024xf32>
    %broadcast_in_dim3A_1417 = vector.shape_cast %reduce_sum3A_1416 : vector<1024xf32> to vector<1024x1xf32>
    %add3A_1418 = arith.addf %add3A_1399, %broadcast_in_dim3A_1417 : vector<1024x1xf32>
    %reduce_sum3A_1419 = arith.constant dense<0.000000e+00> : vector<1024xf32>
    %reduce_sum3A_1420 = vector.multi_reduction <add>, %select_n3A_1414, %reduce_sum3A_1419 [0] : vector<1024x1024xf32> to vector<1024xf32>
    %broadcast_in_dim3A_1421 = vector.shape_cast %reduce_sum3A_1420 : vector<1024xf32> to vector<1x1024xf32>
    %add3A_1422 = arith.addf %add3A_1162, %broadcast_in_dim3A_1421 : vector<1x1024xf32>
    %get3A_1423 = arith.constant 12 : index
    %get3A_1424 = arith.constant 0 : index
    %get3A_1425 = vector.load %arg2[%get3A_1423, %get3A_1424] : memref<16x1024xf32, #tpu.memory_space<vmem>>, vector<1x1024xf32>
    %ge3A_1426 = vector.broadcast %get3A_1425 : vector<1x1024xf32> to vector<1024x1024xf32>
    %ge3A_1427 = vector.broadcast %bitcast_convert_type3A_1255 : vector<1024x1xf32> to vector<1024x1024xf32>
    %ge3A_1428 = arith.cmpf oge, %ge3A_1426, %ge3A_1427 : vector<1024x1024xf32>
    %jit3A_1429 = arith.constant 1.000000e+00 : f32
    %jit3A_1430 = arith.constant 0.000000e+00 : f32
    %broadcast_in_dim3A_1431 = vector.broadcast %jit3A_1429 : f32 to vector<1024x1024xf32>
    %broadcast_in_dim3A_1432 = vector.broadcast %jit3A_1430 : f32 to vector<1024x1024xf32>
    %select_n3A_1433 = arith.select %ge3A_1428, %broadcast_in_dim3A_1431, %broadcast_in_dim3A_1432 : vector<1024x1024xi1>, vector<1024x1024xf32>
    %reduce_sum3A_1434 = arith.constant dense<0.000000e+00> : vector<1024xf32>
    %reduce_sum3A_1435 = vector.multi_reduction <add>, %select_n3A_1433, %reduce_sum3A_1434 [1] : vector<1024x1024xf32> to vector<1024xf32>
    %broadcast_in_dim3A_1436 = vector.shape_cast %reduce_sum3A_1435 : vector<1024xf32> to vector<1024x1xf32>
    %add3A_1437 = arith.addf %add3A_1418, %broadcast_in_dim3A_1436 : vector<1024x1xf32>
    %reduce_sum3A_1438 = arith.constant dense<0.000000e+00> : vector<1024xf32>
    %reduce_sum3A_1439 = vector.multi_reduction <add>, %select_n3A_1433, %reduce_sum3A_1438 [0] : vector<1024x1024xf32> to vector<1024xf32>
    %broadcast_in_dim3A_1440 = vector.shape_cast %reduce_sum3A_1439 : vector<1024xf32> to vector<1x1024xf32>
    %add3A_1441 = arith.addf %add3A_1181, %broadcast_in_dim3A_1440 : vector<1x1024xf32>
    %get3A_1442 = arith.constant 13 : index
    %get3A_1443 = arith.constant 0 : index
    %get3A_1444 = vector.load %arg2[%get3A_1442, %get3A_1443] : memref<16x1024xf32, #tpu.memory_space<vmem>>, vector<1x1024xf32>
    %ge3A_1445 = vector.broadcast %get3A_1444 : vector<1x1024xf32> to vector<1024x1024xf32>
    %ge3A_1446 = vector.broadcast %bitcast_convert_type3A_1255 : vector<1024x1xf32> to vector<1024x1024xf32>
    %ge3A_1447 = arith.cmpf oge, %ge3A_1445, %ge3A_1446 : vector<1024x1024xf32>
    %jit3A_1448 = arith.constant 1.000000e+00 : f32
    %jit3A_1449 = arith.constant 0.000000e+00 : f32
    %broadcast_in_dim3A_1450 = vector.broadcast %jit3A_1448 : f32 to vector<1024x1024xf32>
    %broadcast_in_dim3A_1451 = vector.broadcast %jit3A_1449 : f32 to vector<1024x1024xf32>
    %select_n3A_1452 = arith.select %ge3A_1447, %broadcast_in_dim3A_1450, %broadcast_in_dim3A_1451 : vector<1024x1024xi1>, vector<1024x1024xf32>
    %reduce_sum3A_1453 = arith.constant dense<0.000000e+00> : vector<1024xf32>
    %reduce_sum3A_1454 = vector.multi_reduction <add>, %select_n3A_1452, %reduce_sum3A_1453 [1] : vector<1024x1024xf32> to vector<1024xf32>
    %broadcast_in_dim3A_1455 = vector.shape_cast %reduce_sum3A_1454 : vector<1024xf32> to vector<1024x1xf32>
    %add3A_1456 = arith.addf %add3A_1437, %broadcast_in_dim3A_1455 : vector<1024x1xf32>
    %reduce_sum3A_1457 = arith.constant dense<0.000000e+00> : vector<1024xf32>
    %reduce_sum3A_1458 = vector.multi_reduction <add>, %select_n3A_1452, %reduce_sum3A_1457 [0] : vector<1024x1024xf32> to vector<1024xf32>
    %broadcast_in_dim3A_1459 = vector.shape_cast %reduce_sum3A_1458 : vector<1024xf32> to vector<1x1024xf32>
    %add3A_1460 = arith.addf %add3A_1200, %broadcast_in_dim3A_1459 : vector<1x1024xf32>
    %get3A_1461 = arith.constant 14 : index
    %get3A_1462 = arith.constant 0 : index
    %get3A_1463 = vector.load %arg2[%get3A_1461, %get3A_1462] : memref<16x1024xf32, #tpu.memory_space<vmem>>, vector<1x1024xf32>
    %ge3A_1464 = vector.broadcast %get3A_1463 : vector<1x1024xf32> to vector<1024x1024xf32>
    %ge3A_1465 = vector.broadcast %bitcast_convert_type3A_1255 : vector<1024x1xf32> to vector<1024x1024xf32>
    %ge3A_1466 = arith.cmpf oge, %ge3A_1464, %ge3A_1465 : vector<1024x1024xf32>
    %jit3A_1467 = arith.constant 1.000000e+00 : f32
    %jit3A_1468 = arith.constant 0.000000e+00 : f32
    %broadcast_in_dim3A_1469 = vector.broadcast %jit3A_1467 : f32 to vector<1024x1024xf32>
    %broadcast_in_dim3A_1470 = vector.broadcast %jit3A_1468 : f32 to vector<1024x1024xf32>
    %select_n3A_1471 = arith.select %ge3A_1466, %broadcast_in_dim3A_1469, %broadcast_in_dim3A_1470 : vector<1024x1024xi1>, vector<1024x1024xf32>
    %reduce_sum3A_1472 = arith.constant dense<0.000000e+00> : vector<1024xf32>
    %reduce_sum3A_1473 = vector.multi_reduction <add>, %select_n3A_1471, %reduce_sum3A_1472 [1] : vector<1024x1024xf32> to vector<1024xf32>
    %broadcast_in_dim3A_1474 = vector.shape_cast %reduce_sum3A_1473 : vector<1024xf32> to vector<1024x1xf32>
    %add3A_1475 = arith.addf %add3A_1456, %broadcast_in_dim3A_1474 : vector<1024x1xf32>
    %reduce_sum3A_1476 = arith.constant dense<0.000000e+00> : vector<1024xf32>
    %reduce_sum3A_1477 = vector.multi_reduction <add>, %select_n3A_1471, %reduce_sum3A_1476 [0] : vector<1024x1024xf32> to vector<1024xf32>
    %broadcast_in_dim3A_1478 = vector.shape_cast %reduce_sum3A_1477 : vector<1024xf32> to vector<1x1024xf32>
    %add3A_1479 = arith.addf %add3A_1219, %broadcast_in_dim3A_1478 : vector<1x1024xf32>
    %get3A_1480 = arith.constant 15 : index
    %get3A_1481 = arith.constant 0 : index
    %get3A_1482 = vector.load %arg2[%get3A_1480, %get3A_1481] : memref<16x1024xf32, #tpu.memory_space<vmem>>, vector<1x1024xf32>
    %ge3A_1483 = vector.broadcast %get3A_1482 : vector<1x1024xf32> to vector<1024x1024xf32>
    %ge3A_1484 = vector.broadcast %bitcast_convert_type3A_1255 : vector<1024x1xf32> to vector<1024x1024xf32>
    %ge3A_1485 = arith.cmpf oge, %ge3A_1483, %ge3A_1484 : vector<1024x1024xf32>
    %jit3A_1486 = arith.constant 1.000000e+00 : f32
    %jit3A_1487 = arith.constant 0.000000e+00 : f32
    %broadcast_in_dim3A_1488 = vector.broadcast %jit3A_1486 : f32 to vector<1024x1024xf32>
    %broadcast_in_dim3A_1489 = vector.broadcast %jit3A_1487 : f32 to vector<1024x1024xf32>
    %select_n3A_1490 = arith.select %ge3A_1485, %broadcast_in_dim3A_1488, %broadcast_in_dim3A_1489 : vector<1024x1024xi1>, vector<1024x1024xf32>
    %reduce_sum3A_1491 = arith.constant dense<0.000000e+00> : vector<1024xf32>
    %reduce_sum3A_1492 = vector.multi_reduction <add>, %select_n3A_1490, %reduce_sum3A_1491 [1] : vector<1024x1024xf32> to vector<1024xf32>
    %broadcast_in_dim3A_1493 = vector.shape_cast %reduce_sum3A_1492 : vector<1024xf32> to vector<1024x1xf32>
    %add3A_1494 = arith.addf %add3A_1475, %broadcast_in_dim3A_1493 : vector<1024x1xf32>
    %reduce_sum3A_1495 = arith.constant dense<0.000000e+00> : vector<1024xf32>
    %reduce_sum3A_1496 = vector.multi_reduction <add>, %select_n3A_1490, %reduce_sum3A_1495 [0] : vector<1024x1024xf32> to vector<1024xf32>
    %broadcast_in_dim3A_1497 = vector.shape_cast %reduce_sum3A_1496 : vector<1024xf32> to vector<1x1024xf32>
    %add3A_1498 = arith.addf %add3A_1238, %broadcast_in_dim3A_1497 : vector<1x1024xf32>
    %sub3A_1499 = arith.constant 4.096000e+03 : f32
    %sub3A_1500 = vector.broadcast %sub3A_1499 : f32 to vector<1x1024xf32>
    %sub3A_1501 = arith.subf %sub3A_1500, %add3A_1029 : vector<1x1024xf32>
    %reshape3A_1502 = vector.shape_cast %sub3A_1501 : vector<1x1024xf32> to vector<1024x1xf32>
    %add3A_1503 = arith.addf %add3A_1494, %reshape3A_1502 : vector<1024x1xf32>
    %convert_element_type3A_1504 = arith.fptosi %add3A_1503 : vector<1024x1xf32> to vector<1024x1xi32>
    %swap3A_1505 = arith.constant 4096 : index
    %swap3A_1506 = arith.constant 0 : index
    %swap3A_1507 = vector.load %arg3[%swap3A_1505, %swap3A_1506] : memref<16384x1xi32, #tpu.memory_space<vmem>>, vector<1024x1xi32>
    tpu.vector_store %arg3[%swap3A_1505, %swap3A_1506], %convert_element_type3A_1504 {strides = array<i32>} : memref<16384x1xi32, #tpu.memory_space<vmem>>, vector<1024x1xi32>,
    %get3A_1508 = arith.constant 5120 : index
    %get3A_1509 = arith.constant 0 : index
    %get3A_1510 = vector.load %arg1[%get3A_1508, %get3A_1509] : memref<16384x1xf32, #tpu.memory_space<vmem>>, vector<1024x1xf32>
    %bitcast_convert_type3A_1511 = tpu.bitcast %get3A_1510 : vector<1024x1xf32> -> vector<1024x1xi32>
    %add3A_1512 = arith.constant 1 : i32
    %add3A_1513 = vector.broadcast %add3A_1512 : i32 to vector<1024x1xi32>
    %add3A_1514 = arith.addi %bitcast_convert_type3A_1511, %add3A_1513 : vector<1024x1xi32>
    %bitcast_convert_type3A_1515 = tpu.bitcast %add3A_1514 : vector<1024x1xi32> -> vector<1024x1xf32>
    %get3A_1516 = arith.constant 5 : index
    %get3A_1517 = arith.constant 0 : index
    %get3A_1518 = vector.load %arg2[%get3A_1516, %get3A_1517] : memref<16x1024xf32, #tpu.memory_space<vmem>>, vector<1x1024xf32>
    %iota3A_1519 = tpu.iota {dimensions = array<i32: 0>} : vector<1024x1xi32>
    %add3A_1520 = arith.constant 5120 : i32
    %add3A_1521 = vector.broadcast %add3A_1520 : i32 to vector<1024x1xi32>
    %add3A_1522 = arith.addi %add3A_1521, %iota3A_1519 : vector<1024x1xi32>
    %iota3A_1523 = tpu.iota {dimensions = array<i32: 1>} : vector<1x1024xi32>
    %add3A_1524 = arith.constant 5120 : i32
    %add3A_1525 = vector.broadcast %add3A_1524 : i32 to vector<1x1024xi32>
    %add3A_1526 = arith.addi %add3A_1525, %iota3A_1523 : vector<1x1024xi32>
    %ge3A_1527 = vector.broadcast %get3A_1518 : vector<1x1024xf32> to vector<1024x1024xf32>
    %ge3A_1528 = vector.broadcast %get3A_1510 : vector<1024x1xf32> to vector<1024x1024xf32>
    %ge3A_1529 = arith.cmpf oge, %ge3A_1527, %ge3A_1528 : vector<1024x1024xf32>
    %jit3A_1530 = arith.constant 1.000000e+00 : f32
    %jit3A_1531 = arith.constant 0.000000e+00 : f32
    %broadcast_in_dim3A_1532 = vector.broadcast %jit3A_1530 : f32 to vector<1024x1024xf32>
    %broadcast_in_dim3A_1533 = vector.broadcast %jit3A_1531 : f32 to vector<1024x1024xf32>
    %select_n3A_1534 = arith.select %ge3A_1529, %broadcast_in_dim3A_1532, %broadcast_in_dim3A_1533 : vector<1024x1024xi1>, vector<1024x1024xf32>
    %ge3A_1535 = vector.broadcast %get3A_1518 : vector<1x1024xf32> to vector<1024x1024xf32>
    %ge3A_1536 = vector.broadcast %bitcast_convert_type3A_1515 : vector<1024x1xf32> to vector<1024x1024xf32>
    %ge3A_1537 = arith.cmpf oge, %ge3A_1535, %ge3A_1536 : vector<1024x1024xf32>
    %jit3A_1538 = arith.constant 1.000000e+00 : f32
    %jit3A_1539 = arith.constant 0.000000e+00 : f32
    %broadcast_in_dim3A_1540 = vector.broadcast %jit3A_1538 : f32 to vector<1024x1024xf32>
    %broadcast_in_dim3A_1541 = vector.broadcast %jit3A_1539 : f32 to vector<1024x1024xf32>
    %select_n3A_1542 = arith.select %ge3A_1537, %broadcast_in_dim3A_1540, %broadcast_in_dim3A_1541 : vector<1024x1024xi1>, vector<1024x1024xf32>
    %lt3A_1543 = vector.broadcast %add3A_1526 : vector<1x1024xi32> to vector<1024x1024xi32>
    %lt3A_1544 = vector.broadcast %add3A_1522 : vector<1024x1xi32> to vector<1024x1024xi32>
    %lt3A_1545 = arith.cmpi slt, %lt3A_1543, %lt3A_1544 : vector<1024x1024xi32>
    %select_n3A_1546 = arith.select %lt3A_1545, %select_n3A_1534, %select_n3A_1542 : vector<1024x1024xi1>, vector<1024x1024xf32>
    %reduce_sum3A_1547 = arith.constant dense<0.000000e+00> : vector<1024xf32>
    %reduce_sum3A_1548 = vector.multi_reduction <add>, %select_n3A_1546, %reduce_sum3A_1547 [1] : vector<1024x1024xf32> to vector<1024xf32>
    %broadcast_in_dim3A_1549 = vector.shape_cast %reduce_sum3A_1548 : vector<1024xf32> to vector<1024x1xf32>
    %get3A_1550 = arith.constant 6 : index
    %get3A_1551 = arith.constant 0 : index
    %get3A_1552 = vector.load %arg2[%get3A_1550, %get3A_1551] : memref<16x1024xf32, #tpu.memory_space<vmem>>, vector<1x1024xf32>
    %ge3A_1553 = vector.broadcast %get3A_1552 : vector<1x1024xf32> to vector<1024x1024xf32>
    %ge3A_1554 = vector.broadcast %bitcast_convert_type3A_1515 : vector<1024x1xf32> to vector<1024x1024xf32>
    %ge3A_1555 = arith.cmpf oge, %ge3A_1553, %ge3A_1554 : vector<1024x1024xf32>
    %jit3A_1556 = arith.constant 1.000000e+00 : f32
    %jit3A_1557 = arith.constant 0.000000e+00 : f32
    %broadcast_in_dim3A_1558 = vector.broadcast %jit3A_1556 : f32 to vector<1024x1024xf32>
    %broadcast_in_dim3A_1559 = vector.broadcast %jit3A_1557 : f32 to vector<1024x1024xf32>
    %select_n3A_1560 = arith.select %ge3A_1555, %broadcast_in_dim3A_1558, %broadcast_in_dim3A_1559 : vector<1024x1024xi1>, vector<1024x1024xf32>
    %reduce_sum3A_1561 = arith.constant dense<0.000000e+00> : vector<1024xf32>
    %reduce_sum3A_1562 = vector.multi_reduction <add>, %select_n3A_1560, %reduce_sum3A_1561 [1] : vector<1024x1024xf32> to vector<1024xf32>
    %broadcast_in_dim3A_1563 = vector.shape_cast %reduce_sum3A_1562 : vector<1024xf32> to vector<1024x1xf32>
    %add3A_1564 = arith.addf %broadcast_in_dim3A_1549, %broadcast_in_dim3A_1563 : vector<1024x1xf32>
    %reduce_sum3A_1565 = arith.constant dense<0.000000e+00> : vector<1024xf32>
    %reduce_sum3A_1566 = vector.multi_reduction <add>, %select_n3A_1560, %reduce_sum3A_1565 [0] : vector<1024x1024xf32> to vector<1024xf32>
    %broadcast_in_dim3A_1567 = vector.shape_cast %reduce_sum3A_1566 : vector<1024xf32> to vector<1x1024xf32>
    %add3A_1568 = arith.addf %add3A_1327, %broadcast_in_dim3A_1567 : vector<1x1024xf32>
    %get3A_1569 = arith.constant 7 : index
    %get3A_1570 = arith.constant 0 : index
    %get3A_1571 = vector.load %arg2[%get3A_1569, %get3A_1570] : memref<16x1024xf32, #tpu.memory_space<vmem>>, vector<1x1024xf32>
    %ge3A_1572 = vector.broadcast %get3A_1571 : vector<1x1024xf32> to vector<1024x1024xf32>
    %ge3A_1573 = vector.broadcast %bitcast_convert_type3A_1515 : vector<1024x1xf32> to vector<1024x1024xf32>
    %ge3A_1574 = arith.cmpf oge, %ge3A_1572, %ge3A_1573 : vector<1024x1024xf32>
    %jit3A_1575 = arith.constant 1.000000e+00 : f32
    %jit3A_1576 = arith.constant 0.000000e+00 : f32
    %broadcast_in_dim3A_1577 = vector.broadcast %jit3A_1575 : f32 to vector<1024x1024xf32>
    %broadcast_in_dim3A_1578 = vector.broadcast %jit3A_1576 : f32 to vector<1024x1024xf32>
    %select_n3A_1579 = arith.select %ge3A_1574, %broadcast_in_dim3A_1577, %broadcast_in_dim3A_1578 : vector<1024x1024xi1>, vector<1024x1024xf32>
    %reduce_sum3A_1580 = arith.constant dense<0.000000e+00> : vector<1024xf32>
    %reduce_sum3A_1581 = vector.multi_reduction <add>, %select_n3A_1579, %reduce_sum3A_1580 [1] : vector<1024x1024xf32> to vector<1024xf32>
    %broadcast_in_dim3A_1582 = vector.shape_cast %reduce_sum3A_1581 : vector<1024xf32> to vector<1024x1xf32>
    %add3A_1583 = arith.addf %add3A_1564, %broadcast_in_dim3A_1582 : vector<1024x1xf32>
    %reduce_sum3A_1584 = arith.constant dense<0.000000e+00> : vector<1024xf32>
    %reduce_sum3A_1585 = vector.multi_reduction <add>, %select_n3A_1579, %reduce_sum3A_1584 [0] : vector<1024x1024xf32> to vector<1024xf32>
    %broadcast_in_dim3A_1586 = vector.shape_cast %reduce_sum3A_1585 : vector<1024xf32> to vector<1x1024xf32>
    %add3A_1587 = arith.addf %add3A_1346, %broadcast_in_dim3A_1586 : vector<1x1024xf32>
    %get3A_1588 = arith.constant 8 : index
    %get3A_1589 = arith.constant 0 : index
    %get3A_1590 = vector.load %arg2[%get3A_1588, %get3A_1589] : memref<16x1024xf32, #tpu.memory_space<vmem>>, vector<1x1024xf32>
    %ge3A_1591 = vector.broadcast %get3A_1590 : vector<1x1024xf32> to vector<1024x1024xf32>
    %ge3A_1592 = vector.broadcast %bitcast_convert_type3A_1515 : vector<1024x1xf32> to vector<1024x1024xf32>
    %ge3A_1593 = arith.cmpf oge, %ge3A_1591, %ge3A_1592 : vector<1024x1024xf32>
    %jit3A_1594 = arith.constant 1.000000e+00 : f32
    %jit3A_1595 = arith.constant 0.000000e+00 : f32
    %broadcast_in_dim3A_1596 = vector.broadcast %jit3A_1594 : f32 to vector<1024x1024xf32>
    %broadcast_in_dim3A_1597 = vector.broadcast %jit3A_1595 : f32 to vector<1024x1024xf32>
    %select_n3A_1598 = arith.select %ge3A_1593, %broadcast_in_dim3A_1596, %broadcast_in_dim3A_1597 : vector<1024x1024xi1>, vector<1024x1024xf32>
    %reduce_sum3A_1599 = arith.constant dense<0.000000e+00> : vector<1024xf32>
    %reduce_sum3A_1600 = vector.multi_reduction <add>, %select_n3A_1598, %reduce_sum3A_1599 [1] : vector<1024x1024xf32> to vector<1024xf32>
    %broadcast_in_dim3A_1601 = vector.shape_cast %reduce_sum3A_1600 : vector<1024xf32> to vector<1024x1xf32>
    %add3A_1602 = arith.addf %add3A_1583, %broadcast_in_dim3A_1601 : vector<1024x1xf32>
    %reduce_sum3A_1603 = arith.constant dense<0.000000e+00> : vector<1024xf32>
    %reduce_sum3A_1604 = vector.multi_reduction <add>, %select_n3A_1598, %reduce_sum3A_1603 [0] : vector<1024x1024xf32> to vector<1024xf32>
    %broadcast_in_dim3A_1605 = vector.shape_cast %reduce_sum3A_1604 : vector<1024xf32> to vector<1x1024xf32>
    %add3A_1606 = arith.addf %add3A_1365, %broadcast_in_dim3A_1605 : vector<1x1024xf32>
    %get3A_1607 = arith.constant 9 : index
    %get3A_1608 = arith.constant 0 : index
    %get3A_1609 = vector.load %arg2[%get3A_1607, %get3A_1608] : memref<16x1024xf32, #tpu.memory_space<vmem>>, vector<1x1024xf32>
    %ge3A_1610 = vector.broadcast %get3A_1609 : vector<1x1024xf32> to vector<1024x1024xf32>
    %ge3A_1611 = vector.broadcast %bitcast_convert_type3A_1515 : vector<1024x1xf32> to vector<1024x1024xf32>
    %ge3A_1612 = arith.cmpf oge, %ge3A_1610, %ge3A_1611 : vector<1024x1024xf32>
    %jit3A_1613 = arith.constant 1.000000e+00 : f32
    %jit3A_1614 = arith.constant 0.000000e+00 : f32
    %broadcast_in_dim3A_1615 = vector.broadcast %jit3A_1613 : f32 to vector<1024x1024xf32>
    %broadcast_in_dim3A_1616 = vector.broadcast %jit3A_1614 : f32 to vector<1024x1024xf32>
    %select_n3A_1617 = arith.select %ge3A_1612, %broadcast_in_dim3A_1615, %broadcast_in_dim3A_1616 : vector<1024x1024xi1>, vector<1024x1024xf32>
    %reduce_sum3A_1618 = arith.constant dense<0.000000e+00> : vector<1024xf32>
    %reduce_sum3A_1619 = vector.multi_reduction <add>, %select_n3A_1617, %reduce_sum3A_1618 [1] : vector<1024x1024xf32> to vector<1024xf32>
    %broadcast_in_dim3A_1620 = vector.shape_cast %reduce_sum3A_1619 : vector<1024xf32> to vector<1024x1xf32>
    %add3A_1621 = arith.addf %add3A_1602, %broadcast_in_dim3A_1620 : vector<1024x1xf32>
    %reduce_sum3A_1622 = arith.constant dense<0.000000e+00> : vector<1024xf32>
    %reduce_sum3A_1623 = vector.multi_reduction <add>, %select_n3A_1617, %reduce_sum3A_1622 [0] : vector<1024x1024xf32> to vector<1024xf32>
    %broadcast_in_dim3A_1624 = vector.shape_cast %reduce_sum3A_1623 : vector<1024xf32> to vector<1x1024xf32>
    %add3A_1625 = arith.addf %add3A_1384, %broadcast_in_dim3A_1624 : vector<1x1024xf32>
    %get3A_1626 = arith.constant 10 : index
    %get3A_1627 = arith.constant 0 : index
    %get3A_1628 = vector.load %arg2[%get3A_1626, %get3A_1627] : memref<16x1024xf32, #tpu.memory_space<vmem>>, vector<1x1024xf32>
    %ge3A_1629 = vector.broadcast %get3A_1628 : vector<1x1024xf32> to vector<1024x1024xf32>
    %ge3A_1630 = vector.broadcast %bitcast_convert_type3A_1515 : vector<1024x1xf32> to vector<1024x1024xf32>
    %ge3A_1631 = arith.cmpf oge, %ge3A_1629, %ge3A_1630 : vector<1024x1024xf32>
    %jit3A_1632 = arith.constant 1.000000e+00 : f32
    %jit3A_1633 = arith.constant 0.000000e+00 : f32
    %broadcast_in_dim3A_1634 = vector.broadcast %jit3A_1632 : f32 to vector<1024x1024xf32>
    %broadcast_in_dim3A_1635 = vector.broadcast %jit3A_1633 : f32 to vector<1024x1024xf32>
    %select_n3A_1636 = arith.select %ge3A_1631, %broadcast_in_dim3A_1634, %broadcast_in_dim3A_1635 : vector<1024x1024xi1>, vector<1024x1024xf32>
    %reduce_sum3A_1637 = arith.constant dense<0.000000e+00> : vector<1024xf32>
    %reduce_sum3A_1638 = vector.multi_reduction <add>, %select_n3A_1636, %reduce_sum3A_1637 [1] : vector<1024x1024xf32> to vector<1024xf32>
    %broadcast_in_dim3A_1639 = vector.shape_cast %reduce_sum3A_1638 : vector<1024xf32> to vector<1024x1xf32>
    %add3A_1640 = arith.addf %add3A_1621, %broadcast_in_dim3A_1639 : vector<1024x1xf32>
    %reduce_sum3A_1641 = arith.constant dense<0.000000e+00> : vector<1024xf32>
    %reduce_sum3A_1642 = vector.multi_reduction <add>, %select_n3A_1636, %reduce_sum3A_1641 [0] : vector<1024x1024xf32> to vector<1024xf32>
    %broadcast_in_dim3A_1643 = vector.shape_cast %reduce_sum3A_1642 : vector<1024xf32> to vector<1x1024xf32>
    %add3A_1644 = arith.addf %add3A_1403, %broadcast_in_dim3A_1643 : vector<1x1024xf32>
    %get3A_1645 = arith.constant 11 : index
    %get3A_1646 = arith.constant 0 : index
    %get3A_1647 = vector.load %arg2[%get3A_1645, %get3A_1646] : memref<16x1024xf32, #tpu.memory_space<vmem>>, vector<1x1024xf32>
    %ge3A_1648 = vector.broadcast %get3A_1647 : vector<1x1024xf32> to vector<1024x1024xf32>
    %ge3A_1649 = vector.broadcast %bitcast_convert_type3A_1515 : vector<1024x1xf32> to vector<1024x1024xf32>
    %ge3A_1650 = arith.cmpf oge, %ge3A_1648, %ge3A_1649 : vector<1024x1024xf32>
    %jit3A_1651 = arith.constant 1.000000e+00 : f32
    %jit3A_1652 = arith.constant 0.000000e+00 : f32
    %broadcast_in_dim3A_1653 = vector.broadcast %jit3A_1651 : f32 to vector<1024x1024xf32>
    %broadcast_in_dim3A_1654 = vector.broadcast %jit3A_1652 : f32 to vector<1024x1024xf32>
    %select_n3A_1655 = arith.select %ge3A_1650, %broadcast_in_dim3A_1653, %broadcast_in_dim3A_1654 : vector<1024x1024xi1>, vector<1024x1024xf32>
    %reduce_sum3A_1656 = arith.constant dense<0.000000e+00> : vector<1024xf32>
    %reduce_sum3A_1657 = vector.multi_reduction <add>, %select_n3A_1655, %reduce_sum3A_1656 [1] : vector<1024x1024xf32> to vector<1024xf32>
    %broadcast_in_dim3A_1658 = vector.shape_cast %reduce_sum3A_1657 : vector<1024xf32> to vector<1024x1xf32>
    %add3A_1659 = arith.addf %add3A_1640, %broadcast_in_dim3A_1658 : vector<1024x1xf32>
    %reduce_sum3A_1660 = arith.constant dense<0.000000e+00> : vector<1024xf32>
    %reduce_sum3A_1661 = vector.multi_reduction <add>, %select_n3A_1655, %reduce_sum3A_1660 [0] : vector<1024x1024xf32> to vector<1024xf32>
    %broadcast_in_dim3A_1662 = vector.shape_cast %reduce_sum3A_1661 : vector<1024xf32> to vector<1x1024xf32>
    %add3A_1663 = arith.addf %add3A_1422, %broadcast_in_dim3A_1662 : vector<1x1024xf32>
    %get3A_1664 = arith.constant 12 : index
    %get3A_1665 = arith.constant 0 : index
    %get3A_1666 = vector.load %arg2[%get3A_1664, %get3A_1665] : memref<16x1024xf32, #tpu.memory_space<vmem>>, vector<1x1024xf32>
    %ge3A_1667 = vector.broadcast %get3A_1666 : vector<1x1024xf32> to vector<1024x1024xf32>
    %ge3A_1668 = vector.broadcast %bitcast_convert_type3A_1515 : vector<1024x1xf32> to vector<1024x1024xf32>
    %ge3A_1669 = arith.cmpf oge, %ge3A_1667, %ge3A_1668 : vector<1024x1024xf32>
    %jit3A_1670 = arith.constant 1.000000e+00 : f32
    %jit3A_1671 = arith.constant 0.000000e+00 : f32
    %broadcast_in_dim3A_1672 = vector.broadcast %jit3A_1670 : f32 to vector<1024x1024xf32>
    %broadcast_in_dim3A_1673 = vector.broadcast %jit3A_1671 : f32 to vector<1024x1024xf32>
    %select_n3A_1674 = arith.select %ge3A_1669, %broadcast_in_dim3A_1672, %broadcast_in_dim3A_1673 : vector<1024x1024xi1>, vector<1024x1024xf32>
    %reduce_sum3A_1675 = arith.constant dense<0.000000e+00> : vector<1024xf32>
    %reduce_sum3A_1676 = vector.multi_reduction <add>, %select_n3A_1674, %reduce_sum3A_1675 [1] : vector<1024x1024xf32> to vector<1024xf32>
    %broadcast_in_dim3A_1677 = vector.shape_cast %reduce_sum3A_1676 : vector<1024xf32> to vector<1024x1xf32>
    %add3A_1678 = arith.addf %add3A_1659, %broadcast_in_dim3A_1677 : vector<1024x1xf32>
    %reduce_sum3A_1679 = arith.constant dense<0.000000e+00> : vector<1024xf32>
    %reduce_sum3A_1680 = vector.multi_reduction <add>, %select_n3A_1674, %reduce_sum3A_1679 [0] : vector<1024x1024xf32> to vector<1024xf32>
    %broadcast_in_dim3A_1681 = vector.shape_cast %reduce_sum3A_1680 : vector<1024xf32> to vector<1x1024xf32>
    %add3A_1682 = arith.addf %add3A_1441, %broadcast_in_dim3A_1681 : vector<1x1024xf32>
    %get3A_1683 = arith.constant 13 : index
    %get3A_1684 = arith.constant 0 : index
    %get3A_1685 = vector.load %arg2[%get3A_1683, %get3A_1684] : memref<16x1024xf32, #tpu.memory_space<vmem>>, vector<1x1024xf32>
    %ge3A_1686 = vector.broadcast %get3A_1685 : vector<1x1024xf32> to vector<1024x1024xf32>
    %ge3A_1687 = vector.broadcast %bitcast_convert_type3A_1515 : vector<1024x1xf32> to vector<1024x1024xf32>
    %ge3A_1688 = arith.cmpf oge, %ge3A_1686, %ge3A_1687 : vector<1024x1024xf32>
    %jit3A_1689 = arith.constant 1.000000e+00 : f32
    %jit3A_1690 = arith.constant 0.000000e+00 : f32
    %broadcast_in_dim3A_1691 = vector.broadcast %jit3A_1689 : f32 to vector<1024x1024xf32>
    %broadcast_in_dim3A_1692 = vector.broadcast %jit3A_1690 : f32 to vector<1024x1024xf32>
    %select_n3A_1693 = arith.select %ge3A_1688, %broadcast_in_dim3A_1691, %broadcast_in_dim3A_1692 : vector<1024x1024xi1>, vector<1024x1024xf32>
    %reduce_sum3A_1694 = arith.constant dense<0.000000e+00> : vector<1024xf32>
    %reduce_sum3A_1695 = vector.multi_reduction <add>, %select_n3A_1693, %reduce_sum3A_1694 [1] : vector<1024x1024xf32> to vector<1024xf32>
    %broadcast_in_dim3A_1696 = vector.shape_cast %reduce_sum3A_1695 : vector<1024xf32> to vector<1024x1xf32>
    %add3A_1697 = arith.addf %add3A_1678, %broadcast_in_dim3A_1696 : vector<1024x1xf32>
    %reduce_sum3A_1698 = arith.constant dense<0.000000e+00> : vector<1024xf32>
    %reduce_sum3A_1699 = vector.multi_reduction <add>, %select_n3A_1693, %reduce_sum3A_1698 [0] : vector<1024x1024xf32> to vector<1024xf32>
    %broadcast_in_dim3A_1700 = vector.shape_cast %reduce_sum3A_1699 : vector<1024xf32> to vector<1x1024xf32>
    %add3A_1701 = arith.addf %add3A_1460, %broadcast_in_dim3A_1700 : vector<1x1024xf32>
    %get3A_1702 = arith.constant 14 : index
    %get3A_1703 = arith.constant 0 : index
    %get3A_1704 = vector.load %arg2[%get3A_1702, %get3A_1703] : memref<16x1024xf32, #tpu.memory_space<vmem>>, vector<1x1024xf32>
    %ge3A_1705 = vector.broadcast %get3A_1704 : vector<1x1024xf32> to vector<1024x1024xf32>
    %ge3A_1706 = vector.broadcast %bitcast_convert_type3A_1515 : vector<1024x1xf32> to vector<1024x1024xf32>
    %ge3A_1707 = arith.cmpf oge, %ge3A_1705, %ge3A_1706 : vector<1024x1024xf32>
    %jit3A_1708 = arith.constant 1.000000e+00 : f32
    %jit3A_1709 = arith.constant 0.000000e+00 : f32
    %broadcast_in_dim3A_1710 = vector.broadcast %jit3A_1708 : f32 to vector<1024x1024xf32>
    %broadcast_in_dim3A_1711 = vector.broadcast %jit3A_1709 : f32 to vector<1024x1024xf32>
    %select_n3A_1712 = arith.select %ge3A_1707, %broadcast_in_dim3A_1710, %broadcast_in_dim3A_1711 : vector<1024x1024xi1>, vector<1024x1024xf32>
    %reduce_sum3A_1713 = arith.constant dense<0.000000e+00> : vector<1024xf32>
    %reduce_sum3A_1714 = vector.multi_reduction <add>, %select_n3A_1712, %reduce_sum3A_1713 [1] : vector<1024x1024xf32> to vector<1024xf32>
    %broadcast_in_dim3A_1715 = vector.shape_cast %reduce_sum3A_1714 : vector<1024xf32> to vector<1024x1xf32>
    %add3A_1716 = arith.addf %add3A_1697, %broadcast_in_dim3A_1715 : vector<1024x1xf32>
    %reduce_sum3A_1717 = arith.constant dense<0.000000e+00> : vector<1024xf32>
    %reduce_sum3A_1718 = vector.multi_reduction <add>, %select_n3A_1712, %reduce_sum3A_1717 [0] : vector<1024x1024xf32> to vector<1024xf32>
    %broadcast_in_dim3A_1719 = vector.shape_cast %reduce_sum3A_1718 : vector<1024xf32> to vector<1x1024xf32>
    %add3A_1720 = arith.addf %add3A_1479, %broadcast_in_dim3A_1719 : vector<1x1024xf32>
    %get3A_1721 = arith.constant 15 : index
    %get3A_1722 = arith.constant 0 : index
    %get3A_1723 = vector.load %arg2[%get3A_1721, %get3A_1722] : memref<16x1024xf32, #tpu.memory_space<vmem>>, vector<1x1024xf32>
    %ge3A_1724 = vector.broadcast %get3A_1723 : vector<1x1024xf32> to vector<1024x1024xf32>
    %ge3A_1725 = vector.broadcast %bitcast_convert_type3A_1515 : vector<1024x1xf32> to vector<1024x1024xf32>
    %ge3A_1726 = arith.cmpf oge, %ge3A_1724, %ge3A_1725 : vector<1024x1024xf32>
    %jit3A_1727 = arith.constant 1.000000e+00 : f32
    %jit3A_1728 = arith.constant 0.000000e+00 : f32
    %broadcast_in_dim3A_1729 = vector.broadcast %jit3A_1727 : f32 to vector<1024x1024xf32>
    %broadcast_in_dim3A_1730 = vector.broadcast %jit3A_1728 : f32 to vector<1024x1024xf32>
    %select_n3A_1731 = arith.select %ge3A_1726, %broadcast_in_dim3A_1729, %broadcast_in_dim3A_1730 : vector<1024x1024xi1>, vector<1024x1024xf32>
    %reduce_sum3A_1732 = arith.constant dense<0.000000e+00> : vector<1024xf32>
    %reduce_sum3A_1733 = vector.multi_reduction <add>, %select_n3A_1731, %reduce_sum3A_1732 [1] : vector<1024x1024xf32> to vector<1024xf32>
    %broadcast_in_dim3A_1734 = vector.shape_cast %reduce_sum3A_1733 : vector<1024xf32> to vector<1024x1xf32>
    %add3A_1735 = arith.addf %add3A_1716, %broadcast_in_dim3A_1734 : vector<1024x1xf32>
    %reduce_sum3A_1736 = arith.constant dense<0.000000e+00> : vector<1024xf32>
    %reduce_sum3A_1737 = vector.multi_reduction <add>, %select_n3A_1731, %reduce_sum3A_1736 [0] : vector<1024x1024xf32> to vector<1024xf32>
    %broadcast_in_dim3A_1738 = vector.shape_cast %reduce_sum3A_1737 : vector<1024xf32> to vector<1x1024xf32>
    %add3A_1739 = arith.addf %add3A_1498, %broadcast_in_dim3A_1738 : vector<1x1024xf32>
    %sub3A_1740 = arith.constant 5.120000e+03 : f32
    %sub3A_1741 = vector.broadcast %sub3A_1740 : f32 to vector<1x1024xf32>
    %sub3A_1742 = arith.subf %sub3A_1741, %add3A_1308 : vector<1x1024xf32>
    %reshape3A_1743 = vector.shape_cast %sub3A_1742 : vector<1x1024xf32> to vector<1024x1xf32>
    %add3A_1744 = arith.addf %add3A_1735, %reshape3A_1743 : vector<1024x1xf32>
    %convert_element_type3A_1745 = arith.fptosi %add3A_1744 : vector<1024x1xf32> to vector<1024x1xi32>
    %swap3A_1746 = arith.constant 5120 : index
    %swap3A_1747 = arith.constant 0 : index
    %swap3A_1748 = vector.load %arg3[%swap3A_1746, %swap3A_1747] : memref<16384x1xi32, #tpu.memory_space<vmem>>, vector<1024x1xi32>
    tpu.vector_store %arg3[%swap3A_1746, %swap3A_1747], %convert_element_type3A_1745 {strides = array<i32>} : memref<16384x1xi32, #tpu.memory_space<vmem>>, vector<1024x1xi32>,
    %get3A_1749 = arith.constant 6144 : index
    %get3A_1750 = arith.constant 0 : index
    %get3A_1751 = vector.load %arg1[%get3A_1749, %get3A_1750] : memref<16384x1xf32, #tpu.memory_space<vmem>>, vector<1024x1xf32>
    %bitcast_convert_type3A_1752 = tpu.bitcast %get3A_1751 : vector<1024x1xf32> -> vector<1024x1xi32>
    %add3A_1753 = arith.constant 1 : i32
    %add3A_1754 = vector.broadcast %add3A_1753 : i32 to vector<1024x1xi32>
    %add3A_1755 = arith.addi %bitcast_convert_type3A_1752, %add3A_1754 : vector<1024x1xi32>
    %bitcast_convert_type3A_1756 = tpu.bitcast %add3A_1755 : vector<1024x1xi32> -> vector<1024x1xf32>
    %get3A_1757 = arith.constant 6 : index
    %get3A_1758 = arith.constant 0 : index
    %get3A_1759 = vector.load %arg2[%get3A_1757, %get3A_1758] : memref<16x1024xf32, #tpu.memory_space<vmem>>, vector<1x1024xf32>
    %iota3A_1760 = tpu.iota {dimensions = array<i32: 0>} : vector<1024x1xi32>
    %add3A_1761 = arith.constant 6144 : i32
    %add3A_1762 = vector.broadcast %add3A_1761 : i32 to vector<1024x1xi32>
    %add3A_1763 = arith.addi %add3A_1762, %iota3A_1760 : vector<1024x1xi32>
    %iota3A_1764 = tpu.iota {dimensions = array<i32: 1>} : vector<1x1024xi32>
    %add3A_1765 = arith.constant 6144 : i32
    %add3A_1766 = vector.broadcast %add3A_1765 : i32 to vector<1x1024xi32>
    %add3A_1767 = arith.addi %add3A_1766, %iota3A_1764 : vector<1x1024xi32>
    %ge3A_1768 = vector.broadcast %get3A_1759 : vector<1x1024xf32> to vector<1024x1024xf32>
    %ge3A_1769 = vector.broadcast %get3A_1751 : vector<1024x1xf32> to vector<1024x1024xf32>
    %ge3A_1770 = arith.cmpf oge, %ge3A_1768, %ge3A_1769 : vector<1024x1024xf32>
    %jit3A_1771 = arith.constant 1.000000e+00 : f32
    %jit3A_1772 = arith.constant 0.000000e+00 : f32
    %broadcast_in_dim3A_1773 = vector.broadcast %jit3A_1771 : f32 to vector<1024x1024xf32>
    %broadcast_in_dim3A_1774 = vector.broadcast %jit3A_1772 : f32 to vector<1024x1024xf32>
    %select_n3A_1775 = arith.select %ge3A_1770, %broadcast_in_dim3A_1773, %broadcast_in_dim3A_1774 : vector<1024x1024xi1>, vector<1024x1024xf32>
    %ge3A_1776 = vector.broadcast %get3A_1759 : vector<1x1024xf32> to vector<1024x1024xf32>
    %ge3A_1777 = vector.broadcast %bitcast_convert_type3A_1756 : vector<1024x1xf32> to vector<1024x1024xf32>
    %ge3A_1778 = arith.cmpf oge, %ge3A_1776, %ge3A_1777 : vector<1024x1024xf32>
    %jit3A_1779 = arith.constant 1.000000e+00 : f32
    %jit3A_1780 = arith.constant 0.000000e+00 : f32
    %broadcast_in_dim3A_1781 = vector.broadcast %jit3A_1779 : f32 to vector<1024x1024xf32>
    %broadcast_in_dim3A_1782 = vector.broadcast %jit3A_1780 : f32 to vector<1024x1024xf32>
    %select_n3A_1783 = arith.select %ge3A_1778, %broadcast_in_dim3A_1781, %broadcast_in_dim3A_1782 : vector<1024x1024xi1>, vector<1024x1024xf32>
    %lt3A_1784 = vector.broadcast %add3A_1767 : vector<1x1024xi32> to vector<1024x1024xi32>
    %lt3A_1785 = vector.broadcast %add3A_1763 : vector<1024x1xi32> to vector<1024x1024xi32>
    %lt3A_1786 = arith.cmpi slt, %lt3A_1784, %lt3A_1785 : vector<1024x1024xi32>
    %select_n3A_1787 = arith.select %lt3A_1786, %select_n3A_1775, %select_n3A_1783 : vector<1024x1024xi1>, vector<1024x1024xf32>
    %reduce_sum3A_1788 = arith.constant dense<0.000000e+00> : vector<1024xf32>
    %reduce_sum3A_1789 = vector.multi_reduction <add>, %select_n3A_1787, %reduce_sum3A_1788 [1] : vector<1024x1024xf32> to vector<1024xf32>
    %broadcast_in_dim3A_1790 = vector.shape_cast %reduce_sum3A_1789 : vector<1024xf32> to vector<1024x1xf32>
    %get3A_1791 = arith.constant 7 : index
    %get3A_1792 = arith.constant 0 : index
    %get3A_1793 = vector.load %arg2[%get3A_1791, %get3A_1792] : memref<16x1024xf32, #tpu.memory_space<vmem>>, vector<1x1024xf32>
    %ge3A_1794 = vector.broadcast %get3A_1793 : vector<1x1024xf32> to vector<1024x1024xf32>
    %ge3A_1795 = vector.broadcast %bitcast_convert_type3A_1756 : vector<1024x1xf32> to vector<1024x1024xf32>
    %ge3A_1796 = arith.cmpf oge, %ge3A_1794, %ge3A_1795 : vector<1024x1024xf32>
    %jit3A_1797 = arith.constant 1.000000e+00 : f32
    %jit3A_1798 = arith.constant 0.000000e+00 : f32
    %broadcast_in_dim3A_1799 = vector.broadcast %jit3A_1797 : f32 to vector<1024x1024xf32>
    %broadcast_in_dim3A_1800 = vector.broadcast %jit3A_1798 : f32 to vector<1024x1024xf32>
    %select_n3A_1801 = arith.select %ge3A_1796, %broadcast_in_dim3A_1799, %broadcast_in_dim3A_1800 : vector<1024x1024xi1>, vector<1024x1024xf32>
    %reduce_sum3A_1802 = arith.constant dense<0.000000e+00> : vector<1024xf32>
    %reduce_sum3A_1803 = vector.multi_reduction <add>, %select_n3A_1801, %reduce_sum3A_1802 [1] : vector<1024x1024xf32> to vector<1024xf32>
    %broadcast_in_dim3A_1804 = vector.shape_cast %reduce_sum3A_1803 : vector<1024xf32> to vector<1024x1xf32>
    %add3A_1805 = arith.addf %broadcast_in_dim3A_1790, %broadcast_in_dim3A_1804 : vector<1024x1xf32>
    %reduce_sum3A_1806 = arith.constant dense<0.000000e+00> : vector<1024xf32>
    %reduce_sum3A_1807 = vector.multi_reduction <add>, %select_n3A_1801, %reduce_sum3A_1806 [0] : vector<1024x1024xf32> to vector<1024xf32>
    %broadcast_in_dim3A_1808 = vector.shape_cast %reduce_sum3A_1807 : vector<1024xf32> to vector<1x1024xf32>
    %add3A_1809 = arith.addf %add3A_1587, %broadcast_in_dim3A_1808 : vector<1x1024xf32>
    %get3A_1810 = arith.constant 8 : index
    %get3A_1811 = arith.constant 0 : index
    %get3A_1812 = vector.load %arg2[%get3A_1810, %get3A_1811] : memref<16x1024xf32, #tpu.memory_space<vmem>>, vector<1x1024xf32>
    %ge3A_1813 = vector.broadcast %get3A_1812 : vector<1x1024xf32> to vector<1024x1024xf32>
    %ge3A_1814 = vector.broadcast %bitcast_convert_type3A_1756 : vector<1024x1xf32> to vector<1024x1024xf32>
    %ge3A_1815 = arith.cmpf oge, %ge3A_1813, %ge3A_1814 : vector<1024x1024xf32>
    %jit3A_1816 = arith.constant 1.000000e+00 : f32
    %jit3A_1817 = arith.constant 0.000000e+00 : f32
    %broadcast_in_dim3A_1818 = vector.broadcast %jit3A_1816 : f32 to vector<1024x1024xf32>
    %broadcast_in_dim3A_1819 = vector.broadcast %jit3A_1817 : f32 to vector<1024x1024xf32>
    %select_n3A_1820 = arith.select %ge3A_1815, %broadcast_in_dim3A_1818, %broadcast_in_dim3A_1819 : vector<1024x1024xi1>, vector<1024x1024xf32>
    %reduce_sum3A_1821 = arith.constant dense<0.000000e+00> : vector<1024xf32>
    %reduce_sum3A_1822 = vector.multi_reduction <add>, %select_n3A_1820, %reduce_sum3A_1821 [1] : vector<1024x1024xf32> to vector<1024xf32>
    %broadcast_in_dim3A_1823 = vector.shape_cast %reduce_sum3A_1822 : vector<1024xf32> to vector<1024x1xf32>
    %add3A_1824 = arith.addf %add3A_1805, %broadcast_in_dim3A_1823 : vector<1024x1xf32>
    %reduce_sum3A_1825 = arith.constant dense<0.000000e+00> : vector<1024xf32>
    %reduce_sum3A_1826 = vector.multi_reduction <add>, %select_n3A_1820, %reduce_sum3A_1825 [0] : vector<1024x1024xf32> to vector<1024xf32>
    %broadcast_in_dim3A_1827 = vector.shape_cast %reduce_sum3A_1826 : vector<1024xf32> to vector<1x1024xf32>
    %add3A_1828 = arith.addf %add3A_1606, %broadcast_in_dim3A_1827 : vector<1x1024xf32>
    %get3A_1829 = arith.constant 9 : index
    %get3A_1830 = arith.constant 0 : index
    %get3A_1831 = vector.load %arg2[%get3A_1829, %get3A_1830] : memref<16x1024xf32, #tpu.memory_space<vmem>>, vector<1x1024xf32>
    %ge3A_1832 = vector.broadcast %get3A_1831 : vector<1x1024xf32> to vector<1024x1024xf32>
    %ge3A_1833 = vector.broadcast %bitcast_convert_type3A_1756 : vector<1024x1xf32> to vector<1024x1024xf32>
    %ge3A_1834 = arith.cmpf oge, %ge3A_1832, %ge3A_1833 : vector<1024x1024xf32>
    %jit3A_1835 = arith.constant 1.000000e+00 : f32
    %jit3A_1836 = arith.constant 0.000000e+00 : f32
    %broadcast_in_dim3A_1837 = vector.broadcast %jit3A_1835 : f32 to vector<1024x1024xf32>
    %broadcast_in_dim3A_1838 = vector.broadcast %jit3A_1836 : f32 to vector<1024x1024xf32>
    %select_n3A_1839 = arith.select %ge3A_1834, %broadcast_in_dim3A_1837, %broadcast_in_dim3A_1838 : vector<1024x1024xi1>, vector<1024x1024xf32>
    %reduce_sum3A_1840 = arith.constant dense<0.000000e+00> : vector<1024xf32>
    %reduce_sum3A_1841 = vector.multi_reduction <add>, %select_n3A_1839, %reduce_sum3A_1840 [1] : vector<1024x1024xf32> to vector<1024xf32>
    %broadcast_in_dim3A_1842 = vector.shape_cast %reduce_sum3A_1841 : vector<1024xf32> to vector<1024x1xf32>
    %add3A_1843 = arith.addf %add3A_1824, %broadcast_in_dim3A_1842 : vector<1024x1xf32>
    %reduce_sum3A_1844 = arith.constant dense<0.000000e+00> : vector<1024xf32>
    %reduce_sum3A_1845 = vector.multi_reduction <add>, %select_n3A_1839, %reduce_sum3A_1844 [0] : vector<1024x1024xf32> to vector<1024xf32>
    %broadcast_in_dim3A_1846 = vector.shape_cast %reduce_sum3A_1845 : vector<1024xf32> to vector<1x1024xf32>
    %add3A_1847 = arith.addf %add3A_1625, %broadcast_in_dim3A_1846 : vector<1x1024xf32>
    %get3A_1848 = arith.constant 10 : index
    %get3A_1849 = arith.constant 0 : index
    %get3A_1850 = vector.load %arg2[%get3A_1848, %get3A_1849] : memref<16x1024xf32, #tpu.memory_space<vmem>>, vector<1x1024xf32>
    %ge3A_1851 = vector.broadcast %get3A_1850 : vector<1x1024xf32> to vector<1024x1024xf32>
    %ge3A_1852 = vector.broadcast %bitcast_convert_type3A_1756 : vector<1024x1xf32> to vector<1024x1024xf32>
    %ge3A_1853 = arith.cmpf oge, %ge3A_1851, %ge3A_1852 : vector<1024x1024xf32>
    %jit3A_1854 = arith.constant 1.000000e+00 : f32
    %jit3A_1855 = arith.constant 0.000000e+00 : f32
    %broadcast_in_dim3A_1856 = vector.broadcast %jit3A_1854 : f32 to vector<1024x1024xf32>
    %broadcast_in_dim3A_1857 = vector.broadcast %jit3A_1855 : f32 to vector<1024x1024xf32>
    %select_n3A_1858 = arith.select %ge3A_1853, %broadcast_in_dim3A_1856, %broadcast_in_dim3A_1857 : vector<1024x1024xi1>, vector<1024x1024xf32>
    %reduce_sum3A_1859 = arith.constant dense<0.000000e+00> : vector<1024xf32>
    %reduce_sum3A_1860 = vector.multi_reduction <add>, %select_n3A_1858, %reduce_sum3A_1859 [1] : vector<1024x1024xf32> to vector<1024xf32>
    %broadcast_in_dim3A_1861 = vector.shape_cast %reduce_sum3A_1860 : vector<1024xf32> to vector<1024x1xf32>
    %add3A_1862 = arith.addf %add3A_1843, %broadcast_in_dim3A_1861 : vector<1024x1xf32>
    %reduce_sum3A_1863 = arith.constant dense<0.000000e+00> : vector<1024xf32>
    %reduce_sum3A_1864 = vector.multi_reduction <add>, %select_n3A_1858, %reduce_sum3A_1863 [0] : vector<1024x1024xf32> to vector<1024xf32>
    %broadcast_in_dim3A_1865 = vector.shape_cast %reduce_sum3A_1864 : vector<1024xf32> to vector<1x1024xf32>
    %add3A_1866 = arith.addf %add3A_1644, %broadcast_in_dim3A_1865 : vector<1x1024xf32>
    %get3A_1867 = arith.constant 11 : index
    %get3A_1868 = arith.constant 0 : index
    %get3A_1869 = vector.load %arg2[%get3A_1867, %get3A_1868] : memref<16x1024xf32, #tpu.memory_space<vmem>>, vector<1x1024xf32>
    %ge3A_1870 = vector.broadcast %get3A_1869 : vector<1x1024xf32> to vector<1024x1024xf32>
    %ge3A_1871 = vector.broadcast %bitcast_convert_type3A_1756 : vector<1024x1xf32> to vector<1024x1024xf32>
    %ge3A_1872 = arith.cmpf oge, %ge3A_1870, %ge3A_1871 : vector<1024x1024xf32>
    %jit3A_1873 = arith.constant 1.000000e+00 : f32
    %jit3A_1874 = arith.constant 0.000000e+00 : f32
    %broadcast_in_dim3A_1875 = vector.broadcast %jit3A_1873 : f32 to vector<1024x1024xf32>
    %broadcast_in_dim3A_1876 = vector.broadcast %jit3A_1874 : f32 to vector<1024x1024xf32>
    %select_n3A_1877 = arith.select %ge3A_1872, %broadcast_in_dim3A_1875, %broadcast_in_dim3A_1876 : vector<1024x1024xi1>, vector<1024x1024xf32>
    %reduce_sum3A_1878 = arith.constant dense<0.000000e+00> : vector<1024xf32>
    %reduce_sum3A_1879 = vector.multi_reduction <add>, %select_n3A_1877, %reduce_sum3A_1878 [1] : vector<1024x1024xf32> to vector<1024xf32>
    %broadcast_in_dim3A_1880 = vector.shape_cast %reduce_sum3A_1879 : vector<1024xf32> to vector<1024x1xf32>
    %add3A_1881 = arith.addf %add3A_1862, %broadcast_in_dim3A_1880 : vector<1024x1xf32>
    %reduce_sum3A_1882 = arith.constant dense<0.000000e+00> : vector<1024xf32>
    %reduce_sum3A_1883 = vector.multi_reduction <add>, %select_n3A_1877, %reduce_sum3A_1882 [0] : vector<1024x1024xf32> to vector<1024xf32>
    %broadcast_in_dim3A_1884 = vector.shape_cast %reduce_sum3A_1883 : vector<1024xf32> to vector<1x1024xf32>
    %add3A_1885 = arith.addf %add3A_1663, %broadcast_in_dim3A_1884 : vector<1x1024xf32>
    %get3A_1886 = arith.constant 12 : index
    %get3A_1887 = arith.constant 0 : index
    %get3A_1888 = vector.load %arg2[%get3A_1886, %get3A_1887] : memref<16x1024xf32, #tpu.memory_space<vmem>>, vector<1x1024xf32>
    %ge3A_1889 = vector.broadcast %get3A_1888 : vector<1x1024xf32> to vector<1024x1024xf32>
    %ge3A_1890 = vector.broadcast %bitcast_convert_type3A_1756 : vector<1024x1xf32> to vector<1024x1024xf32>
    %ge3A_1891 = arith.cmpf oge, %ge3A_1889, %ge3A_1890 : vector<1024x1024xf32>
    %jit3A_1892 = arith.constant 1.000000e+00 : f32
    %jit3A_1893 = arith.constant 0.000000e+00 : f32
    %broadcast_in_dim3A_1894 = vector.broadcast %jit3A_1892 : f32 to vector<1024x1024xf32>
    %broadcast_in_dim3A_1895 = vector.broadcast %jit3A_1893 : f32 to vector<1024x1024xf32>
    %select_n3A_1896 = arith.select %ge3A_1891, %broadcast_in_dim3A_1894, %broadcast_in_dim3A_1895 : vector<1024x1024xi1>, vector<1024x1024xf32>
    %reduce_sum3A_1897 = arith.constant dense<0.000000e+00> : vector<1024xf32>
    %reduce_sum3A_1898 = vector.multi_reduction <add>, %select_n3A_1896, %reduce_sum3A_1897 [1] : vector<1024x1024xf32> to vector<1024xf32>
    %broadcast_in_dim3A_1899 = vector.shape_cast %reduce_sum3A_1898 : vector<1024xf32> to vector<1024x1xf32>
    %add3A_1900 = arith.addf %add3A_1881, %broadcast_in_dim3A_1899 : vector<1024x1xf32>
    %reduce_sum3A_1901 = arith.constant dense<0.000000e+00> : vector<1024xf32>
    %reduce_sum3A_1902 = vector.multi_reduction <add>, %select_n3A_1896, %reduce_sum3A_1901 [0] : vector<1024x1024xf32> to vector<1024xf32>
    %broadcast_in_dim3A_1903 = vector.shape_cast %reduce_sum3A_1902 : vector<1024xf32> to vector<1x1024xf32>
    %add3A_1904 = arith.addf %add3A_1682, %broadcast_in_dim3A_1903 : vector<1x1024xf32>
    %get3A_1905 = arith.constant 13 : index
    %get3A_1906 = arith.constant 0 : index
    %get3A_1907 = vector.load %arg2[%get3A_1905, %get3A_1906] : memref<16x1024xf32, #tpu.memory_space<vmem>>, vector<1x1024xf32>
    %ge3A_1908 = vector.broadcast %get3A_1907 : vector<1x1024xf32> to vector<1024x1024xf32>
    %ge3A_1909 = vector.broadcast %bitcast_convert_type3A_1756 : vector<1024x1xf32> to vector<1024x1024xf32>
    %ge3A_1910 = arith.cmpf oge, %ge3A_1908, %ge3A_1909 : vector<1024x1024xf32>
    %jit3A_1911 = arith.constant 1.000000e+00 : f32
    %jit3A_1912 = arith.constant 0.000000e+00 : f32
    %broadcast_in_dim3A_1913 = vector.broadcast %jit3A_1911 : f32 to vector<1024x1024xf32>
    %broadcast_in_dim3A_1914 = vector.broadcast %jit3A_1912 : f32 to vector<1024x1024xf32>
    %select_n3A_1915 = arith.select %ge3A_1910, %broadcast_in_dim3A_1913, %broadcast_in_dim3A_1914 : vector<1024x1024xi1>, vector<1024x1024xf32>
    %reduce_sum3A_1916 = arith.constant dense<0.000000e+00> : vector<1024xf32>
    %reduce_sum3A_1917 = vector.multi_reduction <add>, %select_n3A_1915, %reduce_sum3A_1916 [1] : vector<1024x1024xf32> to vector<1024xf32>
    %broadcast_in_dim3A_1918 = vector.shape_cast %reduce_sum3A_1917 : vector<1024xf32> to vector<1024x1xf32>
    %add3A_1919 = arith.addf %add3A_1900, %broadcast_in_dim3A_1918 : vector<1024x1xf32>
    %reduce_sum3A_1920 = arith.constant dense<0.000000e+00> : vector<1024xf32>
    %reduce_sum3A_1921 = vector.multi_reduction <add>, %select_n3A_1915, %reduce_sum3A_1920 [0] : vector<1024x1024xf32> to vector<1024xf32>
    %broadcast_in_dim3A_1922 = vector.shape_cast %reduce_sum3A_1921 : vector<1024xf32> to vector<1x1024xf32>
    %add3A_1923 = arith.addf %add3A_1701, %broadcast_in_dim3A_1922 : vector<1x1024xf32>
    %get3A_1924 = arith.constant 14 : index
    %get3A_1925 = arith.constant 0 : index
    %get3A_1926 = vector.load %arg2[%get3A_1924, %get3A_1925] : memref<16x1024xf32, #tpu.memory_space<vmem>>, vector<1x1024xf32>
    %ge3A_1927 = vector.broadcast %get3A_1926 : vector<1x1024xf32> to vector<1024x1024xf32>
    %ge3A_1928 = vector.broadcast %bitcast_convert_type3A_1756 : vector<1024x1xf32> to vector<1024x1024xf32>
    %ge3A_1929 = arith.cmpf oge, %ge3A_1927, %ge3A_1928 : vector<1024x1024xf32>
    %jit3A_1930 = arith.constant 1.000000e+00 : f32
    %jit3A_1931 = arith.constant 0.000000e+00 : f32
    %broadcast_in_dim3A_1932 = vector.broadcast %jit3A_1930 : f32 to vector<1024x1024xf32>
    %broadcast_in_dim3A_1933 = vector.broadcast %jit3A_1931 : f32 to vector<1024x1024xf32>
    %select_n3A_1934 = arith.select %ge3A_1929, %broadcast_in_dim3A_1932, %broadcast_in_dim3A_1933 : vector<1024x1024xi1>, vector<1024x1024xf32>
    %reduce_sum3A_1935 = arith.constant dense<0.000000e+00> : vector<1024xf32>
    %reduce_sum3A_1936 = vector.multi_reduction <add>, %select_n3A_1934, %reduce_sum3A_1935 [1] : vector<1024x1024xf32> to vector<1024xf32>
    %broadcast_in_dim3A_1937 = vector.shape_cast %reduce_sum3A_1936 : vector<1024xf32> to vector<1024x1xf32>
    %add3A_1938 = arith.addf %add3A_1919, %broadcast_in_dim3A_1937 : vector<1024x1xf32>
    %reduce_sum3A_1939 = arith.constant dense<0.000000e+00> : vector<1024xf32>
    %reduce_sum3A_1940 = vector.multi_reduction <add>, %select_n3A_1934, %reduce_sum3A_1939 [0] : vector<1024x1024xf32> to vector<1024xf32>
    %broadcast_in_dim3A_1941 = vector.shape_cast %reduce_sum3A_1940 : vector<1024xf32> to vector<1x1024xf32>
    %add3A_1942 = arith.addf %add3A_1720, %broadcast_in_dim3A_1941 : vector<1x1024xf32>
    %get3A_1943 = arith.constant 15 : index
    %get3A_1944 = arith.constant 0 : index
    %get3A_1945 = vector.load %arg2[%get3A_1943, %get3A_1944] : memref<16x1024xf32, #tpu.memory_space<vmem>>, vector<1x1024xf32>
    %ge3A_1946 = vector.broadcast %get3A_1945 : vector<1x1024xf32> to vector<1024x1024xf32>
    %ge3A_1947 = vector.broadcast %bitcast_convert_type3A_1756 : vector<1024x1xf32> to vector<1024x1024xf32>
    %ge3A_1948 = arith.cmpf oge, %ge3A_1946, %ge3A_1947 : vector<1024x1024xf32>
    %jit3A_1949 = arith.constant 1.000000e+00 : f32
    %jit3A_1950 = arith.constant 0.000000e+00 : f32
    %broadcast_in_dim3A_1951 = vector.broadcast %jit3A_1949 : f32 to vector<1024x1024xf32>
    %broadcast_in_dim3A_1952 = vector.broadcast %jit3A_1950 : f32 to vector<1024x1024xf32>
    %select_n3A_1953 = arith.select %ge3A_1948, %broadcast_in_dim3A_1951, %broadcast_in_dim3A_1952 : vector<1024x1024xi1>, vector<1024x1024xf32>
    %reduce_sum3A_1954 = arith.constant dense<0.000000e+00> : vector<1024xf32>
    %reduce_sum3A_1955 = vector.multi_reduction <add>, %select_n3A_1953, %reduce_sum3A_1954 [1] : vector<1024x1024xf32> to vector<1024xf32>
    %broadcast_in_dim3A_1956 = vector.shape_cast %reduce_sum3A_1955 : vector<1024xf32> to vector<1024x1xf32>
    %add3A_1957 = arith.addf %add3A_1938, %broadcast_in_dim3A_1956 : vector<1024x1xf32>
    %reduce_sum3A_1958 = arith.constant dense<0.000000e+00> : vector<1024xf32>
    %reduce_sum3A_1959 = vector.multi_reduction <add>, %select_n3A_1953, %reduce_sum3A_1958 [0] : vector<1024x1024xf32> to vector<1024xf32>
    %broadcast_in_dim3A_1960 = vector.shape_cast %reduce_sum3A_1959 : vector<1024xf32> to vector<1x1024xf32>
    %add3A_1961 = arith.addf %add3A_1739, %broadcast_in_dim3A_1960 : vector<1x1024xf32>
    %sub3A_1962 = arith.constant 6.144000e+03 : f32
    %sub3A_1963 = vector.broadcast %sub3A_1962 : f32 to vector<1x1024xf32>
    %sub3A_1964 = arith.subf %sub3A_1963, %add3A_1568 : vector<1x1024xf32>
    %reshape3A_1965 = vector.shape_cast %sub3A_1964 : vector<1x1024xf32> to vector<1024x1xf32>
    %add3A_1966 = arith.addf %add3A_1957, %reshape3A_1965 : vector<1024x1xf32>
    %convert_element_type3A_1967 = arith.fptosi %add3A_1966 : vector<1024x1xf32> to vector<1024x1xi32>
    %swap3A_1968 = arith.constant 6144 : index
    %swap3A_1969 = arith.constant 0 : index
    %swap3A_1970 = vector.load %arg3[%swap3A_1968, %swap3A_1969] : memref<16384x1xi32, #tpu.memory_space<vmem>>, vector<1024x1xi32>
    tpu.vector_store %arg3[%swap3A_1968, %swap3A_1969], %convert_element_type3A_1967 {strides = array<i32>} : memref<16384x1xi32, #tpu.memory_space<vmem>>, vector<1024x1xi32>,
    %get3A_1971 = arith.constant 7168 : index
    %get3A_1972 = arith.constant 0 : index
    %get3A_1973 = vector.load %arg1[%get3A_1971, %get3A_1972] : memref<16384x1xf32, #tpu.memory_space<vmem>>, vector<1024x1xf32>
    %bitcast_convert_type3A_1974 = tpu.bitcast %get3A_1973 : vector<1024x1xf32> -> vector<1024x1xi32>
    %add3A_1975 = arith.constant 1 : i32
    %add3A_1976 = vector.broadcast %add3A_1975 : i32 to vector<1024x1xi32>
    %add3A_1977 = arith.addi %bitcast_convert_type3A_1974, %add3A_1976 : vector<1024x1xi32>
    %bitcast_convert_type3A_1978 = tpu.bitcast %add3A_1977 : vector<1024x1xi32> -> vector<1024x1xf32>
    %get3A_1979 = arith.constant 7 : index
    %get3A_1980 = arith.constant 0 : index
    %get3A_1981 = vector.load %arg2[%get3A_1979, %get3A_1980] : memref<16x1024xf32, #tpu.memory_space<vmem>>, vector<1x1024xf32>
    %iota3A_1982 = tpu.iota {dimensions = array<i32: 0>} : vector<1024x1xi32>
    %add3A_1983 = arith.constant 7168 : i32
    %add3A_1984 = vector.broadcast %add3A_1983 : i32 to vector<1024x1xi32>
    %add3A_1985 = arith.addi %add3A_1984, %iota3A_1982 : vector<1024x1xi32>
    %iota3A_1986 = tpu.iota {dimensions = array<i32: 1>} : vector<1x1024xi32>
    %add3A_1987 = arith.constant 7168 : i32
    %add3A_1988 = vector.broadcast %add3A_1987 : i32 to vector<1x1024xi32>
    %add3A_1989 = arith.addi %add3A_1988, %iota3A_1986 : vector<1x1024xi32>
    %ge3A_1990 = vector.broadcast %get3A_1981 : vector<1x1024xf32> to vector<1024x1024xf32>
    %ge3A_1991 = vector.broadcast %get3A_1973 : vector<1024x1xf32> to vector<1024x1024xf32>
    %ge3A_1992 = arith.cmpf oge, %ge3A_1990, %ge3A_1991 : vector<1024x1024xf32>
    %jit3A_1993 = arith.constant 1.000000e+00 : f32
    %jit3A_1994 = arith.constant 0.000000e+00 : f32
    %broadcast_in_dim3A_1995 = vector.broadcast %jit3A_1993 : f32 to vector<1024x1024xf32>
    %broadcast_in_dim3A_1996 = vector.broadcast %jit3A_1994 : f32 to vector<1024x1024xf32>
    %select_n3A_1997 = arith.select %ge3A_1992, %broadcast_in_dim3A_1995, %broadcast_in_dim3A_1996 : vector<1024x1024xi1>, vector<1024x1024xf32>
    %ge3A_1998 = vector.broadcast %get3A_1981 : vector<1x1024xf32> to vector<1024x1024xf32>
    %ge3A_1999 = vector.broadcast %bitcast_convert_type3A_1978 : vector<1024x1xf32> to vector<1024x1024xf32>
    %ge3A_2000 = arith.cmpf oge, %ge3A_1998, %ge3A_1999 : vector<1024x1024xf32>
    %jit3A_2001 = arith.constant 1.000000e+00 : f32
    %jit3A_2002 = arith.constant 0.000000e+00 : f32
    %broadcast_in_dim3A_2003 = vector.broadcast %jit3A_2001 : f32 to vector<1024x1024xf32>
    %broadcast_in_dim3A_2004 = vector.broadcast %jit3A_2002 : f32 to vector<1024x1024xf32>
    %select_n3A_2005 = arith.select %ge3A_2000, %broadcast_in_dim3A_2003, %broadcast_in_dim3A_2004 : vector<1024x1024xi1>, vector<1024x1024xf32>
    %lt3A_2006 = vector.broadcast %add3A_1989 : vector<1x1024xi32> to vector<1024x1024xi32>
    %lt3A_2007 = vector.broadcast %add3A_1985 : vector<1024x1xi32> to vector<1024x1024xi32>
    %lt3A_2008 = arith.cmpi slt, %lt3A_2006, %lt3A_2007 : vector<1024x1024xi32>
    %select_n3A_2009 = arith.select %lt3A_2008, %select_n3A_1997, %select_n3A_2005 : vector<1024x1024xi1>, vector<1024x1024xf32>
    %reduce_sum3A_2010 = arith.constant dense<0.000000e+00> : vector<1024xf32>
    %reduce_sum3A_2011 = vector.multi_reduction <add>, %select_n3A_2009, %reduce_sum3A_2010 [1] : vector<1024x1024xf32> to vector<1024xf32>
    %broadcast_in_dim3A_2012 = vector.shape_cast %reduce_sum3A_2011 : vector<1024xf32> to vector<1024x1xf32>
    %get3A_2013 = arith.constant 8 : index
    %get3A_2014 = arith.constant 0 : index
    %get3A_2015 = vector.load %arg2[%get3A_2013, %get3A_2014] : memref<16x1024xf32, #tpu.memory_space<vmem>>, vector<1x1024xf32>
    %ge3A_2016 = vector.broadcast %get3A_2015 : vector<1x1024xf32> to vector<1024x1024xf32>
    %ge3A_2017 = vector.broadcast %bitcast_convert_type3A_1978 : vector<1024x1xf32> to vector<1024x1024xf32>
    %ge3A_2018 = arith.cmpf oge, %ge3A_2016, %ge3A_2017 : vector<1024x1024xf32>
    %jit3A_2019 = arith.constant 1.000000e+00 : f32
    %jit3A_2020 = arith.constant 0.000000e+00 : f32
    %broadcast_in_dim3A_2021 = vector.broadcast %jit3A_2019 : f32 to vector<1024x1024xf32>
    %broadcast_in_dim3A_2022 = vector.broadcast %jit3A_2020 : f32 to vector<1024x1024xf32>
    %select_n3A_2023 = arith.select %ge3A_2018, %broadcast_in_dim3A_2021, %broadcast_in_dim3A_2022 : vector<1024x1024xi1>, vector<1024x1024xf32>
    %reduce_sum3A_2024 = arith.constant dense<0.000000e+00> : vector<1024xf32>
    %reduce_sum3A_2025 = vector.multi_reduction <add>, %select_n3A_2023, %reduce_sum3A_2024 [1] : vector<1024x1024xf32> to vector<1024xf32>
    %broadcast_in_dim3A_2026 = vector.shape_cast %reduce_sum3A_2025 : vector<1024xf32> to vector<1024x1xf32>
    %add3A_2027 = arith.addf %broadcast_in_dim3A_2012, %broadcast_in_dim3A_2026 : vector<1024x1xf32>
    %reduce_sum3A_2028 = arith.constant dense<0.000000e+00> : vector<1024xf32>
    %reduce_sum3A_2029 = vector.multi_reduction <add>, %select_n3A_2023, %reduce_sum3A_2028 [0] : vector<1024x1024xf32> to vector<1024xf32>
    %broadcast_in_dim3A_2030 = vector.shape_cast %reduce_sum3A_2029 : vector<1024xf32> to vector<1x1024xf32>
    %add3A_2031 = arith.addf %add3A_1828, %broadcast_in_dim3A_2030 : vector<1x1024xf32>
    %get3A_2032 = arith.constant 9 : index
    %get3A_2033 = arith.constant 0 : index
    %get3A_2034 = vector.load %arg2[%get3A_2032, %get3A_2033] : memref<16x1024xf32, #tpu.memory_space<vmem>>, vector<1x1024xf32>
    %ge3A_2035 = vector.broadcast %get3A_2034 : vector<1x1024xf32> to vector<1024x1024xf32>
    %ge3A_2036 = vector.broadcast %bitcast_convert_type3A_1978 : vector<1024x1xf32> to vector<1024x1024xf32>
    %ge3A_2037 = arith.cmpf oge, %ge3A_2035, %ge3A_2036 : vector<1024x1024xf32>
    %jit3A_2038 = arith.constant 1.000000e+00 : f32
    %jit3A_2039 = arith.constant 0.000000e+00 : f32
    %broadcast_in_dim3A_2040 = vector.broadcast %jit3A_2038 : f32 to vector<1024x1024xf32>
    %broadcast_in_dim3A_2041 = vector.broadcast %jit3A_2039 : f32 to vector<1024x1024xf32>
    %select_n3A_2042 = arith.select %ge3A_2037, %broadcast_in_dim3A_2040, %broadcast_in_dim3A_2041 : vector<1024x1024xi1>, vector<1024x1024xf32>
    %reduce_sum3A_2043 = arith.constant dense<0.000000e+00> : vector<1024xf32>
    %reduce_sum3A_2044 = vector.multi_reduction <add>, %select_n3A_2042, %reduce_sum3A_2043 [1] : vector<1024x1024xf32> to vector<1024xf32>
    %broadcast_in_dim3A_2045 = vector.shape_cast %reduce_sum3A_2044 : vector<1024xf32> to vector<1024x1xf32>
    %add3A_2046 = arith.addf %add3A_2027, %broadcast_in_dim3A_2045 : vector<1024x1xf32>
    %reduce_sum3A_2047 = arith.constant dense<0.000000e+00> : vector<1024xf32>
    %reduce_sum3A_2048 = vector.multi_reduction <add>, %select_n3A_2042, %reduce_sum3A_2047 [0] : vector<1024x1024xf32> to vector<1024xf32>
    %broadcast_in_dim3A_2049 = vector.shape_cast %reduce_sum3A_2048 : vector<1024xf32> to vector<1x1024xf32>
    %add3A_2050 = arith.addf %add3A_1847, %broadcast_in_dim3A_2049 : vector<1x1024xf32>
    %get3A_2051 = arith.constant 10 : index
    %get3A_2052 = arith.constant 0 : index
    %get3A_2053 = vector.load %arg2[%get3A_2051, %get3A_2052] : memref<16x1024xf32, #tpu.memory_space<vmem>>, vector<1x1024xf32>
    %ge3A_2054 = vector.broadcast %get3A_2053 : vector<1x1024xf32> to vector<1024x1024xf32>
    %ge3A_2055 = vector.broadcast %bitcast_convert_type3A_1978 : vector<1024x1xf32> to vector<1024x1024xf32>
    %ge3A_2056 = arith.cmpf oge, %ge3A_2054, %ge3A_2055 : vector<1024x1024xf32>
    %jit3A_2057 = arith.constant 1.000000e+00 : f32
    %jit3A_2058 = arith.constant 0.000000e+00 : f32
    %broadcast_in_dim3A_2059 = vector.broadcast %jit3A_2057 : f32 to vector<1024x1024xf32>
    %broadcast_in_dim3A_2060 = vector.broadcast %jit3A_2058 : f32 to vector<1024x1024xf32>
    %select_n3A_2061 = arith.select %ge3A_2056, %broadcast_in_dim3A_2059, %broadcast_in_dim3A_2060 : vector<1024x1024xi1>, vector<1024x1024xf32>
    %reduce_sum3A_2062 = arith.constant dense<0.000000e+00> : vector<1024xf32>
    %reduce_sum3A_2063 = vector.multi_reduction <add>, %select_n3A_2061, %reduce_sum3A_2062 [1] : vector<1024x1024xf32> to vector<1024xf32>
    %broadcast_in_dim3A_2064 = vector.shape_cast %reduce_sum3A_2063 : vector<1024xf32> to vector<1024x1xf32>
    %add3A_2065 = arith.addf %add3A_2046, %broadcast_in_dim3A_2064 : vector<1024x1xf32>
    %reduce_sum3A_2066 = arith.constant dense<0.000000e+00> : vector<1024xf32>
    %reduce_sum3A_2067 = vector.multi_reduction <add>, %select_n3A_2061, %reduce_sum3A_2066 [0] : vector<1024x1024xf32> to vector<1024xf32>
    %broadcast_in_dim3A_2068 = vector.shape_cast %reduce_sum3A_2067 : vector<1024xf32> to vector<1x1024xf32>
    %add3A_2069 = arith.addf %add3A_1866, %broadcast_in_dim3A_2068 : vector<1x1024xf32>
    %get3A_2070 = arith.constant 11 : index
    %get3A_2071 = arith.constant 0 : index
    %get3A_2072 = vector.load %arg2[%get3A_2070, %get3A_2071] : memref<16x1024xf32, #tpu.memory_space<vmem>>, vector<1x1024xf32>
    %ge3A_2073 = vector.broadcast %get3A_2072 : vector<1x1024xf32> to vector<1024x1024xf32>
    %ge3A_2074 = vector.broadcast %bitcast_convert_type3A_1978 : vector<1024x1xf32> to vector<1024x1024xf32>
    %ge3A_2075 = arith.cmpf oge, %ge3A_2073, %ge3A_2074 : vector<1024x1024xf32>
    %jit3A_2076 = arith.constant 1.000000e+00 : f32
    %jit3A_2077 = arith.constant 0.000000e+00 : f32
    %broadcast_in_dim3A_2078 = vector.broadcast %jit3A_2076 : f32 to vector<1024x1024xf32>
    %broadcast_in_dim3A_2079 = vector.broadcast %jit3A_2077 : f32 to vector<1024x1024xf32>
    %select_n3A_2080 = arith.select %ge3A_2075, %broadcast_in_dim3A_2078, %broadcast_in_dim3A_2079 : vector<1024x1024xi1>, vector<1024x1024xf32>
    %reduce_sum3A_2081 = arith.constant dense<0.000000e+00> : vector<1024xf32>
    %reduce_sum3A_2082 = vector.multi_reduction <add>, %select_n3A_2080, %reduce_sum3A_2081 [1] : vector<1024x1024xf32> to vector<1024xf32>
    %broadcast_in_dim3A_2083 = vector.shape_cast %reduce_sum3A_2082 : vector<1024xf32> to vector<1024x1xf32>
    %add3A_2084 = arith.addf %add3A_2065, %broadcast_in_dim3A_2083 : vector<1024x1xf32>
    %reduce_sum3A_2085 = arith.constant dense<0.000000e+00> : vector<1024xf32>
    %reduce_sum3A_2086 = vector.multi_reduction <add>, %select_n3A_2080, %reduce_sum3A_2085 [0] : vector<1024x1024xf32> to vector<1024xf32>
    %broadcast_in_dim3A_2087 = vector.shape_cast %reduce_sum3A_2086 : vector<1024xf32> to vector<1x1024xf32>
    %add3A_2088 = arith.addf %add3A_1885, %broadcast_in_dim3A_2087 : vector<1x1024xf32>
    %get3A_2089 = arith.constant 12 : index
    %get3A_2090 = arith.constant 0 : index
    %get3A_2091 = vector.load %arg2[%get3A_2089, %get3A_2090] : memref<16x1024xf32, #tpu.memory_space<vmem>>, vector<1x1024xf32>
    %ge3A_2092 = vector.broadcast %get3A_2091 : vector<1x1024xf32> to vector<1024x1024xf32>
    %ge3A_2093 = vector.broadcast %bitcast_convert_type3A_1978 : vector<1024x1xf32> to vector<1024x1024xf32>
    %ge3A_2094 = arith.cmpf oge, %ge3A_2092, %ge3A_2093 : vector<1024x1024xf32>
    %jit3A_2095 = arith.constant 1.000000e+00 : f32
    %jit3A_2096 = arith.constant 0.000000e+00 : f32
    %broadcast_in_dim3A_2097 = vector.broadcast %jit3A_2095 : f32 to vector<1024x1024xf32>
    %broadcast_in_dim3A_2098 = vector.broadcast %jit3A_2096 : f32 to vector<1024x1024xf32>
    %select_n3A_2099 = arith.select %ge3A_2094, %broadcast_in_dim3A_2097, %broadcast_in_dim3A_2098 : vector<1024x1024xi1>, vector<1024x1024xf32>
    %reduce_sum3A_2100 = arith.constant dense<0.000000e+00> : vector<1024xf32>
    %reduce_sum3A_2101 = vector.multi_reduction <add>, %select_n3A_2099, %reduce_sum3A_2100 [1] : vector<1024x1024xf32> to vector<1024xf32>
    %broadcast_in_dim3A_2102 = vector.shape_cast %reduce_sum3A_2101 : vector<1024xf32> to vector<1024x1xf32>
    %add3A_2103 = arith.addf %add3A_2084, %broadcast_in_dim3A_2102 : vector<1024x1xf32>
    %reduce_sum3A_2104 = arith.constant dense<0.000000e+00> : vector<1024xf32>
    %reduce_sum3A_2105 = vector.multi_reduction <add>, %select_n3A_2099, %reduce_sum3A_2104 [0] : vector<1024x1024xf32> to vector<1024xf32>
    %broadcast_in_dim3A_2106 = vector.shape_cast %reduce_sum3A_2105 : vector<1024xf32> to vector<1x1024xf32>
    %add3A_2107 = arith.addf %add3A_1904, %broadcast_in_dim3A_2106 : vector<1x1024xf32>
    %get3A_2108 = arith.constant 13 : index
    %get3A_2109 = arith.constant 0 : index
    %get3A_2110 = vector.load %arg2[%get3A_2108, %get3A_2109] : memref<16x1024xf32, #tpu.memory_space<vmem>>, vector<1x1024xf32>
    %ge3A_2111 = vector.broadcast %get3A_2110 : vector<1x1024xf32> to vector<1024x1024xf32>
    %ge3A_2112 = vector.broadcast %bitcast_convert_type3A_1978 : vector<1024x1xf32> to vector<1024x1024xf32>
    %ge3A_2113 = arith.cmpf oge, %ge3A_2111, %ge3A_2112 : vector<1024x1024xf32>
    %jit3A_2114 = arith.constant 1.000000e+00 : f32
    %jit3A_2115 = arith.constant 0.000000e+00 : f32
    %broadcast_in_dim3A_2116 = vector.broadcast %jit3A_2114 : f32 to vector<1024x1024xf32>
    %broadcast_in_dim3A_2117 = vector.broadcast %jit3A_2115 : f32 to vector<1024x1024xf32>
    %select_n3A_2118 = arith.select %ge3A_2113, %broadcast_in_dim3A_2116, %broadcast_in_dim3A_2117 : vector<1024x1024xi1>, vector<1024x1024xf32>
    %reduce_sum3A_2119 = arith.constant dense<0.000000e+00> : vector<1024xf32>
    %reduce_sum3A_2120 = vector.multi_reduction <add>, %select_n3A_2118, %reduce_sum3A_2119 [1] : vector<1024x1024xf32> to vector<1024xf32>
    %broadcast_in_dim3A_2121 = vector.shape_cast %reduce_sum3A_2120 : vector<1024xf32> to vector<1024x1xf32>
    %add3A_2122 = arith.addf %add3A_2103, %broadcast_in_dim3A_2121 : vector<1024x1xf32>
    %reduce_sum3A_2123 = arith.constant dense<0.000000e+00> : vector<1024xf32>
    %reduce_sum3A_2124 = vector.multi_reduction <add>, %select_n3A_2118, %reduce_sum3A_2123 [0] : vector<1024x1024xf32> to vector<1024xf32>
    %broadcast_in_dim3A_2125 = vector.shape_cast %reduce_sum3A_2124 : vector<1024xf32> to vector<1x1024xf32>
    %add3A_2126 = arith.addf %add3A_1923, %broadcast_in_dim3A_2125 : vector<1x1024xf32>
    %get3A_2127 = arith.constant 14 : index
    %get3A_2128 = arith.constant 0 : index
    %get3A_2129 = vector.load %arg2[%get3A_2127, %get3A_2128] : memref<16x1024xf32, #tpu.memory_space<vmem>>, vector<1x1024xf32>
    %ge3A_2130 = vector.broadcast %get3A_2129 : vector<1x1024xf32> to vector<1024x1024xf32>
    %ge3A_2131 = vector.broadcast %bitcast_convert_type3A_1978 : vector<1024x1xf32> to vector<1024x1024xf32>
    %ge3A_2132 = arith.cmpf oge, %ge3A_2130, %ge3A_2131 : vector<1024x1024xf32>
    %jit3A_2133 = arith.constant 1.000000e+00 : f32
    %jit3A_2134 = arith.constant 0.000000e+00 : f32
    %broadcast_in_dim3A_2135 = vector.broadcast %jit3A_2133 : f32 to vector<1024x1024xf32>
    %broadcast_in_dim3A_2136 = vector.broadcast %jit3A_2134 : f32 to vector<1024x1024xf32>
    %select_n3A_2137 = arith.select %ge3A_2132, %broadcast_in_dim3A_2135, %broadcast_in_dim3A_2136 : vector<1024x1024xi1>, vector<1024x1024xf32>
    %reduce_sum3A_2138 = arith.constant dense<0.000000e+00> : vector<1024xf32>
    %reduce_sum3A_2139 = vector.multi_reduction <add>, %select_n3A_2137, %reduce_sum3A_2138 [1] : vector<1024x1024xf32> to vector<1024xf32>
    %broadcast_in_dim3A_2140 = vector.shape_cast %reduce_sum3A_2139 : vector<1024xf32> to vector<1024x1xf32>
    %add3A_2141 = arith.addf %add3A_2122, %broadcast_in_dim3A_2140 : vector<1024x1xf32>
    %reduce_sum3A_2142 = arith.constant dense<0.000000e+00> : vector<1024xf32>
    %reduce_sum3A_2143 = vector.multi_reduction <add>, %select_n3A_2137, %reduce_sum3A_2142 [0] : vector<1024x1024xf32> to vector<1024xf32>
    %broadcast_in_dim3A_2144 = vector.shape_cast %reduce_sum3A_2143 : vector<1024xf32> to vector<1x1024xf32>
    %add3A_2145 = arith.addf %add3A_1942, %broadcast_in_dim3A_2144 : vector<1x1024xf32>
    %get3A_2146 = arith.constant 15 : index
    %get3A_2147 = arith.constant 0 : index
    %get3A_2148 = vector.load %arg2[%get3A_2146, %get3A_2147] : memref<16x1024xf32, #tpu.memory_space<vmem>>, vector<1x1024xf32>
    %ge3A_2149 = vector.broadcast %get3A_2148 : vector<1x1024xf32> to vector<1024x1024xf32>
    %ge3A_2150 = vector.broadcast %bitcast_convert_type3A_1978 : vector<1024x1xf32> to vector<1024x1024xf32>
    %ge3A_2151 = arith.cmpf oge, %ge3A_2149, %ge3A_2150 : vector<1024x1024xf32>
    %jit3A_2152 = arith.constant 1.000000e+00 : f32
    %jit3A_2153 = arith.constant 0.000000e+00 : f32
    %broadcast_in_dim3A_2154 = vector.broadcast %jit3A_2152 : f32 to vector<1024x1024xf32>
    %broadcast_in_dim3A_2155 = vector.broadcast %jit3A_2153 : f32 to vector<1024x1024xf32>
    %select_n3A_2156 = arith.select %ge3A_2151, %broadcast_in_dim3A_2154, %broadcast_in_dim3A_2155 : vector<1024x1024xi1>, vector<1024x1024xf32>
    %reduce_sum3A_2157 = arith.constant dense<0.000000e+00> : vector<1024xf32>
    %reduce_sum3A_2158 = vector.multi_reduction <add>, %select_n3A_2156, %reduce_sum3A_2157 [1] : vector<1024x1024xf32> to vector<1024xf32>
    %broadcast_in_dim3A_2159 = vector.shape_cast %reduce_sum3A_2158 : vector<1024xf32> to vector<1024x1xf32>
    %add3A_2160 = arith.addf %add3A_2141, %broadcast_in_dim3A_2159 : vector<1024x1xf32>
    %reduce_sum3A_2161 = arith.constant dense<0.000000e+00> : vector<1024xf32>
    %reduce_sum3A_2162 = vector.multi_reduction <add>, %select_n3A_2156, %reduce_sum3A_2161 [0] : vector<1024x1024xf32> to vector<1024xf32>
    %broadcast_in_dim3A_2163 = vector.shape_cast %reduce_sum3A_2162 : vector<1024xf32> to vector<1x1024xf32>
    %add3A_2164 = arith.addf %add3A_1961, %broadcast_in_dim3A_2163 : vector<1x1024xf32>
    %sub3A_2165 = arith.constant 7.168000e+03 : f32
    %sub3A_2166 = vector.broadcast %sub3A_2165 : f32 to vector<1x1024xf32>
    %sub3A_2167 = arith.subf %sub3A_2166, %add3A_1809 : vector<1x1024xf32>
    %reshape3A_2168 = vector.shape_cast %sub3A_2167 : vector<1x1024xf32> to vector<1024x1xf32>
    %add3A_2169 = arith.addf %add3A_2160, %reshape3A_2168 : vector<1024x1xf32>
    %convert_element_type3A_2170 = arith.fptosi %add3A_2169 : vector<1024x1xf32> to vector<1024x1xi32>
    %swap3A_2171 = arith.constant 7168 : index
    %swap3A_2172 = arith.constant 0 : index
    %swap3A_2173 = vector.load %arg3[%swap3A_2171, %swap3A_2172] : memref<16384x1xi32, #tpu.memory_space<vmem>>, vector<1024x1xi32>
    tpu.vector_store %arg3[%swap3A_2171, %swap3A_2172], %convert_element_type3A_2170 {strides = array<i32>} : memref<16384x1xi32, #tpu.memory_space<vmem>>, vector<1024x1xi32>,
    %get3A_2174 = arith.constant 8192 : index
    %get3A_2175 = arith.constant 0 : index
    %get3A_2176 = vector.load %arg1[%get3A_2174, %get3A_2175] : memref<16384x1xf32, #tpu.memory_space<vmem>>, vector<1024x1xf32>
    %bitcast_convert_type3A_2177 = tpu.bitcast %get3A_2176 : vector<1024x1xf32> -> vector<1024x1xi32>
    %add3A_2178 = arith.constant 1 : i32
    %add3A_2179 = vector.broadcast %add3A_2178 : i32 to vector<1024x1xi32>
    %add3A_2180 = arith.addi %bitcast_convert_type3A_2177, %add3A_2179 : vector<1024x1xi32>
    %bitcast_convert_type3A_2181 = tpu.bitcast %add3A_2180 : vector<1024x1xi32> -> vector<1024x1xf32>
    %get3A_2182 = arith.constant 8 : index
    %get3A_2183 = arith.constant 0 : index
    %get3A_2184 = vector.load %arg2[%get3A_2182, %get3A_2183] : memref<16x1024xf32, #tpu.memory_space<vmem>>, vector<1x1024xf32>
    %iota3A_2185 = tpu.iota {dimensions = array<i32: 0>} : vector<1024x1xi32>
    %add3A_2186 = arith.constant 8192 : i32
    %add3A_2187 = vector.broadcast %add3A_2186 : i32 to vector<1024x1xi32>
    %add3A_2188 = arith.addi %add3A_2187, %iota3A_2185 : vector<1024x1xi32>
    %iota3A_2189 = tpu.iota {dimensions = array<i32: 1>} : vector<1x1024xi32>
    %add3A_2190 = arith.constant 8192 : i32
    %add3A_2191 = vector.broadcast %add3A_2190 : i32 to vector<1x1024xi32>
    %add3A_2192 = arith.addi %add3A_2191, %iota3A_2189 : vector<1x1024xi32>
    %ge3A_2193 = vector.broadcast %get3A_2184 : vector<1x1024xf32> to vector<1024x1024xf32>
    %ge3A_2194 = vector.broadcast %get3A_2176 : vector<1024x1xf32> to vector<1024x1024xf32>
    %ge3A_2195 = arith.cmpf oge, %ge3A_2193, %ge3A_2194 : vector<1024x1024xf32>
    %jit3A_2196 = arith.constant 1.000000e+00 : f32
    %jit3A_2197 = arith.constant 0.000000e+00 : f32
    %broadcast_in_dim3A_2198 = vector.broadcast %jit3A_2196 : f32 to vector<1024x1024xf32>
    %broadcast_in_dim3A_2199 = vector.broadcast %jit3A_2197 : f32 to vector<1024x1024xf32>
    %select_n3A_2200 = arith.select %ge3A_2195, %broadcast_in_dim3A_2198, %broadcast_in_dim3A_2199 : vector<1024x1024xi1>, vector<1024x1024xf32>
    %ge3A_2201 = vector.broadcast %get3A_2184 : vector<1x1024xf32> to vector<1024x1024xf32>
    %ge3A_2202 = vector.broadcast %bitcast_convert_type3A_2181 : vector<1024x1xf32> to vector<1024x1024xf32>
    %ge3A_2203 = arith.cmpf oge, %ge3A_2201, %ge3A_2202 : vector<1024x1024xf32>
    %jit3A_2204 = arith.constant 1.000000e+00 : f32
    %jit3A_2205 = arith.constant 0.000000e+00 : f32
    %broadcast_in_dim3A_2206 = vector.broadcast %jit3A_2204 : f32 to vector<1024x1024xf32>
    %broadcast_in_dim3A_2207 = vector.broadcast %jit3A_2205 : f32 to vector<1024x1024xf32>
    %select_n3A_2208 = arith.select %ge3A_2203, %broadcast_in_dim3A_2206, %broadcast_in_dim3A_2207 : vector<1024x1024xi1>, vector<1024x1024xf32>
    %lt3A_2209 = vector.broadcast %add3A_2192 : vector<1x1024xi32> to vector<1024x1024xi32>
    %lt3A_2210 = vector.broadcast %add3A_2188 : vector<1024x1xi32> to vector<1024x1024xi32>
    %lt3A_2211 = arith.cmpi slt, %lt3A_2209, %lt3A_2210 : vector<1024x1024xi32>
    %select_n3A_2212 = arith.select %lt3A_2211, %select_n3A_2200, %select_n3A_2208 : vector<1024x1024xi1>, vector<1024x1024xf32>
    %reduce_sum3A_2213 = arith.constant dense<0.000000e+00> : vector<1024xf32>
    %reduce_sum3A_2214 = vector.multi_reduction <add>, %select_n3A_2212, %reduce_sum3A_2213 [1] : vector<1024x1024xf32> to vector<1024xf32>
    %broadcast_in_dim3A_2215 = vector.shape_cast %reduce_sum3A_2214 : vector<1024xf32> to vector<1024x1xf32>
    %get3A_2216 = arith.constant 9 : index
    %get3A_2217 = arith.constant 0 : index
    %get3A_2218 = vector.load %arg2[%get3A_2216, %get3A_2217] : memref<16x1024xf32, #tpu.memory_space<vmem>>, vector<1x1024xf32>
    %ge3A_2219 = vector.broadcast %get3A_2218 : vector<1x1024xf32> to vector<1024x1024xf32>
    %ge3A_2220 = vector.broadcast %bitcast_convert_type3A_2181 : vector<1024x1xf32> to vector<1024x1024xf32>
    %ge3A_2221 = arith.cmpf oge, %ge3A_2219, %ge3A_2220 : vector<1024x1024xf32>
    %jit3A_2222 = arith.constant 1.000000e+00 : f32
    %jit3A_2223 = arith.constant 0.000000e+00 : f32
    %broadcast_in_dim3A_2224 = vector.broadcast %jit3A_2222 : f32 to vector<1024x1024xf32>
    %broadcast_in_dim3A_2225 = vector.broadcast %jit3A_2223 : f32 to vector<1024x1024xf32>
    %select_n3A_2226 = arith.select %ge3A_2221, %broadcast_in_dim3A_2224, %broadcast_in_dim3A_2225 : vector<1024x1024xi1>, vector<1024x1024xf32>
    %reduce_sum3A_2227 = arith.constant dense<0.000000e+00> : vector<1024xf32>
    %reduce_sum3A_2228 = vector.multi_reduction <add>, %select_n3A_2226, %reduce_sum3A_2227 [1] : vector<1024x1024xf32> to vector<1024xf32>
    %broadcast_in_dim3A_2229 = vector.shape_cast %reduce_sum3A_2228 : vector<1024xf32> to vector<1024x1xf32>
    %add3A_2230 = arith.addf %broadcast_in_dim3A_2215, %broadcast_in_dim3A_2229 : vector<1024x1xf32>
    %reduce_sum3A_2231 = arith.constant dense<0.000000e+00> : vector<1024xf32>
    %reduce_sum3A_2232 = vector.multi_reduction <add>, %select_n3A_2226, %reduce_sum3A_2231 [0] : vector<1024x1024xf32> to vector<1024xf32>
    %broadcast_in_dim3A_2233 = vector.shape_cast %reduce_sum3A_2232 : vector<1024xf32> to vector<1x1024xf32>
    %add3A_2234 = arith.addf %add3A_2050, %broadcast_in_dim3A_2233 : vector<1x1024xf32>
    %get3A_2235 = arith.constant 10 : index
    %get3A_2236 = arith.constant 0 : index
    %get3A_2237 = vector.load %arg2[%get3A_2235, %get3A_2236] : memref<16x1024xf32, #tpu.memory_space<vmem>>, vector<1x1024xf32>
    %ge3A_2238 = vector.broadcast %get3A_2237 : vector<1x1024xf32> to vector<1024x1024xf32>
    %ge3A_2239 = vector.broadcast %bitcast_convert_type3A_2181 : vector<1024x1xf32> to vector<1024x1024xf32>
    %ge3A_2240 = arith.cmpf oge, %ge3A_2238, %ge3A_2239 : vector<1024x1024xf32>
    %jit3A_2241 = arith.constant 1.000000e+00 : f32
    %jit3A_2242 = arith.constant 0.000000e+00 : f32
    %broadcast_in_dim3A_2243 = vector.broadcast %jit3A_2241 : f32 to vector<1024x1024xf32>
    %broadcast_in_dim3A_2244 = vector.broadcast %jit3A_2242 : f32 to vector<1024x1024xf32>
    %select_n3A_2245 = arith.select %ge3A_2240, %broadcast_in_dim3A_2243, %broadcast_in_dim3A_2244 : vector<1024x1024xi1>, vector<1024x1024xf32>
    %reduce_sum3A_2246 = arith.constant dense<0.000000e+00> : vector<1024xf32>
    %reduce_sum3A_2247 = vector.multi_reduction <add>, %select_n3A_2245, %reduce_sum3A_2246 [1] : vector<1024x1024xf32> to vector<1024xf32>
    %broadcast_in_dim3A_2248 = vector.shape_cast %reduce_sum3A_2247 : vector<1024xf32> to vector<1024x1xf32>
    %add3A_2249 = arith.addf %add3A_2230, %broadcast_in_dim3A_2248 : vector<1024x1xf32>
    %reduce_sum3A_2250 = arith.constant dense<0.000000e+00> : vector<1024xf32>
    %reduce_sum3A_2251 = vector.multi_reduction <add>, %select_n3A_2245, %reduce_sum3A_2250 [0] : vector<1024x1024xf32> to vector<1024xf32>
    %broadcast_in_dim3A_2252 = vector.shape_cast %reduce_sum3A_2251 : vector<1024xf32> to vector<1x1024xf32>
    %add3A_2253 = arith.addf %add3A_2069, %broadcast_in_dim3A_2252 : vector<1x1024xf32>
    %get3A_2254 = arith.constant 11 : index
    %get3A_2255 = arith.constant 0 : index
    %get3A_2256 = vector.load %arg2[%get3A_2254, %get3A_2255] : memref<16x1024xf32, #tpu.memory_space<vmem>>, vector<1x1024xf32>
    %ge3A_2257 = vector.broadcast %get3A_2256 : vector<1x1024xf32> to vector<1024x1024xf32>
    %ge3A_2258 = vector.broadcast %bitcast_convert_type3A_2181 : vector<1024x1xf32> to vector<1024x1024xf32>
    %ge3A_2259 = arith.cmpf oge, %ge3A_2257, %ge3A_2258 : vector<1024x1024xf32>
    %jit3A_2260 = arith.constant 1.000000e+00 : f32
    %jit3A_2261 = arith.constant 0.000000e+00 : f32
    %broadcast_in_dim3A_2262 = vector.broadcast %jit3A_2260 : f32 to vector<1024x1024xf32>
    %broadcast_in_dim3A_2263 = vector.broadcast %jit3A_2261 : f32 to vector<1024x1024xf32>
    %select_n3A_2264 = arith.select %ge3A_2259, %broadcast_in_dim3A_2262, %broadcast_in_dim3A_2263 : vector<1024x1024xi1>, vector<1024x1024xf32>
    %reduce_sum3A_2265 = arith.constant dense<0.000000e+00> : vector<1024xf32>
    %reduce_sum3A_2266 = vector.multi_reduction <add>, %select_n3A_2264, %reduce_sum3A_2265 [1] : vector<1024x1024xf32> to vector<1024xf32>
    %broadcast_in_dim3A_2267 = vector.shape_cast %reduce_sum3A_2266 : vector<1024xf32> to vector<1024x1xf32>
    %add3A_2268 = arith.addf %add3A_2249, %broadcast_in_dim3A_2267 : vector<1024x1xf32>
    %reduce_sum3A_2269 = arith.constant dense<0.000000e+00> : vector<1024xf32>
    %reduce_sum3A_2270 = vector.multi_reduction <add>, %select_n3A_2264, %reduce_sum3A_2269 [0] : vector<1024x1024xf32> to vector<1024xf32>
    %broadcast_in_dim3A_2271 = vector.shape_cast %reduce_sum3A_2270 : vector<1024xf32> to vector<1x1024xf32>
    %add3A_2272 = arith.addf %add3A_2088, %broadcast_in_dim3A_2271 : vector<1x1024xf32>
    %get3A_2273 = arith.constant 12 : index
    %get3A_2274 = arith.constant 0 : index
    %get3A_2275 = vector.load %arg2[%get3A_2273, %get3A_2274] : memref<16x1024xf32, #tpu.memory_space<vmem>>, vector<1x1024xf32>
    %ge3A_2276 = vector.broadcast %get3A_2275 : vector<1x1024xf32> to vector<1024x1024xf32>
    %ge3A_2277 = vector.broadcast %bitcast_convert_type3A_2181 : vector<1024x1xf32> to vector<1024x1024xf32>
    %ge3A_2278 = arith.cmpf oge, %ge3A_2276, %ge3A_2277 : vector<1024x1024xf32>
    %jit3A_2279 = arith.constant 1.000000e+00 : f32
    %jit3A_2280 = arith.constant 0.000000e+00 : f32
    %broadcast_in_dim3A_2281 = vector.broadcast %jit3A_2279 : f32 to vector<1024x1024xf32>
    %broadcast_in_dim3A_2282 = vector.broadcast %jit3A_2280 : f32 to vector<1024x1024xf32>
    %select_n3A_2283 = arith.select %ge3A_2278, %broadcast_in_dim3A_2281, %broadcast_in_dim3A_2282 : vector<1024x1024xi1>, vector<1024x1024xf32>
    %reduce_sum3A_2284 = arith.constant dense<0.000000e+00> : vector<1024xf32>
    %reduce_sum3A_2285 = vector.multi_reduction <add>, %select_n3A_2283, %reduce_sum3A_2284 [1] : vector<1024x1024xf32> to vector<1024xf32>
    %broadcast_in_dim3A_2286 = vector.shape_cast %reduce_sum3A_2285 : vector<1024xf32> to vector<1024x1xf32>
    %add3A_2287 = arith.addf %add3A_2268, %broadcast_in_dim3A_2286 : vector<1024x1xf32>
    %reduce_sum3A_2288 = arith.constant dense<0.000000e+00> : vector<1024xf32>
    %reduce_sum3A_2289 = vector.multi_reduction <add>, %select_n3A_2283, %reduce_sum3A_2288 [0] : vector<1024x1024xf32> to vector<1024xf32>
    %broadcast_in_dim3A_2290 = vector.shape_cast %reduce_sum3A_2289 : vector<1024xf32> to vector<1x1024xf32>
    %add3A_2291 = arith.addf %add3A_2107, %broadcast_in_dim3A_2290 : vector<1x1024xf32>
    %get3A_2292 = arith.constant 13 : index
    %get3A_2293 = arith.constant 0 : index
    %get3A_2294 = vector.load %arg2[%get3A_2292, %get3A_2293] : memref<16x1024xf32, #tpu.memory_space<vmem>>, vector<1x1024xf32>
    %ge3A_2295 = vector.broadcast %get3A_2294 : vector<1x1024xf32> to vector<1024x1024xf32>
    %ge3A_2296 = vector.broadcast %bitcast_convert_type3A_2181 : vector<1024x1xf32> to vector<1024x1024xf32>
    %ge3A_2297 = arith.cmpf oge, %ge3A_2295, %ge3A_2296 : vector<1024x1024xf32>
    %jit3A_2298 = arith.constant 1.000000e+00 : f32
    %jit3A_2299 = arith.constant 0.000000e+00 : f32
    %broadcast_in_dim3A_2300 = vector.broadcast %jit3A_2298 : f32 to vector<1024x1024xf32>
    %broadcast_in_dim3A_2301 = vector.broadcast %jit3A_2299 : f32 to vector<1024x1024xf32>
    %select_n3A_2302 = arith.select %ge3A_2297, %broadcast_in_dim3A_2300, %broadcast_in_dim3A_2301 : vector<1024x1024xi1>, vector<1024x1024xf32>
    %reduce_sum3A_2303 = arith.constant dense<0.000000e+00> : vector<1024xf32>
    %reduce_sum3A_2304 = vector.multi_reduction <add>, %select_n3A_2302, %reduce_sum3A_2303 [1] : vector<1024x1024xf32> to vector<1024xf32>
    %broadcast_in_dim3A_2305 = vector.shape_cast %reduce_sum3A_2304 : vector<1024xf32> to vector<1024x1xf32>
    %add3A_2306 = arith.addf %add3A_2287, %broadcast_in_dim3A_2305 : vector<1024x1xf32>
    %reduce_sum3A_2307 = arith.constant dense<0.000000e+00> : vector<1024xf32>
    %reduce_sum3A_2308 = vector.multi_reduction <add>, %select_n3A_2302, %reduce_sum3A_2307 [0] : vector<1024x1024xf32> to vector<1024xf32>
    %broadcast_in_dim3A_2309 = vector.shape_cast %reduce_sum3A_2308 : vector<1024xf32> to vector<1x1024xf32>
    %add3A_2310 = arith.addf %add3A_2126, %broadcast_in_dim3A_2309 : vector<1x1024xf32>
    %get3A_2311 = arith.constant 14 : index
    %get3A_2312 = arith.constant 0 : index
    %get3A_2313 = vector.load %arg2[%get3A_2311, %get3A_2312] : memref<16x1024xf32, #tpu.memory_space<vmem>>, vector<1x1024xf32>
    %ge3A_2314 = vector.broadcast %get3A_2313 : vector<1x1024xf32> to vector<1024x1024xf32>
    %ge3A_2315 = vector.broadcast %bitcast_convert_type3A_2181 : vector<1024x1xf32> to vector<1024x1024xf32>
    %ge3A_2316 = arith.cmpf oge, %ge3A_2314, %ge3A_2315 : vector<1024x1024xf32>
    %jit3A_2317 = arith.constant 1.000000e+00 : f32
    %jit3A_2318 = arith.constant 0.000000e+00 : f32
    %broadcast_in_dim3A_2319 = vector.broadcast %jit3A_2317 : f32 to vector<1024x1024xf32>
    %broadcast_in_dim3A_2320 = vector.broadcast %jit3A_2318 : f32 to vector<1024x1024xf32>
    %select_n3A_2321 = arith.select %ge3A_2316, %broadcast_in_dim3A_2319, %broadcast_in_dim3A_2320 : vector<1024x1024xi1>, vector<1024x1024xf32>
    %reduce_sum3A_2322 = arith.constant dense<0.000000e+00> : vector<1024xf32>
    %reduce_sum3A_2323 = vector.multi_reduction <add>, %select_n3A_2321, %reduce_sum3A_2322 [1] : vector<1024x1024xf32> to vector<1024xf32>
    %broadcast_in_dim3A_2324 = vector.shape_cast %reduce_sum3A_2323 : vector<1024xf32> to vector<1024x1xf32>
    %add3A_2325 = arith.addf %add3A_2306, %broadcast_in_dim3A_2324 : vector<1024x1xf32>
    %reduce_sum3A_2326 = arith.constant dense<0.000000e+00> : vector<1024xf32>
    %reduce_sum3A_2327 = vector.multi_reduction <add>, %select_n3A_2321, %reduce_sum3A_2326 [0] : vector<1024x1024xf32> to vector<1024xf32>
    %broadcast_in_dim3A_2328 = vector.shape_cast %reduce_sum3A_2327 : vector<1024xf32> to vector<1x1024xf32>
    %add3A_2329 = arith.addf %add3A_2145, %broadcast_in_dim3A_2328 : vector<1x1024xf32>
    %get3A_2330 = arith.constant 15 : index
    %get3A_2331 = arith.constant 0 : index
    %get3A_2332 = vector.load %arg2[%get3A_2330, %get3A_2331] : memref<16x1024xf32, #tpu.memory_space<vmem>>, vector<1x1024xf32>
    %ge3A_2333 = vector.broadcast %get3A_2332 : vector<1x1024xf32> to vector<1024x1024xf32>
    %ge3A_2334 = vector.broadcast %bitcast_convert_type3A_2181 : vector<1024x1xf32> to vector<1024x1024xf32>
    %ge3A_2335 = arith.cmpf oge, %ge3A_2333, %ge3A_2334 : vector<1024x1024xf32>
    %jit3A_2336 = arith.constant 1.000000e+00 : f32
    %jit3A_2337 = arith.constant 0.000000e+00 : f32
    %broadcast_in_dim3A_2338 = vector.broadcast %jit3A_2336 : f32 to vector<1024x1024xf32>
    %broadcast_in_dim3A_2339 = vector.broadcast %jit3A_2337 : f32 to vector<1024x1024xf32>
    %select_n3A_2340 = arith.select %ge3A_2335, %broadcast_in_dim3A_2338, %broadcast_in_dim3A_2339 : vector<1024x1024xi1>, vector<1024x1024xf32>
    %reduce_sum3A_2341 = arith.constant dense<0.000000e+00> : vector<1024xf32>
    %reduce_sum3A_2342 = vector.multi_reduction <add>, %select_n3A_2340, %reduce_sum3A_2341 [1] : vector<1024x1024xf32> to vector<1024xf32>
    %broadcast_in_dim3A_2343 = vector.shape_cast %reduce_sum3A_2342 : vector<1024xf32> to vector<1024x1xf32>
    %add3A_2344 = arith.addf %add3A_2325, %broadcast_in_dim3A_2343 : vector<1024x1xf32>
    %reduce_sum3A_2345 = arith.constant dense<0.000000e+00> : vector<1024xf32>
    %reduce_sum3A_2346 = vector.multi_reduction <add>, %select_n3A_2340, %reduce_sum3A_2345 [0] : vector<1024x1024xf32> to vector<1024xf32>
    %broadcast_in_dim3A_2347 = vector.shape_cast %reduce_sum3A_2346 : vector<1024xf32> to vector<1x1024xf32>
    %add3A_2348 = arith.addf %add3A_2164, %broadcast_in_dim3A_2347 : vector<1x1024xf32>
    %sub3A_2349 = arith.constant 8.192000e+03 : f32
    %sub3A_2350 = vector.broadcast %sub3A_2349 : f32 to vector<1x1024xf32>
    %sub3A_2351 = arith.subf %sub3A_2350, %add3A_2031 : vector<1x1024xf32>
    %reshape3A_2352 = vector.shape_cast %sub3A_2351 : vector<1x1024xf32> to vector<1024x1xf32>
    %add3A_2353 = arith.addf %add3A_2344, %reshape3A_2352 : vector<1024x1xf32>
    %convert_element_type3A_2354 = arith.fptosi %add3A_2353 : vector<1024x1xf32> to vector<1024x1xi32>
    %swap3A_2355 = arith.constant 8192 : index
    %swap3A_2356 = arith.constant 0 : index
    %swap3A_2357 = vector.load %arg3[%swap3A_2355, %swap3A_2356] : memref<16384x1xi32, #tpu.memory_space<vmem>>, vector<1024x1xi32>
    tpu.vector_store %arg3[%swap3A_2355, %swap3A_2356], %convert_element_type3A_2354 {strides = array<i32>} : memref<16384x1xi32, #tpu.memory_space<vmem>>, vector<1024x1xi32>,
    %get3A_2358 = arith.constant 9216 : index
    %get3A_2359 = arith.constant 0 : index
    %get3A_2360 = vector.load %arg1[%get3A_2358, %get3A_2359] : memref<16384x1xf32, #tpu.memory_space<vmem>>, vector<1024x1xf32>
    %bitcast_convert_type3A_2361 = tpu.bitcast %get3A_2360 : vector<1024x1xf32> -> vector<1024x1xi32>
    %add3A_2362 = arith.constant 1 : i32
    %add3A_2363 = vector.broadcast %add3A_2362 : i32 to vector<1024x1xi32>
    %add3A_2364 = arith.addi %bitcast_convert_type3A_2361, %add3A_2363 : vector<1024x1xi32>
    %bitcast_convert_type3A_2365 = tpu.bitcast %add3A_2364 : vector<1024x1xi32> -> vector<1024x1xf32>
    %get3A_2366 = arith.constant 9 : index
    %get3A_2367 = arith.constant 0 : index
    %get3A_2368 = vector.load %arg2[%get3A_2366, %get3A_2367] : memref<16x1024xf32, #tpu.memory_space<vmem>>, vector<1x1024xf32>
    %iota3A_2369 = tpu.iota {dimensions = array<i32: 0>} : vector<1024x1xi32>
    %add3A_2370 = arith.constant 9216 : i32
    %add3A_2371 = vector.broadcast %add3A_2370 : i32 to vector<1024x1xi32>
    %add3A_2372 = arith.addi %add3A_2371, %iota3A_2369 : vector<1024x1xi32>
    %iota3A_2373 = tpu.iota {dimensions = array<i32: 1>} : vector<1x1024xi32>
    %add3A_2374 = arith.constant 9216 : i32
    %add3A_2375 = vector.broadcast %add3A_2374 : i32 to vector<1x1024xi32>
    %add3A_2376 = arith.addi %add3A_2375, %iota3A_2373 : vector<1x1024xi32>
    %ge3A_2377 = vector.broadcast %get3A_2368 : vector<1x1024xf32> to vector<1024x1024xf32>
    %ge3A_2378 = vector.broadcast %get3A_2360 : vector<1024x1xf32> to vector<1024x1024xf32>
    %ge3A_2379 = arith.cmpf oge, %ge3A_2377, %ge3A_2378 : vector<1024x1024xf32>
    %jit3A_2380 = arith.constant 1.000000e+00 : f32
    %jit3A_2381 = arith.constant 0.000000e+00 : f32
    %broadcast_in_dim3A_2382 = vector.broadcast %jit3A_2380 : f32 to vector<1024x1024xf32>
    %broadcast_in_dim3A_2383 = vector.broadcast %jit3A_2381 : f32 to vector<1024x1024xf32>
    %select_n3A_2384 = arith.select %ge3A_2379, %broadcast_in_dim3A_2382, %broadcast_in_dim3A_2383 : vector<1024x1024xi1>, vector<1024x1024xf32>
    %ge3A_2385 = vector.broadcast %get3A_2368 : vector<1x1024xf32> to vector<1024x1024xf32>
    %ge3A_2386 = vector.broadcast %bitcast_convert_type3A_2365 : vector<1024x1xf32> to vector<1024x1024xf32>
    %ge3A_2387 = arith.cmpf oge, %ge3A_2385, %ge3A_2386 : vector<1024x1024xf32>
    %jit3A_2388 = arith.constant 1.000000e+00 : f32
    %jit3A_2389 = arith.constant 0.000000e+00 : f32
    %broadcast_in_dim3A_2390 = vector.broadcast %jit3A_2388 : f32 to vector<1024x1024xf32>
    %broadcast_in_dim3A_2391 = vector.broadcast %jit3A_2389 : f32 to vector<1024x1024xf32>
    %select_n3A_2392 = arith.select %ge3A_2387, %broadcast_in_dim3A_2390, %broadcast_in_dim3A_2391 : vector<1024x1024xi1>, vector<1024x1024xf32>
    %lt3A_2393 = vector.broadcast %add3A_2376 : vector<1x1024xi32> to vector<1024x1024xi32>
    %lt3A_2394 = vector.broadcast %add3A_2372 : vector<1024x1xi32> to vector<1024x1024xi32>
    %lt3A_2395 = arith.cmpi slt, %lt3A_2393, %lt3A_2394 : vector<1024x1024xi32>
    %select_n3A_2396 = arith.select %lt3A_2395, %select_n3A_2384, %select_n3A_2392 : vector<1024x1024xi1>, vector<1024x1024xf32>
    %reduce_sum3A_2397 = arith.constant dense<0.000000e+00> : vector<1024xf32>
    %reduce_sum3A_2398 = vector.multi_reduction <add>, %select_n3A_2396, %reduce_sum3A_2397 [1] : vector<1024x1024xf32> to vector<1024xf32>
    %broadcast_in_dim3A_2399 = vector.shape_cast %reduce_sum3A_2398 : vector<1024xf32> to vector<1024x1xf32>
    %get3A_2400 = arith.constant 10 : index
    %get3A_2401 = arith.constant 0 : index
    %get3A_2402 = vector.load %arg2[%get3A_2400, %get3A_2401] : memref<16x1024xf32, #tpu.memory_space<vmem>>, vector<1x1024xf32>
    %ge3A_2403 = vector.broadcast %get3A_2402 : vector<1x1024xf32> to vector<1024x1024xf32>
    %ge3A_2404 = vector.broadcast %bitcast_convert_type3A_2365 : vector<1024x1xf32> to vector<1024x1024xf32>
    %ge3A_2405 = arith.cmpf oge, %ge3A_2403, %ge3A_2404 : vector<1024x1024xf32>
    %jit3A_2406 = arith.constant 1.000000e+00 : f32
    %jit3A_2407 = arith.constant 0.000000e+00 : f32
    %broadcast_in_dim3A_2408 = vector.broadcast %jit3A_2406 : f32 to vector<1024x1024xf32>
    %broadcast_in_dim3A_2409 = vector.broadcast %jit3A_2407 : f32 to vector<1024x1024xf32>
    %select_n3A_2410 = arith.select %ge3A_2405, %broadcast_in_dim3A_2408, %broadcast_in_dim3A_2409 : vector<1024x1024xi1>, vector<1024x1024xf32>
    %reduce_sum3A_2411 = arith.constant dense<0.000000e+00> : vector<1024xf32>
    %reduce_sum3A_2412 = vector.multi_reduction <add>, %select_n3A_2410, %reduce_sum3A_2411 [1] : vector<1024x1024xf32> to vector<1024xf32>
    %broadcast_in_dim3A_2413 = vector.shape_cast %reduce_sum3A_2412 : vector<1024xf32> to vector<1024x1xf32>
    %add3A_2414 = arith.addf %broadcast_in_dim3A_2399, %broadcast_in_dim3A_2413 : vector<1024x1xf32>
    %reduce_sum3A_2415 = arith.constant dense<0.000000e+00> : vector<1024xf32>
    %reduce_sum3A_2416 = vector.multi_reduction <add>, %select_n3A_2410, %reduce_sum3A_2415 [0] : vector<1024x1024xf32> to vector<1024xf32>
    %broadcast_in_dim3A_2417 = vector.shape_cast %reduce_sum3A_2416 : vector<1024xf32> to vector<1x1024xf32>
    %add3A_2418 = arith.addf %add3A_2253, %broadcast_in_dim3A_2417 : vector<1x1024xf32>
    %get3A_2419 = arith.constant 11 : index
    %get3A_2420 = arith.constant 0 : index
    %get3A_2421 = vector.load %arg2[%get3A_2419, %get3A_2420] : memref<16x1024xf32, #tpu.memory_space<vmem>>, vector<1x1024xf32>
    %ge3A_2422 = vector.broadcast %get3A_2421 : vector<1x1024xf32> to vector<1024x1024xf32>
    %ge3A_2423 = vector.broadcast %bitcast_convert_type3A_2365 : vector<1024x1xf32> to vector<1024x1024xf32>
    %ge3A_2424 = arith.cmpf oge, %ge3A_2422, %ge3A_2423 : vector<1024x1024xf32>
    %jit3A_2425 = arith.constant 1.000000e+00 : f32
    %jit3A_2426 = arith.constant 0.000000e+00 : f32
    %broadcast_in_dim3A_2427 = vector.broadcast %jit3A_2425 : f32 to vector<1024x1024xf32>
    %broadcast_in_dim3A_2428 = vector.broadcast %jit3A_2426 : f32 to vector<1024x1024xf32>
    %select_n3A_2429 = arith.select %ge3A_2424, %broadcast_in_dim3A_2427, %broadcast_in_dim3A_2428 : vector<1024x1024xi1>, vector<1024x1024xf32>
    %reduce_sum3A_2430 = arith.constant dense<0.000000e+00> : vector<1024xf32>
    %reduce_sum3A_2431 = vector.multi_reduction <add>, %select_n3A_2429, %reduce_sum3A_2430 [1] : vector<1024x1024xf32> to vector<1024xf32>
    %broadcast_in_dim3A_2432 = vector.shape_cast %reduce_sum3A_2431 : vector<1024xf32> to vector<1024x1xf32>
    %add3A_2433 = arith.addf %add3A_2414, %broadcast_in_dim3A_2432 : vector<1024x1xf32>
    %reduce_sum3A_2434 = arith.constant dense<0.000000e+00> : vector<1024xf32>
    %reduce_sum3A_2435 = vector.multi_reduction <add>, %select_n3A_2429, %reduce_sum3A_2434 [0] : vector<1024x1024xf32> to vector<1024xf32>
    %broadcast_in_dim3A_2436 = vector.shape_cast %reduce_sum3A_2435 : vector<1024xf32> to vector<1x1024xf32>
    %add3A_2437 = arith.addf %add3A_2272, %broadcast_in_dim3A_2436 : vector<1x1024xf32>
    %get3A_2438 = arith.constant 12 : index
    %get3A_2439 = arith.constant 0 : index
    %get3A_2440 = vector.load %arg2[%get3A_2438, %get3A_2439] : memref<16x1024xf32, #tpu.memory_space<vmem>>, vector<1x1024xf32>
    %ge3A_2441 = vector.broadcast %get3A_2440 : vector<1x1024xf32> to vector<1024x1024xf32>
    %ge3A_2442 = vector.broadcast %bitcast_convert_type3A_2365 : vector<1024x1xf32> to vector<1024x1024xf32>
    %ge3A_2443 = arith.cmpf oge, %ge3A_2441, %ge3A_2442 : vector<1024x1024xf32>
    %jit3A_2444 = arith.constant 1.000000e+00 : f32
    %jit3A_2445 = arith.constant 0.000000e+00 : f32
    %broadcast_in_dim3A_2446 = vector.broadcast %jit3A_2444 : f32 to vector<1024x1024xf32>
    %broadcast_in_dim3A_2447 = vector.broadcast %jit3A_2445 : f32 to vector<1024x1024xf32>
    %select_n3A_2448 = arith.select %ge3A_2443, %broadcast_in_dim3A_2446, %broadcast_in_dim3A_2447 : vector<1024x1024xi1>, vector<1024x1024xf32>
    %reduce_sum3A_2449 = arith.constant dense<0.000000e+00> : vector<1024xf32>
    %reduce_sum3A_2450 = vector.multi_reduction <add>, %select_n3A_2448, %reduce_sum3A_2449 [1] : vector<1024x1024xf32> to vector<1024xf32>
    %broadcast_in_dim3A_2451 = vector.shape_cast %reduce_sum3A_2450 : vector<1024xf32> to vector<1024x1xf32>
    %add3A_2452 = arith.addf %add3A_2433, %broadcast_in_dim3A_2451 : vector<1024x1xf32>
    %reduce_sum3A_2453 = arith.constant dense<0.000000e+00> : vector<1024xf32>
    %reduce_sum3A_2454 = vector.multi_reduction <add>, %select_n3A_2448, %reduce_sum3A_2453 [0] : vector<1024x1024xf32> to vector<1024xf32>
    %broadcast_in_dim3A_2455 = vector.shape_cast %reduce_sum3A_2454 : vector<1024xf32> to vector<1x1024xf32>
    %add3A_2456 = arith.addf %add3A_2291, %broadcast_in_dim3A_2455 : vector<1x1024xf32>
    %get3A_2457 = arith.constant 13 : index
    %get3A_2458 = arith.constant 0 : index
    %get3A_2459 = vector.load %arg2[%get3A_2457, %get3A_2458] : memref<16x1024xf32, #tpu.memory_space<vmem>>, vector<1x1024xf32>
    %ge3A_2460 = vector.broadcast %get3A_2459 : vector<1x1024xf32> to vector<1024x1024xf32>
    %ge3A_2461 = vector.broadcast %bitcast_convert_type3A_2365 : vector<1024x1xf32> to vector<1024x1024xf32>
    %ge3A_2462 = arith.cmpf oge, %ge3A_2460, %ge3A_2461 : vector<1024x1024xf32>
    %jit3A_2463 = arith.constant 1.000000e+00 : f32
    %jit3A_2464 = arith.constant 0.000000e+00 : f32
    %broadcast_in_dim3A_2465 = vector.broadcast %jit3A_2463 : f32 to vector<1024x1024xf32>
    %broadcast_in_dim3A_2466 = vector.broadcast %jit3A_2464 : f32 to vector<1024x1024xf32>
    %select_n3A_2467 = arith.select %ge3A_2462, %broadcast_in_dim3A_2465, %broadcast_in_dim3A_2466 : vector<1024x1024xi1>, vector<1024x1024xf32>
    %reduce_sum3A_2468 = arith.constant dense<0.000000e+00> : vector<1024xf32>
    %reduce_sum3A_2469 = vector.multi_reduction <add>, %select_n3A_2467, %reduce_sum3A_2468 [1] : vector<1024x1024xf32> to vector<1024xf32>
    %broadcast_in_dim3A_2470 = vector.shape_cast %reduce_sum3A_2469 : vector<1024xf32> to vector<1024x1xf32>
    %add3A_2471 = arith.addf %add3A_2452, %broadcast_in_dim3A_2470 : vector<1024x1xf32>
    %reduce_sum3A_2472 = arith.constant dense<0.000000e+00> : vector<1024xf32>
    %reduce_sum3A_2473 = vector.multi_reduction <add>, %select_n3A_2467, %reduce_sum3A_2472 [0] : vector<1024x1024xf32> to vector<1024xf32>
    %broadcast_in_dim3A_2474 = vector.shape_cast %reduce_sum3A_2473 : vector<1024xf32> to vector<1x1024xf32>
    %add3A_2475 = arith.addf %add3A_2310, %broadcast_in_dim3A_2474 : vector<1x1024xf32>
    %get3A_2476 = arith.constant 14 : index
    %get3A_2477 = arith.constant 0 : index
    %get3A_2478 = vector.load %arg2[%get3A_2476, %get3A_2477] : memref<16x1024xf32, #tpu.memory_space<vmem>>, vector<1x1024xf32>
    %ge3A_2479 = vector.broadcast %get3A_2478 : vector<1x1024xf32> to vector<1024x1024xf32>
    %ge3A_2480 = vector.broadcast %bitcast_convert_type3A_2365 : vector<1024x1xf32> to vector<1024x1024xf32>
    %ge3A_2481 = arith.cmpf oge, %ge3A_2479, %ge3A_2480 : vector<1024x1024xf32>
    %jit3A_2482 = arith.constant 1.000000e+00 : f32
    %jit3A_2483 = arith.constant 0.000000e+00 : f32
    %broadcast_in_dim3A_2484 = vector.broadcast %jit3A_2482 : f32 to vector<1024x1024xf32>
    %broadcast_in_dim3A_2485 = vector.broadcast %jit3A_2483 : f32 to vector<1024x1024xf32>
    %select_n3A_2486 = arith.select %ge3A_2481, %broadcast_in_dim3A_2484, %broadcast_in_dim3A_2485 : vector<1024x1024xi1>, vector<1024x1024xf32>
    %reduce_sum3A_2487 = arith.constant dense<0.000000e+00> : vector<1024xf32>
    %reduce_sum3A_2488 = vector.multi_reduction <add>, %select_n3A_2486, %reduce_sum3A_2487 [1] : vector<1024x1024xf32> to vector<1024xf32>
    %broadcast_in_dim3A_2489 = vector.shape_cast %reduce_sum3A_2488 : vector<1024xf32> to vector<1024x1xf32>
    %add3A_2490 = arith.addf %add3A_2471, %broadcast_in_dim3A_2489 : vector<1024x1xf32>
    %reduce_sum3A_2491 = arith.constant dense<0.000000e+00> : vector<1024xf32>
    %reduce_sum3A_2492 = vector.multi_reduction <add>, %select_n3A_2486, %reduce_sum3A_2491 [0] : vector<1024x1024xf32> to vector<1024xf32>
    %broadcast_in_dim3A_2493 = vector.shape_cast %reduce_sum3A_2492 : vector<1024xf32> to vector<1x1024xf32>
    %add3A_2494 = arith.addf %add3A_2329, %broadcast_in_dim3A_2493 : vector<1x1024xf32>
    %get3A_2495 = arith.constant 15 : index
    %get3A_2496 = arith.constant 0 : index
    %get3A_2497 = vector.load %arg2[%get3A_2495, %get3A_2496] : memref<16x1024xf32, #tpu.memory_space<vmem>>, vector<1x1024xf32>
    %ge3A_2498 = vector.broadcast %get3A_2497 : vector<1x1024xf32> to vector<1024x1024xf32>
    %ge3A_2499 = vector.broadcast %bitcast_convert_type3A_2365 : vector<1024x1xf32> to vector<1024x1024xf32>
    %ge3A_2500 = arith.cmpf oge, %ge3A_2498, %ge3A_2499 : vector<1024x1024xf32>
    %jit3A_2501 = arith.constant 1.000000e+00 : f32
    %jit3A_2502 = arith.constant 0.000000e+00 : f32
    %broadcast_in_dim3A_2503 = vector.broadcast %jit3A_2501 : f32 to vector<1024x1024xf32>
    %broadcast_in_dim3A_2504 = vector.broadcast %jit3A_2502 : f32 to vector<1024x1024xf32>
    %select_n3A_2505 = arith.select %ge3A_2500, %broadcast_in_dim3A_2503, %broadcast_in_dim3A_2504 : vector<1024x1024xi1>, vector<1024x1024xf32>
    %reduce_sum3A_2506 = arith.constant dense<0.000000e+00> : vector<1024xf32>
    %reduce_sum3A_2507 = vector.multi_reduction <add>, %select_n3A_2505, %reduce_sum3A_2506 [1] : vector<1024x1024xf32> to vector<1024xf32>
    %broadcast_in_dim3A_2508 = vector.shape_cast %reduce_sum3A_2507 : vector<1024xf32> to vector<1024x1xf32>
    %add3A_2509 = arith.addf %add3A_2490, %broadcast_in_dim3A_2508 : vector<1024x1xf32>
    %reduce_sum3A_2510 = arith.constant dense<0.000000e+00> : vector<1024xf32>
    %reduce_sum3A_2511 = vector.multi_reduction <add>, %select_n3A_2505, %reduce_sum3A_2510 [0] : vector<1024x1024xf32> to vector<1024xf32>
    %broadcast_in_dim3A_2512 = vector.shape_cast %reduce_sum3A_2511 : vector<1024xf32> to vector<1x1024xf32>
    %add3A_2513 = arith.addf %add3A_2348, %broadcast_in_dim3A_2512 : vector<1x1024xf32>
    %sub3A_2514 = arith.constant 9.216000e+03 : f32
    %sub3A_2515 = vector.broadcast %sub3A_2514 : f32 to vector<1x1024xf32>
    %sub3A_2516 = arith.subf %sub3A_2515, %add3A_2234 : vector<1x1024xf32>
    %reshape3A_2517 = vector.shape_cast %sub3A_2516 : vector<1x1024xf32> to vector<1024x1xf32>
    %add3A_2518 = arith.addf %add3A_2509, %reshape3A_2517 : vector<1024x1xf32>
    %convert_element_type3A_2519 = arith.fptosi %add3A_2518 : vector<1024x1xf32> to vector<1024x1xi32>
    %swap3A_2520 = arith.constant 9216 : index
    %swap3A_2521 = arith.constant 0 : index
    %swap3A_2522 = vector.load %arg3[%swap3A_2520, %swap3A_2521] : memref<16384x1xi32, #tpu.memory_space<vmem>>, vector<1024x1xi32>
    tpu.vector_store %arg3[%swap3A_2520, %swap3A_2521], %convert_element_type3A_2519 {strides = array<i32>} : memref<16384x1xi32, #tpu.memory_space<vmem>>, vector<1024x1xi32>,
    %get3A_2523 = arith.constant 10240 : index
    %get3A_2524 = arith.constant 0 : index
    %get3A_2525 = vector.load %arg1[%get3A_2523, %get3A_2524] : memref<16384x1xf32, #tpu.memory_space<vmem>>, vector<1024x1xf32>
    %bitcast_convert_type3A_2526 = tpu.bitcast %get3A_2525 : vector<1024x1xf32> -> vector<1024x1xi32>
    %add3A_2527 = arith.constant 1 : i32
    %add3A_2528 = vector.broadcast %add3A_2527 : i32 to vector<1024x1xi32>
    %add3A_2529 = arith.addi %bitcast_convert_type3A_2526, %add3A_2528 : vector<1024x1xi32>
    %bitcast_convert_type3A_2530 = tpu.bitcast %add3A_2529 : vector<1024x1xi32> -> vector<1024x1xf32>
    %get3A_2531 = arith.constant 10 : index
    %get3A_2532 = arith.constant 0 : index
    %get3A_2533 = vector.load %arg2[%get3A_2531, %get3A_2532] : memref<16x1024xf32, #tpu.memory_space<vmem>>, vector<1x1024xf32>
    %iota3A_2534 = tpu.iota {dimensions = array<i32: 0>} : vector<1024x1xi32>
    %add3A_2535 = arith.constant 10240 : i32
    %add3A_2536 = vector.broadcast %add3A_2535 : i32 to vector<1024x1xi32>
    %add3A_2537 = arith.addi %add3A_2536, %iota3A_2534 : vector<1024x1xi32>
    %iota3A_2538 = tpu.iota {dimensions = array<i32: 1>} : vector<1x1024xi32>
    %add3A_2539 = arith.constant 10240 : i32
    %add3A_2540 = vector.broadcast %add3A_2539 : i32 to vector<1x1024xi32>
    %add3A_2541 = arith.addi %add3A_2540, %iota3A_2538 : vector<1x1024xi32>
    %ge3A_2542 = vector.broadcast %get3A_2533 : vector<1x1024xf32> to vector<1024x1024xf32>
    %ge3A_2543 = vector.broadcast %get3A_2525 : vector<1024x1xf32> to vector<1024x1024xf32>
    %ge3A_2544 = arith.cmpf oge, %ge3A_2542, %ge3A_2543 : vector<1024x1024xf32>
    %jit3A_2545 = arith.constant 1.000000e+00 : f32
    %jit3A_2546 = arith.constant 0.000000e+00 : f32
    %broadcast_in_dim3A_2547 = vector.broadcast %jit3A_2545 : f32 to vector<1024x1024xf32>
    %broadcast_in_dim3A_2548 = vector.broadcast %jit3A_2546 : f32 to vector<1024x1024xf32>
    %select_n3A_2549 = arith.select %ge3A_2544, %broadcast_in_dim3A_2547, %broadcast_in_dim3A_2548 : vector<1024x1024xi1>, vector<1024x1024xf32>
    %ge3A_2550 = vector.broadcast %get3A_2533 : vector<1x1024xf32> to vector<1024x1024xf32>
    %ge3A_2551 = vector.broadcast %bitcast_convert_type3A_2530 : vector<1024x1xf32> to vector<1024x1024xf32>
    %ge3A_2552 = arith.cmpf oge, %ge3A_2550, %ge3A_2551 : vector<1024x1024xf32>
    %jit3A_2553 = arith.constant 1.000000e+00 : f32
    %jit3A_2554 = arith.constant 0.000000e+00 : f32
    %broadcast_in_dim3A_2555 = vector.broadcast %jit3A_2553 : f32 to vector<1024x1024xf32>
    %broadcast_in_dim3A_2556 = vector.broadcast %jit3A_2554 : f32 to vector<1024x1024xf32>
    %select_n3A_2557 = arith.select %ge3A_2552, %broadcast_in_dim3A_2555, %broadcast_in_dim3A_2556 : vector<1024x1024xi1>, vector<1024x1024xf32>
    %lt3A_2558 = vector.broadcast %add3A_2541 : vector<1x1024xi32> to vector<1024x1024xi32>
    %lt3A_2559 = vector.broadcast %add3A_2537 : vector<1024x1xi32> to vector<1024x1024xi32>
    %lt3A_2560 = arith.cmpi slt, %lt3A_2558, %lt3A_2559 : vector<1024x1024xi32>
    %select_n3A_2561 = arith.select %lt3A_2560, %select_n3A_2549, %select_n3A_2557 : vector<1024x1024xi1>, vector<1024x1024xf32>
    %reduce_sum3A_2562 = arith.constant dense<0.000000e+00> : vector<1024xf32>
    %reduce_sum3A_2563 = vector.multi_reduction <add>, %select_n3A_2561, %reduce_sum3A_2562 [1] : vector<1024x1024xf32> to vector<1024xf32>
    %broadcast_in_dim3A_2564 = vector.shape_cast %reduce_sum3A_2563 : vector<1024xf32> to vector<1024x1xf32>
    %get3A_2565 = arith.constant 11 : index
    %get3A_2566 = arith.constant 0 : index
    %get3A_2567 = vector.load %arg2[%get3A_2565, %get3A_2566] : memref<16x1024xf32, #tpu.memory_space<vmem>>, vector<1x1024xf32>
    %ge3A_2568 = vector.broadcast %get3A_2567 : vector<1x1024xf32> to vector<1024x1024xf32>
    %ge3A_2569 = vector.broadcast %bitcast_convert_type3A_2530 : vector<1024x1xf32> to vector<1024x1024xf32>
    %ge3A_2570 = arith.cmpf oge, %ge3A_2568, %ge3A_2569 : vector<1024x1024xf32>
    %jit3A_2571 = arith.constant 1.000000e+00 : f32
    %jit3A_2572 = arith.constant 0.000000e+00 : f32
    %broadcast_in_dim3A_2573 = vector.broadcast %jit3A_2571 : f32 to vector<1024x1024xf32>
    %broadcast_in_dim3A_2574 = vector.broadcast %jit3A_2572 : f32 to vector<1024x1024xf32>
    %select_n3A_2575 = arith.select %ge3A_2570, %broadcast_in_dim3A_2573, %broadcast_in_dim3A_2574 : vector<1024x1024xi1>, vector<1024x1024xf32>
    %reduce_sum3A_2576 = arith.constant dense<0.000000e+00> : vector<1024xf32>
    %reduce_sum3A_2577 = vector.multi_reduction <add>, %select_n3A_2575, %reduce_sum3A_2576 [1] : vector<1024x1024xf32> to vector<1024xf32>
    %broadcast_in_dim3A_2578 = vector.shape_cast %reduce_sum3A_2577 : vector<1024xf32> to vector<1024x1xf32>
    %add3A_2579 = arith.addf %broadcast_in_dim3A_2564, %broadcast_in_dim3A_2578 : vector<1024x1xf32>
    %reduce_sum3A_2580 = arith.constant dense<0.000000e+00> : vector<1024xf32>
    %reduce_sum3A_2581 = vector.multi_reduction <add>, %select_n3A_2575, %reduce_sum3A_2580 [0] : vector<1024x1024xf32> to vector<1024xf32>
    %broadcast_in_dim3A_2582 = vector.shape_cast %reduce_sum3A_2581 : vector<1024xf32> to vector<1x1024xf32>
    %add3A_2583 = arith.addf %add3A_2437, %broadcast_in_dim3A_2582 : vector<1x1024xf32>
    %get3A_2584 = arith.constant 12 : index
    %get3A_2585 = arith.constant 0 : index
    %get3A_2586 = vector.load %arg2[%get3A_2584, %get3A_2585] : memref<16x1024xf32, #tpu.memory_space<vmem>>, vector<1x1024xf32>
    %ge3A_2587 = vector.broadcast %get3A_2586 : vector<1x1024xf32> to vector<1024x1024xf32>
    %ge3A_2588 = vector.broadcast %bitcast_convert_type3A_2530 : vector<1024x1xf32> to vector<1024x1024xf32>
    %ge3A_2589 = arith.cmpf oge, %ge3A_2587, %ge3A_2588 : vector<1024x1024xf32>
    %jit3A_2590 = arith.constant 1.000000e+00 : f32
    %jit3A_2591 = arith.constant 0.000000e+00 : f32
    %broadcast_in_dim3A_2592 = vector.broadcast %jit3A_2590 : f32 to vector<1024x1024xf32>
    %broadcast_in_dim3A_2593 = vector.broadcast %jit3A_2591 : f32 to vector<1024x1024xf32>
    %select_n3A_2594 = arith.select %ge3A_2589, %broadcast_in_dim3A_2592, %broadcast_in_dim3A_2593 : vector<1024x1024xi1>, vector<1024x1024xf32>
    %reduce_sum3A_2595 = arith.constant dense<0.000000e+00> : vector<1024xf32>
    %reduce_sum3A_2596 = vector.multi_reduction <add>, %select_n3A_2594, %reduce_sum3A_2595 [1] : vector<1024x1024xf32> to vector<1024xf32>
    %broadcast_in_dim3A_2597 = vector.shape_cast %reduce_sum3A_2596 : vector<1024xf32> to vector<1024x1xf32>
    %add3A_2598 = arith.addf %add3A_2579, %broadcast_in_dim3A_2597 : vector<1024x1xf32>
    %reduce_sum3A_2599 = arith.constant dense<0.000000e+00> : vector<1024xf32>
    %reduce_sum3A_2600 = vector.multi_reduction <add>, %select_n3A_2594, %reduce_sum3A_2599 [0] : vector<1024x1024xf32> to vector<1024xf32>
    %broadcast_in_dim3A_2601 = vector.shape_cast %reduce_sum3A_2600 : vector<1024xf32> to vector<1x1024xf32>
    %add3A_2602 = arith.addf %add3A_2456, %broadcast_in_dim3A_2601 : vector<1x1024xf32>
    %get3A_2603 = arith.constant 13 : index
    %get3A_2604 = arith.constant 0 : index
    %get3A_2605 = vector.load %arg2[%get3A_2603, %get3A_2604] : memref<16x1024xf32, #tpu.memory_space<vmem>>, vector<1x1024xf32>
    %ge3A_2606 = vector.broadcast %get3A_2605 : vector<1x1024xf32> to vector<1024x1024xf32>
    %ge3A_2607 = vector.broadcast %bitcast_convert_type3A_2530 : vector<1024x1xf32> to vector<1024x1024xf32>
    %ge3A_2608 = arith.cmpf oge, %ge3A_2606, %ge3A_2607 : vector<1024x1024xf32>
    %jit3A_2609 = arith.constant 1.000000e+00 : f32
    %jit3A_2610 = arith.constant 0.000000e+00 : f32
    %broadcast_in_dim3A_2611 = vector.broadcast %jit3A_2609 : f32 to vector<1024x1024xf32>
    %broadcast_in_dim3A_2612 = vector.broadcast %jit3A_2610 : f32 to vector<1024x1024xf32>
    %select_n3A_2613 = arith.select %ge3A_2608, %broadcast_in_dim3A_2611, %broadcast_in_dim3A_2612 : vector<1024x1024xi1>, vector<1024x1024xf32>
    %reduce_sum3A_2614 = arith.constant dense<0.000000e+00> : vector<1024xf32>
    %reduce_sum3A_2615 = vector.multi_reduction <add>, %select_n3A_2613, %reduce_sum3A_2614 [1] : vector<1024x1024xf32> to vector<1024xf32>
    %broadcast_in_dim3A_2616 = vector.shape_cast %reduce_sum3A_2615 : vector<1024xf32> to vector<1024x1xf32>
    %add3A_2617 = arith.addf %add3A_2598, %broadcast_in_dim3A_2616 : vector<1024x1xf32>
    %reduce_sum3A_2618 = arith.constant dense<0.000000e+00> : vector<1024xf32>
    %reduce_sum3A_2619 = vector.multi_reduction <add>, %select_n3A_2613, %reduce_sum3A_2618 [0] : vector<1024x1024xf32> to vector<1024xf32>
    %broadcast_in_dim3A_2620 = vector.shape_cast %reduce_sum3A_2619 : vector<1024xf32> to vector<1x1024xf32>
    %add3A_2621 = arith.addf %add3A_2475, %broadcast_in_dim3A_2620 : vector<1x1024xf32>
    %get3A_2622 = arith.constant 14 : index
    %get3A_2623 = arith.constant 0 : index
    %get3A_2624 = vector.load %arg2[%get3A_2622, %get3A_2623] : memref<16x1024xf32, #tpu.memory_space<vmem>>, vector<1x1024xf32>
    %ge3A_2625 = vector.broadcast %get3A_2624 : vector<1x1024xf32> to vector<1024x1024xf32>
    %ge3A_2626 = vector.broadcast %bitcast_convert_type3A_2530 : vector<1024x1xf32> to vector<1024x1024xf32>
    %ge3A_2627 = arith.cmpf oge, %ge3A_2625, %ge3A_2626 : vector<1024x1024xf32>
    %jit3A_2628 = arith.constant 1.000000e+00 : f32
    %jit3A_2629 = arith.constant 0.000000e+00 : f32
    %broadcast_in_dim3A_2630 = vector.broadcast %jit3A_2628 : f32 to vector<1024x1024xf32>
    %broadcast_in_dim3A_2631 = vector.broadcast %jit3A_2629 : f32 to vector<1024x1024xf32>
    %select_n3A_2632 = arith.select %ge3A_2627, %broadcast_in_dim3A_2630, %broadcast_in_dim3A_2631 : vector<1024x1024xi1>, vector<1024x1024xf32>
    %reduce_sum3A_2633 = arith.constant dense<0.000000e+00> : vector<1024xf32>
    %reduce_sum3A_2634 = vector.multi_reduction <add>, %select_n3A_2632, %reduce_sum3A_2633 [1] : vector<1024x1024xf32> to vector<1024xf32>
    %broadcast_in_dim3A_2635 = vector.shape_cast %reduce_sum3A_2634 : vector<1024xf32> to vector<1024x1xf32>
    %add3A_2636 = arith.addf %add3A_2617, %broadcast_in_dim3A_2635 : vector<1024x1xf32>
    %reduce_sum3A_2637 = arith.constant dense<0.000000e+00> : vector<1024xf32>
    %reduce_sum3A_2638 = vector.multi_reduction <add>, %select_n3A_2632, %reduce_sum3A_2637 [0] : vector<1024x1024xf32> to vector<1024xf32>
    %broadcast_in_dim3A_2639 = vector.shape_cast %reduce_sum3A_2638 : vector<1024xf32> to vector<1x1024xf32>
    %add3A_2640 = arith.addf %add3A_2494, %broadcast_in_dim3A_2639 : vector<1x1024xf32>
    %get3A_2641 = arith.constant 15 : index
    %get3A_2642 = arith.constant 0 : index
    %get3A_2643 = vector.load %arg2[%get3A_2641, %get3A_2642] : memref<16x1024xf32, #tpu.memory_space<vmem>>, vector<1x1024xf32>
    %ge3A_2644 = vector.broadcast %get3A_2643 : vector<1x1024xf32> to vector<1024x1024xf32>
    %ge3A_2645 = vector.broadcast %bitcast_convert_type3A_2530 : vector<1024x1xf32> to vector<1024x1024xf32>
    %ge3A_2646 = arith.cmpf oge, %ge3A_2644, %ge3A_2645 : vector<1024x1024xf32>
    %jit3A_2647 = arith.constant 1.000000e+00 : f32
    %jit3A_2648 = arith.constant 0.000000e+00 : f32
    %broadcast_in_dim3A_2649 = vector.broadcast %jit3A_2647 : f32 to vector<1024x1024xf32>
    %broadcast_in_dim3A_2650 = vector.broadcast %jit3A_2648 : f32 to vector<1024x1024xf32>
    %select_n3A_2651 = arith.select %ge3A_2646, %broadcast_in_dim3A_2649, %broadcast_in_dim3A_2650 : vector<1024x1024xi1>, vector<1024x1024xf32>
    %reduce_sum3A_2652 = arith.constant dense<0.000000e+00> : vector<1024xf32>
    %reduce_sum3A_2653 = vector.multi_reduction <add>, %select_n3A_2651, %reduce_sum3A_2652 [1] : vector<1024x1024xf32> to vector<1024xf32>
    %broadcast_in_dim3A_2654 = vector.shape_cast %reduce_sum3A_2653 : vector<1024xf32> to vector<1024x1xf32>
    %add3A_2655 = arith.addf %add3A_2636, %broadcast_in_dim3A_2654 : vector<1024x1xf32>
    %reduce_sum3A_2656 = arith.constant dense<0.000000e+00> : vector<1024xf32>
    %reduce_sum3A_2657 = vector.multi_reduction <add>, %select_n3A_2651, %reduce_sum3A_2656 [0] : vector<1024x1024xf32> to vector<1024xf32>
    %broadcast_in_dim3A_2658 = vector.shape_cast %reduce_sum3A_2657 : vector<1024xf32> to vector<1x1024xf32>
    %add3A_2659 = arith.addf %add3A_2513, %broadcast_in_dim3A_2658 : vector<1x1024xf32>
    %sub3A_2660 = arith.constant 1.024000e+04 : f32
    %sub3A_2661 = vector.broadcast %sub3A_2660 : f32 to vector<1x1024xf32>
    %sub3A_2662 = arith.subf %sub3A_2661, %add3A_2418 : vector<1x1024xf32>
    %reshape3A_2663 = vector.shape_cast %sub3A_2662 : vector<1x1024xf32> to vector<1024x1xf32>
    %add3A_2664 = arith.addf %add3A_2655, %reshape3A_2663 : vector<1024x1xf32>
    %convert_element_type3A_2665 = arith.fptosi %add3A_2664 : vector<1024x1xf32> to vector<1024x1xi32>
    %swap3A_2666 = arith.constant 10240 : index
    %swap3A_2667 = arith.constant 0 : index
    %swap3A_2668 = vector.load %arg3[%swap3A_2666, %swap3A_2667] : memref<16384x1xi32, #tpu.memory_space<vmem>>, vector<1024x1xi32>
    tpu.vector_store %arg3[%swap3A_2666, %swap3A_2667], %convert_element_type3A_2665 {strides = array<i32>} : memref<16384x1xi32, #tpu.memory_space<vmem>>, vector<1024x1xi32>,
    %get3A_2669 = arith.constant 11264 : index
    %get3A_2670 = arith.constant 0 : index
    %get3A_2671 = vector.load %arg1[%get3A_2669, %get3A_2670] : memref<16384x1xf32, #tpu.memory_space<vmem>>, vector<1024x1xf32>
    %bitcast_convert_type3A_2672 = tpu.bitcast %get3A_2671 : vector<1024x1xf32> -> vector<1024x1xi32>
    %add3A_2673 = arith.constant 1 : i32
    %add3A_2674 = vector.broadcast %add3A_2673 : i32 to vector<1024x1xi32>
    %add3A_2675 = arith.addi %bitcast_convert_type3A_2672, %add3A_2674 : vector<1024x1xi32>
    %bitcast_convert_type3A_2676 = tpu.bitcast %add3A_2675 : vector<1024x1xi32> -> vector<1024x1xf32>
    %get3A_2677 = arith.constant 11 : index
    %get3A_2678 = arith.constant 0 : index
    %get3A_2679 = vector.load %arg2[%get3A_2677, %get3A_2678] : memref<16x1024xf32, #tpu.memory_space<vmem>>, vector<1x1024xf32>
    %iota3A_2680 = tpu.iota {dimensions = array<i32: 0>} : vector<1024x1xi32>
    %add3A_2681 = arith.constant 11264 : i32
    %add3A_2682 = vector.broadcast %add3A_2681 : i32 to vector<1024x1xi32>
    %add3A_2683 = arith.addi %add3A_2682, %iota3A_2680 : vector<1024x1xi32>
    %iota3A_2684 = tpu.iota {dimensions = array<i32: 1>} : vector<1x1024xi32>
    %add3A_2685 = arith.constant 11264 : i32
    %add3A_2686 = vector.broadcast %add3A_2685 : i32 to vector<1x1024xi32>
    %add3A_2687 = arith.addi %add3A_2686, %iota3A_2684 : vector<1x1024xi32>
    %ge3A_2688 = vector.broadcast %get3A_2679 : vector<1x1024xf32> to vector<1024x1024xf32>
    %ge3A_2689 = vector.broadcast %get3A_2671 : vector<1024x1xf32> to vector<1024x1024xf32>
    %ge3A_2690 = arith.cmpf oge, %ge3A_2688, %ge3A_2689 : vector<1024x1024xf32>
    %jit3A_2691 = arith.constant 1.000000e+00 : f32
    %jit3A_2692 = arith.constant 0.000000e+00 : f32
    %broadcast_in_dim3A_2693 = vector.broadcast %jit3A_2691 : f32 to vector<1024x1024xf32>
    %broadcast_in_dim3A_2694 = vector.broadcast %jit3A_2692 : f32 to vector<1024x1024xf32>
    %select_n3A_2695 = arith.select %ge3A_2690, %broadcast_in_dim3A_2693, %broadcast_in_dim3A_2694 : vector<1024x1024xi1>, vector<1024x1024xf32>
    %ge3A_2696 = vector.broadcast %get3A_2679 : vector<1x1024xf32> to vector<1024x1024xf32>
    %ge3A_2697 = vector.broadcast %bitcast_convert_type3A_2676 : vector<1024x1xf32> to vector<1024x1024xf32>
    %ge3A_2698 = arith.cmpf oge, %ge3A_2696, %ge3A_2697 : vector<1024x1024xf32>
    %jit3A_2699 = arith.constant 1.000000e+00 : f32
    %jit3A_2700 = arith.constant 0.000000e+00 : f32
    %broadcast_in_dim3A_2701 = vector.broadcast %jit3A_2699 : f32 to vector<1024x1024xf32>
    %broadcast_in_dim3A_2702 = vector.broadcast %jit3A_2700 : f32 to vector<1024x1024xf32>
    %select_n3A_2703 = arith.select %ge3A_2698, %broadcast_in_dim3A_2701, %broadcast_in_dim3A_2702 : vector<1024x1024xi1>, vector<1024x1024xf32>
    %lt3A_2704 = vector.broadcast %add3A_2687 : vector<1x1024xi32> to vector<1024x1024xi32>
    %lt3A_2705 = vector.broadcast %add3A_2683 : vector<1024x1xi32> to vector<1024x1024xi32>
    %lt3A_2706 = arith.cmpi slt, %lt3A_2704, %lt3A_2705 : vector<1024x1024xi32>
    %select_n3A_2707 = arith.select %lt3A_2706, %select_n3A_2695, %select_n3A_2703 : vector<1024x1024xi1>, vector<1024x1024xf32>
    %reduce_sum3A_2708 = arith.constant dense<0.000000e+00> : vector<1024xf32>
    %reduce_sum3A_2709 = vector.multi_reduction <add>, %select_n3A_2707, %reduce_sum3A_2708 [1] : vector<1024x1024xf32> to vector<1024xf32>
    %broadcast_in_dim3A_2710 = vector.shape_cast %reduce_sum3A_2709 : vector<1024xf32> to vector<1024x1xf32>
    %get3A_2711 = arith.constant 12 : index
    %get3A_2712 = arith.constant 0 : index
    %get3A_2713 = vector.load %arg2[%get3A_2711, %get3A_2712] : memref<16x1024xf32, #tpu.memory_space<vmem>>, vector<1x1024xf32>
    %ge3A_2714 = vector.broadcast %get3A_2713 : vector<1x1024xf32> to vector<1024x1024xf32>
    %ge3A_2715 = vector.broadcast %bitcast_convert_type3A_2676 : vector<1024x1xf32> to vector<1024x1024xf32>
    %ge3A_2716 = arith.cmpf oge, %ge3A_2714, %ge3A_2715 : vector<1024x1024xf32>
    %jit3A_2717 = arith.constant 1.000000e+00 : f32
    %jit3A_2718 = arith.constant 0.000000e+00 : f32
    %broadcast_in_dim3A_2719 = vector.broadcast %jit3A_2717 : f32 to vector<1024x1024xf32>
    %broadcast_in_dim3A_2720 = vector.broadcast %jit3A_2718 : f32 to vector<1024x1024xf32>
    %select_n3A_2721 = arith.select %ge3A_2716, %broadcast_in_dim3A_2719, %broadcast_in_dim3A_2720 : vector<1024x1024xi1>, vector<1024x1024xf32>
    %reduce_sum3A_2722 = arith.constant dense<0.000000e+00> : vector<1024xf32>
    %reduce_sum3A_2723 = vector.multi_reduction <add>, %select_n3A_2721, %reduce_sum3A_2722 [1] : vector<1024x1024xf32> to vector<1024xf32>
    %broadcast_in_dim3A_2724 = vector.shape_cast %reduce_sum3A_2723 : vector<1024xf32> to vector<1024x1xf32>
    %add3A_2725 = arith.addf %broadcast_in_dim3A_2710, %broadcast_in_dim3A_2724 : vector<1024x1xf32>
    %reduce_sum3A_2726 = arith.constant dense<0.000000e+00> : vector<1024xf32>
    %reduce_sum3A_2727 = vector.multi_reduction <add>, %select_n3A_2721, %reduce_sum3A_2726 [0] : vector<1024x1024xf32> to vector<1024xf32>
    %broadcast_in_dim3A_2728 = vector.shape_cast %reduce_sum3A_2727 : vector<1024xf32> to vector<1x1024xf32>
    %add3A_2729 = arith.addf %add3A_2602, %broadcast_in_dim3A_2728 : vector<1x1024xf32>
    %get3A_2730 = arith.constant 13 : index
    %get3A_2731 = arith.constant 0 : index
    %get3A_2732 = vector.load %arg2[%get3A_2730, %get3A_2731] : memref<16x1024xf32, #tpu.memory_space<vmem>>, vector<1x1024xf32>
    %ge3A_2733 = vector.broadcast %get3A_2732 : vector<1x1024xf32> to vector<1024x1024xf32>
    %ge3A_2734 = vector.broadcast %bitcast_convert_type3A_2676 : vector<1024x1xf32> to vector<1024x1024xf32>
    %ge3A_2735 = arith.cmpf oge, %ge3A_2733, %ge3A_2734 : vector<1024x1024xf32>
    %jit3A_2736 = arith.constant 1.000000e+00 : f32
    %jit3A_2737 = arith.constant 0.000000e+00 : f32
    %broadcast_in_dim3A_2738 = vector.broadcast %jit3A_2736 : f32 to vector<1024x1024xf32>
    %broadcast_in_dim3A_2739 = vector.broadcast %jit3A_2737 : f32 to vector<1024x1024xf32>
    %select_n3A_2740 = arith.select %ge3A_2735, %broadcast_in_dim3A_2738, %broadcast_in_dim3A_2739 : vector<1024x1024xi1>, vector<1024x1024xf32>
    %reduce_sum3A_2741 = arith.constant dense<0.000000e+00> : vector<1024xf32>
    %reduce_sum3A_2742 = vector.multi_reduction <add>, %select_n3A_2740, %reduce_sum3A_2741 [1] : vector<1024x1024xf32> to vector<1024xf32>
    %broadcast_in_dim3A_2743 = vector.shape_cast %reduce_sum3A_2742 : vector<1024xf32> to vector<1024x1xf32>
    %add3A_2744 = arith.addf %add3A_2725, %broadcast_in_dim3A_2743 : vector<1024x1xf32>
    %reduce_sum3A_2745 = arith.constant dense<0.000000e+00> : vector<1024xf32>
    %reduce_sum3A_2746 = vector.multi_reduction <add>, %select_n3A_2740, %reduce_sum3A_2745 [0] : vector<1024x1024xf32> to vector<1024xf32>
    %broadcast_in_dim3A_2747 = vector.shape_cast %reduce_sum3A_2746 : vector<1024xf32> to vector<1x1024xf32>
    %add3A_2748 = arith.addf %add3A_2621, %broadcast_in_dim3A_2747 : vector<1x1024xf32>
    %get3A_2749 = arith.constant 14 : index
    %get3A_2750 = arith.constant 0 : index
    %get3A_2751 = vector.load %arg2[%get3A_2749, %get3A_2750] : memref<16x1024xf32, #tpu.memory_space<vmem>>, vector<1x1024xf32>
    %ge3A_2752 = vector.broadcast %get3A_2751 : vector<1x1024xf32> to vector<1024x1024xf32>
    %ge3A_2753 = vector.broadcast %bitcast_convert_type3A_2676 : vector<1024x1xf32> to vector<1024x1024xf32>
    %ge3A_2754 = arith.cmpf oge, %ge3A_2752, %ge3A_2753 : vector<1024x1024xf32>
    %jit3A_2755 = arith.constant 1.000000e+00 : f32
    %jit3A_2756 = arith.constant 0.000000e+00 : f32
    %broadcast_in_dim3A_2757 = vector.broadcast %jit3A_2755 : f32 to vector<1024x1024xf32>
    %broadcast_in_dim3A_2758 = vector.broadcast %jit3A_2756 : f32 to vector<1024x1024xf32>
    %select_n3A_2759 = arith.select %ge3A_2754, %broadcast_in_dim3A_2757, %broadcast_in_dim3A_2758 : vector<1024x1024xi1>, vector<1024x1024xf32>
    %reduce_sum3A_2760 = arith.constant dense<0.000000e+00> : vector<1024xf32>
    %reduce_sum3A_2761 = vector.multi_reduction <add>, %select_n3A_2759, %reduce_sum3A_2760 [1] : vector<1024x1024xf32> to vector<1024xf32>
    %broadcast_in_dim3A_2762 = vector.shape_cast %reduce_sum3A_2761 : vector<1024xf32> to vector<1024x1xf32>
    %add3A_2763 = arith.addf %add3A_2744, %broadcast_in_dim3A_2762 : vector<1024x1xf32>
    %reduce_sum3A_2764 = arith.constant dense<0.000000e+00> : vector<1024xf32>
    %reduce_sum3A_2765 = vector.multi_reduction <add>, %select_n3A_2759, %reduce_sum3A_2764 [0] : vector<1024x1024xf32> to vector<1024xf32>
    %broadcast_in_dim3A_2766 = vector.shape_cast %reduce_sum3A_2765 : vector<1024xf32> to vector<1x1024xf32>
    %add3A_2767 = arith.addf %add3A_2640, %broadcast_in_dim3A_2766 : vector<1x1024xf32>
    %get3A_2768 = arith.constant 15 : index
    %get3A_2769 = arith.constant 0 : index
    %get3A_2770 = vector.load %arg2[%get3A_2768, %get3A_2769] : memref<16x1024xf32, #tpu.memory_space<vmem>>, vector<1x1024xf32>
    %ge3A_2771 = vector.broadcast %get3A_2770 : vector<1x1024xf32> to vector<1024x1024xf32>
    %ge3A_2772 = vector.broadcast %bitcast_convert_type3A_2676 : vector<1024x1xf32> to vector<1024x1024xf32>
    %ge3A_2773 = arith.cmpf oge, %ge3A_2771, %ge3A_2772 : vector<1024x1024xf32>
    %jit3A_2774 = arith.constant 1.000000e+00 : f32
    %jit3A_2775 = arith.constant 0.000000e+00 : f32
    %broadcast_in_dim3A_2776 = vector.broadcast %jit3A_2774 : f32 to vector<1024x1024xf32>
    %broadcast_in_dim3A_2777 = vector.broadcast %jit3A_2775 : f32 to vector<1024x1024xf32>
    %select_n3A_2778 = arith.select %ge3A_2773, %broadcast_in_dim3A_2776, %broadcast_in_dim3A_2777 : vector<1024x1024xi1>, vector<1024x1024xf32>
    %reduce_sum3A_2779 = arith.constant dense<0.000000e+00> : vector<1024xf32>
    %reduce_sum3A_2780 = vector.multi_reduction <add>, %select_n3A_2778, %reduce_sum3A_2779 [1] : vector<1024x1024xf32> to vector<1024xf32>
    %broadcast_in_dim3A_2781 = vector.shape_cast %reduce_sum3A_2780 : vector<1024xf32> to vector<1024x1xf32>
    %add3A_2782 = arith.addf %add3A_2763, %broadcast_in_dim3A_2781 : vector<1024x1xf32>
    %reduce_sum3A_2783 = arith.constant dense<0.000000e+00> : vector<1024xf32>
    %reduce_sum3A_2784 = vector.multi_reduction <add>, %select_n3A_2778, %reduce_sum3A_2783 [0] : vector<1024x1024xf32> to vector<1024xf32>
    %broadcast_in_dim3A_2785 = vector.shape_cast %reduce_sum3A_2784 : vector<1024xf32> to vector<1x1024xf32>
    %add3A_2786 = arith.addf %add3A_2659, %broadcast_in_dim3A_2785 : vector<1x1024xf32>
    %sub3A_2787 = arith.constant 1.126400e+04 : f32
    %sub3A_2788 = vector.broadcast %sub3A_2787 : f32 to vector<1x1024xf32>
    %sub3A_2789 = arith.subf %sub3A_2788, %add3A_2583 : vector<1x1024xf32>
    %reshape3A_2790 = vector.shape_cast %sub3A_2789 : vector<1x1024xf32> to vector<1024x1xf32>
    %add3A_2791 = arith.addf %add3A_2782, %reshape3A_2790 : vector<1024x1xf32>
    %convert_element_type3A_2792 = arith.fptosi %add3A_2791 : vector<1024x1xf32> to vector<1024x1xi32>
    %swap3A_2793 = arith.constant 11264 : index
    %swap3A_2794 = arith.constant 0 : index
    %swap3A_2795 = vector.load %arg3[%swap3A_2793, %swap3A_2794] : memref<16384x1xi32, #tpu.memory_space<vmem>>, vector<1024x1xi32>
    tpu.vector_store %arg3[%swap3A_2793, %swap3A_2794], %convert_element_type3A_2792 {strides = array<i32>} : memref<16384x1xi32, #tpu.memory_space<vmem>>, vector<1024x1xi32>,
    %get3A_2796 = arith.constant 12288 : index
    %get3A_2797 = arith.constant 0 : index
    %get3A_2798 = vector.load %arg1[%get3A_2796, %get3A_2797] : memref<16384x1xf32, #tpu.memory_space<vmem>>, vector<1024x1xf32>
    %bitcast_convert_type3A_2799 = tpu.bitcast %get3A_2798 : vector<1024x1xf32> -> vector<1024x1xi32>
    %add3A_2800 = arith.constant 1 : i32
    %add3A_2801 = vector.broadcast %add3A_2800 : i32 to vector<1024x1xi32>
    %add3A_2802 = arith.addi %bitcast_convert_type3A_2799, %add3A_2801 : vector<1024x1xi32>
    %bitcast_convert_type3A_2803 = tpu.bitcast %add3A_2802 : vector<1024x1xi32> -> vector<1024x1xf32>
    %get3A_2804 = arith.constant 12 : index
    %get3A_2805 = arith.constant 0 : index
    %get3A_2806 = vector.load %arg2[%get3A_2804, %get3A_2805] : memref<16x1024xf32, #tpu.memory_space<vmem>>, vector<1x1024xf32>
    %iota3A_2807 = tpu.iota {dimensions = array<i32: 0>} : vector<1024x1xi32>
    %add3A_2808 = arith.constant 12288 : i32
    %add3A_2809 = vector.broadcast %add3A_2808 : i32 to vector<1024x1xi32>
    %add3A_2810 = arith.addi %add3A_2809, %iota3A_2807 : vector<1024x1xi32>
    %iota3A_2811 = tpu.iota {dimensions = array<i32: 1>} : vector<1x1024xi32>
    %add3A_2812 = arith.constant 12288 : i32
    %add3A_2813 = vector.broadcast %add3A_2812 : i32 to vector<1x1024xi32>
    %add3A_2814 = arith.addi %add3A_2813, %iota3A_2811 : vector<1x1024xi32>
    %ge3A_2815 = vector.broadcast %get3A_2806 : vector<1x1024xf32> to vector<1024x1024xf32>
    %ge3A_2816 = vector.broadcast %get3A_2798 : vector<1024x1xf32> to vector<1024x1024xf32>
    %ge3A_2817 = arith.cmpf oge, %ge3A_2815, %ge3A_2816 : vector<1024x1024xf32>
    %jit3A_2818 = arith.constant 1.000000e+00 : f32
    %jit3A_2819 = arith.constant 0.000000e+00 : f32
    %broadcast_in_dim3A_2820 = vector.broadcast %jit3A_2818 : f32 to vector<1024x1024xf32>
    %broadcast_in_dim3A_2821 = vector.broadcast %jit3A_2819 : f32 to vector<1024x1024xf32>
    %select_n3A_2822 = arith.select %ge3A_2817, %broadcast_in_dim3A_2820, %broadcast_in_dim3A_2821 : vector<1024x1024xi1>, vector<1024x1024xf32>
    %ge3A_2823 = vector.broadcast %get3A_2806 : vector<1x1024xf32> to vector<1024x1024xf32>
    %ge3A_2824 = vector.broadcast %bitcast_convert_type3A_2803 : vector<1024x1xf32> to vector<1024x1024xf32>
    %ge3A_2825 = arith.cmpf oge, %ge3A_2823, %ge3A_2824 : vector<1024x1024xf32>
    %jit3A_2826 = arith.constant 1.000000e+00 : f32
    %jit3A_2827 = arith.constant 0.000000e+00 : f32
    %broadcast_in_dim3A_2828 = vector.broadcast %jit3A_2826 : f32 to vector<1024x1024xf32>
    %broadcast_in_dim3A_2829 = vector.broadcast %jit3A_2827 : f32 to vector<1024x1024xf32>
    %select_n3A_2830 = arith.select %ge3A_2825, %broadcast_in_dim3A_2828, %broadcast_in_dim3A_2829 : vector<1024x1024xi1>, vector<1024x1024xf32>
    %lt3A_2831 = vector.broadcast %add3A_2814 : vector<1x1024xi32> to vector<1024x1024xi32>
    %lt3A_2832 = vector.broadcast %add3A_2810 : vector<1024x1xi32> to vector<1024x1024xi32>
    %lt3A_2833 = arith.cmpi slt, %lt3A_2831, %lt3A_2832 : vector<1024x1024xi32>
    %select_n3A_2834 = arith.select %lt3A_2833, %select_n3A_2822, %select_n3A_2830 : vector<1024x1024xi1>, vector<1024x1024xf32>
    %reduce_sum3A_2835 = arith.constant dense<0.000000e+00> : vector<1024xf32>
    %reduce_sum3A_2836 = vector.multi_reduction <add>, %select_n3A_2834, %reduce_sum3A_2835 [1] : vector<1024x1024xf32> to vector<1024xf32>
    %broadcast_in_dim3A_2837 = vector.shape_cast %reduce_sum3A_2836 : vector<1024xf32> to vector<1024x1xf32>
    %get3A_2838 = arith.constant 13 : index
    %get3A_2839 = arith.constant 0 : index
    %get3A_2840 = vector.load %arg2[%get3A_2838, %get3A_2839] : memref<16x1024xf32, #tpu.memory_space<vmem>>, vector<1x1024xf32>
    %ge3A_2841 = vector.broadcast %get3A_2840 : vector<1x1024xf32> to vector<1024x1024xf32>
    %ge3A_2842 = vector.broadcast %bitcast_convert_type3A_2803 : vector<1024x1xf32> to vector<1024x1024xf32>
    %ge3A_2843 = arith.cmpf oge, %ge3A_2841, %ge3A_2842 : vector<1024x1024xf32>
    %jit3A_2844 = arith.constant 1.000000e+00 : f32
    %jit3A_2845 = arith.constant 0.000000e+00 : f32
    %broadcast_in_dim3A_2846 = vector.broadcast %jit3A_2844 : f32 to vector<1024x1024xf32>
    %broadcast_in_dim3A_2847 = vector.broadcast %jit3A_2845 : f32 to vector<1024x1024xf32>
    %select_n3A_2848 = arith.select %ge3A_2843, %broadcast_in_dim3A_2846, %broadcast_in_dim3A_2847 : vector<1024x1024xi1>, vector<1024x1024xf32>
    %reduce_sum3A_2849 = arith.constant dense<0.000000e+00> : vector<1024xf32>
    %reduce_sum3A_2850 = vector.multi_reduction <add>, %select_n3A_2848, %reduce_sum3A_2849 [1] : vector<1024x1024xf32> to vector<1024xf32>
    %broadcast_in_dim3A_2851 = vector.shape_cast %reduce_sum3A_2850 : vector<1024xf32> to vector<1024x1xf32>
    %add3A_2852 = arith.addf %broadcast_in_dim3A_2837, %broadcast_in_dim3A_2851 : vector<1024x1xf32>
    %reduce_sum3A_2853 = arith.constant dense<0.000000e+00> : vector<1024xf32>
    %reduce_sum3A_2854 = vector.multi_reduction <add>, %select_n3A_2848, %reduce_sum3A_2853 [0] : vector<1024x1024xf32> to vector<1024xf32>
    %broadcast_in_dim3A_2855 = vector.shape_cast %reduce_sum3A_2854 : vector<1024xf32> to vector<1x1024xf32>
    %add3A_2856 = arith.addf %add3A_2748, %broadcast_in_dim3A_2855 : vector<1x1024xf32>
    %get3A_2857 = arith.constant 14 : index
    %get3A_2858 = arith.constant 0 : index
    %get3A_2859 = vector.load %arg2[%get3A_2857, %get3A_2858] : memref<16x1024xf32, #tpu.memory_space<vmem>>, vector<1x1024xf32>
    %ge3A_2860 = vector.broadcast %get3A_2859 : vector<1x1024xf32> to vector<1024x1024xf32>
    %ge3A_2861 = vector.broadcast %bitcast_convert_type3A_2803 : vector<1024x1xf32> to vector<1024x1024xf32>
    %ge3A_2862 = arith.cmpf oge, %ge3A_2860, %ge3A_2861 : vector<1024x1024xf32>
    %jit3A_2863 = arith.constant 1.000000e+00 : f32
    %jit3A_2864 = arith.constant 0.000000e+00 : f32
    %broadcast_in_dim3A_2865 = vector.broadcast %jit3A_2863 : f32 to vector<1024x1024xf32>
    %broadcast_in_dim3A_2866 = vector.broadcast %jit3A_2864 : f32 to vector<1024x1024xf32>
    %select_n3A_2867 = arith.select %ge3A_2862, %broadcast_in_dim3A_2865, %broadcast_in_dim3A_2866 : vector<1024x1024xi1>, vector<1024x1024xf32>
    %reduce_sum3A_2868 = arith.constant dense<0.000000e+00> : vector<1024xf32>
    %reduce_sum3A_2869 = vector.multi_reduction <add>, %select_n3A_2867, %reduce_sum3A_2868 [1] : vector<1024x1024xf32> to vector<1024xf32>
    %broadcast_in_dim3A_2870 = vector.shape_cast %reduce_sum3A_2869 : vector<1024xf32> to vector<1024x1xf32>
    %add3A_2871 = arith.addf %add3A_2852, %broadcast_in_dim3A_2870 : vector<1024x1xf32>
    %reduce_sum3A_2872 = arith.constant dense<0.000000e+00> : vector<1024xf32>
    %reduce_sum3A_2873 = vector.multi_reduction <add>, %select_n3A_2867, %reduce_sum3A_2872 [0] : vector<1024x1024xf32> to vector<1024xf32>
    %broadcast_in_dim3A_2874 = vector.shape_cast %reduce_sum3A_2873 : vector<1024xf32> to vector<1x1024xf32>
    %add3A_2875 = arith.addf %add3A_2767, %broadcast_in_dim3A_2874 : vector<1x1024xf32>
    %get3A_2876 = arith.constant 15 : index
    %get3A_2877 = arith.constant 0 : index
    %get3A_2878 = vector.load %arg2[%get3A_2876, %get3A_2877] : memref<16x1024xf32, #tpu.memory_space<vmem>>, vector<1x1024xf32>
    %ge3A_2879 = vector.broadcast %get3A_2878 : vector<1x1024xf32> to vector<1024x1024xf32>
    %ge3A_2880 = vector.broadcast %bitcast_convert_type3A_2803 : vector<1024x1xf32> to vector<1024x1024xf32>
    %ge3A_2881 = arith.cmpf oge, %ge3A_2879, %ge3A_2880 : vector<1024x1024xf32>
    %jit3A_2882 = arith.constant 1.000000e+00 : f32
    %jit3A_2883 = arith.constant 0.000000e+00 : f32
    %broadcast_in_dim3A_2884 = vector.broadcast %jit3A_2882 : f32 to vector<1024x1024xf32>
    %broadcast_in_dim3A_2885 = vector.broadcast %jit3A_2883 : f32 to vector<1024x1024xf32>
    %select_n3A_2886 = arith.select %ge3A_2881, %broadcast_in_dim3A_2884, %broadcast_in_dim3A_2885 : vector<1024x1024xi1>, vector<1024x1024xf32>
    %reduce_sum3A_2887 = arith.constant dense<0.000000e+00> : vector<1024xf32>
    %reduce_sum3A_2888 = vector.multi_reduction <add>, %select_n3A_2886, %reduce_sum3A_2887 [1] : vector<1024x1024xf32> to vector<1024xf32>
    %broadcast_in_dim3A_2889 = vector.shape_cast %reduce_sum3A_2888 : vector<1024xf32> to vector<1024x1xf32>
    %add3A_2890 = arith.addf %add3A_2871, %broadcast_in_dim3A_2889 : vector<1024x1xf32>
    %reduce_sum3A_2891 = arith.constant dense<0.000000e+00> : vector<1024xf32>
    %reduce_sum3A_2892 = vector.multi_reduction <add>, %select_n3A_2886, %reduce_sum3A_2891 [0] : vector<1024x1024xf32> to vector<1024xf32>
    %broadcast_in_dim3A_2893 = vector.shape_cast %reduce_sum3A_2892 : vector<1024xf32> to vector<1x1024xf32>
    %add3A_2894 = arith.addf %add3A_2786, %broadcast_in_dim3A_2893 : vector<1x1024xf32>
    %sub3A_2895 = arith.constant 1.228800e+04 : f32
    %sub3A_2896 = vector.broadcast %sub3A_2895 : f32 to vector<1x1024xf32>
    %sub3A_2897 = arith.subf %sub3A_2896, %add3A_2729 : vector<1x1024xf32>
    %reshape3A_2898 = vector.shape_cast %sub3A_2897 : vector<1x1024xf32> to vector<1024x1xf32>
    %add3A_2899 = arith.addf %add3A_2890, %reshape3A_2898 : vector<1024x1xf32>
    %convert_element_type3A_2900 = arith.fptosi %add3A_2899 : vector<1024x1xf32> to vector<1024x1xi32>
    %swap3A_2901 = arith.constant 12288 : index
    %swap3A_2902 = arith.constant 0 : index
    %swap3A_2903 = vector.load %arg3[%swap3A_2901, %swap3A_2902] : memref<16384x1xi32, #tpu.memory_space<vmem>>, vector<1024x1xi32>
    tpu.vector_store %arg3[%swap3A_2901, %swap3A_2902], %convert_element_type3A_2900 {strides = array<i32>} : memref<16384x1xi32, #tpu.memory_space<vmem>>, vector<1024x1xi32>,
    %get3A_2904 = arith.constant 13312 : index
    %get3A_2905 = arith.constant 0 : index
    %get3A_2906 = vector.load %arg1[%get3A_2904, %get3A_2905] : memref<16384x1xf32, #tpu.memory_space<vmem>>, vector<1024x1xf32>
    %bitcast_convert_type3A_2907 = tpu.bitcast %get3A_2906 : vector<1024x1xf32> -> vector<1024x1xi32>
    %add3A_2908 = arith.constant 1 : i32
    %add3A_2909 = vector.broadcast %add3A_2908 : i32 to vector<1024x1xi32>
    %add3A_2910 = arith.addi %bitcast_convert_type3A_2907, %add3A_2909 : vector<1024x1xi32>
    %bitcast_convert_type3A_2911 = tpu.bitcast %add3A_2910 : vector<1024x1xi32> -> vector<1024x1xf32>
    %get3A_2912 = arith.constant 13 : index
    %get3A_2913 = arith.constant 0 : index
    %get3A_2914 = vector.load %arg2[%get3A_2912, %get3A_2913] : memref<16x1024xf32, #tpu.memory_space<vmem>>, vector<1x1024xf32>
    %iota3A_2915 = tpu.iota {dimensions = array<i32: 0>} : vector<1024x1xi32>
    %add3A_2916 = arith.constant 13312 : i32
    %add3A_2917 = vector.broadcast %add3A_2916 : i32 to vector<1024x1xi32>
    %add3A_2918 = arith.addi %add3A_2917, %iota3A_2915 : vector<1024x1xi32>
    %iota3A_2919 = tpu.iota {dimensions = array<i32: 1>} : vector<1x1024xi32>
    %add3A_2920 = arith.constant 13312 : i32
    %add3A_2921 = vector.broadcast %add3A_2920 : i32 to vector<1x1024xi32>
    %add3A_2922 = arith.addi %add3A_2921, %iota3A_2919 : vector<1x1024xi32>
    %ge3A_2923 = vector.broadcast %get3A_2914 : vector<1x1024xf32> to vector<1024x1024xf32>
    %ge3A_2924 = vector.broadcast %get3A_2906 : vector<1024x1xf32> to vector<1024x1024xf32>
    %ge3A_2925 = arith.cmpf oge, %ge3A_2923, %ge3A_2924 : vector<1024x1024xf32>
    %jit3A_2926 = arith.constant 1.000000e+00 : f32
    %jit3A_2927 = arith.constant 0.000000e+00 : f32
    %broadcast_in_dim3A_2928 = vector.broadcast %jit3A_2926 : f32 to vector<1024x1024xf32>
    %broadcast_in_dim3A_2929 = vector.broadcast %jit3A_2927 : f32 to vector<1024x1024xf32>
    %select_n3A_2930 = arith.select %ge3A_2925, %broadcast_in_dim3A_2928, %broadcast_in_dim3A_2929 : vector<1024x1024xi1>, vector<1024x1024xf32>
    %ge3A_2931 = vector.broadcast %get3A_2914 : vector<1x1024xf32> to vector<1024x1024xf32>
    %ge3A_2932 = vector.broadcast %bitcast_convert_type3A_2911 : vector<1024x1xf32> to vector<1024x1024xf32>
    %ge3A_2933 = arith.cmpf oge, %ge3A_2931, %ge3A_2932 : vector<1024x1024xf32>
    %jit3A_2934 = arith.constant 1.000000e+00 : f32
    %jit3A_2935 = arith.constant 0.000000e+00 : f32
    %broadcast_in_dim3A_2936 = vector.broadcast %jit3A_2934 : f32 to vector<1024x1024xf32>
    %broadcast_in_dim3A_2937 = vector.broadcast %jit3A_2935 : f32 to vector<1024x1024xf32>
    %select_n3A_2938 = arith.select %ge3A_2933, %broadcast_in_dim3A_2936, %broadcast_in_dim3A_2937 : vector<1024x1024xi1>, vector<1024x1024xf32>
    %lt3A_2939 = vector.broadcast %add3A_2922 : vector<1x1024xi32> to vector<1024x1024xi32>
    %lt3A_2940 = vector.broadcast %add3A_2918 : vector<1024x1xi32> to vector<1024x1024xi32>
    %lt3A_2941 = arith.cmpi slt, %lt3A_2939, %lt3A_2940 : vector<1024x1024xi32>
    %select_n3A_2942 = arith.select %lt3A_2941, %select_n3A_2930, %select_n3A_2938 : vector<1024x1024xi1>, vector<1024x1024xf32>
    %reduce_sum3A_2943 = arith.constant dense<0.000000e+00> : vector<1024xf32>
    %reduce_sum3A_2944 = vector.multi_reduction <add>, %select_n3A_2942, %reduce_sum3A_2943 [1] : vector<1024x1024xf32> to vector<1024xf32>
    %broadcast_in_dim3A_2945 = vector.shape_cast %reduce_sum3A_2944 : vector<1024xf32> to vector<1024x1xf32>
    %get3A_2946 = arith.constant 14 : index
    %get3A_2947 = arith.constant 0 : index
    %get3A_2948 = vector.load %arg2[%get3A_2946, %get3A_2947] : memref<16x1024xf32, #tpu.memory_space<vmem>>, vector<1x1024xf32>
    %ge3A_2949 = vector.broadcast %get3A_2948 : vector<1x1024xf32> to vector<1024x1024xf32>
    %ge3A_2950 = vector.broadcast %bitcast_convert_type3A_2911 : vector<1024x1xf32> to vector<1024x1024xf32>
    %ge3A_2951 = arith.cmpf oge, %ge3A_2949, %ge3A_2950 : vector<1024x1024xf32>
    %jit3A_2952 = arith.constant 1.000000e+00 : f32
    %jit3A_2953 = arith.constant 0.000000e+00 : f32
    %broadcast_in_dim3A_2954 = vector.broadcast %jit3A_2952 : f32 to vector<1024x1024xf32>
    %broadcast_in_dim3A_2955 = vector.broadcast %jit3A_2953 : f32 to vector<1024x1024xf32>
    %select_n3A_2956 = arith.select %ge3A_2951, %broadcast_in_dim3A_2954, %broadcast_in_dim3A_2955 : vector<1024x1024xi1>, vector<1024x1024xf32>
    %reduce_sum3A_2957 = arith.constant dense<0.000000e+00> : vector<1024xf32>
    %reduce_sum3A_2958 = vector.multi_reduction <add>, %select_n3A_2956, %reduce_sum3A_2957 [1] : vector<1024x1024xf32> to vector<1024xf32>
    %broadcast_in_dim3A_2959 = vector.shape_cast %reduce_sum3A_2958 : vector<1024xf32> to vector<1024x1xf32>
    %add3A_2960 = arith.addf %broadcast_in_dim3A_2945, %broadcast_in_dim3A_2959 : vector<1024x1xf32>
    %reduce_sum3A_2961 = arith.constant dense<0.000000e+00> : vector<1024xf32>
    %reduce_sum3A_2962 = vector.multi_reduction <add>, %select_n3A_2956, %reduce_sum3A_2961 [0] : vector<1024x1024xf32> to vector<1024xf32>
    %broadcast_in_dim3A_2963 = vector.shape_cast %reduce_sum3A_2962 : vector<1024xf32> to vector<1x1024xf32>
    %add3A_2964 = arith.addf %add3A_2875, %broadcast_in_dim3A_2963 : vector<1x1024xf32>
    %get3A_2965 = arith.constant 15 : index
    %get3A_2966 = arith.constant 0 : index
    %get3A_2967 = vector.load %arg2[%get3A_2965, %get3A_2966] : memref<16x1024xf32, #tpu.memory_space<vmem>>, vector<1x1024xf32>
    %ge3A_2968 = vector.broadcast %get3A_2967 : vector<1x1024xf32> to vector<1024x1024xf32>
    %ge3A_2969 = vector.broadcast %bitcast_convert_type3A_2911 : vector<1024x1xf32> to vector<1024x1024xf32>
    %ge3A_2970 = arith.cmpf oge, %ge3A_2968, %ge3A_2969 : vector<1024x1024xf32>
    %jit3A_2971 = arith.constant 1.000000e+00 : f32
    %jit3A_2972 = arith.constant 0.000000e+00 : f32
    %broadcast_in_dim3A_2973 = vector.broadcast %jit3A_2971 : f32 to vector<1024x1024xf32>
    %broadcast_in_dim3A_2974 = vector.broadcast %jit3A_2972 : f32 to vector<1024x1024xf32>
    %select_n3A_2975 = arith.select %ge3A_2970, %broadcast_in_dim3A_2973, %broadcast_in_dim3A_2974 : vector<1024x1024xi1>, vector<1024x1024xf32>
    %reduce_sum3A_2976 = arith.constant dense<0.000000e+00> : vector<1024xf32>
    %reduce_sum3A_2977 = vector.multi_reduction <add>, %select_n3A_2975, %reduce_sum3A_2976 [1] : vector<1024x1024xf32> to vector<1024xf32>
    %broadcast_in_dim3A_2978 = vector.shape_cast %reduce_sum3A_2977 : vector<1024xf32> to vector<1024x1xf32>
    %add3A_2979 = arith.addf %add3A_2960, %broadcast_in_dim3A_2978 : vector<1024x1xf32>
    %reduce_sum3A_2980 = arith.constant dense<0.000000e+00> : vector<1024xf32>
    %reduce_sum3A_2981 = vector.multi_reduction <add>, %select_n3A_2975, %reduce_sum3A_2980 [0] : vector<1024x1024xf32> to vector<1024xf32>
    %broadcast_in_dim3A_2982 = vector.shape_cast %reduce_sum3A_2981 : vector<1024xf32> to vector<1x1024xf32>
    %add3A_2983 = arith.addf %add3A_2894, %broadcast_in_dim3A_2982 : vector<1x1024xf32>
    %sub3A_2984 = arith.constant 1.331200e+04 : f32
    %sub3A_2985 = vector.broadcast %sub3A_2984 : f32 to vector<1x1024xf32>
    %sub3A_2986 = arith.subf %sub3A_2985, %add3A_2856 : vector<1x1024xf32>
    %reshape3A_2987 = vector.shape_cast %sub3A_2986 : vector<1x1024xf32> to vector<1024x1xf32>
    %add3A_2988 = arith.addf %add3A_2979, %reshape3A_2987 : vector<1024x1xf32>
    %convert_element_type3A_2989 = arith.fptosi %add3A_2988 : vector<1024x1xf32> to vector<1024x1xi32>
    %swap3A_2990 = arith.constant 13312 : index
    %swap3A_2991 = arith.constant 0 : index
    %swap3A_2992 = vector.load %arg3[%swap3A_2990, %swap3A_2991] : memref<16384x1xi32, #tpu.memory_space<vmem>>, vector<1024x1xi32>
    tpu.vector_store %arg3[%swap3A_2990, %swap3A_2991], %convert_element_type3A_2989 {strides = array<i32>} : memref<16384x1xi32, #tpu.memory_space<vmem>>, vector<1024x1xi32>,
    %get3A_2993 = arith.constant 14336 : index
    %get3A_2994 = arith.constant 0 : index
    %get3A_2995 = vector.load %arg1[%get3A_2993, %get3A_2994] : memref<16384x1xf32, #tpu.memory_space<vmem>>, vector<1024x1xf32>
    %bitcast_convert_type3A_2996 = tpu.bitcast %get3A_2995 : vector<1024x1xf32> -> vector<1024x1xi32>
    %add3A_2997 = arith.constant 1 : i32
    %add3A_2998 = vector.broadcast %add3A_2997 : i32 to vector<1024x1xi32>
    %add3A_2999 = arith.addi %bitcast_convert_type3A_2996, %add3A_2998 : vector<1024x1xi32>
    %bitcast_convert_type3A_3000 = tpu.bitcast %add3A_2999 : vector<1024x1xi32> -> vector<1024x1xf32>
    %get3A_3001 = arith.constant 14 : index
    %get3A_3002 = arith.constant 0 : index
    %get3A_3003 = vector.load %arg2[%get3A_3001, %get3A_3002] : memref<16x1024xf32, #tpu.memory_space<vmem>>, vector<1x1024xf32>
    %iota3A_3004 = tpu.iota {dimensions = array<i32: 0>} : vector<1024x1xi32>
    %add3A_3005 = arith.constant 14336 : i32
    %add3A_3006 = vector.broadcast %add3A_3005 : i32 to vector<1024x1xi32>
    %add3A_3007 = arith.addi %add3A_3006, %iota3A_3004 : vector<1024x1xi32>
    %iota3A_3008 = tpu.iota {dimensions = array<i32: 1>} : vector<1x1024xi32>
    %add3A_3009 = arith.constant 14336 : i32
    %add3A_3010 = vector.broadcast %add3A_3009 : i32 to vector<1x1024xi32>
    %add3A_3011 = arith.addi %add3A_3010, %iota3A_3008 : vector<1x1024xi32>
    %ge3A_3012 = vector.broadcast %get3A_3003 : vector<1x1024xf32> to vector<1024x1024xf32>
    %ge3A_3013 = vector.broadcast %get3A_2995 : vector<1024x1xf32> to vector<1024x1024xf32>
    %ge3A_3014 = arith.cmpf oge, %ge3A_3012, %ge3A_3013 : vector<1024x1024xf32>
    %jit3A_3015 = arith.constant 1.000000e+00 : f32
    %jit3A_3016 = arith.constant 0.000000e+00 : f32
    %broadcast_in_dim3A_3017 = vector.broadcast %jit3A_3015 : f32 to vector<1024x1024xf32>
    %broadcast_in_dim3A_3018 = vector.broadcast %jit3A_3016 : f32 to vector<1024x1024xf32>
    %select_n3A_3019 = arith.select %ge3A_3014, %broadcast_in_dim3A_3017, %broadcast_in_dim3A_3018 : vector<1024x1024xi1>, vector<1024x1024xf32>
    %ge3A_3020 = vector.broadcast %get3A_3003 : vector<1x1024xf32> to vector<1024x1024xf32>
    %ge3A_3021 = vector.broadcast %bitcast_convert_type3A_3000 : vector<1024x1xf32> to vector<1024x1024xf32>
    %ge3A_3022 = arith.cmpf oge, %ge3A_3020, %ge3A_3021 : vector<1024x1024xf32>
    %jit3A_3023 = arith.constant 1.000000e+00 : f32
    %jit3A_3024 = arith.constant 0.000000e+00 : f32
    %broadcast_in_dim3A_3025 = vector.broadcast %jit3A_3023 : f32 to vector<1024x1024xf32>
    %broadcast_in_dim3A_3026 = vector.broadcast %jit3A_3024 : f32 to vector<1024x1024xf32>
    %select_n3A_3027 = arith.select %ge3A_3022, %broadcast_in_dim3A_3025, %broadcast_in_dim3A_3026 : vector<1024x1024xi1>, vector<1024x1024xf32>
    %lt3A_3028 = vector.broadcast %add3A_3011 : vector<1x1024xi32> to vector<1024x1024xi32>
    %lt3A_3029 = vector.broadcast %add3A_3007 : vector<1024x1xi32> to vector<1024x1024xi32>
    %lt3A_3030 = arith.cmpi slt, %lt3A_3028, %lt3A_3029 : vector<1024x1024xi32>
    %select_n3A_3031 = arith.select %lt3A_3030, %select_n3A_3019, %select_n3A_3027 : vector<1024x1024xi1>, vector<1024x1024xf32>
    %reduce_sum3A_3032 = arith.constant dense<0.000000e+00> : vector<1024xf32>
    %reduce_sum3A_3033 = vector.multi_reduction <add>, %select_n3A_3031, %reduce_sum3A_3032 [1] : vector<1024x1024xf32> to vector<1024xf32>
    %broadcast_in_dim3A_3034 = vector.shape_cast %reduce_sum3A_3033 : vector<1024xf32> to vector<1024x1xf32>
    %get3A_3035 = arith.constant 15 : index
    %get3A_3036 = arith.constant 0 : index
    %get3A_3037 = vector.load %arg2[%get3A_3035, %get3A_3036] : memref<16x1024xf32, #tpu.memory_space<vmem>>, vector<1x1024xf32>
    %ge3A_3038 = vector.broadcast %get3A_3037 : vector<1x1024xf32> to vector<1024x1024xf32>
    %ge3A_3039 = vector.broadcast %bitcast_convert_type3A_3000 : vector<1024x1xf32> to vector<1024x1024xf32>
    %ge3A_3040 = arith.cmpf oge, %ge3A_3038, %ge3A_3039 : vector<1024x1024xf32>
    %jit3A_3041 = arith.constant 1.000000e+00 : f32
    %jit3A_3042 = arith.constant 0.000000e+00 : f32
    %broadcast_in_dim3A_3043 = vector.broadcast %jit3A_3041 : f32 to vector<1024x1024xf32>
    %broadcast_in_dim3A_3044 = vector.broadcast %jit3A_3042 : f32 to vector<1024x1024xf32>
    %select_n3A_3045 = arith.select %ge3A_3040, %broadcast_in_dim3A_3043, %broadcast_in_dim3A_3044 : vector<1024x1024xi1>, vector<1024x1024xf32>
    %reduce_sum3A_3046 = arith.constant dense<0.000000e+00> : vector<1024xf32>
    %reduce_sum3A_3047 = vector.multi_reduction <add>, %select_n3A_3045, %reduce_sum3A_3046 [1] : vector<1024x1024xf32> to vector<1024xf32>
    %broadcast_in_dim3A_3048 = vector.shape_cast %reduce_sum3A_3047 : vector<1024xf32> to vector<1024x1xf32>
    %add3A_3049 = arith.addf %broadcast_in_dim3A_3034, %broadcast_in_dim3A_3048 : vector<1024x1xf32>
    %reduce_sum3A_3050 = arith.constant dense<0.000000e+00> : vector<1024xf32>
    %reduce_sum3A_3051 = vector.multi_reduction <add>, %select_n3A_3045, %reduce_sum3A_3050 [0] : vector<1024x1024xf32> to vector<1024xf32>
    %broadcast_in_dim3A_3052 = vector.shape_cast %reduce_sum3A_3051 : vector<1024xf32> to vector<1x1024xf32>
    %add3A_3053 = arith.addf %add3A_2983, %broadcast_in_dim3A_3052 : vector<1x1024xf32>
    %sub3A_3054 = arith.constant 1.433600e+04 : f32
    %sub3A_3055 = vector.broadcast %sub3A_3054 : f32 to vector<1x1024xf32>
    %sub3A_3056 = arith.subf %sub3A_3055, %add3A_2964 : vector<1x1024xf32>
    %reshape3A_3057 = vector.shape_cast %sub3A_3056 : vector<1x1024xf32> to vector<1024x1xf32>
    %add3A_3058 = arith.addf %add3A_3049, %reshape3A_3057 : vector<1024x1xf32>
    %convert_element_type3A_3059 = arith.fptosi %add3A_3058 : vector<1024x1xf32> to vector<1024x1xi32>
    %swap3A_3060 = arith.constant 14336 : index
    %swap3A_3061 = arith.constant 0 : index
    %swap3A_3062 = vector.load %arg3[%swap3A_3060, %swap3A_3061] : memref<16384x1xi32, #tpu.memory_space<vmem>>, vector<1024x1xi32>
    tpu.vector_store %arg3[%swap3A_3060, %swap3A_3061], %convert_element_type3A_3059 {strides = array<i32>} : memref<16384x1xi32, #tpu.memory_space<vmem>>, vector<1024x1xi32>,
    %get3A_3063 = arith.constant 15360 : index
    %get3A_3064 = arith.constant 0 : index
    %get3A_3065 = vector.load %arg1[%get3A_3063, %get3A_3064] : memref<16384x1xf32, #tpu.memory_space<vmem>>, vector<1024x1xf32>
    %bitcast_convert_type3A_3066 = tpu.bitcast %get3A_3065 : vector<1024x1xf32> -> vector<1024x1xi32>
    %add3A_3067 = arith.constant 1 : i32
    %add3A_3068 = vector.broadcast %add3A_3067 : i32 to vector<1024x1xi32>
    %add3A_3069 = arith.addi %bitcast_convert_type3A_3066, %add3A_3068 : vector<1024x1xi32>
    %bitcast_convert_type3A_3070 = tpu.bitcast %add3A_3069 : vector<1024x1xi32> -> vector<1024x1xf32>
    %get3A_3071 = arith.constant 15 : index
    %get3A_3072 = arith.constant 0 : index
    %get3A_3073 = vector.load %arg2[%get3A_3071, %get3A_3072] : memref<16x1024xf32, #tpu.memory_space<vmem>>, vector<1x1024xf32>
    %iota3A_3074 = tpu.iota {dimensions = array<i32: 0>} : vector<1024x1xi32>
    %add3A_3075 = arith.constant 15360 : i32
    %add3A_3076 = vector.broadcast %add3A_3075 : i32 to vector<1024x1xi32>
    %add3A_3077 = arith.addi %add3A_3076, %iota3A_3074 : vector<1024x1xi32>
    %iota3A_3078 = tpu.iota {dimensions = array<i32: 1>} : vector<1x1024xi32>
    %add3A_3079 = arith.constant 15360 : i32
    %add3A_3080 = vector.broadcast %add3A_3079 : i32 to vector<1x1024xi32>
    %add3A_3081 = arith.addi %add3A_3080, %iota3A_3078 : vector<1x1024xi32>
    %ge3A_3082 = vector.broadcast %get3A_3073 : vector<1x1024xf32> to vector<1024x1024xf32>
    %ge3A_3083 = vector.broadcast %get3A_3065 : vector<1024x1xf32> to vector<1024x1024xf32>
    %ge3A_3084 = arith.cmpf oge, %ge3A_3082, %ge3A_3083 : vector<1024x1024xf32>
    %jit3A_3085 = arith.constant 1.000000e+00 : f32
    %jit3A_3086 = arith.constant 0.000000e+00 : f32
    %broadcast_in_dim3A_3087 = vector.broadcast %jit3A_3085 : f32 to vector<1024x1024xf32>
    %broadcast_in_dim3A_3088 = vector.broadcast %jit3A_3086 : f32 to vector<1024x1024xf32>
    %select_n3A_3089 = arith.select %ge3A_3084, %broadcast_in_dim3A_3087, %broadcast_in_dim3A_3088 : vector<1024x1024xi1>, vector<1024x1024xf32>
    %ge3A_3090 = vector.broadcast %get3A_3073 : vector<1x1024xf32> to vector<1024x1024xf32>
    %ge3A_3091 = vector.broadcast %bitcast_convert_type3A_3070 : vector<1024x1xf32> to vector<1024x1024xf32>
    %ge3A_3092 = arith.cmpf oge, %ge3A_3090, %ge3A_3091 : vector<1024x1024xf32>
    %jit3A_3093 = arith.constant 1.000000e+00 : f32
    %jit3A_3094 = arith.constant 0.000000e+00 : f32
    %broadcast_in_dim3A_3095 = vector.broadcast %jit3A_3093 : f32 to vector<1024x1024xf32>
    %broadcast_in_dim3A_3096 = vector.broadcast %jit3A_3094 : f32 to vector<1024x1024xf32>
    %select_n3A_3097 = arith.select %ge3A_3092, %broadcast_in_dim3A_3095, %broadcast_in_dim3A_3096 : vector<1024x1024xi1>, vector<1024x1024xf32>
    %lt3A_3098 = vector.broadcast %add3A_3081 : vector<1x1024xi32> to vector<1024x1024xi32>
    %lt3A_3099 = vector.broadcast %add3A_3077 : vector<1024x1xi32> to vector<1024x1024xi32>
    %lt3A_3100 = arith.cmpi slt, %lt3A_3098, %lt3A_3099 : vector<1024x1024xi32>
    %select_n3A_3101 = arith.select %lt3A_3100, %select_n3A_3089, %select_n3A_3097 : vector<1024x1024xi1>, vector<1024x1024xf32>
    %reduce_sum3A_3102 = arith.constant dense<0.000000e+00> : vector<1024xf32>
    %reduce_sum3A_3103 = vector.multi_reduction <add>, %select_n3A_3101, %reduce_sum3A_3102 [1] : vector<1024x1024xf32> to vector<1024xf32>
    %broadcast_in_dim3A_3104 = vector.shape_cast %reduce_sum3A_3103 : vector<1024xf32> to vector<1024x1xf32>
    %sub3A_3105 = arith.constant 1.536000e+04 : f32
    %sub3A_3106 = vector.broadcast %sub3A_3105 : f32 to vector<1x1024xf32>
    %sub3A_3107 = arith.subf %sub3A_3106, %add3A_3053 : vector<1x1024xf32>
    %reshape3A_3108 = vector.shape_cast %sub3A_3107 : vector<1x1024xf32> to vector<1024x1xf32>
    %add3A_3109 = arith.addf %broadcast_in_dim3A_3104, %reshape3A_3108 : vector<1024x1xf32>
    %convert_element_type3A_3110 = arith.fptosi %add3A_3109 : vector<1024x1xf32> to vector<1024x1xi32>
    %swap3A_3111 = arith.constant 15360 : index
    %swap3A_3112 = arith.constant 0 : index
    %swap3A_3113 = vector.load %arg3[%swap3A_3111, %swap3A_3112] : memref<16384x1xi32, #tpu.memory_space<vmem>>, vector<1024x1xi32>
    tpu.vector_store %arg3[%swap3A_3111, %swap3A_3112], %convert_element_type3A_3110 {strides = array<i32>} : memref<16384x1xi32, #tpu.memory_space<vmem>>, vector<1024x1xi32>,
    return
  }
  func.func @transform_0(%arg0: i32) -> (i32, i32) {
    %c0_i32 = arith.constant 0 : i32
    %c0_i32_0 = arith.constant 0 : i32
    %c0_i32_1 = arith.constant 0 : i32
    return %c0_i32, %c0_i32_0 : i32, i32
  }
  func.func @transform_1(%arg0: i32) -> (i32, i32) {
    %c0_i32 = arith.constant 0 : i32
    %c0_i32_0 = arith.constant 0 : i32
    %c0_i32_1 = arith.constant 0 : i32
    return %c0_i32, %c0_i32_0 : i32, i32
  }
  func.func @transform_2(%arg0: i32) -> (i32, i32) {
    %c0_i32 = arith.constant 0 : i32
    %c0_i32_0 = arith.constant 0 : i32
    %c0_i32_1 = arith.constant 0 : i32
    return %c0_i32, %c0_i32_0 : i32, i32
  }
}

</mosaic_0001>

<sc_bundles>
// kernel: kernel.4.cloned.1.call-start
scs
__scs_entry_jumppad:
0x0: {  	(pc) =	sbr.rel $0x88, $3  }
0x1: {  	(tag) =	ssettag $0x0;
	lr =	simm.s32 $0x1  }
0x2: {  	[smem:$0x3F9F] =	sst lr;
	_ =	strace $0xD0000000  }
0x3: {  	_ = 	snop  }
0x4: {  	_ = 	snop  }
0x5: {  	_ = 	snop  }
0x6: {  	_ = 	snop  }
0x7: {  	_ = 	snop  }
__scs_overlays_trampoline_lowered:
0x8: {  	[smem:$0x3FAE] =	sst s0  }
0x9: {  	[smem:$0x3FAF] =	sst s1  }
0xa: {  	[smem:$0x3FB0] =	sst s2  }
0xb: {  	[smem:$0x3FB1] =	sst s3  }
0xc: {  	[smem:$0x3FB2] =	sst s4  }
0xd: {  	[smem:$0x3FB3] =	sst s5  }
0xe: {  	[smem:$0x3FB4] =	sst s6  }
0xf: {  	[smem:$0x3FB5] =	sst s7  }
0x10: {  	[smem:$0x3FB6] =	sst s8  }
0x11: {  	[smem:$0x3FB7] =	sst s9;
	s0 =	simm.s32 @!p0 $0x0  }
0x12: {  	s1 =	sld [smem:$0x3F9D];
	s0 =	simm.s32 @p0 $0x1  }
0x13: {  	[smem:$0x3FB8] =	sst s0;
	s0 =	simm.s32 @!p1 $0x0  }
0x14: {  	s2 =	sld [smem:$0x3F9C];
	s0 =	simm.s32 @p1 $0x1  }
0x15: {  	[smem:$0x3FB9] =	sst s0;
	s0 =	simm.s32 @!p2 $0x0  }
0x16: {  	s3 =	sld [smem:$0x3FDB];
	s0 =	simm.s32 @p2 $0x1  }
0x17: {  	s4 =	simm.s32 $0x1BF5;
	[smem:$0x3FBB] =	sst s0  }
0x18: {  	s0 =	sld [smem:$0x3F9E];
	_ =	swait.ge [sflag:s4], $0x0  }
0x19: {  	s7 =	sld [smem:$0x3F9F]  }
0x1a: {  	s8 =	sadd.s32 $0xFFFFE003, lr  }
0x1b: {  	s9 =	sadd.s32 $0xFFFFFEF7, lr;
	s5 =	simm.s32 $0xFFFFFFFF;
	p2 =	slt.u32 s8, $0xFFFFF086  }
0x1c: {  	p1 =	slt.u32 s9, $0xF7A;
	s5 =	simm.s32 @!p2 $0x0  }
0x1d: {  	s5 =	simm.s32 @p1 $0x1;
	p0 =	seq.s32 s7, s2  }
0x1e: {  	s7 =	smul.u32 @!p0 $0xF7A, s2;
	p2 =	seq.s32 @!p0 s5, $0x0  }
0x1f: {  	s9 =	smul.u32 $0xF7A, s1;
	s8 =	simm.s32 @!p0 $0x1BF5;
	p2 =	por !p2, p0  }
0x20: {  	[sflag:s8] =	ssyncset.s32 @!p0 $0xFFFFF086;
	s6 =	sadd.s32 @!p0 s3, s7;
	s7 =	simm.s32 @!p0 $0x108  }
0x21: {  	s3 =	sadd.s32 s3, s9;
	s6 =	sadd.s32 @!p0 $0x88, s6;
	s7 =	simm.s32 @p2 $0x1082  }
0x22: {  	[simem:s7], [sflag:s8] =	dma.local @!p0 [hbm:s6], $0xF7A  }
0x23: {  	s9 =	sor.u32 $0xD0000000, s2;
	s6 =	simm.s32 $0x108;
	_ =	swait.ge @!p0 [sflag:s8], $0x0  }
0x24: {  	s3 =	sadd.s32 $0x88, s3;
	s6 =	simm.s32 @!p1 $0x1082;
	[sflag:s4] =	ssyncset.s32 $0xFFFFF086  }
0x25: {  	[simem:s6], [sflag:s4] =	dma.local [hbm:s3], $0xF7A  }
0x26: {  	[smem:$0x3F9F] =	sst s1;
	(tag) =	ssettag s2;
	_ =	strace s9  }
0x27: {  	s1 =	sld [smem:$0x3FAF]  }
0x28: {  	s2 =	sld [smem:$0x3FB0]  }
0x29: {  	s4 =	sld [smem:$0x3FB2]  }
0x2a: {  	p0 =	seq.s32 s5, $0x0;
	s5 =	sld [smem:$0x3FB3]  }
0x2b: {  	s6 =	sld [smem:$0x3FB4]  }
0x2c: {  	s7 =	sld [smem:$0x3FB5]  }
0x2d: {  	s3 =	simm.s32 $0x108;
	s8 =	sld [smem:$0x3FB6]  }
0x2e: {  	s3 =	simm.s32 @!p0 $0x1082;
	s9 =	sld [smem:$0x3FB7]  }
0x2f: {  	lr =	sadd.s32 s0, s3;
	s0 =	sld [smem:$0x3FAE]  }
0x30: {  	s3 =	sld [smem:$0x3FB1]  }
0x31: {  	[smem:$0x3FBA] =	sst s10  }
0x32: {  	s10 =	sld [smem:$0x3FB8];
	_ =	sdelay $0x3  }
0x33: {  	p0 =	seq.s32 s10, $0x1;
	s10 =	sld [smem:$0x3FBA];
	_ =	sdelay $0x3  }
0x34: {  	[smem:$0x3FBA] =	sst s10  }
0x35: {  	s10 =	sld [smem:$0x3FB9];
	_ =	sdelay $0x3  }
0x36: {  	p1 =	seq.s32 s10, $0x1;
	s10 =	sld [smem:$0x3FBA];
	_ =	sdelay $0x3  }
0x37: {  	[smem:$0x3FBA] =	sst s10  }
0x38: {  	s10 =	sld [smem:$0x3FBB]  }
0x39: {  	_ = 	snop;
	(pc) =	sbr.ind lr, $3  }
0x3a: {  	_ = 	snop  }
0x3b: {  	_ = 	snop  }
0x3c: {  	p2 =	seq.s32 s10, $0x1;
	s10 =	sld [smem:$0x3FBA]  }
0x3d: {  	_ =	shalt  }
0x3e: {  	_ =	shalt  }
0x3f: {  	_ =	shalt  }
0x40: {  	_ =	shalt  }
0x41: {  	_ =	shalt  }
0x42: {  	_ =	shalt  }
0x43: {  	_ =	shalt  }
0x44: {  	_ =	shalt  }
0x45: {  	_ =	shalt  }
0x46: {  	_ =	shalt  }
0x47: {  	_ =	shalt  }
0x48: {  	_ =	shalt  }
0x49: {  	_ =	shalt  }
0x4a: {  	_ =	shalt  }
0x4b: {  	_ =	shalt  }
0x4c: {  	_ =	shalt  }
0x4d: {  	_ =	shalt  }
0x4e: {  	_ =	shalt  }
0x4f: {  	_ =	shalt  }
0x50: {  	_ =	shalt  }
0x51: {  	_ =	shalt  }
0x52: {  	_ =	shalt  }
0x53: {  	_ =	shalt  }
0x54: {  	_ =	shalt  }
0x55: {  	_ =	shalt  }
0x56: {  	_ =	shalt  }
0x57: {  	_ =	shalt  }
0x58: {  	_ =	shalt  }
0x59: {  	_ =	shalt  }
0x5a: {  	_ =	shalt  }
0x5b: {  	_ =	shalt  }
0x5c: {  	_ =	shalt  }
0x5d: {  	_ =	shalt  }
0x5e: {  	_ =	shalt  }
0x5f: {  	_ =	shalt  }
0x60: {  	_ =	shalt  }
0x61: {  	_ =	shalt  }
0x62: {  	_ =	shalt  }
0x63: {  	_ =	shalt  }
0x64: {  	_ =	shalt  }
0x65: {  	_ =	shalt  }
0x66: {  	_ =	shalt  }
0x67: {  	_ =	shalt  }
0x68: {  	_ =	shalt  }
0x69: {  	_ =	shalt  }
0x6a: {  	_ =	shalt  }
0x6b: {  	_ =	shalt  }
0x6c: {  	_ =	shalt  }
0x6d: {  	_ =	shalt  }
0x6e: {  	_ =	shalt  }
0x6f: {  	_ =	shalt  }
0x70: {  	_ =	shalt  }
0x71: {  	_ =	shalt  }
0x72: {  	_ =	shalt  }
0x73: {  	_ =	shalt  }
0x74: {  	_ =	shalt  }
0x75: {  	_ =	shalt  }
0x76: {  	_ =	shalt  }
0x77: {  	_ =	shalt  }
0x78: {  	_ =	shalt  }
0x79: {  	_ =	shalt  }
0x7a: {  	_ =	shalt  }
0x7b: {  	_ =	shalt  }
0x7c: {  	_ =	shalt  }
0x7d: {  	_ =	shalt  }
0x7e: {  	_ =	shalt  }
0x7f: {  	_ =	shalt  }
0x80: {  	_ =	shalt  }
0x81: {  	_ =	shalt  }
0x82: {  	_ =	shalt  }
0x83: {  	_ =	shalt  }
0x84: {  	_ =	shalt  }
0x85: {  	_ =	shalt  }
0x86: {  	_ =	shalt  }
0x87: {  	_ =	shalt  }
.Lfunc_end0:
.L_simem_size_0:
called_computation_lowered:
.L_overlay_start_0:
0x88: {  	s2 =	sld [smem:$0x3FD9]  }
0x89: {  	s3 =	sld [smem:$0x3FFE];
	_ =	sdelay $0x1  }
0x8a: {  	s1 =	srdreg.scid  }
0x8b: {  	s0 =	sand.u32 $0x1, s1  }
0x8c: {  	s17 =	sshll.u32 s0, $0xA;
	s2 =	sadd.s32 s3, s2  }
0x8d: {  	s2 =	sadd.s32 s2, s17  }
0x8e: {  	[smem:$0x3FC6] =	sst s2  }
0x8f: {  	_ = 	snop  }
0x90: {  	s2 =	sld [smem:$0x3FC9]  }
0x91: {  	s18 =	sld [smem:$0x3FD0];
	(tm) =	ssettm $0x1  }
0x92: {  	s4 =	sld [smem:$0x3FFB];
	_ =	sdelay $0x3  }
0x93: {  	_ =	strace s4  }
0x94: {  	s4 =	sld [smem:$0x3FFC];
	_ =	sdelay $0x3  }
0x95: {  	_ =	strace s4  }
0x96: {  	s4 =	sld [smem:$0x3FFD];
	_ =	sdelay $0x3  }
0x97: {  	_ =	strace s4  }
0x98: {  	_ =	strace $0x8FFFFFFF  }
0x99: {  	s19 =	sld [smem:$0x3FDB];
	_ =	sdelay $0x1  }
0x9a: {  	s5 =	simm.s32 $_scs_section_size  }
0x9b: {  	s6 =	simm.s32 $_size__tile_overlayer_lowered;
	s7 =	simm.s32 $_tile_overlayer_lowered  }
0x9c: {  	s22 =	simm.s32 $0x1BFF;
	s21 =	sshll.u32 s7, $0x1;
	s4 =	sadd.s32 s5, s19  }
0x9d: {  	s8 =	simm.s32 $0x0;
	s20 =	sshll.u32 s6, $0x1;
	s6 =	sadd.s32 s21, s4  }
0x9e: {  	[timem:s8], [sflag:s22] =	dma.local [hbm:s6], s20  }
0x9f: {  	_ =	swait.ge [sflag:s22], s20  }
0xa0: {  	s5 =	ssub.s32 $0x0, s20;
	[sflag:s22] =	ssyncset.done $0x0  }
0xa1: {  	[sflag:s22] =	ssyncadd.s32 s5;
	_ =	sdelay $0x1  }
0xa2: {  	s23 =	simm.s32 $0x1B8B  }
0xa3: {  	_ =	swait.ge [sflag:s23], $0x1  }
0xa4: {  	[sflag:s23] =	ssyncset.done $0x0  }
0xa5: {  	s25 =	simm.s32 $0x1B8E;
	s24 =	sld [smem:$0x3FFE];
	[sflag:s23] =	ssyncadd.s32 $0xFFFFFFFF  }
0xa6: {  	s26 =	simm.s32 $execute0_lowered;
	[smem:$0x3FD2] =	sst s25  }
0xa7: {  	s6 =	sshll.u32 s26, $0x1;
	_ =	strace $0x80000046;
	[dreg:$0x1] =	wrdreg $0xFFFFFFFF  }
0xa8: {  	s28 =	simm.s32 $_size_execute0_lowered;
	s4 =	sadd.s32 s4, s6;
	[dreg:$0x0] =	wrdreg $0x0  }
0xa9: {  	s6 =	sshll.u32 s28, $0x1;
	[dreg:$0x2] =	wrdreg s4  }
0xaa: {  	[dreg:$0x3] =	wrdreg s6  }
0xab: {  	[dreg:$0x4] =	wrdreg $0xC0  }
0xac: {  	_ =	task [dreg:s8], $0x5FFFF  }
0xad: {  	[dreg:$0x1] =	wrdreg $0xFFFFFFFF  }
0xae: {  	[dreg:$0x0] =	wrdreg $0x60  }
0xaf: {  	[dreg:$0x2] =	wrdreg s24  }
0xb0: {  	[dreg:$0x3] =	wrdreg s2  }
0xb1: {  	[dreg:$0x4] =	wrdreg s18  }
0xb2: {  	[dreg:$0x5] =	wrdreg $0x9  }
0xb3: {  	_ =	task.clear_ibuf [dreg:s8], $0x6FFFF;
	_ =	strace $0x90000046  }
0xb4: {  	s29 =	simm.s32 $0x9;
	_ =	strace $0x80000048  }
0xb5: {  	_ =	swait.ge [sflag:s29], $0x1  }
0xb6: {  	[sflag:s29] =	ssyncadd.s32 $0xFFFFFFFF  }
0xb7: {  	_ =	strace $0x90000048  }
0xb8: {  	_ =	sfence  }
0xb9: {  	s30 =	sld [smem:$0x0];
	_ =	sdelay $0x2  }
0xba: {  	s31 =	sshll.u32 s1, $0xD;
	s1 =	sshrl.u32 s1, $0x2  }
0xbb: {  	s3 =	sand.u32 $0x4000, s31;
	s1 =	sadd.s32 s1, s30  }
0xbc: {  	s0 =	sor.u32 s3, s0;
	s1 =	sshll.u32 s1, $0x11  }
0xbd: {  	s0 =	sor.u32 s1, s0  }
0xbe: {  	s0 =	sadd.s32 $0x8F2B, s0  }
0xbf: {  	[sflag:s0] =	ssyncadd.remote.s32 $0x1  }
0xc0: {  	_ =	sfence.sel $0xFFFF  }
0xc1: {  	[dreg:$0x0] =	wrdreg $0xFFFFFFFF;
	(pc) =	sbr.abs _section_cstart, $3  }
0xc2: {  	[dreg:$0x1] =	wrdreg $0xFFFFFFFF  }
0xc3: {  	_ =	task.clear_ibuf [dreg:s8], $0x2FFFF;
	_ =	strace $0x9FFFFFFF  }
0xc4: {  	(tm) =	ssettm $0x7FFFFFFF  }
0xc5: {  	_ =	shalt  }
tec
execute0_lowered:
.L_overlay_start_1:
0x0: {  	(tag) =	ssettag $0x1  }
0x1: {  	s1 =	srdreg.scid  }
0x2: {  	s8 =	stileid.u32;
	s1 =	sand.u32 $0x1, s1  }
0x3: {  	s5 =	sshll.u32 s8, $0x11;
	s6 =	sshll.u32 s1, $0x10  }
0x4: {  	s0 =	rddreg [dreg:$0x2];
	s5 =	sor.u32 s6, s5  }
0x5: {  	s2 =	rddreg [dreg:$0x1];
	s4 =	simm.s32 $0x0;
	s6 =	sadd.s32 s0, s5  }
0x6: {  	[smem:$0x7FF] =	sst s4;
	s0 =	sadd.s32 $0x800, s6  }
0x7: {  	_ =	strace $0x80000047;
	s10 =	sadd.s32 $0x1000, s6;
	[dreg:$0x4] =	wrdreg s0  }
0x8: {  	s11 =	sadd.s32 $0x1800, s6;
	[dreg:$0x5] =	wrdreg s10  }
0x9: {  	s12 =	sadd.s32 $0x2000, s6;
	[dreg:$0x6] =	wrdreg s11  }
0xa: {  	s20 =	sshll.u32 s8, $0xE;
	s13 =	sadd.s32 $0x2800, s6;
	[dreg:$0x7] =	wrdreg s12  }
0xb: {  	s3 =	ssub.s32 $0x2, s1;
	s14 =	sadd.s32 $0x3000, s6;
	[dreg:$0x8] =	wrdreg s13  }
0xc: {  	s19 =	sshll.u32 s1, $0xC;
	s15 =	sadd.s32 $0x3800, s6;
	[dreg:$0x9] =	wrdreg s14  }
0xd: {  	s7 =	sshrl.u32 s3, $0x1;
	s16 =	sadd.s32 $0x4000, s6;
	[dreg:$0xa] =	wrdreg s15  }
0xe: {  	v0 =	vmov s19;
	s19 =	simm.s32 $0x0;
	s17 =	sadd.s32 $0x4800, s6;
	[dreg:$0xb] =	wrdreg s16  }
0xf: {  	s3 =	ssub.s32 s3, s7;
	s18 =	sadd.s32 $0x5000, s6;
	[dreg:$0xc] =	wrdreg s17  }
0x10: {  	s21 =	sadd.s32 $0x5800, s6;
	s22 =	sadd.s32 $0x6000, s6;
	[dreg:$0xd] =	wrdreg s18  }
0x11: {  	s23 =	sadd.s32 $0x6800, s6;
	s24 =	sadd.s32 $0x7000, s6;
	[dreg:$0xe] =	wrdreg s21  }
0x12: {  	s25 =	sadd.s32 $0x7800, s6;
	s26 =	sadd.s32 $0x8000, s6;
	[dreg:$0xf] =	wrdreg s22  }
0x13: {  	s28 =	sadd.s32 $0xA000, s6;
	s29 =	sadd.s32 $0xA800, s6;
	[dreg:$0x10] =	wrdreg s23  }
0x14: {  	s30 =	sadd.s32 $0xB000, s6;
	s31 =	sadd.s32 $0xB800, s6;
	[dreg:$0x11] =	wrdreg s24  }
0x15: {  	s1 =	sadd.s32 $0xD000, s6;
	s7 =	sadd.s32 $0xD800, s6;
	[dreg:$0x12] =	wrdreg s25  }
0x16: {  	s8 =	sadd.s32 $0xE000, s6;
	s9 =	sadd.s32 $0xE800, s6;
	[dreg:$0x13] =	wrdreg s26  }
0x17: {  	s23 =	sadd.s32 $0x8800, s6;
	s24 =	smax.u32 s3, $0x1;
	s25 =	sadd.s32 $0x9000, s6  }
0x18: {  	s26 =	sadd.s32 $0x9800, s6;
	s0 =	sadd.s32 $0xC000, s6;
	s3 =	sadd.s32 $0xC800, s6  }
0x19: {  	s10 =	sadd.s32 $0xF000, s6;
	s11 =	sadd.s32 $0xF800, s6;
	s12 =	simm.s32 $0x3  }
0x1a: {  	s13 =	simm.s32 $0x4000;
	s14 =	simm.s32 $0x80;
	s15 =	simm.s32 $0x5000  }
0x1b: {  	v1 =	vlaneseq.u32;
	s16 =	simm.s32 $0x9000;
	s17 =	simm.s32 $0x1;
	s18 =	simm.s32 $0x2  }
.LBB2_1:
0x1c: {  	s5 =	rddreg [dreg:$0x0]  }
0x1d: {  	[tilespmem:s4], [sflag:$0x3] =	stream.linear.gather [hbm4b:s5+s4], $0x4000, $0x38;
	[tilespmem:$0xD000] =	vst v63  }
0x1e: {  	_ =	swait.ge [sflag:s12], $0x4000  }
0x1f: {  	[sflag:s12] =	ssyncset.done $0x0  }
0x20: {  	s22 =	simm.s32 $0x0;
	[sflag:s12] =	ssyncadd.s32 $0xFFFFC000  }
0x21: {  	v2 =	vld [tilespmem:s22+$0x0];
	_ =	sdelay $0x4  }
0x22: {  	v3 =	vsub.s32 v2, v0  }
0x23: {  	vm0 =	vlt.u32 v3, $0x1000  }
0x24: {  	v2 =	vand.u32 $0xFFF, v2;
	_ =	sdelay $0x3  }
0x25: {  	v3 =	vor.u32 s20, v1  }
0x26: {  	s21 =	simm.s32 $0x80;
	s5 =	smov.u32 s20;
	s22 =	simm.s32 $0x10;
	[tilespmem:v2+s13+$0x0] =	vst.idx.msk vm0, v3  }
.LBB2_2:
0x27: {  	p0 =	sne.s32 s21, $0xFFC0;
	v2 =	vld [tilespmem:s22+$0x0];
	_ =	sdelay $0x4  }
0x28: {  	v3 =	vsub.s32 v2, v0  }
0x29: {  	vm0 =	vlt.u32 v3, $0x1000  }
0x2a: {  	v2 =	vand.u32 $0xFFF, v2  }
.Ltmp0:
0x2b: {  	(pc) =	sbr.rel @p0 .LBB2_2-.Ltmp0, $4  }
0x2c: {  	_ = 	snop  }
0x2d: {  	s5 =	sadd.s32 $0x10, s5  }
0x2e: {  	v3 =	vor.u32 s5, v1  }
0x2f: {  	s22 =	sshra.s32 s21, $0x2;
	s21 =	sadd.s32 $0x40, s21;
	[tilespmem:v2+s13+$0x0] =	vst.idx.msk vm0, v3  }
0x30: {  	v2 =	vld [tilespmem:s22+$0x0];
	_ =	sdelay $0x4  }
0x31: {  	v3 =	vsub.s32 v2, v0  }
0x32: {  	vm0 =	vlt.u32 v3, $0x1000  }
0x33: {  	v2 =	vand.u32 $0xFFF, v2;
	_ =	sdelay $0x2  }
0x34: {  	s5 =	sadd.s32 $0x10, s5  }
0x35: {  	v3 =	vor.u32 s5, v1  }
0x36: {  	[tilespmem:v2+s13+$0x0] =	vst.idx.msk vm0, v3  }
0x37: {  	[tilespmem:s15], [sflag:$0x1] =	stream.indirect.gather [hbm4b:s2+s14], $0x80, s13, s14, $0xb8;
	[tilespmem:$0xD000] =	vst v63  }
0x38: {  	s22 =	simm.s32 $0x4080  }
0x39: {  	[tilespmem:s16], [sflag:$0x2] =	stream.indirect.gather [hbm4b:s2+s14], $0x80, s22, s14, $0xb8;
	[tilespmem:$0xD000] =	vst v63  }
0x3a: {  	_ =	swait.ge [sflag:s17], $0x4000  }
0x3b: {  	[sflag:s17] =	ssyncset.done $0x0  }
0x3c: {  	[sflag:s17] =	ssyncadd.s32 $0xFFFFC000  }
0x3d: {  	[hbm4b:s6+s4] =	stream.linear.scatter [tilespmem:s15], [sflag:$0x3], $0x4000, $0x38;
	[tilespmem:$0xD000] =	vst v63  }
0x3e: {  	_ =	swait.ge [sflag:s12], $0x4000  }
0x3f: {  	[sflag:s12] =	ssyncset.done $0x0  }
0x40: {  	s21 =	simm.s32 $0x4100;
	[sflag:s12] =	ssyncadd.s32 $0xFFFFC000  }
0x41: {  	[tilespmem:s15], [sflag:$0x1] =	stream.indirect.gather [hbm4b:s2+s14], $0x80, s21, s14, $0xb8;
	[tilespmem:$0xD000] =	vst v63  }
0x42: {  	_ =	swait.ge [sflag:s18], $0x4000  }
0x43: {  	[sflag:s18] =	ssyncset.done $0x0  }
0x44: {  	s22 =	rddreg [dreg:$0x4];
	[sflag:s18] =	ssyncadd.s32 $0xFFFFC000  }
0x45: {  	[hbm4b:s22+s4] =	stream.linear.scatter [tilespmem:s16], [sflag:$0x3], $0x4000, $0x38;
	[tilespmem:$0xD000] =	vst v63  }
0x46: {  	_ =	swait.ge [sflag:s12], $0x4000  }
0x47: {  	[sflag:s12] =	ssyncset.done $0x0  }
0x48: {  	s21 =	simm.s32 $0x4180;
	[sflag:s12] =	ssyncadd.s32 $0xFFFFC000  }
0x49: {  	[tilespmem:s16], [sflag:$0x2] =	stream.indirect.gather [hbm4b:s2+s14], $0x80, s21, s14, $0xb8;
	[tilespmem:$0xD000] =	vst v63  }
0x4a: {  	_ =	swait.ge [sflag:s17], $0x4000  }
0x4b: {  	[sflag:s17] =	ssyncset.done $0x0  }
0x4c: {  	s22 =	rddreg [dreg:$0x5];
	[sflag:s17] =	ssyncadd.s32 $0xFFFFC000  }
0x4d: {  	[hbm4b:s22+s4] =	stream.linear.scatter [tilespmem:s15], [sflag:$0x3], $0x4000, $0x38;
	[tilespmem:$0xD000] =	vst v63  }
0x4e: {  	_ =	swait.ge [sflag:s12], $0x4000  }
0x4f: {  	[sflag:s12] =	ssyncset.done $0x0  }
0x50: {  	s21 =	simm.s32 $0x4200;
	[sflag:s12] =	ssyncadd.s32 $0xFFFFC000  }
0x51: {  	[tilespmem:s15], [sflag:$0x1] =	stream.indirect.gather [hbm4b:s2+s14], $0x80, s21, s14, $0xb8;
	[tilespmem:$0xD000] =	vst v63  }
0x52: {  	_ =	swait.ge [sflag:s18], $0x4000  }
0x53: {  	[sflag:s18] =	ssyncset.done $0x0  }
0x54: {  	s22 =	rddreg [dreg:$0x6];
	[sflag:s18] =	ssyncadd.s32 $0xFFFFC000  }
0x55: {  	[hbm4b:s22+s4] =	stream.linear.scatter [tilespmem:s16], [sflag:$0x3], $0x4000, $0x38;
	[tilespmem:$0xD000] =	vst v63  }
0x56: {  	_ =	swait.ge [sflag:s12], $0x4000  }
0x57: {  	[sflag:s12] =	ssyncset.done $0x0  }
0x58: {  	s21 =	simm.s32 $0x4280;
	[sflag:s12] =	ssyncadd.s32 $0xFFFFC000  }
0x59: {  	[tilespmem:s16], [sflag:$0x2] =	stream.indirect.gather [hbm4b:s2+s14], $0x80, s21, s14, $0xb8;
	[tilespmem:$0xD000] =	vst v63  }
0x5a: {  	_ =	swait.ge [sflag:s17], $0x4000  }
0x5b: {  	[sflag:s17] =	ssyncset.done $0x0  }
0x5c: {  	s22 =	rddreg [dreg:$0x7];
	[sflag:s17] =	ssyncadd.s32 $0xFFFFC000  }
0x5d: {  	[hbm4b:s22+s4] =	stream.linear.scatter [tilespmem:s15], [sflag:$0x3], $0x4000, $0x38;
	[tilespmem:$0xD000] =	vst v63  }
0x5e: {  	_ =	swait.ge [sflag:s12], $0x4000  }
0x5f: {  	[sflag:s12] =	ssyncset.done $0x0  }
0x60: {  	s21 =	simm.s32 $0x4300;
	[sflag:s12] =	ssyncadd.s32 $0xFFFFC000  }
0x61: {  	[tilespmem:s15], [sflag:$0x1] =	stream.indirect.gather [hbm4b:s2+s14], $0x80, s21, s14, $0xb8;
	[tilespmem:$0xD000] =	vst v63  }
0x62: {  	_ =	swait.ge [sflag:s18], $0x4000  }
0x63: {  	[sflag:s18] =	ssyncset.done $0x0  }
0x64: {  	s22 =	rddreg [dreg:$0x8];
	[sflag:s18] =	ssyncadd.s32 $0xFFFFC000  }
0x65: {  	[hbm4b:s22+s4] =	stream.linear.scatter [tilespmem:s16], [sflag:$0x3], $0x4000, $0x38;
	[tilespmem:$0xD000] =	vst v63  }
0x66: {  	_ =	swait.ge [sflag:s12], $0x4000  }
0x67: {  	[sflag:s12] =	ssyncset.done $0x0  }
0x68: {  	s21 =	simm.s32 $0x4380;
	[sflag:s12] =	ssyncadd.s32 $0xFFFFC000  }
0x69: {  	[tilespmem:s16], [sflag:$0x2] =	stream.indirect.gather [hbm4b:s2+s14], $0x80, s21, s14, $0xb8;
	[tilespmem:$0xD000] =	vst v63  }
0x6a: {  	_ =	swait.ge [sflag:s17], $0x4000  }
0x6b: {  	[sflag:s17] =	ssyncset.done $0x0  }
0x6c: {  	s22 =	rddreg [dreg:$0x9];
	[sflag:s17] =	ssyncadd.s32 $0xFFFFC000  }
0x6d: {  	[hbm4b:s22+s4] =	stream.linear.scatter [tilespmem:s15], [sflag:$0x3], $0x4000, $0x38;
	[tilespmem:$0xD000] =	vst v63  }
0x6e: {  	_ =	swait.ge [sflag:s12], $0x4000  }
0x6f: {  	[sflag:s12] =	ssyncset.done $0x0  }
0x70: {  	s21 =	simm.s32 $0x4400;
	[sflag:s12] =	ssyncadd.s32 $0xFFFFC000  }
0x71: {  	[tilespmem:s15], [sflag:$0x1] =	stream.indirect.gather [hbm4b:s2+s14], $0x80, s21, s14, $0xb8;
	[tilespmem:$0xD000] =	vst v63  }
0x72: {  	_ =	swait.ge [sflag:s18], $0x4000  }
0x73: {  	[sflag:s18] =	ssyncset.done $0x0  }
0x74: {  	s22 =	rddreg [dreg:$0xa];
	[sflag:s18] =	ssyncadd.s32 $0xFFFFC000  }
0x75: {  	[hbm4b:s22+s4] =	stream.linear.scatter [tilespmem:s16], [sflag:$0x3], $0x4000, $0x38;
	[tilespmem:$0xD000] =	vst v63  }
0x76: {  	_ =	swait.ge [sflag:s12], $0x4000  }
0x77: {  	[sflag:s12] =	ssyncset.done $0x0  }
0x78: {  	s21 =	simm.s32 $0x4480;
	[sflag:s12] =	ssyncadd.s32 $0xFFFFC000  }
0x79: {  	[tilespmem:s16], [sflag:$0x2] =	stream.indirect.gather [hbm4b:s2+s14], $0x80, s21, s14, $0xb8;
	[tilespmem:$0xD000] =	vst v63  }
0x7a: {  	_ =	swait.ge [sflag:s17], $0x4000  }
0x7b: {  	[sflag:s17] =	ssyncset.done $0x0  }
0x7c: {  	s22 =	rddreg [dreg:$0xb];
	[sflag:s17] =	ssyncadd.s32 $0xFFFFC000  }
0x7d: {  	[hbm4b:s22+s4] =	stream.linear.scatter [tilespmem:s15], [sflag:$0x3], $0x4000, $0x38;
	[tilespmem:$0xD000] =	vst v63  }
0x7e: {  	_ =	swait.ge [sflag:s12], $0x4000  }
0x7f: {  	[sflag:s12] =	ssyncset.done $0x0  }
0x80: {  	s21 =	simm.s32 $0x4500;
	[sflag:s12] =	ssyncadd.s32 $0xFFFFC000  }
0x81: {  	[tilespmem:s15], [sflag:$0x1] =	stream.indirect.gather [hbm4b:s2+s14], $0x80, s21, s14, $0xb8;
	[tilespmem:$0xD000] =	vst v63  }
0x82: {  	_ =	swait.ge [sflag:s18], $0x4000  }
0x83: {  	[sflag:s18] =	ssyncset.done $0x0  }
0x84: {  	s22 =	rddreg [dreg:$0xc];
	[sflag:s18] =	ssyncadd.s32 $0xFFFFC000  }
0x85: {  	[hbm4b:s22+s4] =	stream.linear.scatter [tilespmem:s16], [sflag:$0x3], $0x4000, $0x38;
	[tilespmem:$0xD000] =	vst v63  }
0x86: {  	_ =	swait.ge [sflag:s12], $0x4000  }
0x87: {  	[sflag:s12] =	ssyncset.done $0x0  }
0x88: {  	s21 =	simm.s32 $0x4580;
	[sflag:s12] =	ssyncadd.s32 $0xFFFFC000  }
0x89: {  	[tilespmem:s16], [sflag:$0x2] =	stream.indirect.gather [hbm4b:s2+s14], $0x80, s21, s14, $0xb8;
	[tilespmem:$0xD000] =	vst v63  }
0x8a: {  	_ =	swait.ge [sflag:s17], $0x4000  }
0x8b: {  	[sflag:s17] =	ssyncset.done $0x0  }
0x8c: {  	s22 =	rddreg [dreg:$0xd];
	[sflag:s17] =	ssyncadd.s32 $0xFFFFC000  }
0x8d: {  	[hbm4b:s22+s4] =	stream.linear.scatter [tilespmem:s15], [sflag:$0x3], $0x4000, $0x38;
	[tilespmem:$0xD000] =	vst v63  }
0x8e: {  	_ =	swait.ge [sflag:s12], $0x4000  }
0x8f: {  	[sflag:s12] =	ssyncset.done $0x0  }
0x90: {  	s21 =	simm.s32 $0x4600;
	[sflag:s12] =	ssyncadd.s32 $0xFFFFC000  }
0x91: {  	[tilespmem:s15], [sflag:$0x1] =	stream.indirect.gather [hbm4b:s2+s14], $0x80, s21, s14, $0xb8;
	[tilespmem:$0xD000] =	vst v63  }
0x92: {  	_ =	swait.ge [sflag:s18], $0x4000  }
0x93: {  	[sflag:s18] =	ssyncset.done $0x0  }
0x94: {  	s22 =	rddreg [dreg:$0xe];
	[sflag:s18] =	ssyncadd.s32 $0xFFFFC000  }
0x95: {  	[hbm4b:s22+s4] =	stream.linear.scatter [tilespmem:s16], [sflag:$0x3], $0x4000, $0x38;
	[tilespmem:$0xD000] =	vst v63  }
0x96: {  	_ =	swait.ge [sflag:s12], $0x4000  }
0x97: {  	[sflag:s12] =	ssyncset.done $0x0  }
0x98: {  	s21 =	simm.s32 $0x4680;
	[sflag:s12] =	ssyncadd.s32 $0xFFFFC000  }
0x99: {  	[tilespmem:s16], [sflag:$0x2] =	stream.indirect.gather [hbm4b:s2+s14], $0x80, s21, s14, $0xb8;
	[tilespmem:$0xD000] =	vst v63  }
0x9a: {  	_ =	swait.ge [sflag:s17], $0x4000  }
0x9b: {  	[sflag:s17] =	ssyncset.done $0x0  }
0x9c: {  	s22 =	rddreg [dreg:$0xf];
	[sflag:s17] =	ssyncadd.s32 $0xFFFFC000  }
0x9d: {  	[hbm4b:s22+s4] =	stream.linear.scatter [tilespmem:s15], [sflag:$0x3], $0x4000, $0x38;
	[tilespmem:$0xD000] =	vst v63  }
0x9e: {  	_ =	swait.ge [sflag:s12], $0x4000  }
0x9f: {  	[sflag:s12] =	ssyncset.done $0x0  }
0xa0: {  	s21 =	simm.s32 $0x4700;
	[sflag:s12] =	ssyncadd.s32 $0xFFFFC000  }
0xa1: {  	[tilespmem:s15], [sflag:$0x1] =	stream.indirect.gather [hbm4b:s2+s14], $0x80, s21, s14, $0xb8;
	[tilespmem:$0xD000] =	vst v63  }
0xa2: {  	_ =	swait.ge [sflag:s18], $0x4000  }
0xa3: {  	[sflag:s18] =	ssyncset.done $0x0  }
0xa4: {  	s22 =	rddreg [dreg:$0x10];
	[sflag:s18] =	ssyncadd.s32 $0xFFFFC000  }
0xa5: {  	[hbm4b:s22+s4] =	stream.linear.scatter [tilespmem:s16], [sflag:$0x3], $0x4000, $0x38;
	[tilespmem:$0xD000] =	vst v63  }
0xa6: {  	_ =	swait.ge [sflag:s12], $0x4000  }
0xa7: {  	[sflag:s12] =	ssyncset.done $0x0  }
0xa8: {  	s21 =	simm.s32 $0x4780;
	[sflag:s12] =	ssyncadd.s32 $0xFFFFC000  }
0xa9: {  	[tilespmem:s16], [sflag:$0x2] =	stream.indirect.gather [hbm4b:s2+s14], $0x80, s21, s14, $0xb8;
	[tilespmem:$0xD000] =	vst v63  }
0xaa: {  	_ =	swait.ge [sflag:s17], $0x4000  }
0xab: {  	[sflag:s17] =	ssyncset.done $0x0  }
0xac: {  	s22 =	rddreg [dreg:$0x11];
	[sflag:s17] =	ssyncadd.s32 $0xFFFFC000  }
0xad: {  	[hbm4b:s22+s4] =	stream.linear.scatter [tilespmem:s15], [sflag:$0x3], $0x4000, $0x38;
	[tilespmem:$0xD000] =	vst v63  }
0xae: {  	_ =	swait.ge [sflag:s12], $0x4000  }
0xaf: {  	[sflag:s12] =	ssyncset.done $0x0  }
0xb0: {  	s21 =	simm.s32 $0x4800;
	[sflag:s12] =	ssyncadd.s32 $0xFFFFC000  }
0xb1: {  	[tilespmem:s15], [sflag:$0x1] =	stream.indirect.gather [hbm4b:s2+s14], $0x80, s21, s14, $0xb8;
	[tilespmem:$0xD000] =	vst v63  }
0xb2: {  	_ =	swait.ge [sflag:s18], $0x4000  }
0xb3: {  	[sflag:s18] =	ssyncset.done $0x0  }
0xb4: {  	s22 =	rddreg [dreg:$0x12];
	[sflag:s18] =	ssyncadd.s32 $0xFFFFC000  }
0xb5: {  	[hbm4b:s22+s4] =	stream.linear.scatter [tilespmem:s16], [sflag:$0x3], $0x4000, $0x38;
	[tilespmem:$0xD000] =	vst v63  }
0xb6: {  	_ =	swait.ge [sflag:s12], $0x4000  }
0xb7: {  	[sflag:s12] =	ssyncset.done $0x0  }
0xb8: {  	s21 =	simm.s32 $0x4880;
	[sflag:s12] =	ssyncadd.s32 $0xFFFFC000  }
0xb9: {  	[tilespmem:s16], [sflag:$0x2] =	stream.indirect.gather [hbm4b:s2+s14], $0x80, s21, s14, $0xb8;
	[tilespmem:$0xD000] =	vst v63  }
0xba: {  	_ =	swait.ge [sflag:s17], $0x4000  }
0xbb: {  	[sflag:s17] =	ssyncset.done $0x0  }
0xbc: {  	s22 =	rddreg [dreg:$0x13];
	[sflag:s17] =	ssyncadd.s32 $0xFFFFC000  }
0xbd: {  	[hbm4b:s22+s4] =	stream.linear.scatter [tilespmem:s15], [sflag:$0x3], $0x4000, $0x38;
	[tilespmem:$0xD000] =	vst v63  }
0xbe: {  	_ =	swait.ge [sflag:s12], $0x4000  }
0xbf: {  	[sflag:s12] =	ssyncset.done $0x0  }
0xc0: {  	s21 =	simm.s32 $0x4900;
	[sflag:s12] =	ssyncadd.s32 $0xFFFFC000  }
0xc1: {  	[tilespmem:s15], [sflag:$0x1] =	stream.indirect.gather [hbm4b:s2+s14], $0x80, s21, s14, $0xb8;
	[tilespmem:$0xD000] =	vst v63  }
0xc2: {  	_ =	swait.ge [sflag:s18], $0x4000  }
0xc3: {  	[sflag:s18] =	ssyncset.done $0x0  }
0xc4: {  	[sflag:s18] =	ssyncadd.s32 $0xFFFFC000  }
0xc5: {  	[hbm4b:s23+s4] =	stream.linear.scatter [tilespmem:s16], [sflag:$0x3], $0x4000, $0x38;
	[tilespmem:$0xD000] =	vst v63  }
0xc6: {  	_ =	swait.ge [sflag:s12], $0x4000  }
0xc7: {  	[sflag:s12] =	ssyncset.done $0x0  }
0xc8: {  	s22 =	simm.s32 $0x4980;
	[sflag:s12] =	ssyncadd.s32 $0xFFFFC000  }
0xc9: {  	[tilespmem:s16], [sflag:$0x2] =	stream.indirect.gather [hbm4b:s2+s14], $0x80, s22, s14, $0xb8;
	[tilespmem:$0xD000] =	vst v63  }
0xca: {  	_ =	swait.ge [sflag:s17], $0x4000  }
0xcb: {  	[sflag:s17] =	ssyncset.done $0x0  }
0xcc: {  	[sflag:s17] =	ssyncadd.s32 $0xFFFFC000  }
0xcd: {  	[hbm4b:s25+s4] =	stream.linear.scatter [tilespmem:s15], [sflag:$0x3], $0x4000, $0x38;
	[tilespmem:$0xD000] =	vst v63  }
0xce: {  	_ =	swait.ge [sflag:s12], $0x4000  }
0xcf: {  	[sflag:s12] =	ssyncset.done $0x0  }
0xd0: {  	s21 =	simm.s32 $0x4A00;
	[sflag:s12] =	ssyncadd.s32 $0xFFFFC000  }
0xd1: {  	[tilespmem:s15], [sflag:$0x1] =	stream.indirect.gather [hbm4b:s2+s14], $0x80, s21, s14, $0xb8;
	[tilespmem:$0xD000] =	vst v63  }
0xd2: {  	_ =	swait.ge [sflag:s18], $0x4000  }
0xd3: {  	[sflag:s18] =	ssyncset.done $0x0  }
0xd4: {  	[sflag:s18] =	ssyncadd.s32 $0xFFFFC000  }
0xd5: {  	[hbm4b:s26+s4] =	stream.linear.scatter [tilespmem:s16], [sflag:$0x3], $0x4000, $0x38;
	[tilespmem:$0xD000] =	vst v63  }
0xd6: {  	_ =	swait.ge [sflag:s12], $0x4000  }
0xd7: {  	[sflag:s12] =	ssyncset.done $0x0  }
0xd8: {  	s22 =	simm.s32 $0x4A80;
	[sflag:s12] =	ssyncadd.s32 $0xFFFFC000  }
0xd9: {  	[tilespmem:s16], [sflag:$0x2] =	stream.indirect.gather [hbm4b:s2+s14], $0x80, s22, s14, $0xb8;
	[tilespmem:$0xD000] =	vst v63  }
0xda: {  	_ =	swait.ge [sflag:s17], $0x4000  }
0xdb: {  	[sflag:s17] =	ssyncset.done $0x0  }
0xdc: {  	[sflag:s17] =	ssyncadd.s32 $0xFFFFC000  }
0xdd: {  	[hbm4b:s28+s4] =	stream.linear.scatter [tilespmem:s15], [sflag:$0x3], $0x4000, $0x38;
	[tilespmem:$0xD000] =	vst v63  }
0xde: {  	_ =	swait.ge [sflag:s12], $0x4000  }
0xdf: {  	[sflag:s12] =	ssyncset.done $0x0  }
0xe0: {  	s21 =	simm.s32 $0x4B00;
	[sflag:s12] =	ssyncadd.s32 $0xFFFFC000  }
0xe1: {  	[tilespmem:s15], [sflag:$0x1] =	stream.indirect.gather [hbm4b:s2+s14], $0x80, s21, s14, $0xb8;
	[tilespmem:$0xD000] =	vst v63  }
0xe2: {  	_ =	swait.ge [sflag:s18], $0x4000  }
0xe3: {  	[sflag:s18] =	ssyncset.done $0x0  }
0xe4: {  	[sflag:s18] =	ssyncadd.s32 $0xFFFFC000  }
0xe5: {  	[hbm4b:s29+s4] =	stream.linear.scatter [tilespmem:s16], [sflag:$0x3], $0x4000, $0x38;
	[tilespmem:$0xD000] =	vst v63  }
0xe6: {  	_ =	swait.ge [sflag:s12], $0x4000  }
0xe7: {  	[sflag:s12] =	ssyncset.done $0x0  }
0xe8: {  	s22 =	simm.s32 $0x4B80;
	[sflag:s12] =	ssyncadd.s32 $0xFFFFC000  }
0xe9: {  	[tilespmem:s16], [sflag:$0x2] =	stream.indirect.gather [hbm4b:s2+s14], $0x80, s22, s14, $0xb8;
	[tilespmem:$0xD000] =	vst v63  }
0xea: {  	_ =	swait.ge [sflag:s17], $0x4000  }
0xeb: {  	[sflag:s17] =	ssyncset.done $0x0  }
0xec: {  	[sflag:s17] =	ssyncadd.s32 $0xFFFFC000  }
0xed: {  	[hbm4b:s30+s4] =	stream.linear.scatter [tilespmem:s15], [sflag:$0x3], $0x4000, $0x38;
	[tilespmem:$0xD000] =	vst v63  }
0xee: {  	_ =	swait.ge [sflag:s12], $0x4000  }
0xef: {  	[sflag:s12] =	ssyncset.done $0x0  }
0xf0: {  	s21 =	simm.s32 $0x4C00;
	[sflag:s12] =	ssyncadd.s32 $0xFFFFC000  }
0xf1: {  	[tilespmem:s15], [sflag:$0x1] =	stream.indirect.gather [hbm4b:s2+s14], $0x80, s21, s14, $0xb8;
	[tilespmem:$0xD000] =	vst v63  }
0xf2: {  	_ =	swait.ge [sflag:s18], $0x4000  }
0xf3: {  	[sflag:s18] =	ssyncset.done $0x0  }
0xf4: {  	[sflag:s18] =	ssyncadd.s32 $0xFFFFC000  }
0xf5: {  	[hbm4b:s31+s4] =	stream.linear.scatter [tilespmem:s16], [sflag:$0x3], $0x4000, $0x38;
	[tilespmem:$0xD000] =	vst v63  }
0xf6: {  	_ =	swait.ge [sflag:s12], $0x4000  }
0xf7: {  	[sflag:s12] =	ssyncset.done $0x0  }
0xf8: {  	s22 =	simm.s32 $0x4C80;
	[sflag:s12] =	ssyncadd.s32 $0xFFFFC000  }
0xf9: {  	[tilespmem:s16], [sflag:$0x2] =	stream.indirect.gather [hbm4b:s2+s14], $0x80, s22, s14, $0xb8;
	[tilespmem:$0xD000] =	vst v63  }
0xfa: {  	_ =	swait.ge [sflag:s17], $0x4000  }
0xfb: {  	[sflag:s17] =	ssyncset.done $0x0  }
0xfc: {  	[sflag:s17] =	ssyncadd.s32 $0xFFFFC000  }
0xfd: {  	[hbm4b:s0+s4] =	stream.linear.scatter [tilespmem:s15], [sflag:$0x3], $0x4000, $0x38;
	[tilespmem:$0xD000] =	vst v63  }
0xfe: {  	_ =	swait.ge [sflag:s12], $0x4000  }
0xff: {  	[sflag:s12] =	ssyncset.done $0x0  }
0x100: {  	s21 =	simm.s32 $0x4D00;
	[sflag:s12] =	ssyncadd.s32 $0xFFFFC000  }
0x101: {  	[tilespmem:s15], [sflag:$0x1] =	stream.indirect.gather [hbm4b:s2+s14], $0x80, s21, s14, $0xb8;
	[tilespmem:$0xD000] =	vst v63  }
0x102: {  	_ =	swait.ge [sflag:s18], $0x4000  }
0x103: {  	[sflag:s18] =	ssyncset.done $0x0  }
0x104: {  	[sflag:s18] =	ssyncadd.s32 $0xFFFFC000  }
0x105: {  	[hbm4b:s3+s4] =	stream.linear.scatter [tilespmem:s16], [sflag:$0x3], $0x4000, $0x38;
	[tilespmem:$0xD000] =	vst v63  }
0x106: {  	_ =	swait.ge [sflag:s12], $0x4000  }
0x107: {  	[sflag:s12] =	ssyncset.done $0x0  }
0x108: {  	s22 =	simm.s32 $0x4D80;
	[sflag:s12] =	ssyncadd.s32 $0xFFFFC000  }
0x109: {  	[tilespmem:s16], [sflag:$0x2] =	stream.indirect.gather [hbm4b:s2+s14], $0x80, s22, s14, $0xb8;
	[tilespmem:$0xD000] =	vst v63  }
0x10a: {  	_ =	swait.ge [sflag:s17], $0x4000  }
0x10b: {  	[sflag:s17] =	ssyncset.done $0x0  }
0x10c: {  	[sflag:s17] =	ssyncadd.s32 $0xFFFFC000  }
0x10d: {  	[hbm4b:s1+s4] =	stream.linear.scatter [tilespmem:s15], [sflag:$0x3], $0x4000, $0x38;
	[tilespmem:$0xD000] =	vst v63  }
0x10e: {  	_ =	swait.ge [sflag:s12], $0x4000  }
0x10f: {  	[sflag:s12] =	ssyncset.done $0x0  }
0x110: {  	s21 =	simm.s32 $0x4E00;
	[sflag:s12] =	ssyncadd.s32 $0xFFFFC000  }
0x111: {  	[tilespmem:s15], [sflag:$0x1] =	stream.indirect.gather [hbm4b:s2+s14], $0x80, s21, s14, $0xb8;
	[tilespmem:$0xD000] =	vst v63  }
0x112: {  	_ =	swait.ge [sflag:s18], $0x4000  }
0x113: {  	[sflag:s18] =	ssyncset.done $0x0  }
0x114: {  	[sflag:s18] =	ssyncadd.s32 $0xFFFFC000  }
0x115: {  	[hbm4b:s7+s4] =	stream.linear.scatter [tilespmem:s16], [sflag:$0x3], $0x4000, $0x38;
	[tilespmem:$0xD000] =	vst v63  }
0x116: {  	_ =	swait.ge [sflag:s12], $0x4000  }
0x117: {  	[sflag:s12] =	ssyncset.done $0x0  }
0x118: {  	s22 =	simm.s32 $0x4E80;
	[sflag:s12] =	ssyncadd.s32 $0xFFFFC000  }
0x119: {  	[tilespmem:s16], [sflag:$0x2] =	stream.indirect.gather [hbm4b:s2+s14], $0x80, s22, s14, $0xb8;
	[tilespmem:$0xD000] =	vst v63  }
0x11a: {  	_ =	swait.ge [sflag:s17], $0x4000  }
0x11b: {  	[sflag:s17] =	ssyncset.done $0x0  }
0x11c: {  	[sflag:s17] =	ssyncadd.s32 $0xFFFFC000  }
0x11d: {  	[hbm4b:s8+s4] =	stream.linear.scatter [tilespmem:s15], [sflag:$0x3], $0x4000, $0x38;
	[tilespmem:$0xD000] =	vst v63  }
0x11e: {  	_ =	swait.ge [sflag:s12], $0x4000  }
0x11f: {  	[sflag:s12] =	ssyncset.done $0x0  }
0x120: {  	s21 =	simm.s32 $0x4F00;
	[sflag:s12] =	ssyncadd.s32 $0xFFFFC000  }
0x121: {  	[tilespmem:s15], [sflag:$0x1] =	stream.indirect.gather [hbm4b:s2+s14], $0x80, s21, s14, $0xb8;
	[tilespmem:$0xD000] =	vst v63  }
0x122: {  	_ =	swait.ge [sflag:s18], $0x4000  }
0x123: {  	[sflag:s18] =	ssyncset.done $0x0  }
0x124: {  	[sflag:s18] =	ssyncadd.s32 $0xFFFFC000  }
0x125: {  	[hbm4b:s9+s4] =	stream.linear.scatter [tilespmem:s16], [sflag:$0x3], $0x4000, $0x38;
	[tilespmem:$0xD000] =	vst v63  }
0x126: {  	_ =	swait.ge [sflag:s12], $0x4000  }
0x127: {  	[sflag:s12] =	ssyncset.done $0x0  }
0x128: {  	s22 =	simm.s32 $0x4F80;
	[sflag:s12] =	ssyncadd.s32 $0xFFFFC000  }
0x129: {  	[tilespmem:s16], [sflag:$0x2] =	stream.indirect.gather [hbm4b:s2+s14], $0x80, s22, s14, $0xb8;
	[tilespmem:$0xD000] =	vst v63  }
0x12a: {  	_ =	swait.ge [sflag:s17], $0x4000  }
0x12b: {  	[sflag:s17] =	ssyncset.done $0x0  }
0x12c: {  	[sflag:s17] =	ssyncadd.s32 $0xFFFFC000  }
0x12d: {  	[hbm4b:s10+s4] =	stream.linear.scatter [tilespmem:s15], [sflag:$0x3], $0x4000, $0x38;
	[tilespmem:$0xD000] =	vst v63  }
0x12e: {  	_ =	swait.ge [sflag:s12], $0x4000  }
0x12f: {  	[sflag:s12] =	ssyncset.done $0x0  }
0x130: {  	[sflag:s12] =	ssyncadd.s32 $0xFFFFC000  }
0x131: {  	s19 =	sadd.s32 $0x1, s19;
	_ =	swait.ge [sflag:s18], $0x4000  }
0x132: {  	p0 =	sne.s32 s19, s24;
	[sflag:s18] =	ssyncset.done $0x0  }
.Ltmp1:
0x133: {  	[sflag:s18] =	ssyncadd.s32 $0xFFFFC000;
	(pc) =	sbr.rel @p0 .LBB2_1-.Ltmp1, $4  }
0x134: {  	[hbm4b:s11+s4] =	stream.linear.scatter [tilespmem:s16], [sflag:$0x3], $0x4000, $0x38;
	[tilespmem:$0xD000] =	vst v63  }
0x135: {  	_ =	swait.ge [sflag:s12], $0x4000  }
0x136: {  	[sflag:s12] =	ssyncset.done $0x0  }
0x137: {  	[sflag:s12] =	ssyncadd.s32 $0xFFFFC000  }
0x138: {  	_ =	sfence.sel $0x180000  }
0x139: {  	[bflag:$0x0] =	sbarrier.arrive $0xFFFF  }
0x13a: {  	_ =	strace $0x90000047  }
0x13b: {  	s0 =	stileid.u32;
	[bflag:$0x2] =	sbarrier.arrive $0xFFFF  }
0x13c: {  	p0 =	sne.s32 s0, $0x0;
	s0 =	rddreg [dreg:$0x3]  }
0x13d: {  	s0 =	sadd.s32 @!p0 $0x100000, s0  }
0x13e: {  	[sflag:s0] =	ssyncadd.tile.s32 @!p0 $0x1;
	_ =	shalt  }
.Lfunc_end2:
_tile_overlayer_lowered:
.L_overlay_start_2:
0x13f: {  	(tag) =	ssettag $0x2  }
0x140: {  	s0 =	rddreg [dreg:$0x0];
	s2 =	stileid.u32  }
0x141: {  	s1 =	rddreg [dreg:$0x1];
	p0 =	sne.s32 s2, $0x0  }
0x142: {  	s3 =	rddreg [dreg:$0x2];
	[bflag:$0x3] =	sbarrier.arrive $0xFFFF;
	s2 =	simm.s32 @!p0 $0x1C03  }
0x143: {  	[timem:s3], [sflag:s2] =	dma.local @!p0 [hbm:s0], s1  }
0x144: {  	s0 =	simm.s32 @!p0 $0x3  }
0x145: {  	_ =	swait.ge @!p0 [sflag:s0], s1  }
0x146: {  	s1 =	ssub.s32 @!p0 $0x0, s1;
	[sflag:s0] =	ssyncset.done @!p0 $0x0  }
0x147: {  	[sflag:s0] =	ssyncadd.s32 @!p0 s1  }
0x148: {  	[bflag:$0x3] =	sbarrier.arrive $0xFFFF  }
0x149: {  	_ =	shalt  }

</sc_bundles>
